<compile_context>
chip_gen: v7x
topology: tpu7x:2x2x1
jax: 0.10.2.dev20260603
libtpu: 0.0.44.dev20260713+nightly
codegen_flags: <defaults>
</compile_context>

<pallas_src>
import functools

import jax
import jax.numpy as jnp
from jax import lax
from jax.experimental import pallas as pl
from jax.experimental.pallas import tpu as pltpu
from jax.experimental.pallas import tpu_sc as plsc

N = 10000
E = 160000
H2 = 64
LANES = 16
NCORES = 2
NTILES = 16
RPT = 624
RTAIL = N - RPT * NTILES
E_PER_TILE = E // NTILES
EB = 128
NB = 79
PT_FULL = NB * EB
NB_S = 41
PT_SPLIT = NB_S * EB
NDUMP = 16


_MM_PARAMS = pltpu.CompilerParams(vmem_limit_bytes=16 * 1024 * 1024)
_ZZT_PARAMS = pltpu.CompilerParams(vmem_limit_bytes=40 * 1024 * 1024)
_SC_PARAMS = pltpu.CompilerParams(vmem_limit_bytes=4 * 1024 * 1024)




def _mm_body_2d(a_ref, w_ref, o_ref, *, relu):
    a = a_ref[...]
    if relu:
        a = jnp.maximum(a, 0.0)
    o_ref[...] = jnp.dot(a, w_ref[0], preferred_element_type=jnp.float32)


def _mm_body_3d(a_ref, w_ref, o_ref, *, relu, ci, cw_in):
    acc = None
    for i in range(ci):
        a = a_ref[i]
        if relu:
            a = jnp.maximum(a, 0.0)
        p = jnp.dot(a, w_ref[0, i * cw_in:(i + 1) * cw_in, :],
                    preferred_element_type=jnp.float32)
        acc = p if acc is None else acc + p
    o_ref[...] = acc


def _mm(a, w, relu=False, cw_out=128, rows=1000):
    k, fo = w.shape
    co = fo // cw_out
    if a.ndim == 2:
        n = a.shape[0]
        body = functools.partial(_mm_body_2d, relu=relu)
        a_spec = pl.BlockSpec((rows, k), lambda c, r: (r, 0))
    else:
        ci, n, cw_in = a.shape
        body = functools.partial(_mm_body_3d, relu=relu, ci=ci, cw_in=cw_in)
        a_spec = pl.BlockSpec((ci, rows, cw_in), lambda c, r: (0, r, 0))
    nr = n // rows
    w3 = w.reshape(k, co, cw_out).transpose(1, 0, 2)
    return pl.pallas_call(
        body,
        grid=(co, nr),
        in_specs=[
            a_spec,
            pl.BlockSpec((1, k, cw_out), lambda c, r: (c, 0, 0)),
        ],
        out_specs=pl.BlockSpec((rows, cw_out), lambda c, r: (c * nr + r, 0)),
        out_shape=jax.ShapeDtypeStruct((co * n, cw_out), jnp.float32),
        compiler_params=_MM_PARAMS,
    )(a, w3)


def _mlz_body(p0_ref, p1_ref, eps_ref, mu_ref, lv_ref, z_ref, zp_ref):
    s = p0_ref[...] + p1_ref[...]
    mu = s[:, :H2]
    lv = s[:, H2:]
    mu_ref[...] = mu
    lv_ref[...] = lv
    z = eps_ref[...] * jnp.exp(lv) + mu
    z_ref[...] = z
    zp_ref[...] = jnp.concatenate([z, jnp.zeros_like(z)], axis=1)


def _mlz(agg23p, eps, rows=1000):
    nr = N // rows
    ospec = pl.BlockSpec((rows, H2), lambda r: (r, 0))
    oshape = jax.ShapeDtypeStruct((N, H2), jnp.float32)
    pspec = pl.BlockSpec((rows, 2 * H2), lambda r: (r, 0))
    return pl.pallas_call(
        _mlz_body,
        grid=(nr,),
        in_specs=[
            pspec,
            pl.BlockSpec((rows, 2 * H2), lambda r: (r + nr, 0)),
            ospec,
        ],
        out_specs=[ospec, ospec, ospec, pspec],
        out_shape=[oshape, oshape, oshape,
                   jax.ShapeDtypeStruct((N, 2 * H2), jnp.float32)],
        compiler_params=_MM_PARAMS,
    )(agg23p, agg23p, eps)


def _mm2_body(p0_ref, p1_ref, w1_ref, w2_ref, o_ref):
    az = (p0_ref[...] + p1_ref[...])[:, :H2]
    hd = jnp.maximum(jnp.dot(az, w1_ref[...],
                             preferred_element_type=jnp.float32), 0.0)
    o_ref[...] = jnp.dot(hd, w2_ref[0], preferred_element_type=jnp.float32)


def _mm2(azp, w1, w2, rows=1000):
    nr = N // rows
    w23 = w2.reshape(w2.shape[0], 2, 128).transpose(1, 0, 2)
    return pl.pallas_call(
        _mm2_body,
        grid=(2, nr),
        in_specs=[
            pl.BlockSpec((rows, 2 * H2), lambda c, r: (r, 0)),
            pl.BlockSpec((rows, 2 * H2), lambda c, r: (r + nr, 0)),
            pl.BlockSpec((H2, w1.shape[1]), lambda c, r: (0, 0)),
            pl.BlockSpec((1, w2.shape[0], 128), lambda c, r: (c, 0, 0)),
        ],
        out_specs=pl.BlockSpec((rows, 128), lambda c, r: (c * nr + r, 0)),
        out_shape=jax.ShapeDtypeStruct((2 * N, 128), jnp.float32),
        compiler_params=_MM_PARAMS,
    )(azp, azp, w1, w23)


def _zzt_half_body(a_ref, b_ref, prev_ref, o_ref):
    del prev_ref
    o_ref[...] = lax.dot_general(
        a_ref[...], b_ref[...], (((1,), (1,)), ((), ())),
        preferred_element_type=jnp.float32)


def _zzt_half(z, first, nblk, prev, rows=200):
    nr = nblk
    in_specs = [
        pl.BlockSpec((rows, H2), lambda i, f=first: (i + f, 0)),
        pl.BlockSpec((N, H2), lambda i: (0, 0)),
    ]
    args = (z, z)
    aliases = {}
    body = _zzt_half_body
    if prev is None:
        def body(a_ref, b_ref, o_ref):
            return _zzt_half_body(a_ref, b_ref, None, o_ref)
    else:
        in_specs.append(pl.BlockSpec(memory_space=pl.ANY))
        args = (z, z, prev)
        aliases = {2: 0}
    return pl.pallas_call(
        body,
        grid=(nr,),
        in_specs=in_specs,
        out_specs=pl.BlockSpec((rows, N), lambda i, f=first: (i + f, 0)),
        out_shape=jax.ShapeDtypeStruct((N, N), jnp.float32),
        input_output_aliases=aliases,
        cost_estimate=pl.CostEstimate(
            flops=2 * nblk * rows * N * H2, transcendentals=0,
            bytes_accessed=4 * (nblk * rows * N + 2 * N * H2)),
        compiler_params=_ZZT_PARAMS,
    )(*args)




def _spmm(sup_flat, srcz, dst, split=False, out2d=False):
    mesh = plsc.VectorSubcoreMesh(core_axis_name="c", subcore_axis_name="s")
    zeros = jnp.zeros((N + NDUMP, 128), jnp.float32)
    eb = EB
    nb = NB_S if split else NB
    assert nb % 2 == 1

    nedge = NCORES * NTILES * (PT_SPLIT if split else PT_FULL)
    cost = pl.CostEstimate(
        flops=nedge * 128,
        transcendentals=0,
        bytes_accessed=nedge * 2 * 512 + NCORES * N * 512,
    )

    @functools.partial(
        pl.kernel,
        mesh=mesh,
        cost_estimate=cost,
        compiler_params=_SC_PARAMS,
        out_type=jax.ShapeDtypeStruct(
            (N, 256) if out2d else (NCORES * N, 128), jnp.float32),
        scratch_types=[
            pltpu.VMEM((2, eb), jnp.int32),
            pltpu.VMEM((2, eb), jnp.int32),
            pltpu.VMEM((2, eb, 128), jnp.float32),
            pltpu.VMEM_SHARED((N + NDUMP, 128), jnp.float32),
            pltpu.SemaphoreType.DMA,
            pltpu.SemaphoreType.DMA,
            pltpu.SemaphoreType.DMA,
            pltpu.SemaphoreType.DMA,
        ],
    )
    def k(sup_hbm, src_hbm, dst_hbm, zer_hbm, out_hbm,
          src_v, dst_v, rows_v, acc, si0, si1, sg0, sg1):
        cid = lax.axis_index("c")
        sid = lax.axis_index("s")
        row0 = pl.multiple_of(sid * RPT, 8)
        if split:
            sbase0 = cid * (NTILES * PT_SPLIT) + sid * PT_SPLIT
            dbase0 = sbase0
        else:
            sbase0 = cid * (NTILES * PT_FULL) + sid * PT_FULL
            dbase0 = sid * PT_FULL
        last = sid == NTILES - 1
        sem_i = (si0, si1)
        sem_g = (sg0, sg1)

        pltpu.sync_copy(zer_hbm.at[pl.ds(row0, RPT)], acc.at[pl.ds(row0, RPT)])

        @pl.when(last)
        def _():
            pltpu.sync_copy(zer_hbm.at[pl.ds(RPT * NTILES, RTAIL + NDUMP)],
                            acc.at[pl.ds(RPT * NTILES, RTAIL + NDUMP)])

        plsc.subcore_barrier()

        def idx_start(b, j):
            sb = pl.multiple_of(sbase0 + b * eb, 8)
            db = pl.multiple_of(dbase0 + b * eb, 8)
            pltpu.make_async_copy(
                src_hbm.at[pl.ds(sb, eb)], src_v.at[j], sem_i[j]).start()
            pltpu.make_async_copy(
                dst_hbm.at[pl.ds(db, eb)], dst_v.at[j], sem_i[j]).start()

        def idx_wait(j):
            pltpu.make_async_copy(
                src_hbm.at[pl.ds(0, eb)], src_v.at[j], sem_i[j]).wait()
            pltpu.make_async_copy(
                dst_hbm.at[pl.ds(0, eb)], dst_v.at[j], sem_i[j]).wait()

        def gather_start(j):
            pltpu.make_async_copy(
                sup_hbm.at[src_v.at[j]], rows_v.at[j], sem_g[j]).start()

        def gather_wait(j):
            pltpu.make_async_copy(
                sup_hbm.at[src_v.at[j]], rows_v.at[j], sem_g[j]).wait()

        def scatter(j):
            pltpu.sync_copy(rows_v.at[j], acc.at[dst_v.at[j]], add=True)

        idx_start(0, 0)
        idx_start(1, 1)
        idx_wait(0)
        gather_start(0)

        def pair(g, carry):
            b = 2 * g
            idx_wait(1)
            gather_start(1)
            gather_wait(0)
            scatter(0)

            @pl.when(b + 2 < nb)
            def _():
                idx_start(b + 2, 0)
                idx_wait(0)
                gather_start(0)

            gather_wait(1)
            scatter(1)

            @pl.when(b + 3 < nb)
            def _():
                idx_start(b + 3, 1)

            return carry

        lax.fori_loop(0, nb // 2, pair, 0)
        gather_wait(0)
        scatter(0)
        plsc.subcore_barrier()

        if out2d:
            col = pl.multiple_of(cid * 128, 128)
            pltpu.sync_copy(acc.at[pl.ds(row0, RPT)],
                            out_hbm.at[pl.ds(row0, RPT), pl.ds(col, 128)])

            @pl.when(last)
            def _():
                pltpu.sync_copy(
                    acc.at[pl.ds(RPT * NTILES, RTAIL)],
                    out_hbm.at[pl.ds(RPT * NTILES, RTAIL), pl.ds(col, 128)])
        else:
            obase = pl.multiple_of(cid * N + row0, 8)
            pltpu.sync_copy(acc.at[pl.ds(row0, RPT)],
                            out_hbm.at[pl.ds(obase, RPT)])

            @pl.when(last)
            def _():
                pltpu.sync_copy(
                    acc.at[pl.ds(RPT * NTILES, RTAIL)],
                    out_hbm.at[pl.ds(pl.multiple_of(cid * N + RPT * NTILES, 8),
                                     RTAIL)])

    return k(sup_flat, srcz, dst, zeros)




def kernel(x, edge_index, W1, W2, W3, Wd1, Wd2):
    src = edge_index[0]
    dst = edge_index[1]

    def pad_seg(a, old, new, off):
        a2 = a.reshape(-1, old)
        fill = jnp.arange(new - old, dtype=jnp.int32) % NDUMP + off
        padv = jnp.broadcast_to(fill, (a2.shape[0], new - old))
        return jnp.concatenate([a2, padv], axis=1).reshape(-1)

    sseg = pad_seg(src, E_PER_TILE, PT_FULL, 0)
    srcz = jnp.concatenate([sseg, sseg + N])
    dstz = pad_seg(dst, E_PER_TILE, PT_FULL, N)
    srcp = pad_seg(src, E // 32, PT_SPLIT, 0)
    dstp = pad_seg(dst, E // 32, PT_SPLIT, N)
    W23 = jnp.concatenate([W2, W3], axis=1)
    eps = jax.random.normal(jax.random.key(1), (N, H2), dtype=jnp.float32)

    sup1 = _mm(x, W1)
    agg1 = _spmm(sup1, srcz, dstz)
    sup23 = _mm(agg1.reshape(2, N, 128), W23, relu=True)
    agg23p = _spmm(sup23, srcp, dstp, split=True)
    mu, logvar, z, zpad = _mlz(agg23p, eps)

    azp = _spmm(zpad, srcp, dstp, split=True)
    ra0 = _zzt_half(z, 0, 18, None)
    azp_t, ra0 = jax.lax.optimization_barrier((azp, ra0))
    supd2 = _mm2(azp_t, Wd1, Wd2)
    x_rec = _spmm(supd2, srcz, dstz, out2d=True)
    recon_adj = _zzt_half(z, 18, 32, ra0)

    return (recon_adj, mu, logvar, z, x_rec)

# --- scband reference (transcript-rebuilt; emitter-appended) ---
"""Pipeline reference for scband-gcnmodel-vae-gcn-x-inpr-a-2173253451809 (READ-ONLY COPY).

The authoritative reference and input builder live on the scoring server;
editing this copy changes nothing except your own understanding.
"""

import jax, jax.numpy as jnp
import numpy as np

N = 10000
E = 160000
D = 256
H1 = 256
H2 = 64
GD1 = 256


def _glorot(key, fan_in, fan_out):
    s = float(np.sqrt(6.0 / (fan_in + fan_out)))
    return jax.random.uniform(key, (fan_in, fan_out), minval=-s, maxval=s, dtype=jnp.float32)


def setup_inputs(seed: int = 0) -> dict:
    key = jax.random.key(seed)
    k1, k2, k3, k4, k5, k6, k7 = jax.random.split(key, 7)
    x = jax.random.normal(k1, (N, D), dtype=jnp.float32)
    edge_index = jax.random.randint(k2, (2, E), 0, N, dtype=jnp.int32)
    W1 = _glorot(k3, D, H1)
    W2 = _glorot(k4, H1, H2)
    W3 = _glorot(k5, H1, H2)
    Wd1 = _glorot(k6, H2, GD1)
    Wd2 = _glorot(k7, GD1, D)
    return {"x": x, "edge_index": edge_index, "W1": W1, "W2": W2, "W3": W3, "Wd1": Wd1, "Wd2": Wd2}


def _gcn_layer(h, edge_index, W, act):
    # GraphConvolution: support = dropout(h) @ W  (dropout=0.0 -> identity); out = act(spmm(adj, support))
    support = h @ W
    src = edge_index[0]
    dst = edge_index[1]
    agg = jnp.zeros((h.shape[0], W.shape[1]), dtype=support.dtype).at[dst].add(support[src])
    return act(agg)


def reference(x, edge_index, W1, W2, W3, Wd1, Wd2):
    ident = lambda t: t
    # encode
    hidden1 = _gcn_layer(x, edge_index, W1, jax.nn.relu)
    mu = _gcn_layer(hidden1, edge_index, W2, ident)
    logvar = _gcn_layer(hidden1, edge_index, W3, ident)
    # reparameterize (training mode: z = eps * exp(logvar) + mu, deterministic eps)
    std = jnp.exp(logvar)
    eps = jax.random.normal(jax.random.key(1), std.shape, dtype=std.dtype)
    z = eps * std + mu
    # inner product decoder (act = identity)
    recon_adj = z @ z.T
    # decode_X (adj_decode = adj)
    hd = _gcn_layer(z, edge_index, Wd1, jax.nn.relu)
    x_rec = _gcn_layer(hd, edge_index, Wd2, ident)
    return (recon_adj, mu, logvar, z, x_rec)

if __name__ == "__main__":
    import jax
    _d = setup_inputs()
    print(jax.jit(kernel)(*tuple(_d.values())))

</pallas_src>

<mosaic_0001>
#map = affine_map<(d0, d1) -> (0, 0)>
#map1 = affine_map<(d0, d1) -> (0)>
module attributes {stable_mosaic.version = 14 : i64} {
  func.func @k(%arg0: i32, %arg1: i32, %arg2: memref<20000x128xf32, #tpu.memory_space<hbm>>, %arg3: memref<323584xi32, #tpu.memory_space<hbm>>, %arg4: memref<161792xi32, #tpu.memory_space<hbm>>, %arg5: memref<10016x128xf32, #tpu.memory_space<hbm>>, %arg6: memref<10000x256xf32, #tpu.memory_space<hbm>>, %arg7: memref<2x128xi32, #tpu.memory_space<vmem>>, %arg8: memref<2x128xi32, #tpu.memory_space<vmem>>, %arg9: memref<2x128x128xf32, #tpu.memory_space<vmem>>, %arg10: memref<10016x128xf32, #tpu.memory_space<vmem_shared>>, %arg11: memref<!tpu.dma_semaphore, #tpu.memory_space<semaphore_mem>>, %arg12: memref<!tpu.dma_semaphore, #tpu.memory_space<semaphore_mem>>, %arg13: memref<!tpu.dma_semaphore, #tpu.memory_space<semaphore_mem>>, %arg14: memref<!tpu.dma_semaphore, #tpu.memory_space<semaphore_mem>>) attributes {dimension_semantics = [#tpu.dimension_semantics<core_parallel>, #tpu.dimension_semantics<subcore_parallel>], iteration_bounds = array<i64: 2, 16>, scalar_prefetch = 0 : i64, scratch_operands = 8 : i64, tpu.core_type = #tpu.core_type<sc_vector_subcore>, window_params = [{transform_indices = #map}, {transform_indices = #map1}, {transform_indices = #map1}, {transform_indices = #map}, {transform_indices = #map}]} {
    %mul3A = arith.constant 624 : i32
    %mul3A_0 = arith.muli %arg1, %mul3A : i32
    %multiple_of3A = tpu.assume_multiple %mul3A_0, 8 : i32
    %mul3A_1 = arith.constant 161792 : i32
    %mul3A_2 = arith.muli %arg0, %mul3A_1 : i32
    %mul3A_3 = arith.constant 10112 : i32
    %mul3A_4 = arith.muli %arg1, %mul3A_3 : i32
    %add3A = arith.addi %mul3A_2, %mul3A_4 : i32
    %mul3A_5 = arith.constant 10112 : i32
    %mul3A_6 = arith.muli %arg1, %mul3A_5 : i32
    %eq3A = arith.constant 15 : i32
    %eq3A_7 = arith.cmpi eq, %arg1, %eq3A : i32
    "tpu.region"() ({
      %run_scoped3A_114 = tpu.sem_alloc : memref<!tpu.dma_semaphore, #tpu.memory_space<semaphore_mem>>
      %dma_start3A_115 = arith.constant 0 : i32
      %dma_start3A_116 = tpu.memref_slice %arg10[%multiple_of3A, %dma_start3A_115] : memref<10016x128xf32, #tpu.memory_space<vmem_shared>> -> memref<624x128xf32, #tpu.memory_space<vmem_shared>>
      %dma_start3A_117 = arith.constant 0 : i32
      %dma_start3A_118 = tpu.memref_slice %arg5[%multiple_of3A, %dma_start3A_117] : memref<10016x128xf32, #tpu.memory_space<hbm>> -> memref<624x128xf32, #tpu.memory_space<hbm>>
      tpu.enqueue_dma source(%dma_start3A_118 : memref<624x128xf32, #tpu.memory_space<hbm>>) target(%dma_start3A_116 : memref<624x128xf32, #tpu.memory_space<vmem_shared>>) target_semaphore(%run_scoped3A_114 : memref<!tpu.dma_semaphore, #tpu.memory_space<semaphore_mem>>)
      %dma_wait3A_119 = arith.constant 0 : i32
      %dma_wait3A_120 = tpu.memref_slice %arg10[%multiple_of3A, %dma_wait3A_119] : memref<10016x128xf32, #tpu.memory_space<vmem_shared>> -> memref<624x128xf32, #tpu.memory_space<vmem_shared>>
      %dma_wait3A_121 = arith.constant 0 : i32
      %dma_wait3A_122 = tpu.memref_slice %arg5[%multiple_of3A, %dma_wait3A_121] : memref<10016x128xf32, #tpu.memory_space<hbm>> -> memref<624x128xf32, #tpu.memory_space<hbm>>
      tpu.wait_dma2 semaphore(%run_scoped3A_114 : memref<!tpu.dma_semaphore, #tpu.memory_space<semaphore_mem>>) src(%dma_wait3A_122 : memref<624x128xf32, #tpu.memory_space<hbm>>) dst(%dma_wait3A_120 : memref<624x128xf32, #tpu.memory_space<vmem_shared>>)
      tpu.yield
    }) : () -> ()
    %convert_element_type3A = arith.extui %eq3A_7 : i1 to i32
    %cond3A = arith.constant 0 : i32
    %cond3A_8 = arith.cmpi ne, %convert_element_type3A, %cond3A : i32
    scf.if %cond3A_8 {
      "tpu.region"() ({
        %run_scoped3A_114 = tpu.sem_alloc : memref<!tpu.dma_semaphore, #tpu.memory_space<semaphore_mem>>
        %dma_start3A_115 = arith.constant 9984 : i32
        %dma_start3A_116 = arith.constant 0 : i32
        %dma_start3A_117 = tpu.memref_slice %arg10[%dma_start3A_115, %dma_start3A_116] : memref<10016x128xf32, #tpu.memory_space<vmem_shared>> -> memref<32x128xf32, #tpu.memory_space<vmem_shared>>
        %dma_start3A_118 = arith.constant 9984 : i32
        %dma_start3A_119 = arith.constant 0 : i32
        %dma_start3A_120 = tpu.memref_slice %arg5[%dma_start3A_118, %dma_start3A_119] : memref<10016x128xf32, #tpu.memory_space<hbm>> -> memref<32x128xf32, #tpu.memory_space<hbm>>
        tpu.enqueue_dma source(%dma_start3A_120 : memref<32x128xf32, #tpu.memory_space<hbm>>) target(%dma_start3A_117 : memref<32x128xf32, #tpu.memory_space<vmem_shared>>) target_semaphore(%run_scoped3A_114 : memref<!tpu.dma_semaphore, #tpu.memory_space<semaphore_mem>>)
        %dma_wait3A_121 = arith.constant 9984 : i32
        %dma_wait3A_122 = arith.constant 0 : i32
        %dma_wait3A_123 = tpu.memref_slice %arg10[%dma_wait3A_121, %dma_wait3A_122] : memref<10016x128xf32, #tpu.memory_space<vmem_shared>> -> memref<32x128xf32, #tpu.memory_space<vmem_shared>>
        %dma_wait3A_124 = arith.constant 9984 : i32
        %dma_wait3A_125 = arith.constant 0 : i32
        %dma_wait3A_126 = tpu.memref_slice %arg5[%dma_wait3A_124, %dma_wait3A_125] : memref<10016x128xf32, #tpu.memory_space<hbm>> -> memref<32x128xf32, #tpu.memory_space<hbm>>
        tpu.wait_dma2 semaphore(%run_scoped3A_114 : memref<!tpu.dma_semaphore, #tpu.memory_space<semaphore_mem>>) src(%dma_wait3A_126 : memref<32x128xf32, #tpu.memory_space<hbm>>) dst(%dma_wait3A_123 : memref<32x128xf32, #tpu.memory_space<vmem_shared>>)
        tpu.yield
      }) : () -> ()
    } else {
    }
    %barrier3A = arith.constant 0 : index
    tpu.barrier barrier_id(%barrier3A)
    %add3A_9 = arith.constant 0 : i32
    %add3A_10 = arith.addi %add3A, %add3A_9 : i32
    %multiple_of3A_11 = tpu.assume_multiple %add3A_10, 8 : i32
    %add3A_12 = arith.constant 0 : i32
    %add3A_13 = arith.addi %mul3A_6, %add3A_12 : i32
    %multiple_of3A_14 = tpu.assume_multiple %add3A_13, 8 : i32
    %dma_start3A = arith.constant 0 : i32
    %dma_start3A_15 = arith.constant 0 : i32
    %dma_start3A_16 = tpu.memref_slice %arg7[%dma_start3A, %dma_start3A_15] : memref<2x128xi32, #tpu.memory_space<vmem>> -> memref<1x128xi32, #tpu.memory_space<vmem>>
    %dma_start3A_17 = tpu.memref_squeeze %dma_start3A_16 : memref<1x128xi32, #tpu.memory_space<vmem>> -> memref<128xi32, #tpu.memory_space<vmem>>
    %dma_start3A_18 = tpu.memref_slice %arg3[%multiple_of3A_11] : memref<323584xi32, #tpu.memory_space<hbm>> -> memref<128xi32, #tpu.memory_space<hbm>>
    %dma_start3A_19 = arith.constant 0 : i32
    %dma_start3A_20 = tpu.memref_slice %arg7[%dma_start3A, %dma_start3A_19] : memref<2x128xi32, #tpu.memory_space<vmem>> -> memref<1x128xi32, #tpu.memory_space<vmem>>
    %dma_start3A_21 = tpu.memref_squeeze %dma_start3A_20 : memref<1x128xi32, #tpu.memory_space<vmem>> -> memref<128xi32, #tpu.memory_space<vmem>>
    %dma_start3A_22 = tpu.memref_slice %arg3[%multiple_of3A_11] : memref<323584xi32, #tpu.memory_space<hbm>> -> memref<128xi32, #tpu.memory_space<hbm>>
    tpu.enqueue_dma source(%dma_start3A_22 : memref<128xi32, #tpu.memory_space<hbm>>) target(%dma_start3A_21 : memref<128xi32, #tpu.memory_space<vmem>>) target_semaphore(%arg11 : memref<!tpu.dma_semaphore, #tpu.memory_space<semaphore_mem>>)
    %dma_start3A_23 = arith.constant 0 : i32
    %dma_start3A_24 = arith.constant 0 : i32
    %dma_start3A_25 = tpu.memref_slice %arg8[%dma_start3A_23, %dma_start3A_24] : memref<2x128xi32, #tpu.memory_space<vmem>> -> memref<1x128xi32, #tpu.memory_space<vmem>>
    %dma_start3A_26 = tpu.memref_squeeze %dma_start3A_25 : memref<1x128xi32, #tpu.memory_space<vmem>> -> memref<128xi32, #tpu.memory_space<vmem>>
    %dma_start3A_27 = tpu.memref_slice %arg4[%multiple_of3A_14] : memref<161792xi32, #tpu.memory_space<hbm>> -> memref<128xi32, #tpu.memory_space<hbm>>
    %dma_start3A_28 = arith.constant 0 : i32
    %dma_start3A_29 = tpu.memref_slice %arg8[%dma_start3A_23, %dma_start3A_28] : memref<2x128xi32, #tpu.memory_space<vmem>> -> memref<1x128xi32, #tpu.memory_space<vmem>>
    %dma_start3A_30 = tpu.memref_squeeze %dma_start3A_29 : memref<1x128xi32, #tpu.memory_space<vmem>> -> memref<128xi32, #tpu.memory_space<vmem>>
    %dma_start3A_31 = tpu.memref_slice %arg4[%multiple_of3A_14] : memref<161792xi32, #tpu.memory_space<hbm>> -> memref<128xi32, #tpu.memory_space<hbm>>
    tpu.enqueue_dma source(%dma_start3A_31 : memref<128xi32, #tpu.memory_space<hbm>>) target(%dma_start3A_30 : memref<128xi32, #tpu.memory_space<vmem>>) target_semaphore(%arg11 : memref<!tpu.dma_semaphore, #tpu.memory_space<semaphore_mem>>)
    %add3A_32 = arith.constant 128 : i32
    %add3A_33 = arith.addi %add3A, %add3A_32 : i32
    %multiple_of3A_34 = tpu.assume_multiple %add3A_33, 8 : i32
    %add3A_35 = arith.constant 128 : i32
    %add3A_36 = arith.addi %mul3A_6, %add3A_35 : i32
    %multiple_of3A_37 = tpu.assume_multiple %add3A_36, 8 : i32
    %dma_start3A_38 = arith.constant 1 : i32
    %dma_start3A_39 = arith.constant 0 : i32
    %dma_start3A_40 = tpu.memref_slice %arg7[%dma_start3A_38, %dma_start3A_39] : memref<2x128xi32, #tpu.memory_space<vmem>> -> memref<1x128xi32, #tpu.memory_space<vmem>>
    %dma_start3A_41 = tpu.memref_squeeze %dma_start3A_40 : memref<1x128xi32, #tpu.memory_space<vmem>> -> memref<128xi32, #tpu.memory_space<vmem>>
    %dma_start3A_42 = tpu.memref_slice %arg3[%multiple_of3A_34] : memref<323584xi32, #tpu.memory_space<hbm>> -> memref<128xi32, #tpu.memory_space<hbm>>
    %dma_start3A_43 = arith.constant 0 : i32
    %dma_start3A_44 = tpu.memref_slice %arg7[%dma_start3A_38, %dma_start3A_43] : memref<2x128xi32, #tpu.memory_space<vmem>> -> memref<1x128xi32, #tpu.memory_space<vmem>>
    %dma_start3A_45 = tpu.memref_squeeze %dma_start3A_44 : memref<1x128xi32, #tpu.memory_space<vmem>> -> memref<128xi32, #tpu.memory_space<vmem>>
    %dma_start3A_46 = tpu.memref_slice %arg3[%multiple_of3A_34] : memref<323584xi32, #tpu.memory_space<hbm>> -> memref<128xi32, #tpu.memory_space<hbm>>
    tpu.enqueue_dma source(%dma_start3A_46 : memref<128xi32, #tpu.memory_space<hbm>>) target(%dma_start3A_45 : memref<128xi32, #tpu.memory_space<vmem>>) target_semaphore(%arg12 : memref<!tpu.dma_semaphore, #tpu.memory_space<semaphore_mem>>)
    %dma_start3A_47 = arith.constant 1 : i32
    %dma_start3A_48 = arith.constant 0 : i32
    %dma_start3A_49 = tpu.memref_slice %arg8[%dma_start3A_47, %dma_start3A_48] : memref<2x128xi32, #tpu.memory_space<vmem>> -> memref<1x128xi32, #tpu.memory_space<vmem>>
    %dma_start3A_50 = tpu.memref_squeeze %dma_start3A_49 : memref<1x128xi32, #tpu.memory_space<vmem>> -> memref<128xi32, #tpu.memory_space<vmem>>
    %dma_start3A_51 = tpu.memref_slice %arg4[%multiple_of3A_37] : memref<161792xi32, #tpu.memory_space<hbm>> -> memref<128xi32, #tpu.memory_space<hbm>>
    %dma_start3A_52 = arith.constant 0 : i32
    %dma_start3A_53 = tpu.memref_slice %arg8[%dma_start3A_47, %dma_start3A_52] : memref<2x128xi32, #tpu.memory_space<vmem>> -> memref<1x128xi32, #tpu.memory_space<vmem>>
    %dma_start3A_54 = tpu.memref_squeeze %dma_start3A_53 : memref<1x128xi32, #tpu.memory_space<vmem>> -> memref<128xi32, #tpu.memory_space<vmem>>
    %dma_start3A_55 = tpu.memref_slice %arg4[%multiple_of3A_37] : memref<161792xi32, #tpu.memory_space<hbm>> -> memref<128xi32, #tpu.memory_space<hbm>>
    tpu.enqueue_dma source(%dma_start3A_55 : memref<128xi32, #tpu.memory_space<hbm>>) target(%dma_start3A_54 : memref<128xi32, #tpu.memory_space<vmem>>) target_semaphore(%arg12 : memref<!tpu.dma_semaphore, #tpu.memory_space<semaphore_mem>>)
    %dma_wait3A = arith.constant 0 : i32
    %dma_wait3A_56 = arith.constant 0 : i32
    %dma_wait3A_57 = tpu.memref_slice %arg7[%dma_wait3A, %dma_wait3A_56] : memref<2x128xi32, #tpu.memory_space<vmem>> -> memref<1x128xi32, #tpu.memory_space<vmem>>
    %dma_wait3A_58 = tpu.memref_squeeze %dma_wait3A_57 : memref<1x128xi32, #tpu.memory_space<vmem>> -> memref<128xi32, #tpu.memory_space<vmem>>
    %dma_wait3A_59 = arith.constant 0 : i32
    %dma_wait3A_60 = tpu.memref_slice %arg3[%dma_wait3A_59] : memref<323584xi32, #tpu.memory_space<hbm>> -> memref<128xi32, #tpu.memory_space<hbm>>
    %dma_wait3A_61 = arith.constant 0 : i32
    %dma_wait3A_62 = tpu.memref_slice %arg7[%dma_wait3A, %dma_wait3A_61] : memref<2x128xi32, #tpu.memory_space<vmem>> -> memref<1x128xi32, #tpu.memory_space<vmem>>
    %dma_wait3A_63 = tpu.memref_squeeze %dma_wait3A_62 : memref<1x128xi32, #tpu.memory_space<vmem>> -> memref<128xi32, #tpu.memory_space<vmem>>
    %dma_wait3A_64 = arith.constant 0 : i32
    %dma_wait3A_65 = tpu.memref_slice %arg3[%dma_wait3A_64] : memref<323584xi32, #tpu.memory_space<hbm>> -> memref<128xi32, #tpu.memory_space<hbm>>
    tpu.wait_dma2 semaphore(%arg11 : memref<!tpu.dma_semaphore, #tpu.memory_space<semaphore_mem>>) src(%dma_wait3A_65 : memref<128xi32, #tpu.memory_space<hbm>>) dst(%dma_wait3A_63 : memref<128xi32, #tpu.memory_space<vmem>>)
    %dma_wait3A_66 = arith.constant 0 : i32
    %dma_wait3A_67 = arith.constant 0 : i32
    %dma_wait3A_68 = tpu.memref_slice %arg8[%dma_wait3A_66, %dma_wait3A_67] : memref<2x128xi32, #tpu.memory_space<vmem>> -> memref<1x128xi32, #tpu.memory_space<vmem>>
    %dma_wait3A_69 = tpu.memref_squeeze %dma_wait3A_68 : memref<1x128xi32, #tpu.memory_space<vmem>> -> memref<128xi32, #tpu.memory_space<vmem>>
    %dma_wait3A_70 = arith.constant 0 : i32
    %dma_wait3A_71 = tpu.memref_slice %arg4[%dma_wait3A_70] : memref<161792xi32, #tpu.memory_space<hbm>> -> memref<128xi32, #tpu.memory_space<hbm>>
    %dma_wait3A_72 = arith.constant 0 : i32
    %dma_wait3A_73 = tpu.memref_slice %arg8[%dma_wait3A_66, %dma_wait3A_72] : memref<2x128xi32, #tpu.memory_space<vmem>> -> memref<1x128xi32, #tpu.memory_space<vmem>>
    %dma_wait3A_74 = tpu.memref_squeeze %dma_wait3A_73 : memref<1x128xi32, #tpu.memory_space<vmem>> -> memref<128xi32, #tpu.memory_space<vmem>>
    %dma_wait3A_75 = arith.constant 0 : i32
    %dma_wait3A_76 = tpu.memref_slice %arg4[%dma_wait3A_75] : memref<161792xi32, #tpu.memory_space<hbm>> -> memref<128xi32, #tpu.memory_space<hbm>>
    tpu.wait_dma2 semaphore(%arg11 : memref<!tpu.dma_semaphore, #tpu.memory_space<semaphore_mem>>) src(%dma_wait3A_76 : memref<128xi32, #tpu.memory_space<hbm>>) dst(%dma_wait3A_74 : memref<128xi32, #tpu.memory_space<vmem>>)
    %dma_start3A_77 = arith.constant 0 : i32
    %dma_start3A_78 = arith.constant 0 : i32
    %dma_start3A_79 = arith.constant 0 : i32
    %dma_start3A_80 = arith.constant 0 : i32
    %dma_start3A_81 = tpu.memref_slice %arg9[%dma_start3A_78, %dma_start3A_79, %dma_start3A_80] : memref<2x128x128xf32, #tpu.memory_space<vmem>> -> memref<1x128x128xf32, #tpu.memory_space<vmem>>
    %dma_start3A_82 = tpu.memref_squeeze %dma_start3A_81 : memref<1x128x128xf32, #tpu.memory_space<vmem>> -> memref<128x128xf32, #tpu.memory_space<vmem>>
    %dma_start3A_83 = arith.constant 0 : i32
    %dma_start3A_84 = tpu.memref_slice %arg7[%dma_start3A_77, %dma_start3A_83] : memref<2x128xi32, #tpu.memory_space<vmem>> -> memref<1x128xi32, #tpu.memory_space<vmem>>
    %dma_start3A_85 = tpu.memref_squeeze %dma_start3A_84 : memref<1x128xi32, #tpu.memory_space<vmem>> -> memref<128xi32, #tpu.memory_space<vmem>>
    %dma_start3A_86 = arith.constant 0 : i32
    %dma_start3A_87 = arith.constant 0 : i32
    %dma_start3A_88 = tpu.memref_slice %arg2[%dma_start3A_86, %dma_start3A_87] : memref<20000x128xf32, #tpu.memory_space<hbm>> -> memref<20000x128xf32, #tpu.memory_space<hbm>>
    tpu.enqueue_indirect_dma source(%dma_start3A_88 : memref<20000x128xf32, #tpu.memory_space<hbm>>) target(%dma_start3A_82 : memref<128x128xf32, #tpu.memory_space<vmem>>) offsets(%dma_start3A_85 : memref<128xi32, #tpu.memory_space<vmem>>) semaphore(%arg13 : memref<!tpu.dma_semaphore, #tpu.memory_space<semaphore_mem>>)
    %scan3A = arith.constant 0 : i32
    %scan3A_89 = arith.constant 0 : i32
    %scan3A_90 = arith.constant 39 : i32
    %scan3A_91 = arith.addi %scan3A_89, %scan3A_90 : i32
    %scan3A_92 = arith.constant 1 : i32
    scf.for %scan3A_114 = %scan3A_89 to %scan3A_91 step %scan3A_92  : i32 {
      %mul3A_115 = arith.constant 2 : i32
      %mul3A_116 = arith.muli %mul3A_115, %scan3A_114 : i32
      %dma_wait3A_117 = arith.constant 1 : i32
      %dma_wait3A_118 = arith.constant 0 : i32
      %dma_wait3A_119 = tpu.memref_slice %arg7[%dma_wait3A_117, %dma_wait3A_118] : memref<2x128xi32, #tpu.memory_space<vmem>> -> memref<1x128xi32, #tpu.memory_space<vmem>>
      %dma_wait3A_120 = tpu.memref_squeeze %dma_wait3A_119 : memref<1x128xi32, #tpu.memory_space<vmem>> -> memref<128xi32, #tpu.memory_space<vmem>>
      %dma_wait3A_121 = arith.constant 0 : i32
      %dma_wait3A_122 = tpu.memref_slice %arg3[%dma_wait3A_121] : memref<323584xi32, #tpu.memory_space<hbm>> -> memref<128xi32, #tpu.memory_space<hbm>>
      %dma_wait3A_123 = arith.constant 0 : i32
      %dma_wait3A_124 = tpu.memref_slice %arg7[%dma_wait3A_117, %dma_wait3A_123] : memref<2x128xi32, #tpu.memory_space<vmem>> -> memref<1x128xi32, #tpu.memory_space<vmem>>
      %dma_wait3A_125 = tpu.memref_squeeze %dma_wait3A_124 : memref<1x128xi32, #tpu.memory_space<vmem>> -> memref<128xi32, #tpu.memory_space<vmem>>
      %dma_wait3A_126 = arith.constant 0 : i32
      %dma_wait3A_127 = tpu.memref_slice %arg3[%dma_wait3A_126] : memref<323584xi32, #tpu.memory_space<hbm>> -> memref<128xi32, #tpu.memory_space<hbm>>
      tpu.wait_dma2 semaphore(%arg12 : memref<!tpu.dma_semaphore, #tpu.memory_space<semaphore_mem>>) src(%dma_wait3A_127 : memref<128xi32, #tpu.memory_space<hbm>>) dst(%dma_wait3A_125 : memref<128xi32, #tpu.memory_space<vmem>>)
      %dma_wait3A_128 = arith.constant 1 : i32
      %dma_wait3A_129 = arith.constant 0 : i32
      %dma_wait3A_130 = tpu.memref_slice %arg8[%dma_wait3A_128, %dma_wait3A_129] : memref<2x128xi32, #tpu.memory_space<vmem>> -> memref<1x128xi32, #tpu.memory_space<vmem>>
      %dma_wait3A_131 = tpu.memref_squeeze %dma_wait3A_130 : memref<1x128xi32, #tpu.memory_space<vmem>> -> memref<128xi32, #tpu.memory_space<vmem>>
      %dma_wait3A_132 = arith.constant 0 : i32
      %dma_wait3A_133 = tpu.memref_slice %arg4[%dma_wait3A_132] : memref<161792xi32, #tpu.memory_space<hbm>> -> memref<128xi32, #tpu.memory_space<hbm>>
      %dma_wait3A_134 = arith.constant 0 : i32
      %dma_wait3A_135 = tpu.memref_slice %arg8[%dma_wait3A_128, %dma_wait3A_134] : memref<2x128xi32, #tpu.memory_space<vmem>> -> memref<1x128xi32, #tpu.memory_space<vmem>>
      %dma_wait3A_136 = tpu.memref_squeeze %dma_wait3A_135 : memref<1x128xi32, #tpu.memory_space<vmem>> -> memref<128xi32, #tpu.memory_space<vmem>>
      %dma_wait3A_137 = arith.constant 0 : i32
      %dma_wait3A_138 = tpu.memref_slice %arg4[%dma_wait3A_137] : memref<161792xi32, #tpu.memory_space<hbm>> -> memref<128xi32, #tpu.memory_space<hbm>>
      tpu.wait_dma2 semaphore(%arg12 : memref<!tpu.dma_semaphore, #tpu.memory_space<semaphore_mem>>) src(%dma_wait3A_138 : memref<128xi32, #tpu.memory_space<hbm>>) dst(%dma_wait3A_136 : memref<128xi32, #tpu.memory_space<vmem>>)
      %dma_start3A_139 = arith.constant 1 : i32
      %dma_start3A_140 = arith.constant 1 : i32
      %dma_start3A_141 = arith.constant 0 : i32
      %dma_start3A_142 = arith.constant 0 : i32
      %dma_start3A_143 = tpu.memref_slice %arg9[%dma_start3A_140, %dma_start3A_141, %dma_start3A_142] : memref<2x128x128xf32, #tpu.memory_space<vmem>> -> memref<1x128x128xf32, #tpu.memory_space<vmem>>
      %dma_start3A_144 = tpu.memref_squeeze %dma_start3A_143 : memref<1x128x128xf32, #tpu.memory_space<vmem>> -> memref<128x128xf32, #tpu.memory_space<vmem>>
      %dma_start3A_145 = arith.constant 0 : i32
      %dma_start3A_146 = tpu.memref_slice %arg7[%dma_start3A_139, %dma_start3A_145] : memref<2x128xi32, #tpu.memory_space<vmem>> -> memref<1x128xi32, #tpu.memory_space<vmem>>
      %dma_start3A_147 = tpu.memref_squeeze %dma_start3A_146 : memref<1x128xi32, #tpu.memory_space<vmem>> -> memref<128xi32, #tpu.memory_space<vmem>>
      %dma_start3A_148 = arith.constant 0 : i32
      %dma_start3A_149 = arith.constant 0 : i32
      %dma_start3A_150 = tpu.memref_slice %arg2[%dma_start3A_148, %dma_start3A_149] : memref<20000x128xf32, #tpu.memory_space<hbm>> -> memref<20000x128xf32, #tpu.memory_space<hbm>>
      tpu.enqueue_indirect_dma source(%dma_start3A_150 : memref<20000x128xf32, #tpu.memory_space<hbm>>) target(%dma_start3A_144 : memref<128x128xf32, #tpu.memory_space<vmem>>) offsets(%dma_start3A_147 : memref<128xi32, #tpu.memory_space<vmem>>) semaphore(%arg14 : memref<!tpu.dma_semaphore, #tpu.memory_space<semaphore_mem>>)
      %dma_wait3A_151 = arith.constant 0 : i32
      %dma_wait3A_152 = arith.constant 0 : i32
      %dma_wait3A_153 = arith.constant 0 : i32
      %dma_wait3A_154 = arith.constant 0 : i32
      %dma_wait3A_155 = tpu.memref_slice %arg9[%dma_wait3A_152, %dma_wait3A_153, %dma_wait3A_154] : memref<2x128x128xf32, #tpu.memory_space<vmem>> -> memref<1x128x128xf32, #tpu.memory_space<vmem>>
      %dma_wait3A_156 = tpu.memref_squeeze %dma_wait3A_155 : memref<1x128x128xf32, #tpu.memory_space<vmem>> -> memref<128x128xf32, #tpu.memory_space<vmem>>
      %dma_wait3A_157 = arith.constant 0 : i32
      %dma_wait3A_158 = tpu.memref_slice %arg7[%dma_wait3A_151, %dma_wait3A_157] : memref<2x128xi32, #tpu.memory_space<vmem>> -> memref<1x128xi32, #tpu.memory_space<vmem>>
      %dma_wait3A_159 = tpu.memref_squeeze %dma_wait3A_158 : memref<1x128xi32, #tpu.memory_space<vmem>> -> memref<128xi32, #tpu.memory_space<vmem>>
      %dma_wait3A_160 = arith.constant 0 : i32
      %dma_wait3A_161 = arith.constant 0 : i32
      %dma_wait3A_162 = tpu.memref_slice %arg2[%dma_wait3A_160, %dma_wait3A_161] : memref<20000x128xf32, #tpu.memory_space<hbm>> -> memref<20000x128xf32, #tpu.memory_space<hbm>>
      tpu.wait_indirect_dma semaphore(%arg13 : memref<!tpu.dma_semaphore, #tpu.memory_space<semaphore_mem>>) src(%dma_wait3A_162 : memref<20000x128xf32, #tpu.memory_space<hbm>>) dst(%dma_wait3A_156 : memref<128x128xf32, #tpu.memory_space<vmem>>)
      %run_scoped3A_163 = arith.constant 0 : i32
      %run_scoped3A_164 = arith.constant 0 : i32
      "tpu.region"() ({
        %run_scoped3A_192 = tpu.sem_alloc : memref<!tpu.dma_semaphore, #tpu.memory_space<semaphore_mem>>
        %dma_start3A_193 = arith.constant 0 : i32
        %dma_start3A_194 = arith.constant 0 : i32
        %dma_start3A_195 = tpu.memref_slice %arg9[%run_scoped3A_163, %dma_start3A_193, %dma_start3A_194] : memref<2x128x128xf32, #tpu.memory_space<vmem>> -> memref<1x128x128xf32, #tpu.memory_space<vmem>>
        %dma_start3A_196 = tpu.memref_squeeze %dma_start3A_195 : memref<1x128x128xf32, #tpu.memory_space<vmem>> -> memref<128x128xf32, #tpu.memory_space<vmem>>
        %dma_start3A_197 = arith.constant 0 : i32
        %dma_start3A_198 = tpu.memref_slice %arg8[%run_scoped3A_164, %dma_start3A_197] : memref<2x128xi32, #tpu.memory_space<vmem>> -> memref<1x128xi32, #tpu.memory_space<vmem>>
        %dma_start3A_199 = tpu.memref_squeeze %dma_start3A_198 : memref<1x128xi32, #tpu.memory_space<vmem>> -> memref<128xi32, #tpu.memory_space<vmem>>
        %dma_start3A_200 = arith.constant 0 : i32
        %dma_start3A_201 = arith.constant 0 : i32
        %dma_start3A_202 = tpu.memref_slice %arg10[%dma_start3A_200, %dma_start3A_201] : memref<10016x128xf32, #tpu.memory_space<vmem_shared>> -> memref<10016x128xf32, #tpu.memory_space<vmem_shared>>
        tpu.enqueue_indirect_dma source(%dma_start3A_196 : memref<128x128xf32, #tpu.memory_space<vmem>>) target(%dma_start3A_202 : memref<10016x128xf32, #tpu.memory_space<vmem_shared>>) offsets(%dma_start3A_199 : memref<128xi32, #tpu.memory_space<vmem>>) semaphore(%run_scoped3A_192 : memref<!tpu.dma_semaphore, #tpu.memory_space<semaphore_mem>>) {add = true}
        %dma_wait3A_203 = arith.constant 0 : i32
        %dma_wait3A_204 = arith.constant 0 : i32
        %dma_wait3A_205 = tpu.memref_slice %arg9[%run_scoped3A_163, %dma_wait3A_203, %dma_wait3A_204] : memref<2x128x128xf32, #tpu.memory_space<vmem>> -> memref<1x128x128xf32, #tpu.memory_space<vmem>>
        %dma_wait3A_206 = tpu.memref_squeeze %dma_wait3A_205 : memref<1x128x128xf32, #tpu.memory_space<vmem>> -> memref<128x128xf32, #tpu.memory_space<vmem>>
        %dma_wait3A_207 = arith.constant 0 : i32
        %dma_wait3A_208 = tpu.memref_slice %arg8[%run_scoped3A_164, %dma_wait3A_207] : memref<2x128xi32, #tpu.memory_space<vmem>> -> memref<1x128xi32, #tpu.memory_space<vmem>>
        %dma_wait3A_209 = tpu.memref_squeeze %dma_wait3A_208 : memref<1x128xi32, #tpu.memory_space<vmem>> -> memref<128xi32, #tpu.memory_space<vmem>>
        %dma_wait3A_210 = arith.constant 0 : i32
        %dma_wait3A_211 = arith.constant 0 : i32
        %dma_wait3A_212 = tpu.memref_slice %arg10[%dma_wait3A_210, %dma_wait3A_211] : memref<10016x128xf32, #tpu.memory_space<vmem_shared>> -> memref<10016x128xf32, #tpu.memory_space<vmem_shared>>
        tpu.wait_indirect_dma semaphore(%run_scoped3A_192 : memref<!tpu.dma_semaphore, #tpu.memory_space<semaphore_mem>>) src(%dma_wait3A_206 : memref<128x128xf32, #tpu.memory_space<vmem>>) dst(%dma_wait3A_212 : memref<10016x128xf32, #tpu.memory_space<vmem_shared>>)
        tpu.yield
      }) : () -> ()
      %add3A_165 = arith.constant 2 : i32
      %add3A_166 = arith.addi %mul3A_116, %add3A_165 : i32
      %lt3A = arith.constant 79 : i32
      %lt3A_167 = arith.cmpi slt, %add3A_166, %lt3A : i32
      %convert_element_type3A_168 = arith.extui %lt3A_167 : i1 to i32
      %cond3A_169 = arith.constant 0 : i32
      %cond3A_170 = arith.cmpi ne, %convert_element_type3A_168, %cond3A_169 : i32
      scf.if %cond3A_170 {
        %add3A_192 = arith.constant 2 : i32
        %add3A_193 = arith.addi %mul3A_116, %add3A_192 : i32
        %mul3A_194 = arith.constant 128 : i32
        %mul3A_195 = arith.muli %add3A_193, %mul3A_194 : i32
        %add3A_196 = arith.addi %add3A, %mul3A_195 : i32
        %multiple_of3A_197 = tpu.assume_multiple %add3A_196, 8 : i32
        %mul3A_198 = arith.constant 128 : i32
        %mul3A_199 = arith.muli %add3A_193, %mul3A_198 : i32
        %add3A_200 = arith.addi %mul3A_6, %mul3A_199 : i32
        %multiple_of3A_201 = tpu.assume_multiple %add3A_200, 8 : i32
        %dma_start3A_202 = arith.constant 0 : i32
        %dma_start3A_203 = arith.constant 0 : i32
        %dma_start3A_204 = tpu.memref_slice %arg7[%dma_start3A_202, %dma_start3A_203] : memref<2x128xi32, #tpu.memory_space<vmem>> -> memref<1x128xi32, #tpu.memory_space<vmem>>
        %dma_start3A_205 = tpu.memref_squeeze %dma_start3A_204 : memref<1x128xi32, #tpu.memory_space<vmem>> -> memref<128xi32, #tpu.memory_space<vmem>>
        %dma_start3A_206 = tpu.memref_slice %arg3[%multiple_of3A_197] : memref<323584xi32, #tpu.memory_space<hbm>> -> memref<128xi32, #tpu.memory_space<hbm>>
        %dma_start3A_207 = arith.constant 0 : i32
        %dma_start3A_208 = tpu.memref_slice %arg7[%dma_start3A_202, %dma_start3A_207] : memref<2x128xi32, #tpu.memory_space<vmem>> -> memref<1x128xi32, #tpu.memory_space<vmem>>
        %dma_start3A_209 = tpu.memref_squeeze %dma_start3A_208 : memref<1x128xi32, #tpu.memory_space<vmem>> -> memref<128xi32, #tpu.memory_space<vmem>>
        %dma_start3A_210 = tpu.memref_slice %arg3[%multiple_of3A_197] : memref<323584xi32, #tpu.memory_space<hbm>> -> memref<128xi32, #tpu.memory_space<hbm>>
        tpu.enqueue_dma source(%dma_start3A_210 : memref<128xi32, #tpu.memory_space<hbm>>) target(%dma_start3A_209 : memref<128xi32, #tpu.memory_space<vmem>>) target_semaphore(%arg11 : memref<!tpu.dma_semaphore, #tpu.memory_space<semaphore_mem>>)
        %dma_start3A_211 = arith.constant 0 : i32
        %dma_start3A_212 = arith.constant 0 : i32
        %dma_start3A_213 = tpu.memref_slice %arg8[%dma_start3A_211, %dma_start3A_212] : memref<2x128xi32, #tpu.memory_space<vmem>> -> memref<1x128xi32, #tpu.memory_space<vmem>>
        %dma_start3A_214 = tpu.memref_squeeze %dma_start3A_213 : memref<1x128xi32, #tpu.memory_space<vmem>> -> memref<128xi32, #tpu.memory_space<vmem>>
        %dma_start3A_215 = tpu.memref_slice %arg4[%multiple_of3A_201] : memref<161792xi32, #tpu.memory_space<hbm>> -> memref<128xi32, #tpu.memory_space<hbm>>
        %dma_start3A_216 = arith.constant 0 : i32
        %dma_start3A_217 = tpu.memref_slice %arg8[%dma_start3A_211, %dma_start3A_216] : memref<2x128xi32, #tpu.memory_space<vmem>> -> memref<1x128xi32, #tpu.memory_space<vmem>>
        %dma_start3A_218 = tpu.memref_squeeze %dma_start3A_217 : memref<1x128xi32, #tpu.memory_space<vmem>> -> memref<128xi32, #tpu.memory_space<vmem>>
        %dma_start3A_219 = tpu.memref_slice %arg4[%multiple_of3A_201] : memref<161792xi32, #tpu.memory_space<hbm>> -> memref<128xi32, #tpu.memory_space<hbm>>
        tpu.enqueue_dma source(%dma_start3A_219 : memref<128xi32, #tpu.memory_space<hbm>>) target(%dma_start3A_218 : memref<128xi32, #tpu.memory_space<vmem>>) target_semaphore(%arg11 : memref<!tpu.dma_semaphore, #tpu.memory_space<semaphore_mem>>)
        %dma_wait3A_220 = arith.constant 0 : i32
        %dma_wait3A_221 = arith.constant 0 : i32
        %dma_wait3A_222 = tpu.memref_slice %arg7[%dma_wait3A_220, %dma_wait3A_221] : memref<2x128xi32, #tpu.memory_space<vmem>> -> memref<1x128xi32, #tpu.memory_space<vmem>>
        %dma_wait3A_223 = tpu.memref_squeeze %dma_wait3A_222 : memref<1x128xi32, #tpu.memory_space<vmem>> -> memref<128xi32, #tpu.memory_space<vmem>>
        %dma_wait3A_224 = arith.constant 0 : i32
        %dma_wait3A_225 = tpu.memref_slice %arg3[%dma_wait3A_224] : memref<323584xi32, #tpu.memory_space<hbm>> -> memref<128xi32, #tpu.memory_space<hbm>>
        %dma_wait3A_226 = arith.constant 0 : i32
        %dma_wait3A_227 = tpu.memref_slice %arg7[%dma_wait3A_220, %dma_wait3A_226] : memref<2x128xi32, #tpu.memory_space<vmem>> -> memref<1x128xi32, #tpu.memory_space<vmem>>
        %dma_wait3A_228 = tpu.memref_squeeze %dma_wait3A_227 : memref<1x128xi32, #tpu.memory_space<vmem>> -> memref<128xi32, #tpu.memory_space<vmem>>
        %dma_wait3A_229 = arith.constant 0 : i32
        %dma_wait3A_230 = tpu.memref_slice %arg3[%dma_wait3A_229] : memref<323584xi32, #tpu.memory_space<hbm>> -> memref<128xi32, #tpu.memory_space<hbm>>
        tpu.wait_dma2 semaphore(%arg11 : memref<!tpu.dma_semaphore, #tpu.memory_space<semaphore_mem>>) src(%dma_wait3A_230 : memref<128xi32, #tpu.memory_space<hbm>>) dst(%dma_wait3A_228 : memref<128xi32, #tpu.memory_space<vmem>>)
        %dma_wait3A_231 = arith.constant 0 : i32
        %dma_wait3A_232 = arith.constant 0 : i32
        %dma_wait3A_233 = tpu.memref_slice %arg8[%dma_wait3A_231, %dma_wait3A_232] : memref<2x128xi32, #tpu.memory_space<vmem>> -> memref<1x128xi32, #tpu.memory_space<vmem>>
        %dma_wait3A_234 = tpu.memref_squeeze %dma_wait3A_233 : memref<1x128xi32, #tpu.memory_space<vmem>> -> memref<128xi32, #tpu.memory_space<vmem>>
        %dma_wait3A_235 = arith.constant 0 : i32
        %dma_wait3A_236 = tpu.memref_slice %arg4[%dma_wait3A_235] : memref<161792xi32, #tpu.memory_space<hbm>> -> memref<128xi32, #tpu.memory_space<hbm>>
        %dma_wait3A_237 = arith.constant 0 : i32
        %dma_wait3A_238 = tpu.memref_slice %arg8[%dma_wait3A_231, %dma_wait3A_237] : memref<2x128xi32, #tpu.memory_space<vmem>> -> memref<1x128xi32, #tpu.memory_space<vmem>>
        %dma_wait3A_239 = tpu.memref_squeeze %dma_wait3A_238 : memref<1x128xi32, #tpu.memory_space<vmem>> -> memref<128xi32, #tpu.memory_space<vmem>>
        %dma_wait3A_240 = arith.constant 0 : i32
        %dma_wait3A_241 = tpu.memref_slice %arg4[%dma_wait3A_240] : memref<161792xi32, #tpu.memory_space<hbm>> -> memref<128xi32, #tpu.memory_space<hbm>>
        tpu.wait_dma2 semaphore(%arg11 : memref<!tpu.dma_semaphore, #tpu.memory_space<semaphore_mem>>) src(%dma_wait3A_241 : memref<128xi32, #tpu.memory_space<hbm>>) dst(%dma_wait3A_239 : memref<128xi32, #tpu.memory_space<vmem>>)
        %dma_start3A_242 = arith.constant 0 : i32
        %dma_start3A_243 = arith.constant 0 : i32
        %dma_start3A_244 = arith.constant 0 : i32
        %dma_start3A_245 = arith.constant 0 : i32
        %dma_start3A_246 = tpu.memref_slice %arg9[%dma_start3A_243, %dma_start3A_244, %dma_start3A_245] : memref<2x128x128xf32, #tpu.memory_space<vmem>> -> memref<1x128x128xf32, #tpu.memory_space<vmem>>
        %dma_start3A_247 = tpu.memref_squeeze %dma_start3A_246 : memref<1x128x128xf32, #tpu.memory_space<vmem>> -> memref<128x128xf32, #tpu.memory_space<vmem>>
        %dma_start3A_248 = arith.constant 0 : i32
        %dma_start3A_249 = tpu.memref_slice %arg7[%dma_start3A_242, %dma_start3A_248] : memref<2x128xi32, #tpu.memory_space<vmem>> -> memref<1x128xi32, #tpu.memory_space<vmem>>
        %dma_start3A_250 = tpu.memref_squeeze %dma_start3A_249 : memref<1x128xi32, #tpu.memory_space<vmem>> -> memref<128xi32, #tpu.memory_space<vmem>>
        %dma_start3A_251 = arith.constant 0 : i32
        %dma_start3A_252 = arith.constant 0 : i32
        %dma_start3A_253 = tpu.memref_slice %arg2[%dma_start3A_251, %dma_start3A_252] : memref<20000x128xf32, #tpu.memory_space<hbm>> -> memref<20000x128xf32, #tpu.memory_space<hbm>>
        tpu.enqueue_indirect_dma source(%dma_start3A_253 : memref<20000x128xf32, #tpu.memory_space<hbm>>) target(%dma_start3A_247 : memref<128x128xf32, #tpu.memory_space<vmem>>) offsets(%dma_start3A_250 : memref<128xi32, #tpu.memory_space<vmem>>) semaphore(%arg13 : memref<!tpu.dma_semaphore, #tpu.memory_space<semaphore_mem>>)
      } else {
      }
      %dma_wait3A_171 = arith.constant 1 : i32
      %dma_wait3A_172 = arith.constant 1 : i32
      %dma_wait3A_173 = arith.constant 0 : i32
      %dma_wait3A_174 = arith.constant 0 : i32
      %dma_wait3A_175 = tpu.memref_slice %arg9[%dma_wait3A_172, %dma_wait3A_173, %dma_wait3A_174] : memref<2x128x128xf32, #tpu.memory_space<vmem>> -> memref<1x128x128xf32, #tpu.memory_space<vmem>>
      %dma_wait3A_176 = tpu.memref_squeeze %dma_wait3A_175 : memref<1x128x128xf32, #tpu.memory_space<vmem>> -> memref<128x128xf32, #tpu.memory_space<vmem>>
      %dma_wait3A_177 = arith.constant 0 : i32
      %dma_wait3A_178 = tpu.memref_slice %arg7[%dma_wait3A_171, %dma_wait3A_177] : memref<2x128xi32, #tpu.memory_space<vmem>> -> memref<1x128xi32, #tpu.memory_space<vmem>>
      %dma_wait3A_179 = tpu.memref_squeeze %dma_wait3A_178 : memref<1x128xi32, #tpu.memory_space<vmem>> -> memref<128xi32, #tpu.memory_space<vmem>>
      %dma_wait3A_180 = arith.constant 0 : i32
      %dma_wait3A_181 = arith.constant 0 : i32
      %dma_wait3A_182 = tpu.memref_slice %arg2[%dma_wait3A_180, %dma_wait3A_181] : memref<20000x128xf32, #tpu.memory_space<hbm>> -> memref<20000x128xf32, #tpu.memory_space<hbm>>
      tpu.wait_indirect_dma semaphore(%arg14 : memref<!tpu.dma_semaphore, #tpu.memory_space<semaphore_mem>>) src(%dma_wait3A_182 : memref<20000x128xf32, #tpu.memory_space<hbm>>) dst(%dma_wait3A_176 : memref<128x128xf32, #tpu.memory_space<vmem>>)
      %run_scoped3A_183 = arith.constant 1 : i32
      %run_scoped3A_184 = arith.constant 1 : i32
      "tpu.region"() ({
        %run_scoped3A_192 = tpu.sem_alloc : memref<!tpu.dma_semaphore, #tpu.memory_space<semaphore_mem>>
        %dma_start3A_193 = arith.constant 0 : i32
        %dma_start3A_194 = arith.constant 0 : i32
        %dma_start3A_195 = tpu.memref_slice %arg9[%run_scoped3A_183, %dma_start3A_193, %dma_start3A_194] : memref<2x128x128xf32, #tpu.memory_space<vmem>> -> memref<1x128x128xf32, #tpu.memory_space<vmem>>
        %dma_start3A_196 = tpu.memref_squeeze %dma_start3A_195 : memref<1x128x128xf32, #tpu.memory_space<vmem>> -> memref<128x128xf32, #tpu.memory_space<vmem>>
        %dma_start3A_197 = arith.constant 0 : i32
        %dma_start3A_198 = tpu.memref_slice %arg8[%run_scoped3A_184, %dma_start3A_197] : memref<2x128xi32, #tpu.memory_space<vmem>> -> memref<1x128xi32, #tpu.memory_space<vmem>>
        %dma_start3A_199 = tpu.memref_squeeze %dma_start3A_198 : memref<1x128xi32, #tpu.memory_space<vmem>> -> memref<128xi32, #tpu.memory_space<vmem>>
        %dma_start3A_200 = arith.constant 0 : i32
        %dma_start3A_201 = arith.constant 0 : i32
        %dma_start3A_202 = tpu.memref_slice %arg10[%dma_start3A_200, %dma_start3A_201] : memref<10016x128xf32, #tpu.memory_space<vmem_shared>> -> memref<10016x128xf32, #tpu.memory_space<vmem_shared>>
        tpu.enqueue_indirect_dma source(%dma_start3A_196 : memref<128x128xf32, #tpu.memory_space<vmem>>) target(%dma_start3A_202 : memref<10016x128xf32, #tpu.memory_space<vmem_shared>>) offsets(%dma_start3A_199 : memref<128xi32, #tpu.memory_space<vmem>>) semaphore(%run_scoped3A_192 : memref<!tpu.dma_semaphore, #tpu.memory_space<semaphore_mem>>) {add = true}
        %dma_wait3A_203 = arith.constant 0 : i32
        %dma_wait3A_204 = arith.constant 0 : i32
        %dma_wait3A_205 = tpu.memref_slice %arg9[%run_scoped3A_183, %dma_wait3A_203, %dma_wait3A_204] : memref<2x128x128xf32, #tpu.memory_space<vmem>> -> memref<1x128x128xf32, #tpu.memory_space<vmem>>
        %dma_wait3A_206 = tpu.memref_squeeze %dma_wait3A_205 : memref<1x128x128xf32, #tpu.memory_space<vmem>> -> memref<128x128xf32, #tpu.memory_space<vmem>>
        %dma_wait3A_207 = arith.constant 0 : i32
        %dma_wait3A_208 = tpu.memref_slice %arg8[%run_scoped3A_184, %dma_wait3A_207] : memref<2x128xi32, #tpu.memory_space<vmem>> -> memref<1x128xi32, #tpu.memory_space<vmem>>
        %dma_wait3A_209 = tpu.memref_squeeze %dma_wait3A_208 : memref<1x128xi32, #tpu.memory_space<vmem>> -> memref<128xi32, #tpu.memory_space<vmem>>
        %dma_wait3A_210 = arith.constant 0 : i32
        %dma_wait3A_211 = arith.constant 0 : i32
        %dma_wait3A_212 = tpu.memref_slice %arg10[%dma_wait3A_210, %dma_wait3A_211] : memref<10016x128xf32, #tpu.memory_space<vmem_shared>> -> memref<10016x128xf32, #tpu.memory_space<vmem_shared>>
        tpu.wait_indirect_dma semaphore(%run_scoped3A_192 : memref<!tpu.dma_semaphore, #tpu.memory_space<semaphore_mem>>) src(%dma_wait3A_206 : memref<128x128xf32, #tpu.memory_space<vmem>>) dst(%dma_wait3A_212 : memref<10016x128xf32, #tpu.memory_space<vmem_shared>>)
        tpu.yield
      }) : () -> ()
      %add3A_185 = arith.constant 3 : i32
      %add3A_186 = arith.addi %mul3A_116, %add3A_185 : i32
      %lt3A_187 = arith.constant 79 : i32
      %lt3A_188 = arith.cmpi slt, %add3A_186, %lt3A_187 : i32
      %convert_element_type3A_189 = arith.extui %lt3A_188 : i1 to i32
      %cond3A_190 = arith.constant 0 : i32
      %cond3A_191 = arith.cmpi ne, %convert_element_type3A_189, %cond3A_190 : i32
      scf.if %cond3A_191 {
        %add3A_192 = arith.constant 3 : i32
        %add3A_193 = arith.addi %mul3A_116, %add3A_192 : i32
        %mul3A_194 = arith.constant 128 : i32
        %mul3A_195 = arith.muli %add3A_193, %mul3A_194 : i32
        %add3A_196 = arith.addi %add3A, %mul3A_195 : i32
        %multiple_of3A_197 = tpu.assume_multiple %add3A_196, 8 : i32
        %mul3A_198 = arith.constant 128 : i32
        %mul3A_199 = arith.muli %add3A_193, %mul3A_198 : i32
        %add3A_200 = arith.addi %mul3A_6, %mul3A_199 : i32
        %multiple_of3A_201 = tpu.assume_multiple %add3A_200, 8 : i32
        %dma_start3A_202 = arith.constant 1 : i32
        %dma_start3A_203 = arith.constant 0 : i32
        %dma_start3A_204 = tpu.memref_slice %arg7[%dma_start3A_202, %dma_start3A_203] : memref<2x128xi32, #tpu.memory_space<vmem>> -> memref<1x128xi32, #tpu.memory_space<vmem>>
        %dma_start3A_205 = tpu.memref_squeeze %dma_start3A_204 : memref<1x128xi32, #tpu.memory_space<vmem>> -> memref<128xi32, #tpu.memory_space<vmem>>
        %dma_start3A_206 = tpu.memref_slice %arg3[%multiple_of3A_197] : memref<323584xi32, #tpu.memory_space<hbm>> -> memref<128xi32, #tpu.memory_space<hbm>>
        %dma_start3A_207 = arith.constant 0 : i32
        %dma_start3A_208 = tpu.memref_slice %arg7[%dma_start3A_202, %dma_start3A_207] : memref<2x128xi32, #tpu.memory_space<vmem>> -> memref<1x128xi32, #tpu.memory_space<vmem>>
        %dma_start3A_209 = tpu.memref_squeeze %dma_start3A_208 : memref<1x128xi32, #tpu.memory_space<vmem>> -> memref<128xi32, #tpu.memory_space<vmem>>
        %dma_start3A_210 = tpu.memref_slice %arg3[%multiple_of3A_197] : memref<323584xi32, #tpu.memory_space<hbm>> -> memref<128xi32, #tpu.memory_space<hbm>>
        tpu.enqueue_dma source(%dma_start3A_210 : memref<128xi32, #tpu.memory_space<hbm>>) target(%dma_start3A_209 : memref<128xi32, #tpu.memory_space<vmem>>) target_semaphore(%arg12 : memref<!tpu.dma_semaphore, #tpu.memory_space<semaphore_mem>>)
        %dma_start3A_211 = arith.constant 1 : i32
        %dma_start3A_212 = arith.constant 0 : i32
        %dma_start3A_213 = tpu.memref_slice %arg8[%dma_start3A_211, %dma_start3A_212] : memref<2x128xi32, #tpu.memory_space<vmem>> -> memref<1x128xi32, #tpu.memory_space<vmem>>
        %dma_start3A_214 = tpu.memref_squeeze %dma_start3A_213 : memref<1x128xi32, #tpu.memory_space<vmem>> -> memref<128xi32, #tpu.memory_space<vmem>>
        %dma_start3A_215 = tpu.memref_slice %arg4[%multiple_of3A_201] : memref<161792xi32, #tpu.memory_space<hbm>> -> memref<128xi32, #tpu.memory_space<hbm>>
        %dma_start3A_216 = arith.constant 0 : i32
        %dma_start3A_217 = tpu.memref_slice %arg8[%dma_start3A_211, %dma_start3A_216] : memref<2x128xi32, #tpu.memory_space<vmem>> -> memref<1x128xi32, #tpu.memory_space<vmem>>
        %dma_start3A_218 = tpu.memref_squeeze %dma_start3A_217 : memref<1x128xi32, #tpu.memory_space<vmem>> -> memref<128xi32, #tpu.memory_space<vmem>>
        %dma_start3A_219 = tpu.memref_slice %arg4[%multiple_of3A_201] : memref<161792xi32, #tpu.memory_space<hbm>> -> memref<128xi32, #tpu.memory_space<hbm>>
        tpu.enqueue_dma source(%dma_start3A_219 : memref<128xi32, #tpu.memory_space<hbm>>) target(%dma_start3A_218 : memref<128xi32, #tpu.memory_space<vmem>>) target_semaphore(%arg12 : memref<!tpu.dma_semaphore, #tpu.memory_space<semaphore_mem>>)
      } else {
      }
    }
    %scan3A_93 = arith.constant 39 : i32
    %dma_wait3A_94 = arith.constant 0 : i32
    %dma_wait3A_95 = arith.constant 0 : i32
    %dma_wait3A_96 = arith.constant 0 : i32
    %dma_wait3A_97 = arith.constant 0 : i32
    %dma_wait3A_98 = tpu.memref_slice %arg9[%dma_wait3A_95, %dma_wait3A_96, %dma_wait3A_97] : memref<2x128x128xf32, #tpu.memory_space<vmem>> -> memref<1x128x128xf32, #tpu.memory_space<vmem>>
    %dma_wait3A_99 = tpu.memref_squeeze %dma_wait3A_98 : memref<1x128x128xf32, #tpu.memory_space<vmem>> -> memref<128x128xf32, #tpu.memory_space<vmem>>
    %dma_wait3A_100 = arith.constant 0 : i32
    %dma_wait3A_101 = tpu.memref_slice %arg7[%dma_wait3A_94, %dma_wait3A_100] : memref<2x128xi32, #tpu.memory_space<vmem>> -> memref<1x128xi32, #tpu.memory_space<vmem>>
    %dma_wait3A_102 = tpu.memref_squeeze %dma_wait3A_101 : memref<1x128xi32, #tpu.memory_space<vmem>> -> memref<128xi32, #tpu.memory_space<vmem>>
    %dma_wait3A_103 = arith.constant 0 : i32
    %dma_wait3A_104 = arith.constant 0 : i32
    %dma_wait3A_105 = tpu.memref_slice %arg2[%dma_wait3A_103, %dma_wait3A_104] : memref<20000x128xf32, #tpu.memory_space<hbm>> -> memref<20000x128xf32, #tpu.memory_space<hbm>>
    tpu.wait_indirect_dma semaphore(%arg13 : memref<!tpu.dma_semaphore, #tpu.memory_space<semaphore_mem>>) src(%dma_wait3A_105 : memref<20000x128xf32, #tpu.memory_space<hbm>>) dst(%dma_wait3A_99 : memref<128x128xf32, #tpu.memory_space<vmem>>)
    %run_scoped3A = arith.constant 0 : i32
    %run_scoped3A_106 = arith.constant 0 : i32
    "tpu.region"() ({
      %run_scoped3A_114 = tpu.sem_alloc : memref<!tpu.dma_semaphore, #tpu.memory_space<semaphore_mem>>
      %dma_start3A_115 = arith.constant 0 : i32
      %dma_start3A_116 = arith.constant 0 : i32
      %dma_start3A_117 = tpu.memref_slice %arg9[%run_scoped3A, %dma_start3A_115, %dma_start3A_116] : memref<2x128x128xf32, #tpu.memory_space<vmem>> -> memref<1x128x128xf32, #tpu.memory_space<vmem>>
      %dma_start3A_118 = tpu.memref_squeeze %dma_start3A_117 : memref<1x128x128xf32, #tpu.memory_space<vmem>> -> memref<128x128xf32, #tpu.memory_space<vmem>>
      %dma_start3A_119 = arith.constant 0 : i32
      %dma_start3A_120 = tpu.memref_slice %arg8[%run_scoped3A_106, %dma_start3A_119] : memref<2x128xi32, #tpu.memory_space<vmem>> -> memref<1x128xi32, #tpu.memory_space<vmem>>
      %dma_start3A_121 = tpu.memref_squeeze %dma_start3A_120 : memref<1x128xi32, #tpu.memory_space<vmem>> -> memref<128xi32, #tpu.memory_space<vmem>>
      %dma_start3A_122 = arith.constant 0 : i32
      %dma_start3A_123 = arith.constant 0 : i32
      %dma_start3A_124 = tpu.memref_slice %arg10[%dma_start3A_122, %dma_start3A_123] : memref<10016x128xf32, #tpu.memory_space<vmem_shared>> -> memref<10016x128xf32, #tpu.memory_space<vmem_shared>>
      tpu.enqueue_indirect_dma source(%dma_start3A_118 : memref<128x128xf32, #tpu.memory_space<vmem>>) target(%dma_start3A_124 : memref<10016x128xf32, #tpu.memory_space<vmem_shared>>) offsets(%dma_start3A_121 : memref<128xi32, #tpu.memory_space<vmem>>) semaphore(%run_scoped3A_114 : memref<!tpu.dma_semaphore, #tpu.memory_space<semaphore_mem>>) {add = true}
      %dma_wait3A_125 = arith.constant 0 : i32
      %dma_wait3A_126 = arith.constant 0 : i32
      %dma_wait3A_127 = tpu.memref_slice %arg9[%run_scoped3A, %dma_wait3A_125, %dma_wait3A_126] : memref<2x128x128xf32, #tpu.memory_space<vmem>> -> memref<1x128x128xf32, #tpu.memory_space<vmem>>
      %dma_wait3A_128 = tpu.memref_squeeze %dma_wait3A_127 : memref<1x128x128xf32, #tpu.memory_space<vmem>> -> memref<128x128xf32, #tpu.memory_space<vmem>>
      %dma_wait3A_129 = arith.constant 0 : i32
      %dma_wait3A_130 = tpu.memref_slice %arg8[%run_scoped3A_106, %dma_wait3A_129] : memref<2x128xi32, #tpu.memory_space<vmem>> -> memref<1x128xi32, #tpu.memory_space<vmem>>
      %dma_wait3A_131 = tpu.memref_squeeze %dma_wait3A_130 : memref<1x128xi32, #tpu.memory_space<vmem>> -> memref<128xi32, #tpu.memory_space<vmem>>
      %dma_wait3A_132 = arith.constant 0 : i32
      %dma_wait3A_133 = arith.constant 0 : i32
      %dma_wait3A_134 = tpu.memref_slice %arg10[%dma_wait3A_132, %dma_wait3A_133] : memref<10016x128xf32, #tpu.memory_space<vmem_shared>> -> memref<10016x128xf32, #tpu.memory_space<vmem_shared>>
      tpu.wait_indirect_dma semaphore(%run_scoped3A_114 : memref<!tpu.dma_semaphore, #tpu.memory_space<semaphore_mem>>) src(%dma_wait3A_128 : memref<128x128xf32, #tpu.memory_space<vmem>>) dst(%dma_wait3A_134 : memref<10016x128xf32, #tpu.memory_space<vmem_shared>>)
      tpu.yield
    }) : () -> ()
    %barrier3A_107 = arith.constant 0 : index
    tpu.barrier barrier_id(%barrier3A_107)
    %mul3A_108 = arith.constant 128 : i32
    %mul3A_109 = arith.muli %arg0, %mul3A_108 : i32
    %multiple_of3A_110 = tpu.assume_multiple %mul3A_109, 128 : i32
    "tpu.region"() ({
      %run_scoped3A_114 = tpu.sem_alloc : memref<!tpu.dma_semaphore, #tpu.memory_space<semaphore_mem>>
      %dma_start3A_115 = tpu.memref_slice %arg6[%multiple_of3A, %multiple_of3A_110] : memref<10000x256xf32, #tpu.memory_space<hbm>> -> memref<624x128xf32, #tpu.memory_space<hbm>>
      %dma_start3A_116 = arith.constant 0 : i32
      %dma_start3A_117 = tpu.memref_slice %arg10[%multiple_of3A, %dma_start3A_116] : memref<10016x128xf32, #tpu.memory_space<vmem_shared>> -> memref<624x128xf32, #tpu.memory_space<vmem_shared>>
      tpu.enqueue_dma source(%dma_start3A_117 : memref<624x128xf32, #tpu.memory_space<vmem_shared>>) target(%dma_start3A_115 : memref<624x128xf32, #tpu.memory_space<hbm>>) target_semaphore(%run_scoped3A_114 : memref<!tpu.dma_semaphore, #tpu.memory_space<semaphore_mem>>)
      %dma_wait3A_118 = tpu.memref_slice %arg6[%multiple_of3A, %multiple_of3A_110] : memref<10000x256xf32, #tpu.memory_space<hbm>> -> memref<624x128xf32, #tpu.memory_space<hbm>>
      %dma_wait3A_119 = arith.constant 0 : i32
      %dma_wait3A_120 = tpu.memref_slice %arg10[%multiple_of3A, %dma_wait3A_119] : memref<10016x128xf32, #tpu.memory_space<vmem_shared>> -> memref<624x128xf32, #tpu.memory_space<vmem_shared>>
      tpu.wait_dma2 semaphore(%run_scoped3A_114 : memref<!tpu.dma_semaphore, #tpu.memory_space<semaphore_mem>>) src(%dma_wait3A_120 : memref<624x128xf32, #tpu.memory_space<vmem_shared>>) dst(%dma_wait3A_118 : memref<624x128xf32, #tpu.memory_space<hbm>>)
      tpu.yield
    }) : () -> ()
    %convert_element_type3A_111 = arith.extui %eq3A_7 : i1 to i32
    %cond3A_112 = arith.constant 0 : i32
    %cond3A_113 = arith.cmpi ne, %convert_element_type3A_111, %cond3A_112 : i32
    scf.if %cond3A_113 {
      "tpu.region"() ({
        %run_scoped3A_114 = tpu.sem_alloc : memref<!tpu.dma_semaphore, #tpu.memory_space<semaphore_mem>>
        %dma_start3A_115 = arith.constant 9984 : i32
        %dma_start3A_116 = tpu.memref_slice %arg6[%dma_start3A_115, %multiple_of3A_110] : memref<10000x256xf32, #tpu.memory_space<hbm>> -> memref<16x128xf32, #tpu.memory_space<hbm>>
        %dma_start3A_117 = arith.constant 9984 : i32
        %dma_start3A_118 = arith.constant 0 : i32
        %dma_start3A_119 = tpu.memref_slice %arg10[%dma_start3A_117, %dma_start3A_118] : memref<10016x128xf32, #tpu.memory_space<vmem_shared>> -> memref<16x128xf32, #tpu.memory_space<vmem_shared>>
        tpu.enqueue_dma source(%dma_start3A_119 : memref<16x128xf32, #tpu.memory_space<vmem_shared>>) target(%dma_start3A_116 : memref<16x128xf32, #tpu.memory_space<hbm>>) target_semaphore(%run_scoped3A_114 : memref<!tpu.dma_semaphore, #tpu.memory_space<semaphore_mem>>)
        %dma_wait3A_120 = arith.constant 9984 : i32
        %dma_wait3A_121 = tpu.memref_slice %arg6[%dma_wait3A_120, %multiple_of3A_110] : memref<10000x256xf32, #tpu.memory_space<hbm>> -> memref<16x128xf32, #tpu.memory_space<hbm>>
        %dma_wait3A_122 = arith.constant 9984 : i32
        %dma_wait3A_123 = arith.constant 0 : i32
        %dma_wait3A_124 = tpu.memref_slice %arg10[%dma_wait3A_122, %dma_wait3A_123] : memref<10016x128xf32, #tpu.memory_space<vmem_shared>> -> memref<16x128xf32, #tpu.memory_space<vmem_shared>>
        tpu.wait_dma2 semaphore(%run_scoped3A_114 : memref<!tpu.dma_semaphore, #tpu.memory_space<semaphore_mem>>) src(%dma_wait3A_124 : memref<16x128xf32, #tpu.memory_space<vmem_shared>>) dst(%dma_wait3A_121 : memref<16x128xf32, #tpu.memory_space<hbm>>)
        tpu.yield
      }) : () -> ()
    } else {
    }
    return
  }
}

#map = affine_map<(d0, d1) -> (0, 0)>
#map1 = affine_map<(d0, d1) -> (0)>
module attributes {stable_mosaic.version = 14 : i64} {
  func.func @k(%arg0: i32, %arg1: i32, %arg2: memref<20000x128xf32, #tpu.memory_space<hbm>>, %arg3: memref<323584xi32, #tpu.memory_space<hbm>>, %arg4: memref<161792xi32, #tpu.memory_space<hbm>>, %arg5: memref<10016x128xf32, #tpu.memory_space<hbm>>, %arg6: memref<20000x128xf32, #tpu.memory_space<hbm>>, %arg7: memref<2x128xi32, #tpu.memory_space<vmem>>, %arg8: memref<2x128xi32, #tpu.memory_space<vmem>>, %arg9: memref<2x128x128xf32, #tpu.memory_space<vmem>>, %arg10: memref<10016x128xf32, #tpu.memory_space<vmem_shared>>, %arg11: memref<!tpu.dma_semaphore, #tpu.memory_space<semaphore_mem>>, %arg12: memref<!tpu.dma_semaphore, #tpu.memory_space<semaphore_mem>>, %arg13: memref<!tpu.dma_semaphore, #tpu.memory_space<semaphore_mem>>, %arg14: memref<!tpu.dma_semaphore, #tpu.memory_space<semaphore_mem>>) attributes {dimension_semantics = [#tpu.dimension_semantics<core_parallel>, #tpu.dimension_semantics<subcore_parallel>], iteration_bounds = array<i64: 2, 16>, scalar_prefetch = 0 : i64, scratch_operands = 8 : i64, tpu.core_type = #tpu.core_type<sc_vector_subcore>, window_params = [{transform_indices = #map}, {transform_indices = #map1}, {transform_indices = #map1}, {transform_indices = #map}, {transform_indices = #map}]} {
    %mul3A = arith.constant 624 : i32
    %mul3A_0 = arith.muli %arg1, %mul3A : i32
    %multiple_of3A = tpu.assume_multiple %mul3A_0, 8 : i32
    %mul3A_1 = arith.constant 161792 : i32
    %mul3A_2 = arith.muli %arg0, %mul3A_1 : i32
    %mul3A_3 = arith.constant 10112 : i32
    %mul3A_4 = arith.muli %arg1, %mul3A_3 : i32
    %add3A = arith.addi %mul3A_2, %mul3A_4 : i32
    %mul3A_5 = arith.constant 10112 : i32
    %mul3A_6 = arith.muli %arg1, %mul3A_5 : i32
    %eq3A = arith.constant 15 : i32
    %eq3A_7 = arith.cmpi eq, %arg1, %eq3A : i32
    "tpu.region"() ({
      %run_scoped3A_115 = tpu.sem_alloc : memref<!tpu.dma_semaphore, #tpu.memory_space<semaphore_mem>>
      %dma_start3A_116 = arith.constant 0 : i32
      %dma_start3A_117 = tpu.memref_slice %arg10[%multiple_of3A, %dma_start3A_116] : memref<10016x128xf32, #tpu.memory_space<vmem_shared>> -> memref<624x128xf32, #tpu.memory_space<vmem_shared>>
      %dma_start3A_118 = arith.constant 0 : i32
      %dma_start3A_119 = tpu.memref_slice %arg5[%multiple_of3A, %dma_start3A_118] : memref<10016x128xf32, #tpu.memory_space<hbm>> -> memref<624x128xf32, #tpu.memory_space<hbm>>
      tpu.enqueue_dma source(%dma_start3A_119 : memref<624x128xf32, #tpu.memory_space<hbm>>) target(%dma_start3A_117 : memref<624x128xf32, #tpu.memory_space<vmem_shared>>) target_semaphore(%run_scoped3A_115 : memref<!tpu.dma_semaphore, #tpu.memory_space<semaphore_mem>>)
      %dma_wait3A_120 = arith.constant 0 : i32
      %dma_wait3A_121 = tpu.memref_slice %arg10[%multiple_of3A, %dma_wait3A_120] : memref<10016x128xf32, #tpu.memory_space<vmem_shared>> -> memref<624x128xf32, #tpu.memory_space<vmem_shared>>
      %dma_wait3A_122 = arith.constant 0 : i32
      %dma_wait3A_123 = tpu.memref_slice %arg5[%multiple_of3A, %dma_wait3A_122] : memref<10016x128xf32, #tpu.memory_space<hbm>> -> memref<624x128xf32, #tpu.memory_space<hbm>>
      tpu.wait_dma2 semaphore(%run_scoped3A_115 : memref<!tpu.dma_semaphore, #tpu.memory_space<semaphore_mem>>) src(%dma_wait3A_123 : memref<624x128xf32, #tpu.memory_space<hbm>>) dst(%dma_wait3A_121 : memref<624x128xf32, #tpu.memory_space<vmem_shared>>)
      tpu.yield
    }) : () -> ()
    %convert_element_type3A = arith.extui %eq3A_7 : i1 to i32
    %cond3A = arith.constant 0 : i32
    %cond3A_8 = arith.cmpi ne, %convert_element_type3A, %cond3A : i32
    scf.if %cond3A_8 {
      "tpu.region"() ({
        %run_scoped3A_115 = tpu.sem_alloc : memref<!tpu.dma_semaphore, #tpu.memory_space<semaphore_mem>>
        %dma_start3A_116 = arith.constant 9984 : i32
        %dma_start3A_117 = arith.constant 0 : i32
        %dma_start3A_118 = tpu.memref_slice %arg10[%dma_start3A_116, %dma_start3A_117] : memref<10016x128xf32, #tpu.memory_space<vmem_shared>> -> memref<32x128xf32, #tpu.memory_space<vmem_shared>>
        %dma_start3A_119 = arith.constant 9984 : i32
        %dma_start3A_120 = arith.constant 0 : i32
        %dma_start3A_121 = tpu.memref_slice %arg5[%dma_start3A_119, %dma_start3A_120] : memref<10016x128xf32, #tpu.memory_space<hbm>> -> memref<32x128xf32, #tpu.memory_space<hbm>>
        tpu.enqueue_dma source(%dma_start3A_121 : memref<32x128xf32, #tpu.memory_space<hbm>>) target(%dma_start3A_118 : memref<32x128xf32, #tpu.memory_space<vmem_shared>>) target_semaphore(%run_scoped3A_115 : memref<!tpu.dma_semaphore, #tpu.memory_space<semaphore_mem>>)
        %dma_wait3A_122 = arith.constant 9984 : i32
        %dma_wait3A_123 = arith.constant 0 : i32
        %dma_wait3A_124 = tpu.memref_slice %arg10[%dma_wait3A_122, %dma_wait3A_123] : memref<10016x128xf32, #tpu.memory_space<vmem_shared>> -> memref<32x128xf32, #tpu.memory_space<vmem_shared>>
        %dma_wait3A_125 = arith.constant 9984 : i32
        %dma_wait3A_126 = arith.constant 0 : i32
        %dma_wait3A_127 = tpu.memref_slice %arg5[%dma_wait3A_125, %dma_wait3A_126] : memref<10016x128xf32, #tpu.memory_space<hbm>> -> memref<32x128xf32, #tpu.memory_space<hbm>>
        tpu.wait_dma2 semaphore(%run_scoped3A_115 : memref<!tpu.dma_semaphore, #tpu.memory_space<semaphore_mem>>) src(%dma_wait3A_127 : memref<32x128xf32, #tpu.memory_space<hbm>>) dst(%dma_wait3A_124 : memref<32x128xf32, #tpu.memory_space<vmem_shared>>)
        tpu.yield
      }) : () -> ()
    } else {
    }
    %barrier3A = arith.constant 0 : index
    tpu.barrier barrier_id(%barrier3A)
    %add3A_9 = arith.constant 0 : i32
    %add3A_10 = arith.addi %add3A, %add3A_9 : i32
    %multiple_of3A_11 = tpu.assume_multiple %add3A_10, 8 : i32
    %add3A_12 = arith.constant 0 : i32
    %add3A_13 = arith.addi %mul3A_6, %add3A_12 : i32
    %multiple_of3A_14 = tpu.assume_multiple %add3A_13, 8 : i32
    %dma_start3A = arith.constant 0 : i32
    %dma_start3A_15 = arith.constant 0 : i32
    %dma_start3A_16 = tpu.memref_slice %arg7[%dma_start3A, %dma_start3A_15] : memref<2x128xi32, #tpu.memory_space<vmem>> -> memref<1x128xi32, #tpu.memory_space<vmem>>
    %dma_start3A_17 = tpu.memref_squeeze %dma_start3A_16 : memref<1x128xi32, #tpu.memory_space<vmem>> -> memref<128xi32, #tpu.memory_space<vmem>>
    %dma_start3A_18 = tpu.memref_slice %arg3[%multiple_of3A_11] : memref<323584xi32, #tpu.memory_space<hbm>> -> memref<128xi32, #tpu.memory_space<hbm>>
    %dma_start3A_19 = arith.constant 0 : i32
    %dma_start3A_20 = tpu.memref_slice %arg7[%dma_start3A, %dma_start3A_19] : memref<2x128xi32, #tpu.memory_space<vmem>> -> memref<1x128xi32, #tpu.memory_space<vmem>>
    %dma_start3A_21 = tpu.memref_squeeze %dma_start3A_20 : memref<1x128xi32, #tpu.memory_space<vmem>> -> memref<128xi32, #tpu.memory_space<vmem>>
    %dma_start3A_22 = tpu.memref_slice %arg3[%multiple_of3A_11] : memref<323584xi32, #tpu.memory_space<hbm>> -> memref<128xi32, #tpu.memory_space<hbm>>
    tpu.enqueue_dma source(%dma_start3A_22 : memref<128xi32, #tpu.memory_space<hbm>>) target(%dma_start3A_21 : memref<128xi32, #tpu.memory_space<vmem>>) target_semaphore(%arg11 : memref<!tpu.dma_semaphore, #tpu.memory_space<semaphore_mem>>)
    %dma_start3A_23 = arith.constant 0 : i32
    %dma_start3A_24 = arith.constant 0 : i32
    %dma_start3A_25 = tpu.memref_slice %arg8[%dma_start3A_23, %dma_start3A_24] : memref<2x128xi32, #tpu.memory_space<vmem>> -> memref<1x128xi32, #tpu.memory_space<vmem>>
    %dma_start3A_26 = tpu.memref_squeeze %dma_start3A_25 : memref<1x128xi32, #tpu.memory_space<vmem>> -> memref<128xi32, #tpu.memory_space<vmem>>
    %dma_start3A_27 = tpu.memref_slice %arg4[%multiple_of3A_14] : memref<161792xi32, #tpu.memory_space<hbm>> -> memref<128xi32, #tpu.memory_space<hbm>>
    %dma_start3A_28 = arith.constant 0 : i32
    %dma_start3A_29 = tpu.memref_slice %arg8[%dma_start3A_23, %dma_start3A_28] : memref<2x128xi32, #tpu.memory_space<vmem>> -> memref<1x128xi32, #tpu.memory_space<vmem>>
    %dma_start3A_30 = tpu.memref_squeeze %dma_start3A_29 : memref<1x128xi32, #tpu.memory_space<vmem>> -> memref<128xi32, #tpu.memory_space<vmem>>
    %dma_start3A_31 = tpu.memref_slice %arg4[%multiple_of3A_14] : memref<161792xi32, #tpu.memory_space<hbm>> -> memref<128xi32, #tpu.memory_space<hbm>>
    tpu.enqueue_dma source(%dma_start3A_31 : memref<128xi32, #tpu.memory_space<hbm>>) target(%dma_start3A_30 : memref<128xi32, #tpu.memory_space<vmem>>) target_semaphore(%arg11 : memref<!tpu.dma_semaphore, #tpu.memory_space<semaphore_mem>>)
    %add3A_32 = arith.constant 128 : i32
    %add3A_33 = arith.addi %add3A, %add3A_32 : i32
    %multiple_of3A_34 = tpu.assume_multiple %add3A_33, 8 : i32
    %add3A_35 = arith.constant 128 : i32
    %add3A_36 = arith.addi %mul3A_6, %add3A_35 : i32
    %multiple_of3A_37 = tpu.assume_multiple %add3A_36, 8 : i32
    %dma_start3A_38 = arith.constant 1 : i32
    %dma_start3A_39 = arith.constant 0 : i32
    %dma_start3A_40 = tpu.memref_slice %arg7[%dma_start3A_38, %dma_start3A_39] : memref<2x128xi32, #tpu.memory_space<vmem>> -> memref<1x128xi32, #tpu.memory_space<vmem>>
    %dma_start3A_41 = tpu.memref_squeeze %dma_start3A_40 : memref<1x128xi32, #tpu.memory_space<vmem>> -> memref<128xi32, #tpu.memory_space<vmem>>
    %dma_start3A_42 = tpu.memref_slice %arg3[%multiple_of3A_34] : memref<323584xi32, #tpu.memory_space<hbm>> -> memref<128xi32, #tpu.memory_space<hbm>>
    %dma_start3A_43 = arith.constant 0 : i32
    %dma_start3A_44 = tpu.memref_slice %arg7[%dma_start3A_38, %dma_start3A_43] : memref<2x128xi32, #tpu.memory_space<vmem>> -> memref<1x128xi32, #tpu.memory_space<vmem>>
    %dma_start3A_45 = tpu.memref_squeeze %dma_start3A_44 : memref<1x128xi32, #tpu.memory_space<vmem>> -> memref<128xi32, #tpu.memory_space<vmem>>
    %dma_start3A_46 = tpu.memref_slice %arg3[%multiple_of3A_34] : memref<323584xi32, #tpu.memory_space<hbm>> -> memref<128xi32, #tpu.memory_space<hbm>>
    tpu.enqueue_dma source(%dma_start3A_46 : memref<128xi32, #tpu.memory_space<hbm>>) target(%dma_start3A_45 : memref<128xi32, #tpu.memory_space<vmem>>) target_semaphore(%arg12 : memref<!tpu.dma_semaphore, #tpu.memory_space<semaphore_mem>>)
    %dma_start3A_47 = arith.constant 1 : i32
    %dma_start3A_48 = arith.constant 0 : i32
    %dma_start3A_49 = tpu.memref_slice %arg8[%dma_start3A_47, %dma_start3A_48] : memref<2x128xi32, #tpu.memory_space<vmem>> -> memref<1x128xi32, #tpu.memory_space<vmem>>
    %dma_start3A_50 = tpu.memref_squeeze %dma_start3A_49 : memref<1x128xi32, #tpu.memory_space<vmem>> -> memref<128xi32, #tpu.memory_space<vmem>>
    %dma_start3A_51 = tpu.memref_slice %arg4[%multiple_of3A_37] : memref<161792xi32, #tpu.memory_space<hbm>> -> memref<128xi32, #tpu.memory_space<hbm>>
    %dma_start3A_52 = arith.constant 0 : i32
    %dma_start3A_53 = tpu.memref_slice %arg8[%dma_start3A_47, %dma_start3A_52] : memref<2x128xi32, #tpu.memory_space<vmem>> -> memref<1x128xi32, #tpu.memory_space<vmem>>
    %dma_start3A_54 = tpu.memref_squeeze %dma_start3A_53 : memref<1x128xi32, #tpu.memory_space<vmem>> -> memref<128xi32, #tpu.memory_space<vmem>>
    %dma_start3A_55 = tpu.memref_slice %arg4[%multiple_of3A_37] : memref<161792xi32, #tpu.memory_space<hbm>> -> memref<128xi32, #tpu.memory_space<hbm>>
    tpu.enqueue_dma source(%dma_start3A_55 : memref<128xi32, #tpu.memory_space<hbm>>) target(%dma_start3A_54 : memref<128xi32, #tpu.memory_space<vmem>>) target_semaphore(%arg12 : memref<!tpu.dma_semaphore, #tpu.memory_space<semaphore_mem>>)
    %dma_wait3A = arith.constant 0 : i32
    %dma_wait3A_56 = arith.constant 0 : i32
    %dma_wait3A_57 = tpu.memref_slice %arg7[%dma_wait3A, %dma_wait3A_56] : memref<2x128xi32, #tpu.memory_space<vmem>> -> memref<1x128xi32, #tpu.memory_space<vmem>>
    %dma_wait3A_58 = tpu.memref_squeeze %dma_wait3A_57 : memref<1x128xi32, #tpu.memory_space<vmem>> -> memref<128xi32, #tpu.memory_space<vmem>>
    %dma_wait3A_59 = arith.constant 0 : i32
    %dma_wait3A_60 = tpu.memref_slice %arg3[%dma_wait3A_59] : memref<323584xi32, #tpu.memory_space<hbm>> -> memref<128xi32, #tpu.memory_space<hbm>>
    %dma_wait3A_61 = arith.constant 0 : i32
    %dma_wait3A_62 = tpu.memref_slice %arg7[%dma_wait3A, %dma_wait3A_61] : memref<2x128xi32, #tpu.memory_space<vmem>> -> memref<1x128xi32, #tpu.memory_space<vmem>>
    %dma_wait3A_63 = tpu.memref_squeeze %dma_wait3A_62 : memref<1x128xi32, #tpu.memory_space<vmem>> -> memref<128xi32, #tpu.memory_space<vmem>>
    %dma_wait3A_64 = arith.constant 0 : i32
    %dma_wait3A_65 = tpu.memref_slice %arg3[%dma_wait3A_64] : memref<323584xi32, #tpu.memory_space<hbm>> -> memref<128xi32, #tpu.memory_space<hbm>>
    tpu.wait_dma2 semaphore(%arg11 : memref<!tpu.dma_semaphore, #tpu.memory_space<semaphore_mem>>) src(%dma_wait3A_65 : memref<128xi32, #tpu.memory_space<hbm>>) dst(%dma_wait3A_63 : memref<128xi32, #tpu.memory_space<vmem>>)
    %dma_wait3A_66 = arith.constant 0 : i32
    %dma_wait3A_67 = arith.constant 0 : i32
    %dma_wait3A_68 = tpu.memref_slice %arg8[%dma_wait3A_66, %dma_wait3A_67] : memref<2x128xi32, #tpu.memory_space<vmem>> -> memref<1x128xi32, #tpu.memory_space<vmem>>
    %dma_wait3A_69 = tpu.memref_squeeze %dma_wait3A_68 : memref<1x128xi32, #tpu.memory_space<vmem>> -> memref<128xi32, #tpu.memory_space<vmem>>
    %dma_wait3A_70 = arith.constant 0 : i32
    %dma_wait3A_71 = tpu.memref_slice %arg4[%dma_wait3A_70] : memref<161792xi32, #tpu.memory_space<hbm>> -> memref<128xi32, #tpu.memory_space<hbm>>
    %dma_wait3A_72 = arith.constant 0 : i32
    %dma_wait3A_73 = tpu.memref_slice %arg8[%dma_wait3A_66, %dma_wait3A_72] : memref<2x128xi32, #tpu.memory_space<vmem>> -> memref<1x128xi32, #tpu.memory_space<vmem>>
    %dma_wait3A_74 = tpu.memref_squeeze %dma_wait3A_73 : memref<1x128xi32, #tpu.memory_space<vmem>> -> memref<128xi32, #tpu.memory_space<vmem>>
    %dma_wait3A_75 = arith.constant 0 : i32
    %dma_wait3A_76 = tpu.memref_slice %arg4[%dma_wait3A_75] : memref<161792xi32, #tpu.memory_space<hbm>> -> memref<128xi32, #tpu.memory_space<hbm>>
    tpu.wait_dma2 semaphore(%arg11 : memref<!tpu.dma_semaphore, #tpu.memory_space<semaphore_mem>>) src(%dma_wait3A_76 : memref<128xi32, #tpu.memory_space<hbm>>) dst(%dma_wait3A_74 : memref<128xi32, #tpu.memory_space<vmem>>)
    %dma_start3A_77 = arith.constant 0 : i32
    %dma_start3A_78 = arith.constant 0 : i32
    %dma_start3A_79 = arith.constant 0 : i32
    %dma_start3A_80 = arith.constant 0 : i32
    %dma_start3A_81 = tpu.memref_slice %arg9[%dma_start3A_78, %dma_start3A_79, %dma_start3A_80] : memref<2x128x128xf32, #tpu.memory_space<vmem>> -> memref<1x128x128xf32, #tpu.memory_space<vmem>>
    %dma_start3A_82 = tpu.memref_squeeze %dma_start3A_81 : memref<1x128x128xf32, #tpu.memory_space<vmem>> -> memref<128x128xf32, #tpu.memory_space<vmem>>
    %dma_start3A_83 = arith.constant 0 : i32
    %dma_start3A_84 = tpu.memref_slice %arg7[%dma_start3A_77, %dma_start3A_83] : memref<2x128xi32, #tpu.memory_space<vmem>> -> memref<1x128xi32, #tpu.memory_space<vmem>>
    %dma_start3A_85 = tpu.memref_squeeze %dma_start3A_84 : memref<1x128xi32, #tpu.memory_space<vmem>> -> memref<128xi32, #tpu.memory_space<vmem>>
    %dma_start3A_86 = arith.constant 0 : i32
    %dma_start3A_87 = arith.constant 0 : i32
    %dma_start3A_88 = tpu.memref_slice %arg2[%dma_start3A_86, %dma_start3A_87] : memref<20000x128xf32, #tpu.memory_space<hbm>> -> memref<20000x128xf32, #tpu.memory_space<hbm>>
    tpu.enqueue_indirect_dma source(%dma_start3A_88 : memref<20000x128xf32, #tpu.memory_space<hbm>>) target(%dma_start3A_82 : memref<128x128xf32, #tpu.memory_space<vmem>>) offsets(%dma_start3A_85 : memref<128xi32, #tpu.memory_space<vmem>>) semaphore(%arg13 : memref<!tpu.dma_semaphore, #tpu.memory_space<semaphore_mem>>)
    %scan3A = arith.constant 0 : i32
    %scan3A_89 = arith.constant 0 : i32
    %scan3A_90 = arith.constant 39 : i32
    %scan3A_91 = arith.addi %scan3A_89, %scan3A_90 : i32
    %scan3A_92 = arith.constant 1 : i32
    scf.for %scan3A_115 = %scan3A_89 to %scan3A_91 step %scan3A_92  : i32 {
      %mul3A_116 = arith.constant 2 : i32
      %mul3A_117 = arith.muli %mul3A_116, %scan3A_115 : i32
      %dma_wait3A_118 = arith.constant 1 : i32
      %dma_wait3A_119 = arith.constant 0 : i32
      %dma_wait3A_120 = tpu.memref_slice %arg7[%dma_wait3A_118, %dma_wait3A_119] : memref<2x128xi32, #tpu.memory_space<vmem>> -> memref<1x128xi32, #tpu.memory_space<vmem>>
      %dma_wait3A_121 = tpu.memref_squeeze %dma_wait3A_120 : memref<1x128xi32, #tpu.memory_space<vmem>> -> memref<128xi32, #tpu.memory_space<vmem>>
      %dma_wait3A_122 = arith.constant 0 : i32
      %dma_wait3A_123 = tpu.memref_slice %arg3[%dma_wait3A_122] : memref<323584xi32, #tpu.memory_space<hbm>> -> memref<128xi32, #tpu.memory_space<hbm>>
      %dma_wait3A_124 = arith.constant 0 : i32
      %dma_wait3A_125 = tpu.memref_slice %arg7[%dma_wait3A_118, %dma_wait3A_124] : memref<2x128xi32, #tpu.memory_space<vmem>> -> memref<1x128xi32, #tpu.memory_space<vmem>>
      %dma_wait3A_126 = tpu.memref_squeeze %dma_wait3A_125 : memref<1x128xi32, #tpu.memory_space<vmem>> -> memref<128xi32, #tpu.memory_space<vmem>>
      %dma_wait3A_127 = arith.constant 0 : i32
      %dma_wait3A_128 = tpu.memref_slice %arg3[%dma_wait3A_127] : memref<323584xi32, #tpu.memory_space<hbm>> -> memref<128xi32, #tpu.memory_space<hbm>>
      tpu.wait_dma2 semaphore(%arg12 : memref<!tpu.dma_semaphore, #tpu.memory_space<semaphore_mem>>) src(%dma_wait3A_128 : memref<128xi32, #tpu.memory_space<hbm>>) dst(%dma_wait3A_126 : memref<128xi32, #tpu.memory_space<vmem>>)
      %dma_wait3A_129 = arith.constant 1 : i32
      %dma_wait3A_130 = arith.constant 0 : i32
      %dma_wait3A_131 = tpu.memref_slice %arg8[%dma_wait3A_129, %dma_wait3A_130] : memref<2x128xi32, #tpu.memory_space<vmem>> -> memref<1x128xi32, #tpu.memory_space<vmem>>
      %dma_wait3A_132 = tpu.memref_squeeze %dma_wait3A_131 : memref<1x128xi32, #tpu.memory_space<vmem>> -> memref<128xi32, #tpu.memory_space<vmem>>
      %dma_wait3A_133 = arith.constant 0 : i32
      %dma_wait3A_134 = tpu.memref_slice %arg4[%dma_wait3A_133] : memref<161792xi32, #tpu.memory_space<hbm>> -> memref<128xi32, #tpu.memory_space<hbm>>
      %dma_wait3A_135 = arith.constant 0 : i32
      %dma_wait3A_136 = tpu.memref_slice %arg8[%dma_wait3A_129, %dma_wait3A_135] : memref<2x128xi32, #tpu.memory_space<vmem>> -> memref<1x128xi32, #tpu.memory_space<vmem>>
      %dma_wait3A_137 = tpu.memref_squeeze %dma_wait3A_136 : memref<1x128xi32, #tpu.memory_space<vmem>> -> memref<128xi32, #tpu.memory_space<vmem>>
      %dma_wait3A_138 = arith.constant 0 : i32
      %dma_wait3A_139 = tpu.memref_slice %arg4[%dma_wait3A_138] : memref<161792xi32, #tpu.memory_space<hbm>> -> memref<128xi32, #tpu.memory_space<hbm>>
      tpu.wait_dma2 semaphore(%arg12 : memref<!tpu.dma_semaphore, #tpu.memory_space<semaphore_mem>>) src(%dma_wait3A_139 : memref<128xi32, #tpu.memory_space<hbm>>) dst(%dma_wait3A_137 : memref<128xi32, #tpu.memory_space<vmem>>)
      %dma_start3A_140 = arith.constant 1 : i32
      %dma_start3A_141 = arith.constant 1 : i32
      %dma_start3A_142 = arith.constant 0 : i32
      %dma_start3A_143 = arith.constant 0 : i32
      %dma_start3A_144 = tpu.memref_slice %arg9[%dma_start3A_141, %dma_start3A_142, %dma_start3A_143] : memref<2x128x128xf32, #tpu.memory_space<vmem>> -> memref<1x128x128xf32, #tpu.memory_space<vmem>>
      %dma_start3A_145 = tpu.memref_squeeze %dma_start3A_144 : memref<1x128x128xf32, #tpu.memory_space<vmem>> -> memref<128x128xf32, #tpu.memory_space<vmem>>
      %dma_start3A_146 = arith.constant 0 : i32
      %dma_start3A_147 = tpu.memref_slice %arg7[%dma_start3A_140, %dma_start3A_146] : memref<2x128xi32, #tpu.memory_space<vmem>> -> memref<1x128xi32, #tpu.memory_space<vmem>>
      %dma_start3A_148 = tpu.memref_squeeze %dma_start3A_147 : memref<1x128xi32, #tpu.memory_space<vmem>> -> memref<128xi32, #tpu.memory_space<vmem>>
      %dma_start3A_149 = arith.constant 0 : i32
      %dma_start3A_150 = arith.constant 0 : i32
      %dma_start3A_151 = tpu.memref_slice %arg2[%dma_start3A_149, %dma_start3A_150] : memref<20000x128xf32, #tpu.memory_space<hbm>> -> memref<20000x128xf32, #tpu.memory_space<hbm>>
      tpu.enqueue_indirect_dma source(%dma_start3A_151 : memref<20000x128xf32, #tpu.memory_space<hbm>>) target(%dma_start3A_145 : memref<128x128xf32, #tpu.memory_space<vmem>>) offsets(%dma_start3A_148 : memref<128xi32, #tpu.memory_space<vmem>>) semaphore(%arg14 : memref<!tpu.dma_semaphore, #tpu.memory_space<semaphore_mem>>)
      %dma_wait3A_152 = arith.constant 0 : i32
      %dma_wait3A_153 = arith.constant 0 : i32
      %dma_wait3A_154 = arith.constant 0 : i32
      %dma_wait3A_155 = arith.constant 0 : i32
      %dma_wait3A_156 = tpu.memref_slice %arg9[%dma_wait3A_153, %dma_wait3A_154, %dma_wait3A_155] : memref<2x128x128xf32, #tpu.memory_space<vmem>> -> memref<1x128x128xf32, #tpu.memory_space<vmem>>
      %dma_wait3A_157 = tpu.memref_squeeze %dma_wait3A_156 : memref<1x128x128xf32, #tpu.memory_space<vmem>> -> memref<128x128xf32, #tpu.memory_space<vmem>>
      %dma_wait3A_158 = arith.constant 0 : i32
      %dma_wait3A_159 = tpu.memref_slice %arg7[%dma_wait3A_152, %dma_wait3A_158] : memref<2x128xi32, #tpu.memory_space<vmem>> -> memref<1x128xi32, #tpu.memory_space<vmem>>
      %dma_wait3A_160 = tpu.memref_squeeze %dma_wait3A_159 : memref<1x128xi32, #tpu.memory_space<vmem>> -> memref<128xi32, #tpu.memory_space<vmem>>
      %dma_wait3A_161 = arith.constant 0 : i32
      %dma_wait3A_162 = arith.constant 0 : i32
      %dma_wait3A_163 = tpu.memref_slice %arg2[%dma_wait3A_161, %dma_wait3A_162] : memref<20000x128xf32, #tpu.memory_space<hbm>> -> memref<20000x128xf32, #tpu.memory_space<hbm>>
      tpu.wait_indirect_dma semaphore(%arg13 : memref<!tpu.dma_semaphore, #tpu.memory_space<semaphore_mem>>) src(%dma_wait3A_163 : memref<20000x128xf32, #tpu.memory_space<hbm>>) dst(%dma_wait3A_157 : memref<128x128xf32, #tpu.memory_space<vmem>>)
      %run_scoped3A_164 = arith.constant 0 : i32
      %run_scoped3A_165 = arith.constant 0 : i32
      "tpu.region"() ({
        %run_scoped3A_193 = tpu.sem_alloc : memref<!tpu.dma_semaphore, #tpu.memory_space<semaphore_mem>>
        %dma_start3A_194 = arith.constant 0 : i32
        %dma_start3A_195 = arith.constant 0 : i32
        %dma_start3A_196 = tpu.memref_slice %arg9[%run_scoped3A_164, %dma_start3A_194, %dma_start3A_195] : memref<2x128x128xf32, #tpu.memory_space<vmem>> -> memref<1x128x128xf32, #tpu.memory_space<vmem>>
        %dma_start3A_197 = tpu.memref_squeeze %dma_start3A_196 : memref<1x128x128xf32, #tpu.memory_space<vmem>> -> memref<128x128xf32, #tpu.memory_space<vmem>>
        %dma_start3A_198 = arith.constant 0 : i32
        %dma_start3A_199 = tpu.memref_slice %arg8[%run_scoped3A_165, %dma_start3A_198] : memref<2x128xi32, #tpu.memory_space<vmem>> -> memref<1x128xi32, #tpu.memory_space<vmem>>
        %dma_start3A_200 = tpu.memref_squeeze %dma_start3A_199 : memref<1x128xi32, #tpu.memory_space<vmem>> -> memref<128xi32, #tpu.memory_space<vmem>>
        %dma_start3A_201 = arith.constant 0 : i32
        %dma_start3A_202 = arith.constant 0 : i32
        %dma_start3A_203 = tpu.memref_slice %arg10[%dma_start3A_201, %dma_start3A_202] : memref<10016x128xf32, #tpu.memory_space<vmem_shared>> -> memref<10016x128xf32, #tpu.memory_space<vmem_shared>>
        tpu.enqueue_indirect_dma source(%dma_start3A_197 : memref<128x128xf32, #tpu.memory_space<vmem>>) target(%dma_start3A_203 : memref<10016x128xf32, #tpu.memory_space<vmem_shared>>) offsets(%dma_start3A_200 : memref<128xi32, #tpu.memory_space<vmem>>) semaphore(%run_scoped3A_193 : memref<!tpu.dma_semaphore, #tpu.memory_space<semaphore_mem>>) {add = true}
        %dma_wait3A_204 = arith.constant 0 : i32
        %dma_wait3A_205 = arith.constant 0 : i32
        %dma_wait3A_206 = tpu.memref_slice %arg9[%run_scoped3A_164, %dma_wait3A_204, %dma_wait3A_205] : memref<2x128x128xf32, #tpu.memory_space<vmem>> -> memref<1x128x128xf32, #tpu.memory_space<vmem>>
        %dma_wait3A_207 = tpu.memref_squeeze %dma_wait3A_206 : memref<1x128x128xf32, #tpu.memory_space<vmem>> -> memref<128x128xf32, #tpu.memory_space<vmem>>
        %dma_wait3A_208 = arith.constant 0 : i32
        %dma_wait3A_209 = tpu.memref_slice %arg8[%run_scoped3A_165, %dma_wait3A_208] : memref<2x128xi32, #tpu.memory_space<vmem>> -> memref<1x128xi32, #tpu.memory_space<vmem>>
        %dma_wait3A_210 = tpu.memref_squeeze %dma_wait3A_209 : memref<1x128xi32, #tpu.memory_space<vmem>> -> memref<128xi32, #tpu.memory_space<vmem>>
        %dma_wait3A_211 = arith.constant 0 : i32
        %dma_wait3A_212 = arith.constant 0 : i32
        %dma_wait3A_213 = tpu.memref_slice %arg10[%dma_wait3A_211, %dma_wait3A_212] : memref<10016x128xf32, #tpu.memory_space<vmem_shared>> -> memref<10016x128xf32, #tpu.memory_space<vmem_shared>>
        tpu.wait_indirect_dma semaphore(%run_scoped3A_193 : memref<!tpu.dma_semaphore, #tpu.memory_space<semaphore_mem>>) src(%dma_wait3A_207 : memref<128x128xf32, #tpu.memory_space<vmem>>) dst(%dma_wait3A_213 : memref<10016x128xf32, #tpu.memory_space<vmem_shared>>)
        tpu.yield
      }) : () -> ()
      %add3A_166 = arith.constant 2 : i32
      %add3A_167 = arith.addi %mul3A_117, %add3A_166 : i32
      %lt3A = arith.constant 79 : i32
      %lt3A_168 = arith.cmpi slt, %add3A_167, %lt3A : i32
      %convert_element_type3A_169 = arith.extui %lt3A_168 : i1 to i32
      %cond3A_170 = arith.constant 0 : i32
      %cond3A_171 = arith.cmpi ne, %convert_element_type3A_169, %cond3A_170 : i32
      scf.if %cond3A_171 {
        %add3A_193 = arith.constant 2 : i32
        %add3A_194 = arith.addi %mul3A_117, %add3A_193 : i32
        %mul3A_195 = arith.constant 128 : i32
        %mul3A_196 = arith.muli %add3A_194, %mul3A_195 : i32
        %add3A_197 = arith.addi %add3A, %mul3A_196 : i32
        %multiple_of3A_198 = tpu.assume_multiple %add3A_197, 8 : i32
        %mul3A_199 = arith.constant 128 : i32
        %mul3A_200 = arith.muli %add3A_194, %mul3A_199 : i32
        %add3A_201 = arith.addi %mul3A_6, %mul3A_200 : i32
        %multiple_of3A_202 = tpu.assume_multiple %add3A_201, 8 : i32
        %dma_start3A_203 = arith.constant 0 : i32
        %dma_start3A_204 = arith.constant 0 : i32
        %dma_start3A_205 = tpu.memref_slice %arg7[%dma_start3A_203, %dma_start3A_204] : memref<2x128xi32, #tpu.memory_space<vmem>> -> memref<1x128xi32, #tpu.memory_space<vmem>>
        %dma_start3A_206 = tpu.memref_squeeze %dma_start3A_205 : memref<1x128xi32, #tpu.memory_space<vmem>> -> memref<128xi32, #tpu.memory_space<vmem>>
        %dma_start3A_207 = tpu.memref_slice %arg3[%multiple_of3A_198] : memref<323584xi32, #tpu.memory_space<hbm>> -> memref<128xi32, #tpu.memory_space<hbm>>
        %dma_start3A_208 = arith.constant 0 : i32
        %dma_start3A_209 = tpu.memref_slice %arg7[%dma_start3A_203, %dma_start3A_208] : memref<2x128xi32, #tpu.memory_space<vmem>> -> memref<1x128xi32, #tpu.memory_space<vmem>>
        %dma_start3A_210 = tpu.memref_squeeze %dma_start3A_209 : memref<1x128xi32, #tpu.memory_space<vmem>> -> memref<128xi32, #tpu.memory_space<vmem>>
        %dma_start3A_211 = tpu.memref_slice %arg3[%multiple_of3A_198] : memref<323584xi32, #tpu.memory_space<hbm>> -> memref<128xi32, #tpu.memory_space<hbm>>
        tpu.enqueue_dma source(%dma_start3A_211 : memref<128xi32, #tpu.memory_space<hbm>>) target(%dma_start3A_210 : memref<128xi32, #tpu.memory_space<vmem>>) target_semaphore(%arg11 : memref<!tpu.dma_semaphore, #tpu.memory_space<semaphore_mem>>)
        %dma_start3A_212 = arith.constant 0 : i32
        %dma_start3A_213 = arith.constant 0 : i32
        %dma_start3A_214 = tpu.memref_slice %arg8[%dma_start3A_212, %dma_start3A_213] : memref<2x128xi32, #tpu.memory_space<vmem>> -> memref<1x128xi32, #tpu.memory_space<vmem>>
        %dma_start3A_215 = tpu.memref_squeeze %dma_start3A_214 : memref<1x128xi32, #tpu.memory_space<vmem>> -> memref<128xi32, #tpu.memory_space<vmem>>
        %dma_start3A_216 = tpu.memref_slice %arg4[%multiple_of3A_202] : memref<161792xi32, #tpu.memory_space<hbm>> -> memref<128xi32, #tpu.memory_space<hbm>>
        %dma_start3A_217 = arith.constant 0 : i32
        %dma_start3A_218 = tpu.memref_slice %arg8[%dma_start3A_212, %dma_start3A_217] : memref<2x128xi32, #tpu.memory_space<vmem>> -> memref<1x128xi32, #tpu.memory_space<vmem>>
        %dma_start3A_219 = tpu.memref_squeeze %dma_start3A_218 : memref<1x128xi32, #tpu.memory_space<vmem>> -> memref<128xi32, #tpu.memory_space<vmem>>
        %dma_start3A_220 = tpu.memref_slice %arg4[%multiple_of3A_202] : memref<161792xi32, #tpu.memory_space<hbm>> -> memref<128xi32, #tpu.memory_space<hbm>>
        tpu.enqueue_dma source(%dma_start3A_220 : memref<128xi32, #tpu.memory_space<hbm>>) target(%dma_start3A_219 : memref<128xi32, #tpu.memory_space<vmem>>) target_semaphore(%arg11 : memref<!tpu.dma_semaphore, #tpu.memory_space<semaphore_mem>>)
        %dma_wait3A_221 = arith.constant 0 : i32
        %dma_wait3A_222 = arith.constant 0 : i32
        %dma_wait3A_223 = tpu.memref_slice %arg7[%dma_wait3A_221, %dma_wait3A_222] : memref<2x128xi32, #tpu.memory_space<vmem>> -> memref<1x128xi32, #tpu.memory_space<vmem>>
        %dma_wait3A_224 = tpu.memref_squeeze %dma_wait3A_223 : memref<1x128xi32, #tpu.memory_space<vmem>> -> memref<128xi32, #tpu.memory_space<vmem>>
        %dma_wait3A_225 = arith.constant 0 : i32
        %dma_wait3A_226 = tpu.memref_slice %arg3[%dma_wait3A_225] : memref<323584xi32, #tpu.memory_space<hbm>> -> memref<128xi32, #tpu.memory_space<hbm>>
        %dma_wait3A_227 = arith.constant 0 : i32
        %dma_wait3A_228 = tpu.memref_slice %arg7[%dma_wait3A_221, %dma_wait3A_227] : memref<2x128xi32, #tpu.memory_space<vmem>> -> memref<1x128xi32, #tpu.memory_space<vmem>>
        %dma_wait3A_229 = tpu.memref_squeeze %dma_wait3A_228 : memref<1x128xi32, #tpu.memory_space<vmem>> -> memref<128xi32, #tpu.memory_space<vmem>>
        %dma_wait3A_230 = arith.constant 0 : i32
        %dma_wait3A_231 = tpu.memref_slice %arg3[%dma_wait3A_230] : memref<323584xi32, #tpu.memory_space<hbm>> -> memref<128xi32, #tpu.memory_space<hbm>>
        tpu.wait_dma2 semaphore(%arg11 : memref<!tpu.dma_semaphore, #tpu.memory_space<semaphore_mem>>) src(%dma_wait3A_231 : memref<128xi32, #tpu.memory_space<hbm>>) dst(%dma_wait3A_229 : memref<128xi32, #tpu.memory_space<vmem>>)
        %dma_wait3A_232 = arith.constant 0 : i32
        %dma_wait3A_233 = arith.constant 0 : i32
        %dma_wait3A_234 = tpu.memref_slice %arg8[%dma_wait3A_232, %dma_wait3A_233] : memref<2x128xi32, #tpu.memory_space<vmem>> -> memref<1x128xi32, #tpu.memory_space<vmem>>
        %dma_wait3A_235 = tpu.memref_squeeze %dma_wait3A_234 : memref<1x128xi32, #tpu.memory_space<vmem>> -> memref<128xi32, #tpu.memory_space<vmem>>
        %dma_wait3A_236 = arith.constant 0 : i32
        %dma_wait3A_237 = tpu.memref_slice %arg4[%dma_wait3A_236] : memref<161792xi32, #tpu.memory_space<hbm>> -> memref<128xi32, #tpu.memory_space<hbm>>
        %dma_wait3A_238 = arith.constant 0 : i32
        %dma_wait3A_239 = tpu.memref_slice %arg8[%dma_wait3A_232, %dma_wait3A_238] : memref<2x128xi32, #tpu.memory_space<vmem>> -> memref<1x128xi32, #tpu.memory_space<vmem>>
        %dma_wait3A_240 = tpu.memref_squeeze %dma_wait3A_239 : memref<1x128xi32, #tpu.memory_space<vmem>> -> memref<128xi32, #tpu.memory_space<vmem>>
        %dma_wait3A_241 = arith.constant 0 : i32
        %dma_wait3A_242 = tpu.memref_slice %arg4[%dma_wait3A_241] : memref<161792xi32, #tpu.memory_space<hbm>> -> memref<128xi32, #tpu.memory_space<hbm>>
        tpu.wait_dma2 semaphore(%arg11 : memref<!tpu.dma_semaphore, #tpu.memory_space<semaphore_mem>>) src(%dma_wait3A_242 : memref<128xi32, #tpu.memory_space<hbm>>) dst(%dma_wait3A_240 : memref<128xi32, #tpu.memory_space<vmem>>)
        %dma_start3A_243 = arith.constant 0 : i32
        %dma_start3A_244 = arith.constant 0 : i32
        %dma_start3A_245 = arith.constant 0 : i32
        %dma_start3A_246 = arith.constant 0 : i32
        %dma_start3A_247 = tpu.memref_slice %arg9[%dma_start3A_244, %dma_start3A_245, %dma_start3A_246] : memref<2x128x128xf32, #tpu.memory_space<vmem>> -> memref<1x128x128xf32, #tpu.memory_space<vmem>>
        %dma_start3A_248 = tpu.memref_squeeze %dma_start3A_247 : memref<1x128x128xf32, #tpu.memory_space<vmem>> -> memref<128x128xf32, #tpu.memory_space<vmem>>
        %dma_start3A_249 = arith.constant 0 : i32
        %dma_start3A_250 = tpu.memref_slice %arg7[%dma_start3A_243, %dma_start3A_249] : memref<2x128xi32, #tpu.memory_space<vmem>> -> memref<1x128xi32, #tpu.memory_space<vmem>>
        %dma_start3A_251 = tpu.memref_squeeze %dma_start3A_250 : memref<1x128xi32, #tpu.memory_space<vmem>> -> memref<128xi32, #tpu.memory_space<vmem>>
        %dma_start3A_252 = arith.constant 0 : i32
        %dma_start3A_253 = arith.constant 0 : i32
        %dma_start3A_254 = tpu.memref_slice %arg2[%dma_start3A_252, %dma_start3A_253] : memref<20000x128xf32, #tpu.memory_space<hbm>> -> memref<20000x128xf32, #tpu.memory_space<hbm>>
        tpu.enqueue_indirect_dma source(%dma_start3A_254 : memref<20000x128xf32, #tpu.memory_space<hbm>>) target(%dma_start3A_248 : memref<128x128xf32, #tpu.memory_space<vmem>>) offsets(%dma_start3A_251 : memref<128xi32, #tpu.memory_space<vmem>>) semaphore(%arg13 : memref<!tpu.dma_semaphore, #tpu.memory_space<semaphore_mem>>)
      } else {
      }
      %dma_wait3A_172 = arith.constant 1 : i32
      %dma_wait3A_173 = arith.constant 1 : i32
      %dma_wait3A_174 = arith.constant 0 : i32
      %dma_wait3A_175 = arith.constant 0 : i32
      %dma_wait3A_176 = tpu.memref_slice %arg9[%dma_wait3A_173, %dma_wait3A_174, %dma_wait3A_175] : memref<2x128x128xf32, #tpu.memory_space<vmem>> -> memref<1x128x128xf32, #tpu.memory_space<vmem>>
      %dma_wait3A_177 = tpu.memref_squeeze %dma_wait3A_176 : memref<1x128x128xf32, #tpu.memory_space<vmem>> -> memref<128x128xf32, #tpu.memory_space<vmem>>
      %dma_wait3A_178 = arith.constant 0 : i32
      %dma_wait3A_179 = tpu.memref_slice %arg7[%dma_wait3A_172, %dma_wait3A_178] : memref<2x128xi32, #tpu.memory_space<vmem>> -> memref<1x128xi32, #tpu.memory_space<vmem>>
      %dma_wait3A_180 = tpu.memref_squeeze %dma_wait3A_179 : memref<1x128xi32, #tpu.memory_space<vmem>> -> memref<128xi32, #tpu.memory_space<vmem>>
      %dma_wait3A_181 = arith.constant 0 : i32
      %dma_wait3A_182 = arith.constant 0 : i32
      %dma_wait3A_183 = tpu.memref_slice %arg2[%dma_wait3A_181, %dma_wait3A_182] : memref<20000x128xf32, #tpu.memory_space<hbm>> -> memref<20000x128xf32, #tpu.memory_space<hbm>>
      tpu.wait_indirect_dma semaphore(%arg14 : memref<!tpu.dma_semaphore, #tpu.memory_space<semaphore_mem>>) src(%dma_wait3A_183 : memref<20000x128xf32, #tpu.memory_space<hbm>>) dst(%dma_wait3A_177 : memref<128x128xf32, #tpu.memory_space<vmem>>)
      %run_scoped3A_184 = arith.constant 1 : i32
      %run_scoped3A_185 = arith.constant 1 : i32
      "tpu.region"() ({
        %run_scoped3A_193 = tpu.sem_alloc : memref<!tpu.dma_semaphore, #tpu.memory_space<semaphore_mem>>
        %dma_start3A_194 = arith.constant 0 : i32
        %dma_start3A_195 = arith.constant 0 : i32
        %dma_start3A_196 = tpu.memref_slice %arg9[%run_scoped3A_184, %dma_start3A_194, %dma_start3A_195] : memref<2x128x128xf32, #tpu.memory_space<vmem>> -> memref<1x128x128xf32, #tpu.memory_space<vmem>>
        %dma_start3A_197 = tpu.memref_squeeze %dma_start3A_196 : memref<1x128x128xf32, #tpu.memory_space<vmem>> -> memref<128x128xf32, #tpu.memory_space<vmem>>
        %dma_start3A_198 = arith.constant 0 : i32
        %dma_start3A_199 = tpu.memref_slice %arg8[%run_scoped3A_185, %dma_start3A_198] : memref<2x128xi32, #tpu.memory_space<vmem>> -> memref<1x128xi32, #tpu.memory_space<vmem>>
        %dma_start3A_200 = tpu.memref_squeeze %dma_start3A_199 : memref<1x128xi32, #tpu.memory_space<vmem>> -> memref<128xi32, #tpu.memory_space<vmem>>
        %dma_start3A_201 = arith.constant 0 : i32
        %dma_start3A_202 = arith.constant 0 : i32
        %dma_start3A_203 = tpu.memref_slice %arg10[%dma_start3A_201, %dma_start3A_202] : memref<10016x128xf32, #tpu.memory_space<vmem_shared>> -> memref<10016x128xf32, #tpu.memory_space<vmem_shared>>
        tpu.enqueue_indirect_dma source(%dma_start3A_197 : memref<128x128xf32, #tpu.memory_space<vmem>>) target(%dma_start3A_203 : memref<10016x128xf32, #tpu.memory_space<vmem_shared>>) offsets(%dma_start3A_200 : memref<128xi32, #tpu.memory_space<vmem>>) semaphore(%run_scoped3A_193 : memref<!tpu.dma_semaphore, #tpu.memory_space<semaphore_mem>>) {add = true}
        %dma_wait3A_204 = arith.constant 0 : i32
        %dma_wait3A_205 = arith.constant 0 : i32
        %dma_wait3A_206 = tpu.memref_slice %arg9[%run_scoped3A_184, %dma_wait3A_204, %dma_wait3A_205] : memref<2x128x128xf32, #tpu.memory_space<vmem>> -> memref<1x128x128xf32, #tpu.memory_space<vmem>>
        %dma_wait3A_207 = tpu.memref_squeeze %dma_wait3A_206 : memref<1x128x128xf32, #tpu.memory_space<vmem>> -> memref<128x128xf32, #tpu.memory_space<vmem>>
        %dma_wait3A_208 = arith.constant 0 : i32
        %dma_wait3A_209 = tpu.memref_slice %arg8[%run_scoped3A_185, %dma_wait3A_208] : memref<2x128xi32, #tpu.memory_space<vmem>> -> memref<1x128xi32, #tpu.memory_space<vmem>>
        %dma_wait3A_210 = tpu.memref_squeeze %dma_wait3A_209 : memref<1x128xi32, #tpu.memory_space<vmem>> -> memref<128xi32, #tpu.memory_space<vmem>>
        %dma_wait3A_211 = arith.constant 0 : i32
        %dma_wait3A_212 = arith.constant 0 : i32
        %dma_wait3A_213 = tpu.memref_slice %arg10[%dma_wait3A_211, %dma_wait3A_212] : memref<10016x128xf32, #tpu.memory_space<vmem_shared>> -> memref<10016x128xf32, #tpu.memory_space<vmem_shared>>
        tpu.wait_indirect_dma semaphore(%run_scoped3A_193 : memref<!tpu.dma_semaphore, #tpu.memory_space<semaphore_mem>>) src(%dma_wait3A_207 : memref<128x128xf32, #tpu.memory_space<vmem>>) dst(%dma_wait3A_213 : memref<10016x128xf32, #tpu.memory_space<vmem_shared>>)
        tpu.yield
      }) : () -> ()
      %add3A_186 = arith.constant 3 : i32
      %add3A_187 = arith.addi %mul3A_117, %add3A_186 : i32
      %lt3A_188 = arith.constant 79 : i32
      %lt3A_189 = arith.cmpi slt, %add3A_187, %lt3A_188 : i32
      %convert_element_type3A_190 = arith.extui %lt3A_189 : i1 to i32
      %cond3A_191 = arith.constant 0 : i32
      %cond3A_192 = arith.cmpi ne, %convert_element_type3A_190, %cond3A_191 : i32
      scf.if %cond3A_192 {
        %add3A_193 = arith.constant 3 : i32
        %add3A_194 = arith.addi %mul3A_117, %add3A_193 : i32
        %mul3A_195 = arith.constant 128 : i32
        %mul3A_196 = arith.muli %add3A_194, %mul3A_195 : i32
        %add3A_197 = arith.addi %add3A, %mul3A_196 : i32
        %multiple_of3A_198 = tpu.assume_multiple %add3A_197, 8 : i32
        %mul3A_199 = arith.constant 128 : i32
        %mul3A_200 = arith.muli %add3A_194, %mul3A_199 : i32
        %add3A_201 = arith.addi %mul3A_6, %mul3A_200 : i32
        %multiple_of3A_202 = tpu.assume_multiple %add3A_201, 8 : i32
        %dma_start3A_203 = arith.constant 1 : i32
        %dma_start3A_204 = arith.constant 0 : i32
        %dma_start3A_205 = tpu.memref_slice %arg7[%dma_start3A_203, %dma_start3A_204] : memref<2x128xi32, #tpu.memory_space<vmem>> -> memref<1x128xi32, #tpu.memory_space<vmem>>
        %dma_start3A_206 = tpu.memref_squeeze %dma_start3A_205 : memref<1x128xi32, #tpu.memory_space<vmem>> -> memref<128xi32, #tpu.memory_space<vmem>>
        %dma_start3A_207 = tpu.memref_slice %arg3[%multiple_of3A_198] : memref<323584xi32, #tpu.memory_space<hbm>> -> memref<128xi32, #tpu.memory_space<hbm>>
        %dma_start3A_208 = arith.constant 0 : i32
        %dma_start3A_209 = tpu.memref_slice %arg7[%dma_start3A_203, %dma_start3A_208] : memref<2x128xi32, #tpu.memory_space<vmem>> -> memref<1x128xi32, #tpu.memory_space<vmem>>
        %dma_start3A_210 = tpu.memref_squeeze %dma_start3A_209 : memref<1x128xi32, #tpu.memory_space<vmem>> -> memref<128xi32, #tpu.memory_space<vmem>>
        %dma_start3A_211 = tpu.memref_slice %arg3[%multiple_of3A_198] : memref<323584xi32, #tpu.memory_space<hbm>> -> memref<128xi32, #tpu.memory_space<hbm>>
        tpu.enqueue_dma source(%dma_start3A_211 : memref<128xi32, #tpu.memory_space<hbm>>) target(%dma_start3A_210 : memref<128xi32, #tpu.memory_space<vmem>>) target_semaphore(%arg12 : memref<!tpu.dma_semaphore, #tpu.memory_space<semaphore_mem>>)
        %dma_start3A_212 = arith.constant 1 : i32
        %dma_start3A_213 = arith.constant 0 : i32
        %dma_start3A_214 = tpu.memref_slice %arg8[%dma_start3A_212, %dma_start3A_213] : memref<2x128xi32, #tpu.memory_space<vmem>> -> memref<1x128xi32, #tpu.memory_space<vmem>>
        %dma_start3A_215 = tpu.memref_squeeze %dma_start3A_214 : memref<1x128xi32, #tpu.memory_space<vmem>> -> memref<128xi32, #tpu.memory_space<vmem>>
        %dma_start3A_216 = tpu.memref_slice %arg4[%multiple_of3A_202] : memref<161792xi32, #tpu.memory_space<hbm>> -> memref<128xi32, #tpu.memory_space<hbm>>
        %dma_start3A_217 = arith.constant 0 : i32
        %dma_start3A_218 = tpu.memref_slice %arg8[%dma_start3A_212, %dma_start3A_217] : memref<2x128xi32, #tpu.memory_space<vmem>> -> memref<1x128xi32, #tpu.memory_space<vmem>>
        %dma_start3A_219 = tpu.memref_squeeze %dma_start3A_218 : memref<1x128xi32, #tpu.memory_space<vmem>> -> memref<128xi32, #tpu.memory_space<vmem>>
        %dma_start3A_220 = tpu.memref_slice %arg4[%multiple_of3A_202] : memref<161792xi32, #tpu.memory_space<hbm>> -> memref<128xi32, #tpu.memory_space<hbm>>
        tpu.enqueue_dma source(%dma_start3A_220 : memref<128xi32, #tpu.memory_space<hbm>>) target(%dma_start3A_219 : memref<128xi32, #tpu.memory_space<vmem>>) target_semaphore(%arg12 : memref<!tpu.dma_semaphore, #tpu.memory_space<semaphore_mem>>)
      } else {
      }
    }
    %scan3A_93 = arith.constant 39 : i32
    %dma_wait3A_94 = arith.constant 0 : i32
    %dma_wait3A_95 = arith.constant 0 : i32
    %dma_wait3A_96 = arith.constant 0 : i32
    %dma_wait3A_97 = arith.constant 0 : i32
    %dma_wait3A_98 = tpu.memref_slice %arg9[%dma_wait3A_95, %dma_wait3A_96, %dma_wait3A_97] : memref<2x128x128xf32, #tpu.memory_space<vmem>> -> memref<1x128x128xf32, #tpu.memory_space<vmem>>
    %dma_wait3A_99 = tpu.memref_squeeze %dma_wait3A_98 : memref<1x128x128xf32, #tpu.memory_space<vmem>> -> memref<128x128xf32, #tpu.memory_space<vmem>>
    %dma_wait3A_100 = arith.constant 0 : i32
    %dma_wait3A_101 = tpu.memref_slice %arg7[%dma_wait3A_94, %dma_wait3A_100] : memref<2x128xi32, #tpu.memory_space<vmem>> -> memref<1x128xi32, #tpu.memory_space<vmem>>
    %dma_wait3A_102 = tpu.memref_squeeze %dma_wait3A_101 : memref<1x128xi32, #tpu.memory_space<vmem>> -> memref<128xi32, #tpu.memory_space<vmem>>
    %dma_wait3A_103 = arith.constant 0 : i32
    %dma_wait3A_104 = arith.constant 0 : i32
    %dma_wait3A_105 = tpu.memref_slice %arg2[%dma_wait3A_103, %dma_wait3A_104] : memref<20000x128xf32, #tpu.memory_space<hbm>> -> memref<20000x128xf32, #tpu.memory_space<hbm>>
    tpu.wait_indirect_dma semaphore(%arg13 : memref<!tpu.dma_semaphore, #tpu.memory_space<semaphore_mem>>) src(%dma_wait3A_105 : memref<20000x128xf32, #tpu.memory_space<hbm>>) dst(%dma_wait3A_99 : memref<128x128xf32, #tpu.memory_space<vmem>>)
    %run_scoped3A = arith.constant 0 : i32
    %run_scoped3A_106 = arith.constant 0 : i32
    "tpu.region"() ({
      %run_scoped3A_115 = tpu.sem_alloc : memref<!tpu.dma_semaphore, #tpu.memory_space<semaphore_mem>>
      %dma_start3A_116 = arith.constant 0 : i32
      %dma_start3A_117 = arith.constant 0 : i32
      %dma_start3A_118 = tpu.memref_slice %arg9[%run_scoped3A, %dma_start3A_116, %dma_start3A_117] : memref<2x128x128xf32, #tpu.memory_space<vmem>> -> memref<1x128x128xf32, #tpu.memory_space<vmem>>
      %dma_start3A_119 = tpu.memref_squeeze %dma_start3A_118 : memref<1x128x128xf32, #tpu.memory_space<vmem>> -> memref<128x128xf32, #tpu.memory_space<vmem>>
      %dma_start3A_120 = arith.constant 0 : i32
      %dma_start3A_121 = tpu.memref_slice %arg8[%run_scoped3A_106, %dma_start3A_120] : memref<2x128xi32, #tpu.memory_space<vmem>> -> memref<1x128xi32, #tpu.memory_space<vmem>>
      %dma_start3A_122 = tpu.memref_squeeze %dma_start3A_121 : memref<1x128xi32, #tpu.memory_space<vmem>> -> memref<128xi32, #tpu.memory_space<vmem>>
      %dma_start3A_123 = arith.constant 0 : i32
      %dma_start3A_124 = arith.constant 0 : i32
      %dma_start3A_125 = tpu.memref_slice %arg10[%dma_start3A_123, %dma_start3A_124] : memref<10016x128xf32, #tpu.memory_space<vmem_shared>> -> memref<10016x128xf32, #tpu.memory_space<vmem_shared>>
      tpu.enqueue_indirect_dma source(%dma_start3A_119 : memref<128x128xf32, #tpu.memory_space<vmem>>) target(%dma_start3A_125 : memref<10016x128xf32, #tpu.memory_space<vmem_shared>>) offsets(%dma_start3A_122 : memref<128xi32, #tpu.memory_space<vmem>>) semaphore(%run_scoped3A_115 : memref<!tpu.dma_semaphore, #tpu.memory_space<semaphore_mem>>) {add = true}
      %dma_wait3A_126 = arith.constant 0 : i32
      %dma_wait3A_127 = arith.constant 0 : i32
      %dma_wait3A_128 = tpu.memref_slice %arg9[%run_scoped3A, %dma_wait3A_126, %dma_wait3A_127] : memref<2x128x128xf32, #tpu.memory_space<vmem>> -> memref<1x128x128xf32, #tpu.memory_space<vmem>>
      %dma_wait3A_129 = tpu.memref_squeeze %dma_wait3A_128 : memref<1x128x128xf32, #tpu.memory_space<vmem>> -> memref<128x128xf32, #tpu.memory_space<vmem>>
      %dma_wait3A_130 = arith.constant 0 : i32
      %dma_wait3A_131 = tpu.memref_slice %arg8[%run_scoped3A_106, %dma_wait3A_130] : memref<2x128xi32, #tpu.memory_space<vmem>> -> memref<1x128xi32, #tpu.memory_space<vmem>>
      %dma_wait3A_132 = tpu.memref_squeeze %dma_wait3A_131 : memref<1x128xi32, #tpu.memory_space<vmem>> -> memref<128xi32, #tpu.memory_space<vmem>>
      %dma_wait3A_133 = arith.constant 0 : i32
      %dma_wait3A_134 = arith.constant 0 : i32
      %dma_wait3A_135 = tpu.memref_slice %arg10[%dma_wait3A_133, %dma_wait3A_134] : memref<10016x128xf32, #tpu.memory_space<vmem_shared>> -> memref<10016x128xf32, #tpu.memory_space<vmem_shared>>
      tpu.wait_indirect_dma semaphore(%run_scoped3A_115 : memref<!tpu.dma_semaphore, #tpu.memory_space<semaphore_mem>>) src(%dma_wait3A_129 : memref<128x128xf32, #tpu.memory_space<vmem>>) dst(%dma_wait3A_135 : memref<10016x128xf32, #tpu.memory_space<vmem_shared>>)
      tpu.yield
    }) : () -> ()
    %barrier3A_107 = arith.constant 0 : index
    tpu.barrier barrier_id(%barrier3A_107)
    %mul3A_108 = arith.constant 10000 : i32
    %mul3A_109 = arith.muli %arg0, %mul3A_108 : i32
    %add3A_110 = arith.addi %mul3A_109, %multiple_of3A : i32
    %multiple_of3A_111 = tpu.assume_multiple %add3A_110, 8 : i32
    "tpu.region"() ({
      %run_scoped3A_115 = tpu.sem_alloc : memref<!tpu.dma_semaphore, #tpu.memory_space<semaphore_mem>>
      %dma_start3A_116 = arith.constant 0 : i32
      %dma_start3A_117 = tpu.memref_slice %arg6[%multiple_of3A_111, %dma_start3A_116] : memref<20000x128xf32, #tpu.memory_space<hbm>> -> memref<624x128xf32, #tpu.memory_space<hbm>>
      %dma_start3A_118 = arith.constant 0 : i32
      %dma_start3A_119 = tpu.memref_slice %arg10[%multiple_of3A, %dma_start3A_118] : memref<10016x128xf32, #tpu.memory_space<vmem_shared>> -> memref<624x128xf32, #tpu.memory_space<vmem_shared>>
      tpu.enqueue_dma source(%dma_start3A_119 : memref<624x128xf32, #tpu.memory_space<vmem_shared>>) target(%dma_start3A_117 : memref<624x128xf32, #tpu.memory_space<hbm>>) target_semaphore(%run_scoped3A_115 : memref<!tpu.dma_semaphore, #tpu.memory_space<semaphore_mem>>)
      %dma_wait3A_120 = arith.constant 0 : i32
      %dma_wait3A_121 = tpu.memref_slice %arg6[%multiple_of3A_111, %dma_wait3A_120] : memref<20000x128xf32, #tpu.memory_space<hbm>> -> memref<624x128xf32, #tpu.memory_space<hbm>>
      %dma_wait3A_122 = arith.constant 0 : i32
      %dma_wait3A_123 = tpu.memref_slice %arg10[%multiple_of3A, %dma_wait3A_122] : memref<10016x128xf32, #tpu.memory_space<vmem_shared>> -> memref<624x128xf32, #tpu.memory_space<vmem_shared>>
      tpu.wait_dma2 semaphore(%run_scoped3A_115 : memref<!tpu.dma_semaphore, #tpu.memory_space<semaphore_mem>>) src(%dma_wait3A_123 : memref<624x128xf32, #tpu.memory_space<vmem_shared>>) dst(%dma_wait3A_121 : memref<624x128xf32, #tpu.memory_space<hbm>>)
      tpu.yield
    }) : () -> ()
    %convert_element_type3A_112 = arith.extui %eq3A_7 : i1 to i32
    %cond3A_113 = arith.constant 0 : i32
    %cond3A_114 = arith.cmpi ne, %convert_element_type3A_112, %cond3A_113 : i32
    scf.if %cond3A_114 {
      %mul3A_115 = arith.constant 10000 : i32
      %mul3A_116 = arith.muli %arg0, %mul3A_115 : i32
      %add3A_117 = arith.constant 9984 : i32
      %add3A_118 = arith.addi %mul3A_116, %add3A_117 : i32
      %multiple_of3A_119 = tpu.assume_multiple %add3A_118, 8 : i32
      "tpu.region"() ({
        %run_scoped3A_120 = tpu.sem_alloc : memref<!tpu.dma_semaphore, #tpu.memory_space<semaphore_mem>>
        %dma_start3A_121 = arith.constant 0 : i32
        %dma_start3A_122 = tpu.memref_slice %arg6[%multiple_of3A_119, %dma_start3A_121] : memref<20000x128xf32, #tpu.memory_space<hbm>> -> memref<16x128xf32, #tpu.memory_space<hbm>>
        %dma_start3A_123 = arith.constant 9984 : i32
        %dma_start3A_124 = arith.constant 0 : i32
        %dma_start3A_125 = tpu.memref_slice %arg10[%dma_start3A_123, %dma_start3A_124] : memref<10016x128xf32, #tpu.memory_space<vmem_shared>> -> memref<16x128xf32, #tpu.memory_space<vmem_shared>>
        tpu.enqueue_dma source(%dma_start3A_125 : memref<16x128xf32, #tpu.memory_space<vmem_shared>>) target(%dma_start3A_122 : memref<16x128xf32, #tpu.memory_space<hbm>>) target_semaphore(%run_scoped3A_120 : memref<!tpu.dma_semaphore, #tpu.memory_space<semaphore_mem>>)
        %dma_wait3A_126 = arith.constant 0 : i32
        %dma_wait3A_127 = tpu.memref_slice %arg6[%multiple_of3A_119, %dma_wait3A_126] : memref<20000x128xf32, #tpu.memory_space<hbm>> -> memref<16x128xf32, #tpu.memory_space<hbm>>
        %dma_wait3A_128 = arith.constant 9984 : i32
        %dma_wait3A_129 = arith.constant 0 : i32
        %dma_wait3A_130 = tpu.memref_slice %arg10[%dma_wait3A_128, %dma_wait3A_129] : memref<10016x128xf32, #tpu.memory_space<vmem_shared>> -> memref<16x128xf32, #tpu.memory_space<vmem_shared>>
        tpu.wait_dma2 semaphore(%run_scoped3A_120 : memref<!tpu.dma_semaphore, #tpu.memory_space<semaphore_mem>>) src(%dma_wait3A_130 : memref<16x128xf32, #tpu.memory_space<vmem_shared>>) dst(%dma_wait3A_127 : memref<16x128xf32, #tpu.memory_space<hbm>>)
        tpu.yield
      }) : () -> ()
    } else {
    }
    return
  }
}

#map = affine_map<(d0, d1) -> (0, 0)>
#map1 = affine_map<(d0, d1) -> (0)>
module attributes {stable_mosaic.version = 14 : i64} {
  func.func @k(%arg0: i32, %arg1: i32, %arg2: memref<10000x128xf32, #tpu.memory_space<hbm>>, %arg3: memref<167936xi32, #tpu.memory_space<hbm>>, %arg4: memref<167936xi32, #tpu.memory_space<hbm>>, %arg5: memref<10016x128xf32, #tpu.memory_space<hbm>>, %arg6: memref<20000x128xf32, #tpu.memory_space<hbm>>, %arg7: memref<2x128xi32, #tpu.memory_space<vmem>>, %arg8: memref<2x128xi32, #tpu.memory_space<vmem>>, %arg9: memref<2x128x128xf32, #tpu.memory_space<vmem>>, %arg10: memref<10016x128xf32, #tpu.memory_space<vmem_shared>>, %arg11: memref<!tpu.dma_semaphore, #tpu.memory_space<semaphore_mem>>, %arg12: memref<!tpu.dma_semaphore, #tpu.memory_space<semaphore_mem>>, %arg13: memref<!tpu.dma_semaphore, #tpu.memory_space<semaphore_mem>>, %arg14: memref<!tpu.dma_semaphore, #tpu.memory_space<semaphore_mem>>) attributes {dimension_semantics = [#tpu.dimension_semantics<core_parallel>, #tpu.dimension_semantics<subcore_parallel>], iteration_bounds = array<i64: 2, 16>, scalar_prefetch = 0 : i64, scratch_operands = 8 : i64, tpu.core_type = #tpu.core_type<sc_vector_subcore>, window_params = [{transform_indices = #map}, {transform_indices = #map1}, {transform_indices = #map1}, {transform_indices = #map}, {transform_indices = #map}]} {
    %mul3A = arith.constant 624 : i32
    %mul3A_0 = arith.muli %arg1, %mul3A : i32
    %multiple_of3A = tpu.assume_multiple %mul3A_0, 8 : i32
    %mul3A_1 = arith.constant 83968 : i32
    %mul3A_2 = arith.muli %arg0, %mul3A_1 : i32
    %mul3A_3 = arith.constant 5248 : i32
    %mul3A_4 = arith.muli %arg1, %mul3A_3 : i32
    %add3A = arith.addi %mul3A_2, %mul3A_4 : i32
    %eq3A = arith.constant 15 : i32
    %eq3A_5 = arith.cmpi eq, %arg1, %eq3A : i32
    "tpu.region"() ({
      %run_scoped3A_113 = tpu.sem_alloc : memref<!tpu.dma_semaphore, #tpu.memory_space<semaphore_mem>>
      %dma_start3A_114 = arith.constant 0 : i32
      %dma_start3A_115 = tpu.memref_slice %arg10[%multiple_of3A, %dma_start3A_114] : memref<10016x128xf32, #tpu.memory_space<vmem_shared>> -> memref<624x128xf32, #tpu.memory_space<vmem_shared>>
      %dma_start3A_116 = arith.constant 0 : i32
      %dma_start3A_117 = tpu.memref_slice %arg5[%multiple_of3A, %dma_start3A_116] : memref<10016x128xf32, #tpu.memory_space<hbm>> -> memref<624x128xf32, #tpu.memory_space<hbm>>
      tpu.enqueue_dma source(%dma_start3A_117 : memref<624x128xf32, #tpu.memory_space<hbm>>) target(%dma_start3A_115 : memref<624x128xf32, #tpu.memory_space<vmem_shared>>) target_semaphore(%run_scoped3A_113 : memref<!tpu.dma_semaphore, #tpu.memory_space<semaphore_mem>>)
      %dma_wait3A_118 = arith.constant 0 : i32
      %dma_wait3A_119 = tpu.memref_slice %arg10[%multiple_of3A, %dma_wait3A_118] : memref<10016x128xf32, #tpu.memory_space<vmem_shared>> -> memref<624x128xf32, #tpu.memory_space<vmem_shared>>
      %dma_wait3A_120 = arith.constant 0 : i32
      %dma_wait3A_121 = tpu.memref_slice %arg5[%multiple_of3A, %dma_wait3A_120] : memref<10016x128xf32, #tpu.memory_space<hbm>> -> memref<624x128xf32, #tpu.memory_space<hbm>>
      tpu.wait_dma2 semaphore(%run_scoped3A_113 : memref<!tpu.dma_semaphore, #tpu.memory_space<semaphore_mem>>) src(%dma_wait3A_121 : memref<624x128xf32, #tpu.memory_space<hbm>>) dst(%dma_wait3A_119 : memref<624x128xf32, #tpu.memory_space<vmem_shared>>)
      tpu.yield
    }) : () -> ()
    %convert_element_type3A = arith.extui %eq3A_5 : i1 to i32
    %cond3A = arith.constant 0 : i32
    %cond3A_6 = arith.cmpi ne, %convert_element_type3A, %cond3A : i32
    scf.if %cond3A_6 {
      "tpu.region"() ({
        %run_scoped3A_113 = tpu.sem_alloc : memref<!tpu.dma_semaphore, #tpu.memory_space<semaphore_mem>>
        %dma_start3A_114 = arith.constant 9984 : i32
        %dma_start3A_115 = arith.constant 0 : i32
        %dma_start3A_116 = tpu.memref_slice %arg10[%dma_start3A_114, %dma_start3A_115] : memref<10016x128xf32, #tpu.memory_space<vmem_shared>> -> memref<32x128xf32, #tpu.memory_space<vmem_shared>>
        %dma_start3A_117 = arith.constant 9984 : i32
        %dma_start3A_118 = arith.constant 0 : i32
        %dma_start3A_119 = tpu.memref_slice %arg5[%dma_start3A_117, %dma_start3A_118] : memref<10016x128xf32, #tpu.memory_space<hbm>> -> memref<32x128xf32, #tpu.memory_space<hbm>>
        tpu.enqueue_dma source(%dma_start3A_119 : memref<32x128xf32, #tpu.memory_space<hbm>>) target(%dma_start3A_116 : memref<32x128xf32, #tpu.memory_space<vmem_shared>>) target_semaphore(%run_scoped3A_113 : memref<!tpu.dma_semaphore, #tpu.memory_space<semaphore_mem>>)
        %dma_wait3A_120 = arith.constant 9984 : i32
        %dma_wait3A_121 = arith.constant 0 : i32
        %dma_wait3A_122 = tpu.memref_slice %arg10[%dma_wait3A_120, %dma_wait3A_121] : memref<10016x128xf32, #tpu.memory_space<vmem_shared>> -> memref<32x128xf32, #tpu.memory_space<vmem_shared>>
        %dma_wait3A_123 = arith.constant 9984 : i32
        %dma_wait3A_124 = arith.constant 0 : i32
        %dma_wait3A_125 = tpu.memref_slice %arg5[%dma_wait3A_123, %dma_wait3A_124] : memref<10016x128xf32, #tpu.memory_space<hbm>> -> memref<32x128xf32, #tpu.memory_space<hbm>>
        tpu.wait_dma2 semaphore(%run_scoped3A_113 : memref<!tpu.dma_semaphore, #tpu.memory_space<semaphore_mem>>) src(%dma_wait3A_125 : memref<32x128xf32, #tpu.memory_space<hbm>>) dst(%dma_wait3A_122 : memref<32x128xf32, #tpu.memory_space<vmem_shared>>)
        tpu.yield
      }) : () -> ()
    } else {
    }
    %barrier3A = arith.constant 0 : index
    tpu.barrier barrier_id(%barrier3A)
    %add3A_7 = arith.constant 0 : i32
    %add3A_8 = arith.addi %add3A, %add3A_7 : i32
    %multiple_of3A_9 = tpu.assume_multiple %add3A_8, 8 : i32
    %add3A_10 = arith.constant 0 : i32
    %add3A_11 = arith.addi %add3A, %add3A_10 : i32
    %multiple_of3A_12 = tpu.assume_multiple %add3A_11, 8 : i32
    %dma_start3A = arith.constant 0 : i32
    %dma_start3A_13 = arith.constant 0 : i32
    %dma_start3A_14 = tpu.memref_slice %arg7[%dma_start3A, %dma_start3A_13] : memref<2x128xi32, #tpu.memory_space<vmem>> -> memref<1x128xi32, #tpu.memory_space<vmem>>
    %dma_start3A_15 = tpu.memref_squeeze %dma_start3A_14 : memref<1x128xi32, #tpu.memory_space<vmem>> -> memref<128xi32, #tpu.memory_space<vmem>>
    %dma_start3A_16 = tpu.memref_slice %arg3[%multiple_of3A_9] : memref<167936xi32, #tpu.memory_space<hbm>> -> memref<128xi32, #tpu.memory_space<hbm>>
    %dma_start3A_17 = arith.constant 0 : i32
    %dma_start3A_18 = tpu.memref_slice %arg7[%dma_start3A, %dma_start3A_17] : memref<2x128xi32, #tpu.memory_space<vmem>> -> memref<1x128xi32, #tpu.memory_space<vmem>>
    %dma_start3A_19 = tpu.memref_squeeze %dma_start3A_18 : memref<1x128xi32, #tpu.memory_space<vmem>> -> memref<128xi32, #tpu.memory_space<vmem>>
    %dma_start3A_20 = tpu.memref_slice %arg3[%multiple_of3A_9] : memref<167936xi32, #tpu.memory_space<hbm>> -> memref<128xi32, #tpu.memory_space<hbm>>
    tpu.enqueue_dma source(%dma_start3A_20 : memref<128xi32, #tpu.memory_space<hbm>>) target(%dma_start3A_19 : memref<128xi32, #tpu.memory_space<vmem>>) target_semaphore(%arg11 : memref<!tpu.dma_semaphore, #tpu.memory_space<semaphore_mem>>)
    %dma_start3A_21 = arith.constant 0 : i32
    %dma_start3A_22 = arith.constant 0 : i32
    %dma_start3A_23 = tpu.memref_slice %arg8[%dma_start3A_21, %dma_start3A_22] : memref<2x128xi32, #tpu.memory_space<vmem>> -> memref<1x128xi32, #tpu.memory_space<vmem>>
    %dma_start3A_24 = tpu.memref_squeeze %dma_start3A_23 : memref<1x128xi32, #tpu.memory_space<vmem>> -> memref<128xi32, #tpu.memory_space<vmem>>
    %dma_start3A_25 = tpu.memref_slice %arg4[%multiple_of3A_12] : memref<167936xi32, #tpu.memory_space<hbm>> -> memref<128xi32, #tpu.memory_space<hbm>>
    %dma_start3A_26 = arith.constant 0 : i32
    %dma_start3A_27 = tpu.memref_slice %arg8[%dma_start3A_21, %dma_start3A_26] : memref<2x128xi32, #tpu.memory_space<vmem>> -> memref<1x128xi32, #tpu.memory_space<vmem>>
    %dma_start3A_28 = tpu.memref_squeeze %dma_start3A_27 : memref<1x128xi32, #tpu.memory_space<vmem>> -> memref<128xi32, #tpu.memory_space<vmem>>
    %dma_start3A_29 = tpu.memref_slice %arg4[%multiple_of3A_12] : memref<167936xi32, #tpu.memory_space<hbm>> -> memref<128xi32, #tpu.memory_space<hbm>>
    tpu.enqueue_dma source(%dma_start3A_29 : memref<128xi32, #tpu.memory_space<hbm>>) target(%dma_start3A_28 : memref<128xi32, #tpu.memory_space<vmem>>) target_semaphore(%arg11 : memref<!tpu.dma_semaphore, #tpu.memory_space<semaphore_mem>>)
    %add3A_30 = arith.constant 128 : i32
    %add3A_31 = arith.addi %add3A, %add3A_30 : i32
    %multiple_of3A_32 = tpu.assume_multiple %add3A_31, 8 : i32
    %add3A_33 = arith.constant 128 : i32
    %add3A_34 = arith.addi %add3A, %add3A_33 : i32
    %multiple_of3A_35 = tpu.assume_multiple %add3A_34, 8 : i32
    %dma_start3A_36 = arith.constant 1 : i32
    %dma_start3A_37 = arith.constant 0 : i32
    %dma_start3A_38 = tpu.memref_slice %arg7[%dma_start3A_36, %dma_start3A_37] : memref<2x128xi32, #tpu.memory_space<vmem>> -> memref<1x128xi32, #tpu.memory_space<vmem>>
    %dma_start3A_39 = tpu.memref_squeeze %dma_start3A_38 : memref<1x128xi32, #tpu.memory_space<vmem>> -> memref<128xi32, #tpu.memory_space<vmem>>
    %dma_start3A_40 = tpu.memref_slice %arg3[%multiple_of3A_32] : memref<167936xi32, #tpu.memory_space<hbm>> -> memref<128xi32, #tpu.memory_space<hbm>>
    %dma_start3A_41 = arith.constant 0 : i32
    %dma_start3A_42 = tpu.memref_slice %arg7[%dma_start3A_36, %dma_start3A_41] : memref<2x128xi32, #tpu.memory_space<vmem>> -> memref<1x128xi32, #tpu.memory_space<vmem>>
    %dma_start3A_43 = tpu.memref_squeeze %dma_start3A_42 : memref<1x128xi32, #tpu.memory_space<vmem>> -> memref<128xi32, #tpu.memory_space<vmem>>
    %dma_start3A_44 = tpu.memref_slice %arg3[%multiple_of3A_32] : memref<167936xi32, #tpu.memory_space<hbm>> -> memref<128xi32, #tpu.memory_space<hbm>>
    tpu.enqueue_dma source(%dma_start3A_44 : memref<128xi32, #tpu.memory_space<hbm>>) target(%dma_start3A_43 : memref<128xi32, #tpu.memory_space<vmem>>) target_semaphore(%arg12 : memref<!tpu.dma_semaphore, #tpu.memory_space<semaphore_mem>>)
    %dma_start3A_45 = arith.constant 1 : i32
    %dma_start3A_46 = arith.constant 0 : i32
    %dma_start3A_47 = tpu.memref_slice %arg8[%dma_start3A_45, %dma_start3A_46] : memref<2x128xi32, #tpu.memory_space<vmem>> -> memref<1x128xi32, #tpu.memory_space<vmem>>
    %dma_start3A_48 = tpu.memref_squeeze %dma_start3A_47 : memref<1x128xi32, #tpu.memory_space<vmem>> -> memref<128xi32, #tpu.memory_space<vmem>>
    %dma_start3A_49 = tpu.memref_slice %arg4[%multiple_of3A_35] : memref<167936xi32, #tpu.memory_space<hbm>> -> memref<128xi32, #tpu.memory_space<hbm>>
    %dma_start3A_50 = arith.constant 0 : i32
    %dma_start3A_51 = tpu.memref_slice %arg8[%dma_start3A_45, %dma_start3A_50] : memref<2x128xi32, #tpu.memory_space<vmem>> -> memref<1x128xi32, #tpu.memory_space<vmem>>
    %dma_start3A_52 = tpu.memref_squeeze %dma_start3A_51 : memref<1x128xi32, #tpu.memory_space<vmem>> -> memref<128xi32, #tpu.memory_space<vmem>>
    %dma_start3A_53 = tpu.memref_slice %arg4[%multiple_of3A_35] : memref<167936xi32, #tpu.memory_space<hbm>> -> memref<128xi32, #tpu.memory_space<hbm>>
    tpu.enqueue_dma source(%dma_start3A_53 : memref<128xi32, #tpu.memory_space<hbm>>) target(%dma_start3A_52 : memref<128xi32, #tpu.memory_space<vmem>>) target_semaphore(%arg12 : memref<!tpu.dma_semaphore, #tpu.memory_space<semaphore_mem>>)
    %dma_wait3A = arith.constant 0 : i32
    %dma_wait3A_54 = arith.constant 0 : i32
    %dma_wait3A_55 = tpu.memref_slice %arg7[%dma_wait3A, %dma_wait3A_54] : memref<2x128xi32, #tpu.memory_space<vmem>> -> memref<1x128xi32, #tpu.memory_space<vmem>>
    %dma_wait3A_56 = tpu.memref_squeeze %dma_wait3A_55 : memref<1x128xi32, #tpu.memory_space<vmem>> -> memref<128xi32, #tpu.memory_space<vmem>>
    %dma_wait3A_57 = arith.constant 0 : i32
    %dma_wait3A_58 = tpu.memref_slice %arg3[%dma_wait3A_57] : memref<167936xi32, #tpu.memory_space<hbm>> -> memref<128xi32, #tpu.memory_space<hbm>>
    %dma_wait3A_59 = arith.constant 0 : i32
    %dma_wait3A_60 = tpu.memref_slice %arg7[%dma_wait3A, %dma_wait3A_59] : memref<2x128xi32, #tpu.memory_space<vmem>> -> memref<1x128xi32, #tpu.memory_space<vmem>>
    %dma_wait3A_61 = tpu.memref_squeeze %dma_wait3A_60 : memref<1x128xi32, #tpu.memory_space<vmem>> -> memref<128xi32, #tpu.memory_space<vmem>>
    %dma_wait3A_62 = arith.constant 0 : i32
    %dma_wait3A_63 = tpu.memref_slice %arg3[%dma_wait3A_62] : memref<167936xi32, #tpu.memory_space<hbm>> -> memref<128xi32, #tpu.memory_space<hbm>>
    tpu.wait_dma2 semaphore(%arg11 : memref<!tpu.dma_semaphore, #tpu.memory_space<semaphore_mem>>) src(%dma_wait3A_63 : memref<128xi32, #tpu.memory_space<hbm>>) dst(%dma_wait3A_61 : memref<128xi32, #tpu.memory_space<vmem>>)
    %dma_wait3A_64 = arith.constant 0 : i32
    %dma_wait3A_65 = arith.constant 0 : i32
    %dma_wait3A_66 = tpu.memref_slice %arg8[%dma_wait3A_64, %dma_wait3A_65] : memref<2x128xi32, #tpu.memory_space<vmem>> -> memref<1x128xi32, #tpu.memory_space<vmem>>
    %dma_wait3A_67 = tpu.memref_squeeze %dma_wait3A_66 : memref<1x128xi32, #tpu.memory_space<vmem>> -> memref<128xi32, #tpu.memory_space<vmem>>
    %dma_wait3A_68 = arith.constant 0 : i32
    %dma_wait3A_69 = tpu.memref_slice %arg4[%dma_wait3A_68] : memref<167936xi32, #tpu.memory_space<hbm>> -> memref<128xi32, #tpu.memory_space<hbm>>
    %dma_wait3A_70 = arith.constant 0 : i32
    %dma_wait3A_71 = tpu.memref_slice %arg8[%dma_wait3A_64, %dma_wait3A_70] : memref<2x128xi32, #tpu.memory_space<vmem>> -> memref<1x128xi32, #tpu.memory_space<vmem>>
    %dma_wait3A_72 = tpu.memref_squeeze %dma_wait3A_71 : memref<1x128xi32, #tpu.memory_space<vmem>> -> memref<128xi32, #tpu.memory_space<vmem>>
    %dma_wait3A_73 = arith.constant 0 : i32
    %dma_wait3A_74 = tpu.memref_slice %arg4[%dma_wait3A_73] : memref<167936xi32, #tpu.memory_space<hbm>> -> memref<128xi32, #tpu.memory_space<hbm>>
    tpu.wait_dma2 semaphore(%arg11 : memref<!tpu.dma_semaphore, #tpu.memory_space<semaphore_mem>>) src(%dma_wait3A_74 : memref<128xi32, #tpu.memory_space<hbm>>) dst(%dma_wait3A_72 : memref<128xi32, #tpu.memory_space<vmem>>)
    %dma_start3A_75 = arith.constant 0 : i32
    %dma_start3A_76 = arith.constant 0 : i32
    %dma_start3A_77 = arith.constant 0 : i32
    %dma_start3A_78 = arith.constant 0 : i32
    %dma_start3A_79 = tpu.memref_slice %arg9[%dma_start3A_76, %dma_start3A_77, %dma_start3A_78] : memref<2x128x128xf32, #tpu.memory_space<vmem>> -> memref<1x128x128xf32, #tpu.memory_space<vmem>>
    %dma_start3A_80 = tpu.memref_squeeze %dma_start3A_79 : memref<1x128x128xf32, #tpu.memory_space<vmem>> -> memref<128x128xf32, #tpu.memory_space<vmem>>
    %dma_start3A_81 = arith.constant 0 : i32
    %dma_start3A_82 = tpu.memref_slice %arg7[%dma_start3A_75, %dma_start3A_81] : memref<2x128xi32, #tpu.memory_space<vmem>> -> memref<1x128xi32, #tpu.memory_space<vmem>>
    %dma_start3A_83 = tpu.memref_squeeze %dma_start3A_82 : memref<1x128xi32, #tpu.memory_space<vmem>> -> memref<128xi32, #tpu.memory_space<vmem>>
    %dma_start3A_84 = arith.constant 0 : i32
    %dma_start3A_85 = arith.constant 0 : i32
    %dma_start3A_86 = tpu.memref_slice %arg2[%dma_start3A_84, %dma_start3A_85] : memref<10000x128xf32, #tpu.memory_space<hbm>> -> memref<10000x128xf32, #tpu.memory_space<hbm>>
    tpu.enqueue_indirect_dma source(%dma_start3A_86 : memref<10000x128xf32, #tpu.memory_space<hbm>>) target(%dma_start3A_80 : memref<128x128xf32, #tpu.memory_space<vmem>>) offsets(%dma_start3A_83 : memref<128xi32, #tpu.memory_space<vmem>>) semaphore(%arg13 : memref<!tpu.dma_semaphore, #tpu.memory_space<semaphore_mem>>)
    %scan3A = arith.constant 0 : i32
    %scan3A_87 = arith.constant 0 : i32
    %scan3A_88 = arith.constant 20 : i32
    %scan3A_89 = arith.addi %scan3A_87, %scan3A_88 : i32
    %scan3A_90 = arith.constant 1 : i32
    scf.for %scan3A_113 = %scan3A_87 to %scan3A_89 step %scan3A_90  : i32 {
      %mul3A_114 = arith.constant 2 : i32
      %mul3A_115 = arith.muli %mul3A_114, %scan3A_113 : i32
      %dma_wait3A_116 = arith.constant 1 : i32
      %dma_wait3A_117 = arith.constant 0 : i32
      %dma_wait3A_118 = tpu.memref_slice %arg7[%dma_wait3A_116, %dma_wait3A_117] : memref<2x128xi32, #tpu.memory_space<vmem>> -> memref<1x128xi32, #tpu.memory_space<vmem>>
      %dma_wait3A_119 = tpu.memref_squeeze %dma_wait3A_118 : memref<1x128xi32, #tpu.memory_space<vmem>> -> memref<128xi32, #tpu.memory_space<vmem>>
      %dma_wait3A_120 = arith.constant 0 : i32
      %dma_wait3A_121 = tpu.memref_slice %arg3[%dma_wait3A_120] : memref<167936xi32, #tpu.memory_space<hbm>> -> memref<128xi32, #tpu.memory_space<hbm>>
      %dma_wait3A_122 = arith.constant 0 : i32
      %dma_wait3A_123 = tpu.memref_slice %arg7[%dma_wait3A_116, %dma_wait3A_122] : memref<2x128xi32, #tpu.memory_space<vmem>> -> memref<1x128xi32, #tpu.memory_space<vmem>>
      %dma_wait3A_124 = tpu.memref_squeeze %dma_wait3A_123 : memref<1x128xi32, #tpu.memory_space<vmem>> -> memref<128xi32, #tpu.memory_space<vmem>>
      %dma_wait3A_125 = arith.constant 0 : i32
      %dma_wait3A_126 = tpu.memref_slice %arg3[%dma_wait3A_125] : memref<167936xi32, #tpu.memory_space<hbm>> -> memref<128xi32, #tpu.memory_space<hbm>>
      tpu.wait_dma2 semaphore(%arg12 : memref<!tpu.dma_semaphore, #tpu.memory_space<semaphore_mem>>) src(%dma_wait3A_126 : memref<128xi32, #tpu.memory_space<hbm>>) dst(%dma_wait3A_124 : memref<128xi32, #tpu.memory_space<vmem>>)
      %dma_wait3A_127 = arith.constant 1 : i32
      %dma_wait3A_128 = arith.constant 0 : i32
      %dma_wait3A_129 = tpu.memref_slice %arg8[%dma_wait3A_127, %dma_wait3A_128] : memref<2x128xi32, #tpu.memory_space<vmem>> -> memref<1x128xi32, #tpu.memory_space<vmem>>
      %dma_wait3A_130 = tpu.memref_squeeze %dma_wait3A_129 : memref<1x128xi32, #tpu.memory_space<vmem>> -> memref<128xi32, #tpu.memory_space<vmem>>
      %dma_wait3A_131 = arith.constant 0 : i32
      %dma_wait3A_132 = tpu.memref_slice %arg4[%dma_wait3A_131] : memref<167936xi32, #tpu.memory_space<hbm>> -> memref<128xi32, #tpu.memory_space<hbm>>
      %dma_wait3A_133 = arith.constant 0 : i32
      %dma_wait3A_134 = tpu.memref_slice %arg8[%dma_wait3A_127, %dma_wait3A_133] : memref<2x128xi32, #tpu.memory_space<vmem>> -> memref<1x128xi32, #tpu.memory_space<vmem>>
      %dma_wait3A_135 = tpu.memref_squeeze %dma_wait3A_134 : memref<1x128xi32, #tpu.memory_space<vmem>> -> memref<128xi32, #tpu.memory_space<vmem>>
      %dma_wait3A_136 = arith.constant 0 : i32
      %dma_wait3A_137 = tpu.memref_slice %arg4[%dma_wait3A_136] : memref<167936xi32, #tpu.memory_space<hbm>> -> memref<128xi32, #tpu.memory_space<hbm>>
      tpu.wait_dma2 semaphore(%arg12 : memref<!tpu.dma_semaphore, #tpu.memory_space<semaphore_mem>>) src(%dma_wait3A_137 : memref<128xi32, #tpu.memory_space<hbm>>) dst(%dma_wait3A_135 : memref<128xi32, #tpu.memory_space<vmem>>)
      %dma_start3A_138 = arith.constant 1 : i32
      %dma_start3A_139 = arith.constant 1 : i32
      %dma_start3A_140 = arith.constant 0 : i32
      %dma_start3A_141 = arith.constant 0 : i32
      %dma_start3A_142 = tpu.memref_slice %arg9[%dma_start3A_139, %dma_start3A_140, %dma_start3A_141] : memref<2x128x128xf32, #tpu.memory_space<vmem>> -> memref<1x128x128xf32, #tpu.memory_space<vmem>>
      %dma_start3A_143 = tpu.memref_squeeze %dma_start3A_142 : memref<1x128x128xf32, #tpu.memory_space<vmem>> -> memref<128x128xf32, #tpu.memory_space<vmem>>
      %dma_start3A_144 = arith.constant 0 : i32
      %dma_start3A_145 = tpu.memref_slice %arg7[%dma_start3A_138, %dma_start3A_144] : memref<2x128xi32, #tpu.memory_space<vmem>> -> memref<1x128xi32, #tpu.memory_space<vmem>>
      %dma_start3A_146 = tpu.memref_squeeze %dma_start3A_145 : memref<1x128xi32, #tpu.memory_space<vmem>> -> memref<128xi32, #tpu.memory_space<vmem>>
      %dma_start3A_147 = arith.constant 0 : i32
      %dma_start3A_148 = arith.constant 0 : i32
      %dma_start3A_149 = tpu.memref_slice %arg2[%dma_start3A_147, %dma_start3A_148] : memref<10000x128xf32, #tpu.memory_space<hbm>> -> memref<10000x128xf32, #tpu.memory_space<hbm>>
      tpu.enqueue_indirect_dma source(%dma_start3A_149 : memref<10000x128xf32, #tpu.memory_space<hbm>>) target(%dma_start3A_143 : memref<128x128xf32, #tpu.memory_space<vmem>>) offsets(%dma_start3A_146 : memref<128xi32, #tpu.memory_space<vmem>>) semaphore(%arg14 : memref<!tpu.dma_semaphore, #tpu.memory_space<semaphore_mem>>)
      %dma_wait3A_150 = arith.constant 0 : i32
      %dma_wait3A_151 = arith.constant 0 : i32
      %dma_wait3A_152 = arith.constant 0 : i32
      %dma_wait3A_153 = arith.constant 0 : i32
      %dma_wait3A_154 = tpu.memref_slice %arg9[%dma_wait3A_151, %dma_wait3A_152, %dma_wait3A_153] : memref<2x128x128xf32, #tpu.memory_space<vmem>> -> memref<1x128x128xf32, #tpu.memory_space<vmem>>
      %dma_wait3A_155 = tpu.memref_squeeze %dma_wait3A_154 : memref<1x128x128xf32, #tpu.memory_space<vmem>> -> memref<128x128xf32, #tpu.memory_space<vmem>>
      %dma_wait3A_156 = arith.constant 0 : i32
      %dma_wait3A_157 = tpu.memref_slice %arg7[%dma_wait3A_150, %dma_wait3A_156] : memref<2x128xi32, #tpu.memory_space<vmem>> -> memref<1x128xi32, #tpu.memory_space<vmem>>
      %dma_wait3A_158 = tpu.memref_squeeze %dma_wait3A_157 : memref<1x128xi32, #tpu.memory_space<vmem>> -> memref<128xi32, #tpu.memory_space<vmem>>
      %dma_wait3A_159 = arith.constant 0 : i32
      %dma_wait3A_160 = arith.constant 0 : i32
      %dma_wait3A_161 = tpu.memref_slice %arg2[%dma_wait3A_159, %dma_wait3A_160] : memref<10000x128xf32, #tpu.memory_space<hbm>> -> memref<10000x128xf32, #tpu.memory_space<hbm>>
      tpu.wait_indirect_dma semaphore(%arg13 : memref<!tpu.dma_semaphore, #tpu.memory_space<semaphore_mem>>) src(%dma_wait3A_161 : memref<10000x128xf32, #tpu.memory_space<hbm>>) dst(%dma_wait3A_155 : memref<128x128xf32, #tpu.memory_space<vmem>>)
      %run_scoped3A_162 = arith.constant 0 : i32
      %run_scoped3A_163 = arith.constant 0 : i32
      "tpu.region"() ({
        %run_scoped3A_191 = tpu.sem_alloc : memref<!tpu.dma_semaphore, #tpu.memory_space<semaphore_mem>>
        %dma_start3A_192 = arith.constant 0 : i32
        %dma_start3A_193 = arith.constant 0 : i32
        %dma_start3A_194 = tpu.memref_slice %arg9[%run_scoped3A_162, %dma_start3A_192, %dma_start3A_193] : memref<2x128x128xf32, #tpu.memory_space<vmem>> -> memref<1x128x128xf32, #tpu.memory_space<vmem>>
        %dma_start3A_195 = tpu.memref_squeeze %dma_start3A_194 : memref<1x128x128xf32, #tpu.memory_space<vmem>> -> memref<128x128xf32, #tpu.memory_space<vmem>>
        %dma_start3A_196 = arith.constant 0 : i32
        %dma_start3A_197 = tpu.memref_slice %arg8[%run_scoped3A_163, %dma_start3A_196] : memref<2x128xi32, #tpu.memory_space<vmem>> -> memref<1x128xi32, #tpu.memory_space<vmem>>
        %dma_start3A_198 = tpu.memref_squeeze %dma_start3A_197 : memref<1x128xi32, #tpu.memory_space<vmem>> -> memref<128xi32, #tpu.memory_space<vmem>>
        %dma_start3A_199 = arith.constant 0 : i32
        %dma_start3A_200 = arith.constant 0 : i32
        %dma_start3A_201 = tpu.memref_slice %arg10[%dma_start3A_199, %dma_start3A_200] : memref<10016x128xf32, #tpu.memory_space<vmem_shared>> -> memref<10016x128xf32, #tpu.memory_space<vmem_shared>>
        tpu.enqueue_indirect_dma source(%dma_start3A_195 : memref<128x128xf32, #tpu.memory_space<vmem>>) target(%dma_start3A_201 : memref<10016x128xf32, #tpu.memory_space<vmem_shared>>) offsets(%dma_start3A_198 : memref<128xi32, #tpu.memory_space<vmem>>) semaphore(%run_scoped3A_191 : memref<!tpu.dma_semaphore, #tpu.memory_space<semaphore_mem>>) {add = true}
        %dma_wait3A_202 = arith.constant 0 : i32
        %dma_wait3A_203 = arith.constant 0 : i32
        %dma_wait3A_204 = tpu.memref_slice %arg9[%run_scoped3A_162, %dma_wait3A_202, %dma_wait3A_203] : memref<2x128x128xf32, #tpu.memory_space<vmem>> -> memref<1x128x128xf32, #tpu.memory_space<vmem>>
        %dma_wait3A_205 = tpu.memref_squeeze %dma_wait3A_204 : memref<1x128x128xf32, #tpu.memory_space<vmem>> -> memref<128x128xf32, #tpu.memory_space<vmem>>
        %dma_wait3A_206 = arith.constant 0 : i32
        %dma_wait3A_207 = tpu.memref_slice %arg8[%run_scoped3A_163, %dma_wait3A_206] : memref<2x128xi32, #tpu.memory_space<vmem>> -> memref<1x128xi32, #tpu.memory_space<vmem>>
        %dma_wait3A_208 = tpu.memref_squeeze %dma_wait3A_207 : memref<1x128xi32, #tpu.memory_space<vmem>> -> memref<128xi32, #tpu.memory_space<vmem>>
        %dma_wait3A_209 = arith.constant 0 : i32
        %dma_wait3A_210 = arith.constant 0 : i32
        %dma_wait3A_211 = tpu.memref_slice %arg10[%dma_wait3A_209, %dma_wait3A_210] : memref<10016x128xf32, #tpu.memory_space<vmem_shared>> -> memref<10016x128xf32, #tpu.memory_space<vmem_shared>>
        tpu.wait_indirect_dma semaphore(%run_scoped3A_191 : memref<!tpu.dma_semaphore, #tpu.memory_space<semaphore_mem>>) src(%dma_wait3A_205 : memref<128x128xf32, #tpu.memory_space<vmem>>) dst(%dma_wait3A_211 : memref<10016x128xf32, #tpu.memory_space<vmem_shared>>)
        tpu.yield
      }) : () -> ()
      %add3A_164 = arith.constant 2 : i32
      %add3A_165 = arith.addi %mul3A_115, %add3A_164 : i32
      %lt3A = arith.constant 41 : i32
      %lt3A_166 = arith.cmpi slt, %add3A_165, %lt3A : i32
      %convert_element_type3A_167 = arith.extui %lt3A_166 : i1 to i32
      %cond3A_168 = arith.constant 0 : i32
      %cond3A_169 = arith.cmpi ne, %convert_element_type3A_167, %cond3A_168 : i32
      scf.if %cond3A_169 {
        %add3A_191 = arith.constant 2 : i32
        %add3A_192 = arith.addi %mul3A_115, %add3A_191 : i32
        %mul3A_193 = arith.constant 128 : i32
        %mul3A_194 = arith.muli %add3A_192, %mul3A_193 : i32
        %add3A_195 = arith.addi %add3A, %mul3A_194 : i32
        %multiple_of3A_196 = tpu.assume_multiple %add3A_195, 8 : i32
        %mul3A_197 = arith.constant 128 : i32
        %mul3A_198 = arith.muli %add3A_192, %mul3A_197 : i32
        %add3A_199 = arith.addi %add3A, %mul3A_198 : i32
        %multiple_of3A_200 = tpu.assume_multiple %add3A_199, 8 : i32
        %dma_start3A_201 = arith.constant 0 : i32
        %dma_start3A_202 = arith.constant 0 : i32
        %dma_start3A_203 = tpu.memref_slice %arg7[%dma_start3A_201, %dma_start3A_202] : memref<2x128xi32, #tpu.memory_space<vmem>> -> memref<1x128xi32, #tpu.memory_space<vmem>>
        %dma_start3A_204 = tpu.memref_squeeze %dma_start3A_203 : memref<1x128xi32, #tpu.memory_space<vmem>> -> memref<128xi32, #tpu.memory_space<vmem>>
        %dma_start3A_205 = tpu.memref_slice %arg3[%multiple_of3A_196] : memref<167936xi32, #tpu.memory_space<hbm>> -> memref<128xi32, #tpu.memory_space<hbm>>
        %dma_start3A_206 = arith.constant 0 : i32
        %dma_start3A_207 = tpu.memref_slice %arg7[%dma_start3A_201, %dma_start3A_206] : memref<2x128xi32, #tpu.memory_space<vmem>> -> memref<1x128xi32, #tpu.memory_space<vmem>>
        %dma_start3A_208 = tpu.memref_squeeze %dma_start3A_207 : memref<1x128xi32, #tpu.memory_space<vmem>> -> memref<128xi32, #tpu.memory_space<vmem>>
        %dma_start3A_209 = tpu.memref_slice %arg3[%multiple_of3A_196] : memref<167936xi32, #tpu.memory_space<hbm>> -> memref<128xi32, #tpu.memory_space<hbm>>
        tpu.enqueue_dma source(%dma_start3A_209 : memref<128xi32, #tpu.memory_space<hbm>>) target(%dma_start3A_208 : memref<128xi32, #tpu.memory_space<vmem>>) target_semaphore(%arg11 : memref<!tpu.dma_semaphore, #tpu.memory_space<semaphore_mem>>)
        %dma_start3A_210 = arith.constant 0 : i32
        %dma_start3A_211 = arith.constant 0 : i32
        %dma_start3A_212 = tpu.memref_slice %arg8[%dma_start3A_210, %dma_start3A_211] : memref<2x128xi32, #tpu.memory_space<vmem>> -> memref<1x128xi32, #tpu.memory_space<vmem>>
        %dma_start3A_213 = tpu.memref_squeeze %dma_start3A_212 : memref<1x128xi32, #tpu.memory_space<vmem>> -> memref<128xi32, #tpu.memory_space<vmem>>
        %dma_start3A_214 = tpu.memref_slice %arg4[%multiple_of3A_200] : memref<167936xi32, #tpu.memory_space<hbm>> -> memref<128xi32, #tpu.memory_space<hbm>>
        %dma_start3A_215 = arith.constant 0 : i32
        %dma_start3A_216 = tpu.memref_slice %arg8[%dma_start3A_210, %dma_start3A_215] : memref<2x128xi32, #tpu.memory_space<vmem>> -> memref<1x128xi32, #tpu.memory_space<vmem>>
        %dma_start3A_217 = tpu.memref_squeeze %dma_start3A_216 : memref<1x128xi32, #tpu.memory_space<vmem>> -> memref<128xi32, #tpu.memory_space<vmem>>
        %dma_start3A_218 = tpu.memref_slice %arg4[%multiple_of3A_200] : memref<167936xi32, #tpu.memory_space<hbm>> -> memref<128xi32, #tpu.memory_space<hbm>>
        tpu.enqueue_dma source(%dma_start3A_218 : memref<128xi32, #tpu.memory_space<hbm>>) target(%dma_start3A_217 : memref<128xi32, #tpu.memory_space<vmem>>) target_semaphore(%arg11 : memref<!tpu.dma_semaphore, #tpu.memory_space<semaphore_mem>>)
        %dma_wait3A_219 = arith.constant 0 : i32
        %dma_wait3A_220 = arith.constant 0 : i32
        %dma_wait3A_221 = tpu.memref_slice %arg7[%dma_wait3A_219, %dma_wait3A_220] : memref<2x128xi32, #tpu.memory_space<vmem>> -> memref<1x128xi32, #tpu.memory_space<vmem>>
        %dma_wait3A_222 = tpu.memref_squeeze %dma_wait3A_221 : memref<1x128xi32, #tpu.memory_space<vmem>> -> memref<128xi32, #tpu.memory_space<vmem>>
        %dma_wait3A_223 = arith.constant 0 : i32
        %dma_wait3A_224 = tpu.memref_slice %arg3[%dma_wait3A_223] : memref<167936xi32, #tpu.memory_space<hbm>> -> memref<128xi32, #tpu.memory_space<hbm>>
        %dma_wait3A_225 = arith.constant 0 : i32
        %dma_wait3A_226 = tpu.memref_slice %arg7[%dma_wait3A_219, %dma_wait3A_225] : memref<2x128xi32, #tpu.memory_space<vmem>> -> memref<1x128xi32, #tpu.memory_space<vmem>>
        %dma_wait3A_227 = tpu.memref_squeeze %dma_wait3A_226 : memref<1x128xi32, #tpu.memory_space<vmem>> -> memref<128xi32, #tpu.memory_space<vmem>>
        %dma_wait3A_228 = arith.constant 0 : i32
        %dma_wait3A_229 = tpu.memref_slice %arg3[%dma_wait3A_228] : memref<167936xi32, #tpu.memory_space<hbm>> -> memref<128xi32, #tpu.memory_space<hbm>>
        tpu.wait_dma2 semaphore(%arg11 : memref<!tpu.dma_semaphore, #tpu.memory_space<semaphore_mem>>) src(%dma_wait3A_229 : memref<128xi32, #tpu.memory_space<hbm>>) dst(%dma_wait3A_227 : memref<128xi32, #tpu.memory_space<vmem>>)
        %dma_wait3A_230 = arith.constant 0 : i32
        %dma_wait3A_231 = arith.constant 0 : i32
        %dma_wait3A_232 = tpu.memref_slice %arg8[%dma_wait3A_230, %dma_wait3A_231] : memref<2x128xi32, #tpu.memory_space<vmem>> -> memref<1x128xi32, #tpu.memory_space<vmem>>
        %dma_wait3A_233 = tpu.memref_squeeze %dma_wait3A_232 : memref<1x128xi32, #tpu.memory_space<vmem>> -> memref<128xi32, #tpu.memory_space<vmem>>
        %dma_wait3A_234 = arith.constant 0 : i32
        %dma_wait3A_235 = tpu.memref_slice %arg4[%dma_wait3A_234] : memref<167936xi32, #tpu.memory_space<hbm>> -> memref<128xi32, #tpu.memory_space<hbm>>
        %dma_wait3A_236 = arith.constant 0 : i32
        %dma_wait3A_237 = tpu.memref_slice %arg8[%dma_wait3A_230, %dma_wait3A_236] : memref<2x128xi32, #tpu.memory_space<vmem>> -> memref<1x128xi32, #tpu.memory_space<vmem>>
        %dma_wait3A_238 = tpu.memref_squeeze %dma_wait3A_237 : memref<1x128xi32, #tpu.memory_space<vmem>> -> memref<128xi32, #tpu.memory_space<vmem>>
        %dma_wait3A_239 = arith.constant 0 : i32
        %dma_wait3A_240 = tpu.memref_slice %arg4[%dma_wait3A_239] : memref<167936xi32, #tpu.memory_space<hbm>> -> memref<128xi32, #tpu.memory_space<hbm>>
        tpu.wait_dma2 semaphore(%arg11 : memref<!tpu.dma_semaphore, #tpu.memory_space<semaphore_mem>>) src(%dma_wait3A_240 : memref<128xi32, #tpu.memory_space<hbm>>) dst(%dma_wait3A_238 : memref<128xi32, #tpu.memory_space<vmem>>)
        %dma_start3A_241 = arith.constant 0 : i32
        %dma_start3A_242 = arith.constant 0 : i32
        %dma_start3A_243 = arith.constant 0 : i32
        %dma_start3A_244 = arith.constant 0 : i32
        %dma_start3A_245 = tpu.memref_slice %arg9[%dma_start3A_242, %dma_start3A_243, %dma_start3A_244] : memref<2x128x128xf32, #tpu.memory_space<vmem>> -> memref<1x128x128xf32, #tpu.memory_space<vmem>>
        %dma_start3A_246 = tpu.memref_squeeze %dma_start3A_245 : memref<1x128x128xf32, #tpu.memory_space<vmem>> -> memref<128x128xf32, #tpu.memory_space<vmem>>
        %dma_start3A_247 = arith.constant 0 : i32
        %dma_start3A_248 = tpu.memref_slice %arg7[%dma_start3A_241, %dma_start3A_247] : memref<2x128xi32, #tpu.memory_space<vmem>> -> memref<1x128xi32, #tpu.memory_space<vmem>>
        %dma_start3A_249 = tpu.memref_squeeze %dma_start3A_248 : memref<1x128xi32, #tpu.memory_space<vmem>> -> memref<128xi32, #tpu.memory_space<vmem>>
        %dma_start3A_250 = arith.constant 0 : i32
        %dma_start3A_251 = arith.constant 0 : i32
        %dma_start3A_252 = tpu.memref_slice %arg2[%dma_start3A_250, %dma_start3A_251] : memref<10000x128xf32, #tpu.memory_space<hbm>> -> memref<10000x128xf32, #tpu.memory_space<hbm>>
        tpu.enqueue_indirect_dma source(%dma_start3A_252 : memref<10000x128xf32, #tpu.memory_space<hbm>>) target(%dma_start3A_246 : memref<128x128xf32, #tpu.memory_space<vmem>>) offsets(%dma_start3A_249 : memref<128xi32, #tpu.memory_space<vmem>>) semaphore(%arg13 : memref<!tpu.dma_semaphore, #tpu.memory_space<semaphore_mem>>)
      } else {
      }
      %dma_wait3A_170 = arith.constant 1 : i32
      %dma_wait3A_171 = arith.constant 1 : i32
      %dma_wait3A_172 = arith.constant 0 : i32
      %dma_wait3A_173 = arith.constant 0 : i32
      %dma_wait3A_174 = tpu.memref_slice %arg9[%dma_wait3A_171, %dma_wait3A_172, %dma_wait3A_173] : memref<2x128x128xf32, #tpu.memory_space<vmem>> -> memref<1x128x128xf32, #tpu.memory_space<vmem>>
      %dma_wait3A_175 = tpu.memref_squeeze %dma_wait3A_174 : memref<1x128x128xf32, #tpu.memory_space<vmem>> -> memref<128x128xf32, #tpu.memory_space<vmem>>
      %dma_wait3A_176 = arith.constant 0 : i32
      %dma_wait3A_177 = tpu.memref_slice %arg7[%dma_wait3A_170, %dma_wait3A_176] : memref<2x128xi32, #tpu.memory_space<vmem>> -> memref<1x128xi32, #tpu.memory_space<vmem>>
      %dma_wait3A_178 = tpu.memref_squeeze %dma_wait3A_177 : memref<1x128xi32, #tpu.memory_space<vmem>> -> memref<128xi32, #tpu.memory_space<vmem>>
      %dma_wait3A_179 = arith.constant 0 : i32
      %dma_wait3A_180 = arith.constant 0 : i32
      %dma_wait3A_181 = tpu.memref_slice %arg2[%dma_wait3A_179, %dma_wait3A_180] : memref<10000x128xf32, #tpu.memory_space<hbm>> -> memref<10000x128xf32, #tpu.memory_space<hbm>>
      tpu.wait_indirect_dma semaphore(%arg14 : memref<!tpu.dma_semaphore, #tpu.memory_space<semaphore_mem>>) src(%dma_wait3A_181 : memref<10000x128xf32, #tpu.memory_space<hbm>>) dst(%dma_wait3A_175 : memref<128x128xf32, #tpu.memory_space<vmem>>)
      %run_scoped3A_182 = arith.constant 1 : i32
      %run_scoped3A_183 = arith.constant 1 : i32
      "tpu.region"() ({
        %run_scoped3A_191 = tpu.sem_alloc : memref<!tpu.dma_semaphore, #tpu.memory_space<semaphore_mem>>
        %dma_start3A_192 = arith.constant 0 : i32
        %dma_start3A_193 = arith.constant 0 : i32
        %dma_start3A_194 = tpu.memref_slice %arg9[%run_scoped3A_182, %dma_start3A_192, %dma_start3A_193] : memref<2x128x128xf32, #tpu.memory_space<vmem>> -> memref<1x128x128xf32, #tpu.memory_space<vmem>>
        %dma_start3A_195 = tpu.memref_squeeze %dma_start3A_194 : memref<1x128x128xf32, #tpu.memory_space<vmem>> -> memref<128x128xf32, #tpu.memory_space<vmem>>
        %dma_start3A_196 = arith.constant 0 : i32
        %dma_start3A_197 = tpu.memref_slice %arg8[%run_scoped3A_183, %dma_start3A_196] : memref<2x128xi32, #tpu.memory_space<vmem>> -> memref<1x128xi32, #tpu.memory_space<vmem>>
        %dma_start3A_198 = tpu.memref_squeeze %dma_start3A_197 : memref<1x128xi32, #tpu.memory_space<vmem>> -> memref<128xi32, #tpu.memory_space<vmem>>
        %dma_start3A_199 = arith.constant 0 : i32
        %dma_start3A_200 = arith.constant 0 : i32
        %dma_start3A_201 = tpu.memref_slice %arg10[%dma_start3A_199, %dma_start3A_200] : memref<10016x128xf32, #tpu.memory_space<vmem_shared>> -> memref<10016x128xf32, #tpu.memory_space<vmem_shared>>
        tpu.enqueue_indirect_dma source(%dma_start3A_195 : memref<128x128xf32, #tpu.memory_space<vmem>>) target(%dma_start3A_201 : memref<10016x128xf32, #tpu.memory_space<vmem_shared>>) offsets(%dma_start3A_198 : memref<128xi32, #tpu.memory_space<vmem>>) semaphore(%run_scoped3A_191 : memref<!tpu.dma_semaphore, #tpu.memory_space<semaphore_mem>>) {add = true}
        %dma_wait3A_202 = arith.constant 0 : i32
        %dma_wait3A_203 = arith.constant 0 : i32
        %dma_wait3A_204 = tpu.memref_slice %arg9[%run_scoped3A_182, %dma_wait3A_202, %dma_wait3A_203] : memref<2x128x128xf32, #tpu.memory_space<vmem>> -> memref<1x128x128xf32, #tpu.memory_space<vmem>>
        %dma_wait3A_205 = tpu.memref_squeeze %dma_wait3A_204 : memref<1x128x128xf32, #tpu.memory_space<vmem>> -> memref<128x128xf32, #tpu.memory_space<vmem>>
        %dma_wait3A_206 = arith.constant 0 : i32
        %dma_wait3A_207 = tpu.memref_slice %arg8[%run_scoped3A_183, %dma_wait3A_206] : memref<2x128xi32, #tpu.memory_space<vmem>> -> memref<1x128xi32, #tpu.memory_space<vmem>>
        %dma_wait3A_208 = tpu.memref_squeeze %dma_wait3A_207 : memref<1x128xi32, #tpu.memory_space<vmem>> -> memref<128xi32, #tpu.memory_space<vmem>>
        %dma_wait3A_209 = arith.constant 0 : i32
        %dma_wait3A_210 = arith.constant 0 : i32
        %dma_wait3A_211 = tpu.memref_slice %arg10[%dma_wait3A_209, %dma_wait3A_210] : memref<10016x128xf32, #tpu.memory_space<vmem_shared>> -> memref<10016x128xf32, #tpu.memory_space<vmem_shared>>
        tpu.wait_indirect_dma semaphore(%run_scoped3A_191 : memref<!tpu.dma_semaphore, #tpu.memory_space<semaphore_mem>>) src(%dma_wait3A_205 : memref<128x128xf32, #tpu.memory_space<vmem>>) dst(%dma_wait3A_211 : memref<10016x128xf32, #tpu.memory_space<vmem_shared>>)
        tpu.yield
      }) : () -> ()
      %add3A_184 = arith.constant 3 : i32
      %add3A_185 = arith.addi %mul3A_115, %add3A_184 : i32
      %lt3A_186 = arith.constant 41 : i32
      %lt3A_187 = arith.cmpi slt, %add3A_185, %lt3A_186 : i32
      %convert_element_type3A_188 = arith.extui %lt3A_187 : i1 to i32
      %cond3A_189 = arith.constant 0 : i32
      %cond3A_190 = arith.cmpi ne, %convert_element_type3A_188, %cond3A_189 : i32
      scf.if %cond3A_190 {
        %add3A_191 = arith.constant 3 : i32
        %add3A_192 = arith.addi %mul3A_115, %add3A_191 : i32
        %mul3A_193 = arith.constant 128 : i32
        %mul3A_194 = arith.muli %add3A_192, %mul3A_193 : i32
        %add3A_195 = arith.addi %add3A, %mul3A_194 : i32
        %multiple_of3A_196 = tpu.assume_multiple %add3A_195, 8 : i32
        %mul3A_197 = arith.constant 128 : i32
        %mul3A_198 = arith.muli %add3A_192, %mul3A_197 : i32
        %add3A_199 = arith.addi %add3A, %mul3A_198 : i32
        %multiple_of3A_200 = tpu.assume_multiple %add3A_199, 8 : i32
        %dma_start3A_201 = arith.constant 1 : i32
        %dma_start3A_202 = arith.constant 0 : i32
        %dma_start3A_203 = tpu.memref_slice %arg7[%dma_start3A_201, %dma_start3A_202] : memref<2x128xi32, #tpu.memory_space<vmem>> -> memref<1x128xi32, #tpu.memory_space<vmem>>
        %dma_start3A_204 = tpu.memref_squeeze %dma_start3A_203 : memref<1x128xi32, #tpu.memory_space<vmem>> -> memref<128xi32, #tpu.memory_space<vmem>>
        %dma_start3A_205 = tpu.memref_slice %arg3[%multiple_of3A_196] : memref<167936xi32, #tpu.memory_space<hbm>> -> memref<128xi32, #tpu.memory_space<hbm>>
        %dma_start3A_206 = arith.constant 0 : i32
        %dma_start3A_207 = tpu.memref_slice %arg7[%dma_start3A_201, %dma_start3A_206] : memref<2x128xi32, #tpu.memory_space<vmem>> -> memref<1x128xi32, #tpu.memory_space<vmem>>
        %dma_start3A_208 = tpu.memref_squeeze %dma_start3A_207 : memref<1x128xi32, #tpu.memory_space<vmem>> -> memref<128xi32, #tpu.memory_space<vmem>>
        %dma_start3A_209 = tpu.memref_slice %arg3[%multiple_of3A_196] : memref<167936xi32, #tpu.memory_space<hbm>> -> memref<128xi32, #tpu.memory_space<hbm>>
        tpu.enqueue_dma source(%dma_start3A_209 : memref<128xi32, #tpu.memory_space<hbm>>) target(%dma_start3A_208 : memref<128xi32, #tpu.memory_space<vmem>>) target_semaphore(%arg12 : memref<!tpu.dma_semaphore, #tpu.memory_space<semaphore_mem>>)
        %dma_start3A_210 = arith.constant 1 : i32
        %dma_start3A_211 = arith.constant 0 : i32
        %dma_start3A_212 = tpu.memref_slice %arg8[%dma_start3A_210, %dma_start3A_211] : memref<2x128xi32, #tpu.memory_space<vmem>> -> memref<1x128xi32, #tpu.memory_space<vmem>>
        %dma_start3A_213 = tpu.memref_squeeze %dma_start3A_212 : memref<1x128xi32, #tpu.memory_space<vmem>> -> memref<128xi32, #tpu.memory_space<vmem>>
        %dma_start3A_214 = tpu.memref_slice %arg4[%multiple_of3A_200] : memref<167936xi32, #tpu.memory_space<hbm>> -> memref<128xi32, #tpu.memory_space<hbm>>
        %dma_start3A_215 = arith.constant 0 : i32
        %dma_start3A_216 = tpu.memref_slice %arg8[%dma_start3A_210, %dma_start3A_215] : memref<2x128xi32, #tpu.memory_space<vmem>> -> memref<1x128xi32, #tpu.memory_space<vmem>>
        %dma_start3A_217 = tpu.memref_squeeze %dma_start3A_216 : memref<1x128xi32, #tpu.memory_space<vmem>> -> memref<128xi32, #tpu.memory_space<vmem>>
        %dma_start3A_218 = tpu.memref_slice %arg4[%multiple_of3A_200] : memref<167936xi32, #tpu.memory_space<hbm>> -> memref<128xi32, #tpu.memory_space<hbm>>
        tpu.enqueue_dma source(%dma_start3A_218 : memref<128xi32, #tpu.memory_space<hbm>>) target(%dma_start3A_217 : memref<128xi32, #tpu.memory_space<vmem>>) target_semaphore(%arg12 : memref<!tpu.dma_semaphore, #tpu.memory_space<semaphore_mem>>)
      } else {
      }
    }
    %scan3A_91 = arith.constant 20 : i32
    %dma_wait3A_92 = arith.constant 0 : i32
    %dma_wait3A_93 = arith.constant 0 : i32
    %dma_wait3A_94 = arith.constant 0 : i32
    %dma_wait3A_95 = arith.constant 0 : i32
    %dma_wait3A_96 = tpu.memref_slice %arg9[%dma_wait3A_93, %dma_wait3A_94, %dma_wait3A_95] : memref<2x128x128xf32, #tpu.memory_space<vmem>> -> memref<1x128x128xf32, #tpu.memory_space<vmem>>
    %dma_wait3A_97 = tpu.memref_squeeze %dma_wait3A_96 : memref<1x128x128xf32, #tpu.memory_space<vmem>> -> memref<128x128xf32, #tpu.memory_space<vmem>>
    %dma_wait3A_98 = arith.constant 0 : i32
    %dma_wait3A_99 = tpu.memref_slice %arg7[%dma_wait3A_92, %dma_wait3A_98] : memref<2x128xi32, #tpu.memory_space<vmem>> -> memref<1x128xi32, #tpu.memory_space<vmem>>
    %dma_wait3A_100 = tpu.memref_squeeze %dma_wait3A_99 : memref<1x128xi32, #tpu.memory_space<vmem>> -> memref<128xi32, #tpu.memory_space<vmem>>
    %dma_wait3A_101 = arith.constant 0 : i32
    %dma_wait3A_102 = arith.constant 0 : i32
    %dma_wait3A_103 = tpu.memref_slice %arg2[%dma_wait3A_101, %dma_wait3A_102] : memref<10000x128xf32, #tpu.memory_space<hbm>> -> memref<10000x128xf32, #tpu.memory_space<hbm>>
    tpu.wait_indirect_dma semaphore(%arg13 : memref<!tpu.dma_semaphore, #tpu.memory_space<semaphore_mem>>) src(%dma_wait3A_103 : memref<10000x128xf32, #tpu.memory_space<hbm>>) dst(%dma_wait3A_97 : memref<128x128xf32, #tpu.memory_space<vmem>>)
    %run_scoped3A = arith.constant 0 : i32
    %run_scoped3A_104 = arith.constant 0 : i32
    "tpu.region"() ({
      %run_scoped3A_113 = tpu.sem_alloc : memref<!tpu.dma_semaphore, #tpu.memory_space<semaphore_mem>>
      %dma_start3A_114 = arith.constant 0 : i32
      %dma_start3A_115 = arith.constant 0 : i32
      %dma_start3A_116 = tpu.memref_slice %arg9[%run_scoped3A, %dma_start3A_114, %dma_start3A_115] : memref<2x128x128xf32, #tpu.memory_space<vmem>> -> memref<1x128x128xf32, #tpu.memory_space<vmem>>
      %dma_start3A_117 = tpu.memref_squeeze %dma_start3A_116 : memref<1x128x128xf32, #tpu.memory_space<vmem>> -> memref<128x128xf32, #tpu.memory_space<vmem>>
      %dma_start3A_118 = arith.constant 0 : i32
      %dma_start3A_119 = tpu.memref_slice %arg8[%run_scoped3A_104, %dma_start3A_118] : memref<2x128xi32, #tpu.memory_space<vmem>> -> memref<1x128xi32, #tpu.memory_space<vmem>>
      %dma_start3A_120 = tpu.memref_squeeze %dma_start3A_119 : memref<1x128xi32, #tpu.memory_space<vmem>> -> memref<128xi32, #tpu.memory_space<vmem>>
      %dma_start3A_121 = arith.constant 0 : i32
      %dma_start3A_122 = arith.constant 0 : i32
      %dma_start3A_123 = tpu.memref_slice %arg10[%dma_start3A_121, %dma_start3A_122] : memref<10016x128xf32, #tpu.memory_space<vmem_shared>> -> memref<10016x128xf32, #tpu.memory_space<vmem_shared>>
      tpu.enqueue_indirect_dma source(%dma_start3A_117 : memref<128x128xf32, #tpu.memory_space<vmem>>) target(%dma_start3A_123 : memref<10016x128xf32, #tpu.memory_space<vmem_shared>>) offsets(%dma_start3A_120 : memref<128xi32, #tpu.memory_space<vmem>>) semaphore(%run_scoped3A_113 : memref<!tpu.dma_semaphore, #tpu.memory_space<semaphore_mem>>) {add = true}
      %dma_wait3A_124 = arith.constant 0 : i32
      %dma_wait3A_125 = arith.constant 0 : i32
      %dma_wait3A_126 = tpu.memref_slice %arg9[%run_scoped3A, %dma_wait3A_124, %dma_wait3A_125] : memref<2x128x128xf32, #tpu.memory_space<vmem>> -> memref<1x128x128xf32, #tpu.memory_space<vmem>>
      %dma_wait3A_127 = tpu.memref_squeeze %dma_wait3A_126 : memref<1x128x128xf32, #tpu.memory_space<vmem>> -> memref<128x128xf32, #tpu.memory_space<vmem>>
      %dma_wait3A_128 = arith.constant 0 : i32
      %dma_wait3A_129 = tpu.memref_slice %arg8[%run_scoped3A_104, %dma_wait3A_128] : memref<2x128xi32, #tpu.memory_space<vmem>> -> memref<1x128xi32, #tpu.memory_space<vmem>>
      %dma_wait3A_130 = tpu.memref_squeeze %dma_wait3A_129 : memref<1x128xi32, #tpu.memory_space<vmem>> -> memref<128xi32, #tpu.memory_space<vmem>>
      %dma_wait3A_131 = arith.constant 0 : i32
      %dma_wait3A_132 = arith.constant 0 : i32
      %dma_wait3A_133 = tpu.memref_slice %arg10[%dma_wait3A_131, %dma_wait3A_132] : memref<10016x128xf32, #tpu.memory_space<vmem_shared>> -> memref<10016x128xf32, #tpu.memory_space<vmem_shared>>
      tpu.wait_indirect_dma semaphore(%run_scoped3A_113 : memref<!tpu.dma_semaphore, #tpu.memory_space<semaphore_mem>>) src(%dma_wait3A_127 : memref<128x128xf32, #tpu.memory_space<vmem>>) dst(%dma_wait3A_133 : memref<10016x128xf32, #tpu.memory_space<vmem_shared>>)
      tpu.yield
    }) : () -> ()
    %barrier3A_105 = arith.constant 0 : index
    tpu.barrier barrier_id(%barrier3A_105)
    %mul3A_106 = arith.constant 10000 : i32
    %mul3A_107 = arith.muli %arg0, %mul3A_106 : i32
    %add3A_108 = arith.addi %mul3A_107, %multiple_of3A : i32
    %multiple_of3A_109 = tpu.assume_multiple %add3A_108, 8 : i32
    "tpu.region"() ({
      %run_scoped3A_113 = tpu.sem_alloc : memref<!tpu.dma_semaphore, #tpu.memory_space<semaphore_mem>>
      %dma_start3A_114 = arith.constant 0 : i32
      %dma_start3A_115 = tpu.memref_slice %arg6[%multiple_of3A_109, %dma_start3A_114] : memref<20000x128xf32, #tpu.memory_space<hbm>> -> memref<624x128xf32, #tpu.memory_space<hbm>>
      %dma_start3A_116 = arith.constant 0 : i32
      %dma_start3A_117 = tpu.memref_slice %arg10[%multiple_of3A, %dma_start3A_116] : memref<10016x128xf32, #tpu.memory_space<vmem_shared>> -> memref<624x128xf32, #tpu.memory_space<vmem_shared>>
      tpu.enqueue_dma source(%dma_start3A_117 : memref<624x128xf32, #tpu.memory_space<vmem_shared>>) target(%dma_start3A_115 : memref<624x128xf32, #tpu.memory_space<hbm>>) target_semaphore(%run_scoped3A_113 : memref<!tpu.dma_semaphore, #tpu.memory_space<semaphore_mem>>)
      %dma_wait3A_118 = arith.constant 0 : i32
      %dma_wait3A_119 = tpu.memref_slice %arg6[%multiple_of3A_109, %dma_wait3A_118] : memref<20000x128xf32, #tpu.memory_space<hbm>> -> memref<624x128xf32, #tpu.memory_space<hbm>>
      %dma_wait3A_120 = arith.constant 0 : i32
      %dma_wait3A_121 = tpu.memref_slice %arg10[%multiple_of3A, %dma_wait3A_120] : memref<10016x128xf32, #tpu.memory_space<vmem_shared>> -> memref<624x128xf32, #tpu.memory_space<vmem_shared>>
      tpu.wait_dma2 semaphore(%run_scoped3A_113 : memref<!tpu.dma_semaphore, #tpu.memory_space<semaphore_mem>>) src(%dma_wait3A_121 : memref<624x128xf32, #tpu.memory_space<vmem_shared>>) dst(%dma_wait3A_119 : memref<624x128xf32, #tpu.memory_space<hbm>>)
      tpu.yield
    }) : () -> ()
    %convert_element_type3A_110 = arith.extui %eq3A_5 : i1 to i32
    %cond3A_111 = arith.constant 0 : i32
    %cond3A_112 = arith.cmpi ne, %convert_element_type3A_110, %cond3A_111 : i32
    scf.if %cond3A_112 {
      %mul3A_113 = arith.constant 10000 : i32
      %mul3A_114 = arith.muli %arg0, %mul3A_113 : i32
      %add3A_115 = arith.constant 9984 : i32
      %add3A_116 = arith.addi %mul3A_114, %add3A_115 : i32
      %multiple_of3A_117 = tpu.assume_multiple %add3A_116, 8 : i32
      "tpu.region"() ({
        %run_scoped3A_118 = tpu.sem_alloc : memref<!tpu.dma_semaphore, #tpu.memory_space<semaphore_mem>>
        %dma_start3A_119 = arith.constant 0 : i32
        %dma_start3A_120 = tpu.memref_slice %arg6[%multiple_of3A_117, %dma_start3A_119] : memref<20000x128xf32, #tpu.memory_space<hbm>> -> memref<16x128xf32, #tpu.memory_space<hbm>>
        %dma_start3A_121 = arith.constant 9984 : i32
        %dma_start3A_122 = arith.constant 0 : i32
        %dma_start3A_123 = tpu.memref_slice %arg10[%dma_start3A_121, %dma_start3A_122] : memref<10016x128xf32, #tpu.memory_space<vmem_shared>> -> memref<16x128xf32, #tpu.memory_space<vmem_shared>>
        tpu.enqueue_dma source(%dma_start3A_123 : memref<16x128xf32, #tpu.memory_space<vmem_shared>>) target(%dma_start3A_120 : memref<16x128xf32, #tpu.memory_space<hbm>>) target_semaphore(%run_scoped3A_118 : memref<!tpu.dma_semaphore, #tpu.memory_space<semaphore_mem>>)
        %dma_wait3A_124 = arith.constant 0 : i32
        %dma_wait3A_125 = tpu.memref_slice %arg6[%multiple_of3A_117, %dma_wait3A_124] : memref<20000x128xf32, #tpu.memory_space<hbm>> -> memref<16x128xf32, #tpu.memory_space<hbm>>
        %dma_wait3A_126 = arith.constant 9984 : i32
        %dma_wait3A_127 = arith.constant 0 : i32
        %dma_wait3A_128 = tpu.memref_slice %arg10[%dma_wait3A_126, %dma_wait3A_127] : memref<10016x128xf32, #tpu.memory_space<vmem_shared>> -> memref<16x128xf32, #tpu.memory_space<vmem_shared>>
        tpu.wait_dma2 semaphore(%run_scoped3A_118 : memref<!tpu.dma_semaphore, #tpu.memory_space<semaphore_mem>>) src(%dma_wait3A_128 : memref<16x128xf32, #tpu.memory_space<vmem_shared>>) dst(%dma_wait3A_125 : memref<16x128xf32, #tpu.memory_space<hbm>>)
        tpu.yield
      }) : () -> ()
    } else {
    }
    return
  }
}

#map = affine_map<(d0, d1) -> (0, 0)>
#map1 = affine_map<(d0, d1) -> (0)>
module attributes {stable_mosaic.version = 14 : i64} {
  func.func @k(%arg0: i32, %arg1: i32, %arg2: memref<10000x128xf32, #tpu.memory_space<hbm>>, %arg3: memref<167936xi32, #tpu.memory_space<hbm>>, %arg4: memref<167936xi32, #tpu.memory_space<hbm>>, %arg5: memref<10016x128xf32, #tpu.memory_space<hbm>>, %arg6: memref<20000x128xf32, #tpu.memory_space<hbm>>, %arg7: memref<2x128xi32, #tpu.memory_space<vmem>>, %arg8: memref<2x128xi32, #tpu.memory_space<vmem>>, %arg9: memref<2x128x128xf32, #tpu.memory_space<vmem>>, %arg10: memref<10016x128xf32, #tpu.memory_space<vmem_shared>>, %arg11: memref<!tpu.dma_semaphore, #tpu.memory_space<semaphore_mem>>, %arg12: memref<!tpu.dma_semaphore, #tpu.memory_space<semaphore_mem>>, %arg13: memref<!tpu.dma_semaphore, #tpu.memory_space<semaphore_mem>>, %arg14: memref<!tpu.dma_semaphore, #tpu.memory_space<semaphore_mem>>) attributes {dimension_semantics = [#tpu.dimension_semantics<core_parallel>, #tpu.dimension_semantics<subcore_parallel>], iteration_bounds = array<i64: 2, 16>, scalar_prefetch = 0 : i64, scratch_operands = 8 : i64, tpu.core_type = #tpu.core_type<sc_vector_subcore>, window_params = [{transform_indices = #map}, {transform_indices = #map1}, {transform_indices = #map1}, {transform_indices = #map}, {transform_indices = #map}]} {
    %mul3A = arith.constant 624 : i32
    %mul3A_0 = arith.muli %arg1, %mul3A : i32
    %multiple_of3A = tpu.assume_multiple %mul3A_0, 8 : i32
    %mul3A_1 = arith.constant 83968 : i32
    %mul3A_2 = arith.muli %arg0, %mul3A_1 : i32
    %mul3A_3 = arith.constant 5248 : i32
    %mul3A_4 = arith.muli %arg1, %mul3A_3 : i32
    %add3A = arith.addi %mul3A_2, %mul3A_4 : i32
    %eq3A = arith.constant 15 : i32
    %eq3A_5 = arith.cmpi eq, %arg1, %eq3A : i32
    "tpu.region"() ({
      %run_scoped3A_113 = tpu.sem_alloc : memref<!tpu.dma_semaphore, #tpu.memory_space<semaphore_mem>>
      %dma_start3A_114 = arith.constant 0 : i32
      %dma_start3A_115 = tpu.memref_slice %arg10[%multiple_of3A, %dma_start3A_114] : memref<10016x128xf32, #tpu.memory_space<vmem_shared>> -> memref<624x128xf32, #tpu.memory_space<vmem_shared>>
      %dma_start3A_116 = arith.constant 0 : i32
      %dma_start3A_117 = tpu.memref_slice %arg5[%multiple_of3A, %dma_start3A_116] : memref<10016x128xf32, #tpu.memory_space<hbm>> -> memref<624x128xf32, #tpu.memory_space<hbm>>
      tpu.enqueue_dma source(%dma_start3A_117 : memref<624x128xf32, #tpu.memory_space<hbm>>) target(%dma_start3A_115 : memref<624x128xf32, #tpu.memory_space<vmem_shared>>) target_semaphore(%run_scoped3A_113 : memref<!tpu.dma_semaphore, #tpu.memory_space<semaphore_mem>>)
      %dma_wait3A_118 = arith.constant 0 : i32
      %dma_wait3A_119 = tpu.memref_slice %arg10[%multiple_of3A, %dma_wait3A_118] : memref<10016x128xf32, #tpu.memory_space<vmem_shared>> -> memref<624x128xf32, #tpu.memory_space<vmem_shared>>
      %dma_wait3A_120 = arith.constant 0 : i32
      %dma_wait3A_121 = tpu.memref_slice %arg5[%multiple_of3A, %dma_wait3A_120] : memref<10016x128xf32, #tpu.memory_space<hbm>> -> memref<624x128xf32, #tpu.memory_space<hbm>>
      tpu.wait_dma2 semaphore(%run_scoped3A_113 : memref<!tpu.dma_semaphore, #tpu.memory_space<semaphore_mem>>) src(%dma_wait3A_121 : memref<624x128xf32, #tpu.memory_space<hbm>>) dst(%dma_wait3A_119 : memref<624x128xf32, #tpu.memory_space<vmem_shared>>)
      tpu.yield
    }) : () -> ()
    %convert_element_type3A = arith.extui %eq3A_5 : i1 to i32
    %cond3A = arith.constant 0 : i32
    %cond3A_6 = arith.cmpi ne, %convert_element_type3A, %cond3A : i32
    scf.if %cond3A_6 {
      "tpu.region"() ({
        %run_scoped3A_113 = tpu.sem_alloc : memref<!tpu.dma_semaphore, #tpu.memory_space<semaphore_mem>>
        %dma_start3A_114 = arith.constant 9984 : i32
        %dma_start3A_115 = arith.constant 0 : i32
        %dma_start3A_116 = tpu.memref_slice %arg10[%dma_start3A_114, %dma_start3A_115] : memref<10016x128xf32, #tpu.memory_space<vmem_shared>> -> memref<32x128xf32, #tpu.memory_space<vmem_shared>>
        %dma_start3A_117 = arith.constant 9984 : i32
        %dma_start3A_118 = arith.constant 0 : i32
        %dma_start3A_119 = tpu.memref_slice %arg5[%dma_start3A_117, %dma_start3A_118] : memref<10016x128xf32, #tpu.memory_space<hbm>> -> memref<32x128xf32, #tpu.memory_space<hbm>>
        tpu.enqueue_dma source(%dma_start3A_119 : memref<32x128xf32, #tpu.memory_space<hbm>>) target(%dma_start3A_116 : memref<32x128xf32, #tpu.memory_space<vmem_shared>>) target_semaphore(%run_scoped3A_113 : memref<!tpu.dma_semaphore, #tpu.memory_space<semaphore_mem>>)
        %dma_wait3A_120 = arith.constant 9984 : i32
        %dma_wait3A_121 = arith.constant 0 : i32
        %dma_wait3A_122 = tpu.memref_slice %arg10[%dma_wait3A_120, %dma_wait3A_121] : memref<10016x128xf32, #tpu.memory_space<vmem_shared>> -> memref<32x128xf32, #tpu.memory_space<vmem_shared>>
        %dma_wait3A_123 = arith.constant 9984 : i32
        %dma_wait3A_124 = arith.constant 0 : i32
        %dma_wait3A_125 = tpu.memref_slice %arg5[%dma_wait3A_123, %dma_wait3A_124] : memref<10016x128xf32, #tpu.memory_space<hbm>> -> memref<32x128xf32, #tpu.memory_space<hbm>>
        tpu.wait_dma2 semaphore(%run_scoped3A_113 : memref<!tpu.dma_semaphore, #tpu.memory_space<semaphore_mem>>) src(%dma_wait3A_125 : memref<32x128xf32, #tpu.memory_space<hbm>>) dst(%dma_wait3A_122 : memref<32x128xf32, #tpu.memory_space<vmem_shared>>)
        tpu.yield
      }) : () -> ()
    } else {
    }
    %barrier3A = arith.constant 0 : index
    tpu.barrier barrier_id(%barrier3A)
    %add3A_7 = arith.constant 0 : i32
    %add3A_8 = arith.addi %add3A, %add3A_7 : i32
    %multiple_of3A_9 = tpu.assume_multiple %add3A_8, 8 : i32
    %add3A_10 = arith.constant 0 : i32
    %add3A_11 = arith.addi %add3A, %add3A_10 : i32
    %multiple_of3A_12 = tpu.assume_multiple %add3A_11, 8 : i32
    %dma_start3A = arith.constant 0 : i32
    %dma_start3A_13 = arith.constant 0 : i32
    %dma_start3A_14 = tpu.memref_slice %arg7[%dma_start3A, %dma_start3A_13] : memref<2x128xi32, #tpu.memory_space<vmem>> -> memref<1x128xi32, #tpu.memory_space<vmem>>
    %dma_start3A_15 = tpu.memref_squeeze %dma_start3A_14 : memref<1x128xi32, #tpu.memory_space<vmem>> -> memref<128xi32, #tpu.memory_space<vmem>>
    %dma_start3A_16 = tpu.memref_slice %arg3[%multiple_of3A_9] : memref<167936xi32, #tpu.memory_space<hbm>> -> memref<128xi32, #tpu.memory_space<hbm>>
    %dma_start3A_17 = arith.constant 0 : i32
    %dma_start3A_18 = tpu.memref_slice %arg7[%dma_start3A, %dma_start3A_17] : memref<2x128xi32, #tpu.memory_space<vmem>> -> memref<1x128xi32, #tpu.memory_space<vmem>>
    %dma_start3A_19 = tpu.memref_squeeze %dma_start3A_18 : memref<1x128xi32, #tpu.memory_space<vmem>> -> memref<128xi32, #tpu.memory_space<vmem>>
    %dma_start3A_20 = tpu.memref_slice %arg3[%multiple_of3A_9] : memref<167936xi32, #tpu.memory_space<hbm>> -> memref<128xi32, #tpu.memory_space<hbm>>
    tpu.enqueue_dma source(%dma_start3A_20 : memref<128xi32, #tpu.memory_space<hbm>>) target(%dma_start3A_19 : memref<128xi32, #tpu.memory_space<vmem>>) target_semaphore(%arg11 : memref<!tpu.dma_semaphore, #tpu.memory_space<semaphore_mem>>)
    %dma_start3A_21 = arith.constant 0 : i32
    %dma_start3A_22 = arith.constant 0 : i32
    %dma_start3A_23 = tpu.memref_slice %arg8[%dma_start3A_21, %dma_start3A_22] : memref<2x128xi32, #tpu.memory_space<vmem>> -> memref<1x128xi32, #tpu.memory_space<vmem>>
    %dma_start3A_24 = tpu.memref_squeeze %dma_start3A_23 : memref<1x128xi32, #tpu.memory_space<vmem>> -> memref<128xi32, #tpu.memory_space<vmem>>
    %dma_start3A_25 = tpu.memref_slice %arg4[%multiple_of3A_12] : memref<167936xi32, #tpu.memory_space<hbm>> -> memref<128xi32, #tpu.memory_space<hbm>>
    %dma_start3A_26 = arith.constant 0 : i32
    %dma_start3A_27 = tpu.memref_slice %arg8[%dma_start3A_21, %dma_start3A_26] : memref<2x128xi32, #tpu.memory_space<vmem>> -> memref<1x128xi32, #tpu.memory_space<vmem>>
    %dma_start3A_28 = tpu.memref_squeeze %dma_start3A_27 : memref<1x128xi32, #tpu.memory_space<vmem>> -> memref<128xi32, #tpu.memory_space<vmem>>
    %dma_start3A_29 = tpu.memref_slice %arg4[%multiple_of3A_12] : memref<167936xi32, #tpu.memory_space<hbm>> -> memref<128xi32, #tpu.memory_space<hbm>>
    tpu.enqueue_dma source(%dma_start3A_29 : memref<128xi32, #tpu.memory_space<hbm>>) target(%dma_start3A_28 : memref<128xi32, #tpu.memory_space<vmem>>) target_semaphore(%arg11 : memref<!tpu.dma_semaphore, #tpu.memory_space<semaphore_mem>>)
    %add3A_30 = arith.constant 128 : i32
    %add3A_31 = arith.addi %add3A, %add3A_30 : i32
    %multiple_of3A_32 = tpu.assume_multiple %add3A_31, 8 : i32
    %add3A_33 = arith.constant 128 : i32
    %add3A_34 = arith.addi %add3A, %add3A_33 : i32
    %multiple_of3A_35 = tpu.assume_multiple %add3A_34, 8 : i32
    %dma_start3A_36 = arith.constant 1 : i32
    %dma_start3A_37 = arith.constant 0 : i32
    %dma_start3A_38 = tpu.memref_slice %arg7[%dma_start3A_36, %dma_start3A_37] : memref<2x128xi32, #tpu.memory_space<vmem>> -> memref<1x128xi32, #tpu.memory_space<vmem>>
    %dma_start3A_39 = tpu.memref_squeeze %dma_start3A_38 : memref<1x128xi32, #tpu.memory_space<vmem>> -> memref<128xi32, #tpu.memory_space<vmem>>
    %dma_start3A_40 = tpu.memref_slice %arg3[%multiple_of3A_32] : memref<167936xi32, #tpu.memory_space<hbm>> -> memref<128xi32, #tpu.memory_space<hbm>>
    %dma_start3A_41 = arith.constant 0 : i32
    %dma_start3A_42 = tpu.memref_slice %arg7[%dma_start3A_36, %dma_start3A_41] : memref<2x128xi32, #tpu.memory_space<vmem>> -> memref<1x128xi32, #tpu.memory_space<vmem>>
    %dma_start3A_43 = tpu.memref_squeeze %dma_start3A_42 : memref<1x128xi32, #tpu.memory_space<vmem>> -> memref<128xi32, #tpu.memory_space<vmem>>
    %dma_start3A_44 = tpu.memref_slice %arg3[%multiple_of3A_32] : memref<167936xi32, #tpu.memory_space<hbm>> -> memref<128xi32, #tpu.memory_space<hbm>>
    tpu.enqueue_dma source(%dma_start3A_44 : memref<128xi32, #tpu.memory_space<hbm>>) target(%dma_start3A_43 : memref<128xi32, #tpu.memory_space<vmem>>) target_semaphore(%arg12 : memref<!tpu.dma_semaphore, #tpu.memory_space<semaphore_mem>>)
    %dma_start3A_45 = arith.constant 1 : i32
    %dma_start3A_46 = arith.constant 0 : i32
    %dma_start3A_47 = tpu.memref_slice %arg8[%dma_start3A_45, %dma_start3A_46] : memref<2x128xi32, #tpu.memory_space<vmem>> -> memref<1x128xi32, #tpu.memory_space<vmem>>
    %dma_start3A_48 = tpu.memref_squeeze %dma_start3A_47 : memref<1x128xi32, #tpu.memory_space<vmem>> -> memref<128xi32, #tpu.memory_space<vmem>>
    %dma_start3A_49 = tpu.memref_slice %arg4[%multiple_of3A_35] : memref<167936xi32, #tpu.memory_space<hbm>> -> memref<128xi32, #tpu.memory_space<hbm>>
    %dma_start3A_50 = arith.constant 0 : i32
    %dma_start3A_51 = tpu.memref_slice %arg8[%dma_start3A_45, %dma_start3A_50] : memref<2x128xi32, #tpu.memory_space<vmem>> -> memref<1x128xi32, #tpu.memory_space<vmem>>
    %dma_start3A_52 = tpu.memref_squeeze %dma_start3A_51 : memref<1x128xi32, #tpu.memory_space<vmem>> -> memref<128xi32, #tpu.memory_space<vmem>>
    %dma_start3A_53 = tpu.memref_slice %arg4[%multiple_of3A_35] : memref<167936xi32, #tpu.memory_space<hbm>> -> memref<128xi32, #tpu.memory_space<hbm>>
    tpu.enqueue_dma source(%dma_start3A_53 : memref<128xi32, #tpu.memory_space<hbm>>) target(%dma_start3A_52 : memref<128xi32, #tpu.memory_space<vmem>>) target_semaphore(%arg12 : memref<!tpu.dma_semaphore, #tpu.memory_space<semaphore_mem>>)
    %dma_wait3A = arith.constant 0 : i32
    %dma_wait3A_54 = arith.constant 0 : i32
    %dma_wait3A_55 = tpu.memref_slice %arg7[%dma_wait3A, %dma_wait3A_54] : memref<2x128xi32, #tpu.memory_space<vmem>> -> memref<1x128xi32, #tpu.memory_space<vmem>>
    %dma_wait3A_56 = tpu.memref_squeeze %dma_wait3A_55 : memref<1x128xi32, #tpu.memory_space<vmem>> -> memref<128xi32, #tpu.memory_space<vmem>>
    %dma_wait3A_57 = arith.constant 0 : i32
    %dma_wait3A_58 = tpu.memref_slice %arg3[%dma_wait3A_57] : memref<167936xi32, #tpu.memory_space<hbm>> -> memref<128xi32, #tpu.memory_space<hbm>>
    %dma_wait3A_59 = arith.constant 0 : i32
    %dma_wait3A_60 = tpu.memref_slice %arg7[%dma_wait3A, %dma_wait3A_59] : memref<2x128xi32, #tpu.memory_space<vmem>> -> memref<1x128xi32, #tpu.memory_space<vmem>>
    %dma_wait3A_61 = tpu.memref_squeeze %dma_wait3A_60 : memref<1x128xi32, #tpu.memory_space<vmem>> -> memref<128xi32, #tpu.memory_space<vmem>>
    %dma_wait3A_62 = arith.constant 0 : i32
    %dma_wait3A_63 = tpu.memref_slice %arg3[%dma_wait3A_62] : memref<167936xi32, #tpu.memory_space<hbm>> -> memref<128xi32, #tpu.memory_space<hbm>>
    tpu.wait_dma2 semaphore(%arg11 : memref<!tpu.dma_semaphore, #tpu.memory_space<semaphore_mem>>) src(%dma_wait3A_63 : memref<128xi32, #tpu.memory_space<hbm>>) dst(%dma_wait3A_61 : memref<128xi32, #tpu.memory_space<vmem>>)
    %dma_wait3A_64 = arith.constant 0 : i32
    %dma_wait3A_65 = arith.constant 0 : i32
    %dma_wait3A_66 = tpu.memref_slice %arg8[%dma_wait3A_64, %dma_wait3A_65] : memref<2x128xi32, #tpu.memory_space<vmem>> -> memref<1x128xi32, #tpu.memory_space<vmem>>
    %dma_wait3A_67 = tpu.memref_squeeze %dma_wait3A_66 : memref<1x128xi32, #tpu.memory_space<vmem>> -> memref<128xi32, #tpu.memory_space<vmem>>
    %dma_wait3A_68 = arith.constant 0 : i32
    %dma_wait3A_69 = tpu.memref_slice %arg4[%dma_wait3A_68] : memref<167936xi32, #tpu.memory_space<hbm>> -> memref<128xi32, #tpu.memory_space<hbm>>
    %dma_wait3A_70 = arith.constant 0 : i32
    %dma_wait3A_71 = tpu.memref_slice %arg8[%dma_wait3A_64, %dma_wait3A_70] : memref<2x128xi32, #tpu.memory_space<vmem>> -> memref<1x128xi32, #tpu.memory_space<vmem>>
    %dma_wait3A_72 = tpu.memref_squeeze %dma_wait3A_71 : memref<1x128xi32, #tpu.memory_space<vmem>> -> memref<128xi32, #tpu.memory_space<vmem>>
    %dma_wait3A_73 = arith.constant 0 : i32
    %dma_wait3A_74 = tpu.memref_slice %arg4[%dma_wait3A_73] : memref<167936xi32, #tpu.memory_space<hbm>> -> memref<128xi32, #tpu.memory_space<hbm>>
    tpu.wait_dma2 semaphore(%arg11 : memref<!tpu.dma_semaphore, #tpu.memory_space<semaphore_mem>>) src(%dma_wait3A_74 : memref<128xi32, #tpu.memory_space<hbm>>) dst(%dma_wait3A_72 : memref<128xi32, #tpu.memory_space<vmem>>)
    %dma_start3A_75 = arith.constant 0 : i32
    %dma_start3A_76 = arith.constant 0 : i32
    %dma_start3A_77 = arith.constant 0 : i32
    %dma_start3A_78 = arith.constant 0 : i32
    %dma_start3A_79 = tpu.memref_slice %arg9[%dma_start3A_76, %dma_start3A_77, %dma_start3A_78] : memref<2x128x128xf32, #tpu.memory_space<vmem>> -> memref<1x128x128xf32, #tpu.memory_space<vmem>>
    %dma_start3A_80 = tpu.memref_squeeze %dma_start3A_79 : memref<1x128x128xf32, #tpu.memory_space<vmem>> -> memref<128x128xf32, #tpu.memory_space<vmem>>
    %dma_start3A_81 = arith.constant 0 : i32
    %dma_start3A_82 = tpu.memref_slice %arg7[%dma_start3A_75, %dma_start3A_81] : memref<2x128xi32, #tpu.memory_space<vmem>> -> memref<1x128xi32, #tpu.memory_space<vmem>>
    %dma_start3A_83 = tpu.memref_squeeze %dma_start3A_82 : memref<1x128xi32, #tpu.memory_space<vmem>> -> memref<128xi32, #tpu.memory_space<vmem>>
    %dma_start3A_84 = arith.constant 0 : i32
    %dma_start3A_85 = arith.constant 0 : i32
    %dma_start3A_86 = tpu.memref_slice %arg2[%dma_start3A_84, %dma_start3A_85] : memref<10000x128xf32, #tpu.memory_space<hbm>> -> memref<10000x128xf32, #tpu.memory_space<hbm>>
    tpu.enqueue_indirect_dma source(%dma_start3A_86 : memref<10000x128xf32, #tpu.memory_space<hbm>>) target(%dma_start3A_80 : memref<128x128xf32, #tpu.memory_space<vmem>>) offsets(%dma_start3A_83 : memref<128xi32, #tpu.memory_space<vmem>>) semaphore(%arg13 : memref<!tpu.dma_semaphore, #tpu.memory_space<semaphore_mem>>)
    %scan3A = arith.constant 0 : i32
    %scan3A_87 = arith.constant 0 : i32
    %scan3A_88 = arith.constant 20 : i32
    %scan3A_89 = arith.addi %scan3A_87, %scan3A_88 : i32
    %scan3A_90 = arith.constant 1 : i32
    scf.for %scan3A_113 = %scan3A_87 to %scan3A_89 step %scan3A_90  : i32 {
      %mul3A_114 = arith.constant 2 : i32
      %mul3A_115 = arith.muli %mul3A_114, %scan3A_113 : i32
      %dma_wait3A_116 = arith.constant 1 : i32
      %dma_wait3A_117 = arith.constant 0 : i32
      %dma_wait3A_118 = tpu.memref_slice %arg7[%dma_wait3A_116, %dma_wait3A_117] : memref<2x128xi32, #tpu.memory_space<vmem>> -> memref<1x128xi32, #tpu.memory_space<vmem>>
      %dma_wait3A_119 = tpu.memref_squeeze %dma_wait3A_118 : memref<1x128xi32, #tpu.memory_space<vmem>> -> memref<128xi32, #tpu.memory_space<vmem>>
      %dma_wait3A_120 = arith.constant 0 : i32
      %dma_wait3A_121 = tpu.memref_slice %arg3[%dma_wait3A_120] : memref<167936xi32, #tpu.memory_space<hbm>> -> memref<128xi32, #tpu.memory_space<hbm>>
      %dma_wait3A_122 = arith.constant 0 : i32
      %dma_wait3A_123 = tpu.memref_slice %arg7[%dma_wait3A_116, %dma_wait3A_122] : memref<2x128xi32, #tpu.memory_space<vmem>> -> memref<1x128xi32, #tpu.memory_space<vmem>>
      %dma_wait3A_124 = tpu.memref_squeeze %dma_wait3A_123 : memref<1x128xi32, #tpu.memory_space<vmem>> -> memref<128xi32, #tpu.memory_space<vmem>>
      %dma_wait3A_125 = arith.constant 0 : i32
      %dma_wait3A_126 = tpu.memref_slice %arg3[%dma_wait3A_125] : memref<167936xi32, #tpu.memory_space<hbm>> -> memref<128xi32, #tpu.memory_space<hbm>>
      tpu.wait_dma2 semaphore(%arg12 : memref<!tpu.dma_semaphore, #tpu.memory_space<semaphore_mem>>) src(%dma_wait3A_126 : memref<128xi32, #tpu.memory_space<hbm>>) dst(%dma_wait3A_124 : memref<128xi32, #tpu.memory_space<vmem>>)
      %dma_wait3A_127 = arith.constant 1 : i32
      %dma_wait3A_128 = arith.constant 0 : i32
      %dma_wait3A_129 = tpu.memref_slice %arg8[%dma_wait3A_127, %dma_wait3A_128] : memref<2x128xi32, #tpu.memory_space<vmem>> -> memref<1x128xi32, #tpu.memory_space<vmem>>
      %dma_wait3A_130 = tpu.memref_squeeze %dma_wait3A_129 : memref<1x128xi32, #tpu.memory_space<vmem>> -> memref<128xi32, #tpu.memory_space<vmem>>
      %dma_wait3A_131 = arith.constant 0 : i32
      %dma_wait3A_132 = tpu.memref_slice %arg4[%dma_wait3A_131] : memref<167936xi32, #tpu.memory_space<hbm>> -> memref<128xi32, #tpu.memory_space<hbm>>
      %dma_wait3A_133 = arith.constant 0 : i32
      %dma_wait3A_134 = tpu.memref_slice %arg8[%dma_wait3A_127, %dma_wait3A_133] : memref<2x128xi32, #tpu.memory_space<vmem>> -> memref<1x128xi32, #tpu.memory_space<vmem>>
      %dma_wait3A_135 = tpu.memref_squeeze %dma_wait3A_134 : memref<1x128xi32, #tpu.memory_space<vmem>> -> memref<128xi32, #tpu.memory_space<vmem>>
      %dma_wait3A_136 = arith.constant 0 : i32
      %dma_wait3A_137 = tpu.memref_slice %arg4[%dma_wait3A_136] : memref<167936xi32, #tpu.memory_space<hbm>> -> memref<128xi32, #tpu.memory_space<hbm>>
      tpu.wait_dma2 semaphore(%arg12 : memref<!tpu.dma_semaphore, #tpu.memory_space<semaphore_mem>>) src(%dma_wait3A_137 : memref<128xi32, #tpu.memory_space<hbm>>) dst(%dma_wait3A_135 : memref<128xi32, #tpu.memory_space<vmem>>)
      %dma_start3A_138 = arith.constant 1 : i32
      %dma_start3A_139 = arith.constant 1 : i32
      %dma_start3A_140 = arith.constant 0 : i32
      %dma_start3A_141 = arith.constant 0 : i32
      %dma_start3A_142 = tpu.memref_slice %arg9[%dma_start3A_139, %dma_start3A_140, %dma_start3A_141] : memref<2x128x128xf32, #tpu.memory_space<vmem>> -> memref<1x128x128xf32, #tpu.memory_space<vmem>>
      %dma_start3A_143 = tpu.memref_squeeze %dma_start3A_142 : memref<1x128x128xf32, #tpu.memory_space<vmem>> -> memref<128x128xf32, #tpu.memory_space<vmem>>
      %dma_start3A_144 = arith.constant 0 : i32
      %dma_start3A_145 = tpu.memref_slice %arg7[%dma_start3A_138, %dma_start3A_144] : memref<2x128xi32, #tpu.memory_space<vmem>> -> memref<1x128xi32, #tpu.memory_space<vmem>>
      %dma_start3A_146 = tpu.memref_squeeze %dma_start3A_145 : memref<1x128xi32, #tpu.memory_space<vmem>> -> memref<128xi32, #tpu.memory_space<vmem>>
      %dma_start3A_147 = arith.constant 0 : i32
      %dma_start3A_148 = arith.constant 0 : i32
      %dma_start3A_149 = tpu.memref_slice %arg2[%dma_start3A_147, %dma_start3A_148] : memref<10000x128xf32, #tpu.memory_space<hbm>> -> memref<10000x128xf32, #tpu.memory_space<hbm>>
      tpu.enqueue_indirect_dma source(%dma_start3A_149 : memref<10000x128xf32, #tpu.memory_space<hbm>>) target(%dma_start3A_143 : memref<128x128xf32, #tpu.memory_space<vmem>>) offsets(%dma_start3A_146 : memref<128xi32, #tpu.memory_space<vmem>>) semaphore(%arg14 : memref<!tpu.dma_semaphore, #tpu.memory_space<semaphore_mem>>)
      %dma_wait3A_150 = arith.constant 0 : i32
      %dma_wait3A_151 = arith.constant 0 : i32
      %dma_wait3A_152 = arith.constant 0 : i32
      %dma_wait3A_153 = arith.constant 0 : i32
      %dma_wait3A_154 = tpu.memref_slice %arg9[%dma_wait3A_151, %dma_wait3A_152, %dma_wait3A_153] : memref<2x128x128xf32, #tpu.memory_space<vmem>> -> memref<1x128x128xf32, #tpu.memory_space<vmem>>
      %dma_wait3A_155 = tpu.memref_squeeze %dma_wait3A_154 : memref<1x128x128xf32, #tpu.memory_space<vmem>> -> memref<128x128xf32, #tpu.memory_space<vmem>>
      %dma_wait3A_156 = arith.constant 0 : i32
      %dma_wait3A_157 = tpu.memref_slice %arg7[%dma_wait3A_150, %dma_wait3A_156] : memref<2x128xi32, #tpu.memory_space<vmem>> -> memref<1x128xi32, #tpu.memory_space<vmem>>
      %dma_wait3A_158 = tpu.memref_squeeze %dma_wait3A_157 : memref<1x128xi32, #tpu.memory_space<vmem>> -> memref<128xi32, #tpu.memory_space<vmem>>
      %dma_wait3A_159 = arith.constant 0 : i32
      %dma_wait3A_160 = arith.constant 0 : i32
      %dma_wait3A_161 = tpu.memref_slice %arg2[%dma_wait3A_159, %dma_wait3A_160] : memref<10000x128xf32, #tpu.memory_space<hbm>> -> memref<10000x128xf32, #tpu.memory_space<hbm>>
      tpu.wait_indirect_dma semaphore(%arg13 : memref<!tpu.dma_semaphore, #tpu.memory_space<semaphore_mem>>) src(%dma_wait3A_161 : memref<10000x128xf32, #tpu.memory_space<hbm>>) dst(%dma_wait3A_155 : memref<128x128xf32, #tpu.memory_space<vmem>>)
      %run_scoped3A_162 = arith.constant 0 : i32
      %run_scoped3A_163 = arith.constant 0 : i32
      "tpu.region"() ({
        %run_scoped3A_191 = tpu.sem_alloc : memref<!tpu.dma_semaphore, #tpu.memory_space<semaphore_mem>>
        %dma_start3A_192 = arith.constant 0 : i32
        %dma_start3A_193 = arith.constant 0 : i32
        %dma_start3A_194 = tpu.memref_slice %arg9[%run_scoped3A_162, %dma_start3A_192, %dma_start3A_193] : memref<2x128x128xf32, #tpu.memory_space<vmem>> -> memref<1x128x128xf32, #tpu.memory_space<vmem>>
        %dma_start3A_195 = tpu.memref_squeeze %dma_start3A_194 : memref<1x128x128xf32, #tpu.memory_space<vmem>> -> memref<128x128xf32, #tpu.memory_space<vmem>>
        %dma_start3A_196 = arith.constant 0 : i32
        %dma_start3A_197 = tpu.memref_slice %arg8[%run_scoped3A_163, %dma_start3A_196] : memref<2x128xi32, #tpu.memory_space<vmem>> -> memref<1x128xi32, #tpu.memory_space<vmem>>
        %dma_start3A_198 = tpu.memref_squeeze %dma_start3A_197 : memref<1x128xi32, #tpu.memory_space<vmem>> -> memref<128xi32, #tpu.memory_space<vmem>>
        %dma_start3A_199 = arith.constant 0 : i32
        %dma_start3A_200 = arith.constant 0 : i32
        %dma_start3A_201 = tpu.memref_slice %arg10[%dma_start3A_199, %dma_start3A_200] : memref<10016x128xf32, #tpu.memory_space<vmem_shared>> -> memref<10016x128xf32, #tpu.memory_space<vmem_shared>>
        tpu.enqueue_indirect_dma source(%dma_start3A_195 : memref<128x128xf32, #tpu.memory_space<vmem>>) target(%dma_start3A_201 : memref<10016x128xf32, #tpu.memory_space<vmem_shared>>) offsets(%dma_start3A_198 : memref<128xi32, #tpu.memory_space<vmem>>) semaphore(%run_scoped3A_191 : memref<!tpu.dma_semaphore, #tpu.memory_space<semaphore_mem>>) {add = true}
        %dma_wait3A_202 = arith.constant 0 : i32
        %dma_wait3A_203 = arith.constant 0 : i32
        %dma_wait3A_204 = tpu.memref_slice %arg9[%run_scoped3A_162, %dma_wait3A_202, %dma_wait3A_203] : memref<2x128x128xf32, #tpu.memory_space<vmem>> -> memref<1x128x128xf32, #tpu.memory_space<vmem>>
        %dma_wait3A_205 = tpu.memref_squeeze %dma_wait3A_204 : memref<1x128x128xf32, #tpu.memory_space<vmem>> -> memref<128x128xf32, #tpu.memory_space<vmem>>
        %dma_wait3A_206 = arith.constant 0 : i32
        %dma_wait3A_207 = tpu.memref_slice %arg8[%run_scoped3A_163, %dma_wait3A_206] : memref<2x128xi32, #tpu.memory_space<vmem>> -> memref<1x128xi32, #tpu.memory_space<vmem>>
        %dma_wait3A_208 = tpu.memref_squeeze %dma_wait3A_207 : memref<1x128xi32, #tpu.memory_space<vmem>> -> memref<128xi32, #tpu.memory_space<vmem>>
        %dma_wait3A_209 = arith.constant 0 : i32
        %dma_wait3A_210 = arith.constant 0 : i32
        %dma_wait3A_211 = tpu.memref_slice %arg10[%dma_wait3A_209, %dma_wait3A_210] : memref<10016x128xf32, #tpu.memory_space<vmem_shared>> -> memref<10016x128xf32, #tpu.memory_space<vmem_shared>>
        tpu.wait_indirect_dma semaphore(%run_scoped3A_191 : memref<!tpu.dma_semaphore, #tpu.memory_space<semaphore_mem>>) src(%dma_wait3A_205 : memref<128x128xf32, #tpu.memory_space<vmem>>) dst(%dma_wait3A_211 : memref<10016x128xf32, #tpu.memory_space<vmem_shared>>)
        tpu.yield
      }) : () -> ()
      %add3A_164 = arith.constant 2 : i32
      %add3A_165 = arith.addi %mul3A_115, %add3A_164 : i32
      %lt3A = arith.constant 41 : i32
      %lt3A_166 = arith.cmpi slt, %add3A_165, %lt3A : i32
      %convert_element_type3A_167 = arith.extui %lt3A_166 : i1 to i32
      %cond3A_168 = arith.constant 0 : i32
      %cond3A_169 = arith.cmpi ne, %convert_element_type3A_167, %cond3A_168 : i32
      scf.if %cond3A_169 {
        %add3A_191 = arith.constant 2 : i32
        %add3A_192 = arith.addi %mul3A_115, %add3A_191 : i32
        %mul3A_193 = arith.constant 128 : i32
        %mul3A_194 = arith.muli %add3A_192, %mul3A_193 : i32
        %add3A_195 = arith.addi %add3A, %mul3A_194 : i32
        %multiple_of3A_196 = tpu.assume_multiple %add3A_195, 8 : i32
        %mul3A_197 = arith.constant 128 : i32
        %mul3A_198 = arith.muli %add3A_192, %mul3A_197 : i32
        %add3A_199 = arith.addi %add3A, %mul3A_198 : i32
        %multiple_of3A_200 = tpu.assume_multiple %add3A_199, 8 : i32
        %dma_start3A_201 = arith.constant 0 : i32
        %dma_start3A_202 = arith.constant 0 : i32
        %dma_start3A_203 = tpu.memref_slice %arg7[%dma_start3A_201, %dma_start3A_202] : memref<2x128xi32, #tpu.memory_space<vmem>> -> memref<1x128xi32, #tpu.memory_space<vmem>>
        %dma_start3A_204 = tpu.memref_squeeze %dma_start3A_203 : memref<1x128xi32, #tpu.memory_space<vmem>> -> memref<128xi32, #tpu.memory_space<vmem>>
        %dma_start3A_205 = tpu.memref_slice %arg3[%multiple_of3A_196] : memref<167936xi32, #tpu.memory_space<hbm>> -> memref<128xi32, #tpu.memory_space<hbm>>
        %dma_start3A_206 = arith.constant 0 : i32
        %dma_start3A_207 = tpu.memref_slice %arg7[%dma_start3A_201, %dma_start3A_206] : memref<2x128xi32, #tpu.memory_space<vmem>> -> memref<1x128xi32, #tpu.memory_space<vmem>>
        %dma_start3A_208 = tpu.memref_squeeze %dma_start3A_207 : memref<1x128xi32, #tpu.memory_space<vmem>> -> memref<128xi32, #tpu.memory_space<vmem>>
        %dma_start3A_209 = tpu.memref_slice %arg3[%multiple_of3A_196] : memref<167936xi32, #tpu.memory_space<hbm>> -> memref<128xi32, #tpu.memory_space<hbm>>
        tpu.enqueue_dma source(%dma_start3A_209 : memref<128xi32, #tpu.memory_space<hbm>>) target(%dma_start3A_208 : memref<128xi32, #tpu.memory_space<vmem>>) target_semaphore(%arg11 : memref<!tpu.dma_semaphore, #tpu.memory_space<semaphore_mem>>)
        %dma_start3A_210 = arith.constant 0 : i32
        %dma_start3A_211 = arith.constant 0 : i32
        %dma_start3A_212 = tpu.memref_slice %arg8[%dma_start3A_210, %dma_start3A_211] : memref<2x128xi32, #tpu.memory_space<vmem>> -> memref<1x128xi32, #tpu.memory_space<vmem>>
        %dma_start3A_213 = tpu.memref_squeeze %dma_start3A_212 : memref<1x128xi32, #tpu.memory_space<vmem>> -> memref<128xi32, #tpu.memory_space<vmem>>
        %dma_start3A_214 = tpu.memref_slice %arg4[%multiple_of3A_200] : memref<167936xi32, #tpu.memory_space<hbm>> -> memref<128xi32, #tpu.memory_space<hbm>>
        %dma_start3A_215 = arith.constant 0 : i32
        %dma_start3A_216 = tpu.memref_slice %arg8[%dma_start3A_210, %dma_start3A_215] : memref<2x128xi32, #tpu.memory_space<vmem>> -> memref<1x128xi32, #tpu.memory_space<vmem>>
        %dma_start3A_217 = tpu.memref_squeeze %dma_start3A_216 : memref<1x128xi32, #tpu.memory_space<vmem>> -> memref<128xi32, #tpu.memory_space<vmem>>
        %dma_start3A_218 = tpu.memref_slice %arg4[%multiple_of3A_200] : memref<167936xi32, #tpu.memory_space<hbm>> -> memref<128xi32, #tpu.memory_space<hbm>>
        tpu.enqueue_dma source(%dma_start3A_218 : memref<128xi32, #tpu.memory_space<hbm>>) target(%dma_start3A_217 : memref<128xi32, #tpu.memory_space<vmem>>) target_semaphore(%arg11 : memref<!tpu.dma_semaphore, #tpu.memory_space<semaphore_mem>>)
        %dma_wait3A_219 = arith.constant 0 : i32
        %dma_wait3A_220 = arith.constant 0 : i32
        %dma_wait3A_221 = tpu.memref_slice %arg7[%dma_wait3A_219, %dma_wait3A_220] : memref<2x128xi32, #tpu.memory_space<vmem>> -> memref<1x128xi32, #tpu.memory_space<vmem>>
        %dma_wait3A_222 = tpu.memref_squeeze %dma_wait3A_221 : memref<1x128xi32, #tpu.memory_space<vmem>> -> memref<128xi32, #tpu.memory_space<vmem>>
        %dma_wait3A_223 = arith.constant 0 : i32
        %dma_wait3A_224 = tpu.memref_slice %arg3[%dma_wait3A_223] : memref<167936xi32, #tpu.memory_space<hbm>> -> memref<128xi32, #tpu.memory_space<hbm>>
        %dma_wait3A_225 = arith.constant 0 : i32
        %dma_wait3A_226 = tpu.memref_slice %arg7[%dma_wait3A_219, %dma_wait3A_225] : memref<2x128xi32, #tpu.memory_space<vmem>> -> memref<1x128xi32, #tpu.memory_space<vmem>>
        %dma_wait3A_227 = tpu.memref_squeeze %dma_wait3A_226 : memref<1x128xi32, #tpu.memory_space<vmem>> -> memref<128xi32, #tpu.memory_space<vmem>>
        %dma_wait3A_228 = arith.constant 0 : i32
        %dma_wait3A_229 = tpu.memref_slice %arg3[%dma_wait3A_228] : memref<167936xi32, #tpu.memory_space<hbm>> -> memref<128xi32, #tpu.memory_space<hbm>>
        tpu.wait_dma2 semaphore(%arg11 : memref<!tpu.dma_semaphore, #tpu.memory_space<semaphore_mem>>) src(%dma_wait3A_229 : memref<128xi32, #tpu.memory_space<hbm>>) dst(%dma_wait3A_227 : memref<128xi32, #tpu.memory_space<vmem>>)
        %dma_wait3A_230 = arith.constant 0 : i32
        %dma_wait3A_231 = arith.constant 0 : i32
        %dma_wait3A_232 = tpu.memref_slice %arg8[%dma_wait3A_230, %dma_wait3A_231] : memref<2x128xi32, #tpu.memory_space<vmem>> -> memref<1x128xi32, #tpu.memory_space<vmem>>
        %dma_wait3A_233 = tpu.memref_squeeze %dma_wait3A_232 : memref<1x128xi32, #tpu.memory_space<vmem>> -> memref<128xi32, #tpu.memory_space<vmem>>
        %dma_wait3A_234 = arith.constant 0 : i32
        %dma_wait3A_235 = tpu.memref_slice %arg4[%dma_wait3A_234] : memref<167936xi32, #tpu.memory_space<hbm>> -> memref<128xi32, #tpu.memory_space<hbm>>
        %dma_wait3A_236 = arith.constant 0 : i32
        %dma_wait3A_237 = tpu.memref_slice %arg8[%dma_wait3A_230, %dma_wait3A_236] : memref<2x128xi32, #tpu.memory_space<vmem>> -> memref<1x128xi32, #tpu.memory_space<vmem>>
        %dma_wait3A_238 = tpu.memref_squeeze %dma_wait3A_237 : memref<1x128xi32, #tpu.memory_space<vmem>> -> memref<128xi32, #tpu.memory_space<vmem>>
        %dma_wait3A_239 = arith.constant 0 : i32
        %dma_wait3A_240 = tpu.memref_slice %arg4[%dma_wait3A_239] : memref<167936xi32, #tpu.memory_space<hbm>> -> memref<128xi32, #tpu.memory_space<hbm>>
        tpu.wait_dma2 semaphore(%arg11 : memref<!tpu.dma_semaphore, #tpu.memory_space<semaphore_mem>>) src(%dma_wait3A_240 : memref<128xi32, #tpu.memory_space<hbm>>) dst(%dma_wait3A_238 : memref<128xi32, #tpu.memory_space<vmem>>)
        %dma_start3A_241 = arith.constant 0 : i32
        %dma_start3A_242 = arith.constant 0 : i32
        %dma_start3A_243 = arith.constant 0 : i32
        %dma_start3A_244 = arith.constant 0 : i32
        %dma_start3A_245 = tpu.memref_slice %arg9[%dma_start3A_242, %dma_start3A_243, %dma_start3A_244] : memref<2x128x128xf32, #tpu.memory_space<vmem>> -> memref<1x128x128xf32, #tpu.memory_space<vmem>>
        %dma_start3A_246 = tpu.memref_squeeze %dma_start3A_245 : memref<1x128x128xf32, #tpu.memory_space<vmem>> -> memref<128x128xf32, #tpu.memory_space<vmem>>
        %dma_start3A_247 = arith.constant 0 : i32
        %dma_start3A_248 = tpu.memref_slice %arg7[%dma_start3A_241, %dma_start3A_247] : memref<2x128xi32, #tpu.memory_space<vmem>> -> memref<1x128xi32, #tpu.memory_space<vmem>>
        %dma_start3A_249 = tpu.memref_squeeze %dma_start3A_248 : memref<1x128xi32, #tpu.memory_space<vmem>> -> memref<128xi32, #tpu.memory_space<vmem>>
        %dma_start3A_250 = arith.constant 0 : i32
        %dma_start3A_251 = arith.constant 0 : i32
        %dma_start3A_252 = tpu.memref_slice %arg2[%dma_start3A_250, %dma_start3A_251] : memref<10000x128xf32, #tpu.memory_space<hbm>> -> memref<10000x128xf32, #tpu.memory_space<hbm>>
        tpu.enqueue_indirect_dma source(%dma_start3A_252 : memref<10000x128xf32, #tpu.memory_space<hbm>>) target(%dma_start3A_246 : memref<128x128xf32, #tpu.memory_space<vmem>>) offsets(%dma_start3A_249 : memref<128xi32, #tpu.memory_space<vmem>>) semaphore(%arg13 : memref<!tpu.dma_semaphore, #tpu.memory_space<semaphore_mem>>)
      } else {
      }
      %dma_wait3A_170 = arith.constant 1 : i32
      %dma_wait3A_171 = arith.constant 1 : i32
      %dma_wait3A_172 = arith.constant 0 : i32
      %dma_wait3A_173 = arith.constant 0 : i32
      %dma_wait3A_174 = tpu.memref_slice %arg9[%dma_wait3A_171, %dma_wait3A_172, %dma_wait3A_173] : memref<2x128x128xf32, #tpu.memory_space<vmem>> -> memref<1x128x128xf32, #tpu.memory_space<vmem>>
      %dma_wait3A_175 = tpu.memref_squeeze %dma_wait3A_174 : memref<1x128x128xf32, #tpu.memory_space<vmem>> -> memref<128x128xf32, #tpu.memory_space<vmem>>
      %dma_wait3A_176 = arith.constant 0 : i32
      %dma_wait3A_177 = tpu.memref_slice %arg7[%dma_wait3A_170, %dma_wait3A_176] : memref<2x128xi32, #tpu.memory_space<vmem>> -> memref<1x128xi32, #tpu.memory_space<vmem>>
      %dma_wait3A_178 = tpu.memref_squeeze %dma_wait3A_177 : memref<1x128xi32, #tpu.memory_space<vmem>> -> memref<128xi32, #tpu.memory_space<vmem>>
      %dma_wait3A_179 = arith.constant 0 : i32
      %dma_wait3A_180 = arith.constant 0 : i32
      %dma_wait3A_181 = tpu.memref_slice %arg2[%dma_wait3A_179, %dma_wait3A_180] : memref<10000x128xf32, #tpu.memory_space<hbm>> -> memref<10000x128xf32, #tpu.memory_space<hbm>>
      tpu.wait_indirect_dma semaphore(%arg14 : memref<!tpu.dma_semaphore, #tpu.memory_space<semaphore_mem>>) src(%dma_wait3A_181 : memref<10000x128xf32, #tpu.memory_space<hbm>>) dst(%dma_wait3A_175 : memref<128x128xf32, #tpu.memory_space<vmem>>)
      %run_scoped3A_182 = arith.constant 1 : i32
      %run_scoped3A_183 = arith.constant 1 : i32
      "tpu.region"() ({
        %run_scoped3A_191 = tpu.sem_alloc : memref<!tpu.dma_semaphore, #tpu.memory_space<semaphore_mem>>
        %dma_start3A_192 = arith.constant 0 : i32
        %dma_start3A_193 = arith.constant 0 : i32
        %dma_start3A_194 = tpu.memref_slice %arg9[%run_scoped3A_182, %dma_start3A_192, %dma_start3A_193] : memref<2x128x128xf32, #tpu.memory_space<vmem>> -> memref<1x128x128xf32, #tpu.memory_space<vmem>>
        %dma_start3A_195 = tpu.memref_squeeze %dma_start3A_194 : memref<1x128x128xf32, #tpu.memory_space<vmem>> -> memref<128x128xf32, #tpu.memory_space<vmem>>
        %dma_start3A_196 = arith.constant 0 : i32
        %dma_start3A_197 = tpu.memref_slice %arg8[%run_scoped3A_183, %dma_start3A_196] : memref<2x128xi32, #tpu.memory_space<vmem>> -> memref<1x128xi32, #tpu.memory_space<vmem>>
        %dma_start3A_198 = tpu.memref_squeeze %dma_start3A_197 : memref<1x128xi32, #tpu.memory_space<vmem>> -> memref<128xi32, #tpu.memory_space<vmem>>
        %dma_start3A_199 = arith.constant 0 : i32
        %dma_start3A_200 = arith.constant 0 : i32
        %dma_start3A_201 = tpu.memref_slice %arg10[%dma_start3A_199, %dma_start3A_200] : memref<10016x128xf32, #tpu.memory_space<vmem_shared>> -> memref<10016x128xf32, #tpu.memory_space<vmem_shared>>
        tpu.enqueue_indirect_dma source(%dma_start3A_195 : memref<128x128xf32, #tpu.memory_space<vmem>>) target(%dma_start3A_201 : memref<10016x128xf32, #tpu.memory_space<vmem_shared>>) offsets(%dma_start3A_198 : memref<128xi32, #tpu.memory_space<vmem>>) semaphore(%run_scoped3A_191 : memref<!tpu.dma_semaphore, #tpu.memory_space<semaphore_mem>>) {add = true}
        %dma_wait3A_202 = arith.constant 0 : i32
        %dma_wait3A_203 = arith.constant 0 : i32
        %dma_wait3A_204 = tpu.memref_slice %arg9[%run_scoped3A_182, %dma_wait3A_202, %dma_wait3A_203] : memref<2x128x128xf32, #tpu.memory_space<vmem>> -> memref<1x128x128xf32, #tpu.memory_space<vmem>>
        %dma_wait3A_205 = tpu.memref_squeeze %dma_wait3A_204 : memref<1x128x128xf32, #tpu.memory_space<vmem>> -> memref<128x128xf32, #tpu.memory_space<vmem>>
        %dma_wait3A_206 = arith.constant 0 : i32
        %dma_wait3A_207 = tpu.memref_slice %arg8[%run_scoped3A_183, %dma_wait3A_206] : memref<2x128xi32, #tpu.memory_space<vmem>> -> memref<1x128xi32, #tpu.memory_space<vmem>>
        %dma_wait3A_208 = tpu.memref_squeeze %dma_wait3A_207 : memref<1x128xi32, #tpu.memory_space<vmem>> -> memref<128xi32, #tpu.memory_space<vmem>>
        %dma_wait3A_209 = arith.constant 0 : i32
        %dma_wait3A_210 = arith.constant 0 : i32
        %dma_wait3A_211 = tpu.memref_slice %arg10[%dma_wait3A_209, %dma_wait3A_210] : memref<10016x128xf32, #tpu.memory_space<vmem_shared>> -> memref<10016x128xf32, #tpu.memory_space<vmem_shared>>
        tpu.wait_indirect_dma semaphore(%run_scoped3A_191 : memref<!tpu.dma_semaphore, #tpu.memory_space<semaphore_mem>>) src(%dma_wait3A_205 : memref<128x128xf32, #tpu.memory_space<vmem>>) dst(%dma_wait3A_211 : memref<10016x128xf32, #tpu.memory_space<vmem_shared>>)
        tpu.yield
      }) : () -> ()
      %add3A_184 = arith.constant 3 : i32
      %add3A_185 = arith.addi %mul3A_115, %add3A_184 : i32
      %lt3A_186 = arith.constant 41 : i32
      %lt3A_187 = arith.cmpi slt, %add3A_185, %lt3A_186 : i32
      %convert_element_type3A_188 = arith.extui %lt3A_187 : i1 to i32
      %cond3A_189 = arith.constant 0 : i32
      %cond3A_190 = arith.cmpi ne, %convert_element_type3A_188, %cond3A_189 : i32
      scf.if %cond3A_190 {
        %add3A_191 = arith.constant 3 : i32
        %add3A_192 = arith.addi %mul3A_115, %add3A_191 : i32
        %mul3A_193 = arith.constant 128 : i32
        %mul3A_194 = arith.muli %add3A_192, %mul3A_193 : i32
        %add3A_195 = arith.addi %add3A, %mul3A_194 : i32
        %multiple_of3A_196 = tpu.assume_multiple %add3A_195, 8 : i32
        %mul3A_197 = arith.constant 128 : i32
        %mul3A_198 = arith.muli %add3A_192, %mul3A_197 : i32
        %add3A_199 = arith.addi %add3A, %mul3A_198 : i32
        %multiple_of3A_200 = tpu.assume_multiple %add3A_199, 8 : i32
        %dma_start3A_201 = arith.constant 1 : i32
        %dma_start3A_202 = arith.constant 0 : i32
        %dma_start3A_203 = tpu.memref_slice %arg7[%dma_start3A_201, %dma_start3A_202] : memref<2x128xi32, #tpu.memory_space<vmem>> -> memref<1x128xi32, #tpu.memory_space<vmem>>
        %dma_start3A_204 = tpu.memref_squeeze %dma_start3A_203 : memref<1x128xi32, #tpu.memory_space<vmem>> -> memref<128xi32, #tpu.memory_space<vmem>>
        %dma_start3A_205 = tpu.memref_slice %arg3[%multiple_of3A_196] : memref<167936xi32, #tpu.memory_space<hbm>> -> memref<128xi32, #tpu.memory_space<hbm>>
        %dma_start3A_206 = arith.constant 0 : i32
        %dma_start3A_207 = tpu.memref_slice %arg7[%dma_start3A_201, %dma_start3A_206] : memref<2x128xi32, #tpu.memory_space<vmem>> -> memref<1x128xi32, #tpu.memory_space<vmem>>
        %dma_start3A_208 = tpu.memref_squeeze %dma_start3A_207 : memref<1x128xi32, #tpu.memory_space<vmem>> -> memref<128xi32, #tpu.memory_space<vmem>>
        %dma_start3A_209 = tpu.memref_slice %arg3[%multiple_of3A_196] : memref<167936xi32, #tpu.memory_space<hbm>> -> memref<128xi32, #tpu.memory_space<hbm>>
        tpu.enqueue_dma source(%dma_start3A_209 : memref<128xi32, #tpu.memory_space<hbm>>) target(%dma_start3A_208 : memref<128xi32, #tpu.memory_space<vmem>>) target_semaphore(%arg12 : memref<!tpu.dma_semaphore, #tpu.memory_space<semaphore_mem>>)
        %dma_start3A_210 = arith.constant 1 : i32
        %dma_start3A_211 = arith.constant 0 : i32
        %dma_start3A_212 = tpu.memref_slice %arg8[%dma_start3A_210, %dma_start3A_211] : memref<2x128xi32, #tpu.memory_space<vmem>> -> memref<1x128xi32, #tpu.memory_space<vmem>>
        %dma_start3A_213 = tpu.memref_squeeze %dma_start3A_212 : memref<1x128xi32, #tpu.memory_space<vmem>> -> memref<128xi32, #tpu.memory_space<vmem>>
        %dma_start3A_214 = tpu.memref_slice %arg4[%multiple_of3A_200] : memref<167936xi32, #tpu.memory_space<hbm>> -> memref<128xi32, #tpu.memory_space<hbm>>
        %dma_start3A_215 = arith.constant 0 : i32
        %dma_start3A_216 = tpu.memref_slice %arg8[%dma_start3A_210, %dma_start3A_215] : memref<2x128xi32, #tpu.memory_space<vmem>> -> memref<1x128xi32, #tpu.memory_space<vmem>>
        %dma_start3A_217 = tpu.memref_squeeze %dma_start3A_216 : memref<1x128xi32, #tpu.memory_space<vmem>> -> memref<128xi32, #tpu.memory_space<vmem>>
        %dma_start3A_218 = tpu.memref_slice %arg4[%multiple_of3A_200] : memref<167936xi32, #tpu.memory_space<hbm>> -> memref<128xi32, #tpu.memory_space<hbm>>
        tpu.enqueue_dma source(%dma_start3A_218 : memref<128xi32, #tpu.memory_space<hbm>>) target(%dma_start3A_217 : memref<128xi32, #tpu.memory_space<vmem>>) target_semaphore(%arg12 : memref<!tpu.dma_semaphore, #tpu.memory_space<semaphore_mem>>)
      } else {
      }
    }
    %scan3A_91 = arith.constant 20 : i32
    %dma_wait3A_92 = arith.constant 0 : i32
    %dma_wait3A_93 = arith.constant 0 : i32
    %dma_wait3A_94 = arith.constant 0 : i32
    %dma_wait3A_95 = arith.constant 0 : i32
    %dma_wait3A_96 = tpu.memref_slice %arg9[%dma_wait3A_93, %dma_wait3A_94, %dma_wait3A_95] : memref<2x128x128xf32, #tpu.memory_space<vmem>> -> memref<1x128x128xf32, #tpu.memory_space<vmem>>
    %dma_wait3A_97 = tpu.memref_squeeze %dma_wait3A_96 : memref<1x128x128xf32, #tpu.memory_space<vmem>> -> memref<128x128xf32, #tpu.memory_space<vmem>>
    %dma_wait3A_98 = arith.constant 0 : i32
    %dma_wait3A_99 = tpu.memref_slice %arg7[%dma_wait3A_92, %dma_wait3A_98] : memref<2x128xi32, #tpu.memory_space<vmem>> -> memref<1x128xi32, #tpu.memory_space<vmem>>
    %dma_wait3A_100 = tpu.memref_squeeze %dma_wait3A_99 : memref<1x128xi32, #tpu.memory_space<vmem>> -> memref<128xi32, #tpu.memory_space<vmem>>
    %dma_wait3A_101 = arith.constant 0 : i32
    %dma_wait3A_102 = arith.constant 0 : i32
    %dma_wait3A_103 = tpu.memref_slice %arg2[%dma_wait3A_101, %dma_wait3A_102] : memref<10000x128xf32, #tpu.memory_space<hbm>> -> memref<10000x128xf32, #tpu.memory_space<hbm>>
    tpu.wait_indirect_dma semaphore(%arg13 : memref<!tpu.dma_semaphore, #tpu.memory_space<semaphore_mem>>) src(%dma_wait3A_103 : memref<10000x128xf32, #tpu.memory_space<hbm>>) dst(%dma_wait3A_97 : memref<128x128xf32, #tpu.memory_space<vmem>>)
    %run_scoped3A = arith.constant 0 : i32
    %run_scoped3A_104 = arith.constant 0 : i32
    "tpu.region"() ({
      %run_scoped3A_113 = tpu.sem_alloc : memref<!tpu.dma_semaphore, #tpu.memory_space<semaphore_mem>>
      %dma_start3A_114 = arith.constant 0 : i32
      %dma_start3A_115 = arith.constant 0 : i32
      %dma_start3A_116 = tpu.memref_slice %arg9[%run_scoped3A, %dma_start3A_114, %dma_start3A_115] : memref<2x128x128xf32, #tpu.memory_space<vmem>> -> memref<1x128x128xf32, #tpu.memory_space<vmem>>
      %dma_start3A_117 = tpu.memref_squeeze %dma_start3A_116 : memref<1x128x128xf32, #tpu.memory_space<vmem>> -> memref<128x128xf32, #tpu.memory_space<vmem>>
      %dma_start3A_118 = arith.constant 0 : i32
      %dma_start3A_119 = tpu.memref_slice %arg8[%run_scoped3A_104, %dma_start3A_118] : memref<2x128xi32, #tpu.memory_space<vmem>> -> memref<1x128xi32, #tpu.memory_space<vmem>>
      %dma_start3A_120 = tpu.memref_squeeze %dma_start3A_119 : memref<1x128xi32, #tpu.memory_space<vmem>> -> memref<128xi32, #tpu.memory_space<vmem>>
      %dma_start3A_121 = arith.constant 0 : i32
      %dma_start3A_122 = arith.constant 0 : i32
      %dma_start3A_123 = tpu.memref_slice %arg10[%dma_start3A_121, %dma_start3A_122] : memref<10016x128xf32, #tpu.memory_space<vmem_shared>> -> memref<10016x128xf32, #tpu.memory_space<vmem_shared>>
      tpu.enqueue_indirect_dma source(%dma_start3A_117 : memref<128x128xf32, #tpu.memory_space<vmem>>) target(%dma_start3A_123 : memref<10016x128xf32, #tpu.memory_space<vmem_shared>>) offsets(%dma_start3A_120 : memref<128xi32, #tpu.memory_space<vmem>>) semaphore(%run_scoped3A_113 : memref<!tpu.dma_semaphore, #tpu.memory_space<semaphore_mem>>) {add = true}
      %dma_wait3A_124 = arith.constant 0 : i32
      %dma_wait3A_125 = arith.constant 0 : i32
      %dma_wait3A_126 = tpu.memref_slice %arg9[%run_scoped3A, %dma_wait3A_124, %dma_wait3A_125] : memref<2x128x128xf32, #tpu.memory_space<vmem>> -> memref<1x128x128xf32, #tpu.memory_space<vmem>>
      %dma_wait3A_127 = tpu.memref_squeeze %dma_wait3A_126 : memref<1x128x128xf32, #tpu.memory_space<vmem>> -> memref<128x128xf32, #tpu.memory_space<vmem>>
      %dma_wait3A_128 = arith.constant 0 : i32
      %dma_wait3A_129 = tpu.memref_slice %arg8[%run_scoped3A_104, %dma_wait3A_128] : memref<2x128xi32, #tpu.memory_space<vmem>> -> memref<1x128xi32, #tpu.memory_space<vmem>>
      %dma_wait3A_130 = tpu.memref_squeeze %dma_wait3A_129 : memref<1x128xi32, #tpu.memory_space<vmem>> -> memref<128xi32, #tpu.memory_space<vmem>>
      %dma_wait3A_131 = arith.constant 0 : i32
      %dma_wait3A_132 = arith.constant 0 : i32
      %dma_wait3A_133 = tpu.memref_slice %arg10[%dma_wait3A_131, %dma_wait3A_132] : memref<10016x128xf32, #tpu.memory_space<vmem_shared>> -> memref<10016x128xf32, #tpu.memory_space<vmem_shared>>
      tpu.wait_indirect_dma semaphore(%run_scoped3A_113 : memref<!tpu.dma_semaphore, #tpu.memory_space<semaphore_mem>>) src(%dma_wait3A_127 : memref<128x128xf32, #tpu.memory_space<vmem>>) dst(%dma_wait3A_133 : memref<10016x128xf32, #tpu.memory_space<vmem_shared>>)
      tpu.yield
    }) : () -> ()
    %barrier3A_105 = arith.constant 0 : index
    tpu.barrier barrier_id(%barrier3A_105)
    %mul3A_106 = arith.constant 10000 : i32
    %mul3A_107 = arith.muli %arg0, %mul3A_106 : i32
    %add3A_108 = arith.addi %mul3A_107, %multiple_of3A : i32
    %multiple_of3A_109 = tpu.assume_multiple %add3A_108, 8 : i32
    "tpu.region"() ({
      %run_scoped3A_113 = tpu.sem_alloc : memref<!tpu.dma_semaphore, #tpu.memory_space<semaphore_mem>>
      %dma_start3A_114 = arith.constant 0 : i32
      %dma_start3A_115 = tpu.memref_slice %arg6[%multiple_of3A_109, %dma_start3A_114] : memref<20000x128xf32, #tpu.memory_space<hbm>> -> memref<624x128xf32, #tpu.memory_space<hbm>>
      %dma_start3A_116 = arith.constant 0 : i32
      %dma_start3A_117 = tpu.memref_slice %arg10[%multiple_of3A, %dma_start3A_116] : memref<10016x128xf32, #tpu.memory_space<vmem_shared>> -> memref<624x128xf32, #tpu.memory_space<vmem_shared>>
      tpu.enqueue_dma source(%dma_start3A_117 : memref<624x128xf32, #tpu.memory_space<vmem_shared>>) target(%dma_start3A_115 : memref<624x128xf32, #tpu.memory_space<hbm>>) target_semaphore(%run_scoped3A_113 : memref<!tpu.dma_semaphore, #tpu.memory_space<semaphore_mem>>)
      %dma_wait3A_118 = arith.constant 0 : i32
      %dma_wait3A_119 = tpu.memref_slice %arg6[%multiple_of3A_109, %dma_wait3A_118] : memref<20000x128xf32, #tpu.memory_space<hbm>> -> memref<624x128xf32, #tpu.memory_space<hbm>>
      %dma_wait3A_120 = arith.constant 0 : i32
      %dma_wait3A_121 = tpu.memref_slice %arg10[%multiple_of3A, %dma_wait3A_120] : memref<10016x128xf32, #tpu.memory_space<vmem_shared>> -> memref<624x128xf32, #tpu.memory_space<vmem_shared>>
      tpu.wait_dma2 semaphore(%run_scoped3A_113 : memref<!tpu.dma_semaphore, #tpu.memory_space<semaphore_mem>>) src(%dma_wait3A_121 : memref<624x128xf32, #tpu.memory_space<vmem_shared>>) dst(%dma_wait3A_119 : memref<624x128xf32, #tpu.memory_space<hbm>>)
      tpu.yield
    }) : () -> ()
    %convert_element_type3A_110 = arith.extui %eq3A_5 : i1 to i32
    %cond3A_111 = arith.constant 0 : i32
    %cond3A_112 = arith.cmpi ne, %convert_element_type3A_110, %cond3A_111 : i32
    scf.if %cond3A_112 {
      %mul3A_113 = arith.constant 10000 : i32
      %mul3A_114 = arith.muli %arg0, %mul3A_113 : i32
      %add3A_115 = arith.constant 9984 : i32
      %add3A_116 = arith.addi %mul3A_114, %add3A_115 : i32
      %multiple_of3A_117 = tpu.assume_multiple %add3A_116, 8 : i32
      "tpu.region"() ({
        %run_scoped3A_118 = tpu.sem_alloc : memref<!tpu.dma_semaphore, #tpu.memory_space<semaphore_mem>>
        %dma_start3A_119 = arith.constant 0 : i32
        %dma_start3A_120 = tpu.memref_slice %arg6[%multiple_of3A_117, %dma_start3A_119] : memref<20000x128xf32, #tpu.memory_space<hbm>> -> memref<16x128xf32, #tpu.memory_space<hbm>>
        %dma_start3A_121 = arith.constant 9984 : i32
        %dma_start3A_122 = arith.constant 0 : i32
        %dma_start3A_123 = tpu.memref_slice %arg10[%dma_start3A_121, %dma_start3A_122] : memref<10016x128xf32, #tpu.memory_space<vmem_shared>> -> memref<16x128xf32, #tpu.memory_space<vmem_shared>>
        tpu.enqueue_dma source(%dma_start3A_123 : memref<16x128xf32, #tpu.memory_space<vmem_shared>>) target(%dma_start3A_120 : memref<16x128xf32, #tpu.memory_space<hbm>>) target_semaphore(%run_scoped3A_118 : memref<!tpu.dma_semaphore, #tpu.memory_space<semaphore_mem>>)
        %dma_wait3A_124 = arith.constant 0 : i32
        %dma_wait3A_125 = tpu.memref_slice %arg6[%multiple_of3A_117, %dma_wait3A_124] : memref<20000x128xf32, #tpu.memory_space<hbm>> -> memref<16x128xf32, #tpu.memory_space<hbm>>
        %dma_wait3A_126 = arith.constant 9984 : i32
        %dma_wait3A_127 = arith.constant 0 : i32
        %dma_wait3A_128 = tpu.memref_slice %arg10[%dma_wait3A_126, %dma_wait3A_127] : memref<10016x128xf32, #tpu.memory_space<vmem_shared>> -> memref<16x128xf32, #tpu.memory_space<vmem_shared>>
        tpu.wait_dma2 semaphore(%run_scoped3A_118 : memref<!tpu.dma_semaphore, #tpu.memory_space<semaphore_mem>>) src(%dma_wait3A_128 : memref<16x128xf32, #tpu.memory_space<vmem_shared>>) dst(%dma_wait3A_125 : memref<16x128xf32, #tpu.memory_space<hbm>>)
        tpu.yield
      }) : () -> ()
    } else {
    }
    return
  }
}

module attributes {stable_mosaic.version = 14 : i64} {
  func.func @_mm_body_2d(%arg0: i32, %arg1: i32, %arg2: memref<1000x256xf32, #tpu.memory_space<vmem>>, %arg3: memref<1x256x128xf32, #tpu.memory_space<vmem>>, %arg4: memref<1000x128xf32, #tpu.memory_space<vmem>>) attributes {dimension_semantics = [#tpu.dimension_semantics<arbitrary>, #tpu.dimension_semantics<arbitrary>], iteration_bounds = array<i64: 2, 10>, scalar_prefetch = 0 : i64, scratch_operands = 0 : i64, tpu.core_type = #tpu.core_type<tc>, window_params = [{transform_indices = @transform_0, window_bounds = array<i64: 1000, 256>}, {transform_indices = @transform_1, window_bounds = array<i64: 1, 256, 128>}, {transform_indices = @transform_2, window_bounds = array<i64: 1000, 128>}]} {
    %get3A = arith.constant 0 : index
    %get3A_0 = arith.constant 0 : index
    %get3A_1 = vector.load %arg2[%get3A, %get3A_0] : memref<1000x256xf32, #tpu.memory_space<vmem>>, vector<1000x256xf32>
    %get3A_2 = arith.constant 0 : index
    %get3A_3 = arith.constant 0 : index
    %get3A_4 = arith.constant 0 : index
    %get3A_5 = vector.load %arg3[%get3A_2, %get3A_3, %get3A_4] : memref<1x256x128xf32, #tpu.memory_space<vmem>>, vector<1x256x128xf32>
    %get3A_6 = vector.shape_cast %get3A_5 : vector<1x256x128xf32> to vector<256x128xf32>
    %dot_general3A = arith.constant dense<0.000000e+00> : vector<1000x128xf32>
    %dot_general3A_7 = tpu.matmul %get3A_1, %get3A_6, %dot_general3A {dimension_numbers = #tpu.dot_dimension_numbers<[1], [0], [0], [1], [0, 0, 1, 1], [], []>, transpose_lhs_hint = false} : vector<1000x256xf32>, vector<256x128xf32>, vector<1000x128xf32> -> vector<1000x128xf32>
    %swap3A = arith.constant 0 : index
    %swap3A_8 = arith.constant 0 : index
    %swap3A_9 = vector.load %arg4[%swap3A, %swap3A_8] : memref<1000x128xf32, #tpu.memory_space<vmem>>, vector<1000x128xf32>
    tpu.vector_store %arg4[%swap3A, %swap3A_8], %dot_general3A_7 {strides = array<i32>} : memref<1000x128xf32, #tpu.memory_space<vmem>>, vector<1000x128xf32>,
    return
  }
  func.func @transform_0(%arg0: i32, %arg1: i32) -> (i32, i32) {
    %c0_i32 = arith.constant 0 : i32
    %c0_i32_0 = arith.constant 0 : i32
    return %arg1, %c0_i32 : i32, i32
  }
  func.func @transform_1(%arg0: i32, %arg1: i32) -> (i32, i32, i32) {
    %c0_i32 = arith.constant 0 : i32
    %c0_i32_0 = arith.constant 0 : i32
    %c0_i32_1 = arith.constant 0 : i32
    return %arg0, %c0_i32, %c0_i32_0 : i32, i32, i32
  }
  func.func @transform_2(%arg0: i32, %arg1: i32) -> (i32, i32) {
    %mul3A = arith.constant 10 : i32
    %mul3A_0 = arith.muli %arg0, %mul3A : i32
    %add3A = arith.addi %mul3A_0, %arg1 : i32
    %c0_i32 = arith.constant 0 : i32
    %c0_i32_1 = arith.constant 0 : i32
    return %add3A, %c0_i32 : i32, i32
  }
}

module attributes {stable_mosaic.version = 14 : i64} {
  func.func @_mlz_body(%arg0: i32, %arg1: memref<1000x128xf32, #tpu.memory_space<vmem>>, %arg2: memref<1000x128xf32, #tpu.memory_space<vmem>>, %arg3: memref<1000x64xf32, #tpu.memory_space<vmem>>, %arg4: memref<1000x64xf32, #tpu.memory_space<vmem>>, %arg5: memref<1000x64xf32, #tpu.memory_space<vmem>>, %arg6: memref<1000x64xf32, #tpu.memory_space<vmem>>, %arg7: memref<1000x128xf32, #tpu.memory_space<vmem>>) attributes {dimension_semantics = [#tpu.dimension_semantics<arbitrary>], iteration_bounds = array<i64: 10>, scalar_prefetch = 0 : i64, scratch_operands = 0 : i64, tpu.core_type = #tpu.core_type<tc>, window_params = [{transform_indices = @transform_0, window_bounds = array<i64: 1000, 128>}, {transform_indices = @transform_1, window_bounds = array<i64: 1000, 128>}, {transform_indices = @transform_2, window_bounds = array<i64: 1000, 64>}, {transform_indices = @transform_3, window_bounds = array<i64: 1000, 64>}, {transform_indices = @transform_4, window_bounds = array<i64: 1000, 64>}, {transform_indices = @transform_5, window_bounds = array<i64: 1000, 64>}, {transform_indices = @transform_6, window_bounds = array<i64: 1000, 128>}]} {
    %get3A = arith.constant 0 : index
    %get3A_0 = arith.constant 0 : index
    %get3A_1 = vector.load %arg1[%get3A, %get3A_0] : memref<1000x128xf32, #tpu.memory_space<vmem>>, vector<1000x128xf32>
    %get3A_2 = arith.constant 0 : index
    %get3A_3 = arith.constant 0 : index
    %get3A_4 = vector.load %arg2[%get3A_2, %get3A_3] : memref<1000x128xf32, #tpu.memory_space<vmem>>, vector<1000x128xf32>
    %add3A = arith.addf %get3A_1, %get3A_4 : vector<1000x128xf32>
    %slice3A = vector.extract_strided_slice %add3A {offsets = [0, 0], sizes = [1000, 64], strides = [1, 1]} : vector<1000x128xf32> to vector<1000x64xf32>
    %slice3A_5 = vector.extract_strided_slice %add3A {offsets = [0, 64], sizes = [1000, 64], strides = [1, 1]} : vector<1000x128xf32> to vector<1000x64xf32>
    %swap3A = arith.constant 0 : index
    %swap3A_6 = arith.constant 0 : index
    %swap3A_7 = vector.load %arg4[%swap3A, %swap3A_6] : memref<1000x64xf32, #tpu.memory_space<vmem>>, vector<1000x64xf32>
    tpu.vector_store %arg4[%swap3A, %swap3A_6], %slice3A {strides = array<i32>} : memref<1000x64xf32, #tpu.memory_space<vmem>>, vector<1000x64xf32>,
    %swap3A_8 = arith.constant 0 : index
    %swap3A_9 = arith.constant 0 : index
    %swap3A_10 = vector.load %arg5[%swap3A_8, %swap3A_9] : memref<1000x64xf32, #tpu.memory_space<vmem>>, vector<1000x64xf32>
    tpu.vector_store %arg5[%swap3A_8, %swap3A_9], %slice3A_5 {strides = array<i32>} : memref<1000x64xf32, #tpu.memory_space<vmem>>, vector<1000x64xf32>,
    %get3A_11 = arith.constant 0 : index
    %get3A_12 = arith.constant 0 : index
    %get3A_13 = vector.load %arg3[%get3A_11, %get3A_12] : memref<1000x64xf32, #tpu.memory_space<vmem>>, vector<1000x64xf32>
    %exp3A = math.exp %slice3A_5 : vector<1000x64xf32>
    %mul3A = arith.mulf %get3A_13, %exp3A : vector<1000x64xf32>
    %add3A_14 = arith.addf %mul3A, %slice3A : vector<1000x64xf32>
    %swap3A_15 = arith.constant 0 : index
    %swap3A_16 = arith.constant 0 : index
    %swap3A_17 = vector.load %arg6[%swap3A_15, %swap3A_16] : memref<1000x64xf32, #tpu.memory_space<vmem>>, vector<1000x64xf32>
    tpu.vector_store %arg6[%swap3A_15, %swap3A_16], %add3A_14 {strides = array<i32>} : memref<1000x64xf32, #tpu.memory_space<vmem>>, vector<1000x64xf32>,
    %broadcast_in_dim3A = arith.constant 0.000000e+00 : f32
    %broadcast_in_dim3A_18 = vector.broadcast %broadcast_in_dim3A : f32 to vector<1000x64xf32>
    %concatenate3A = tpu.concatenate %add3A_14, %broadcast_in_dim3A_18 in 1 : vector<1000x64xf32>, vector<1000x64xf32> -> vector<1000x128xf32>
    %swap3A_19 = arith.constant 0 : index
    %swap3A_20 = arith.constant 0 : index
    %swap3A_21 = vector.load %arg7[%swap3A_19, %swap3A_20] : memref<1000x128xf32, #tpu.memory_space<vmem>>, vector<1000x128xf32>
    tpu.vector_store %arg7[%swap3A_19, %swap3A_20], %concatenate3A {strides = array<i32>} : memref<1000x128xf32, #tpu.memory_space<vmem>>, vector<1000x128xf32>,
    return
  }
  func.func @transform_0(%arg0: i32) -> (i32, i32) {
    %c0_i32 = arith.constant 0 : i32
    %c0_i32_0 = arith.constant 0 : i32
    return %arg0, %c0_i32 : i32, i32
  }
  func.func @transform_1(%arg0: i32) -> (i32, i32) {
    %add3A = arith.constant 10 : i32
    %add3A_0 = arith.addi %arg0, %add3A : i32
    %c0_i32 = arith.constant 0 : i32
    %c0_i32_1 = arith.constant 0 : i32
    return %add3A_0, %c0_i32 : i32, i32
  }
  func.func @transform_2(%arg0: i32) -> (i32, i32) {
    %c0_i32 = arith.constant 0 : i32
    %c0_i32_0 = arith.constant 0 : i32
    return %arg0, %c0_i32 : i32, i32
  }
  func.func @transform_3(%arg0: i32) -> (i32, i32) {
    %c0_i32 = arith.constant 0 : i32
    %c0_i32_0 = arith.constant 0 : i32
    return %arg0, %c0_i32 : i32, i32
  }
  func.func @transform_4(%arg0: i32) -> (i32, i32) {
    %c0_i32 = arith.constant 0 : i32
    %c0_i32_0 = arith.constant 0 : i32
    return %arg0, %c0_i32 : i32, i32
  }
  func.func @transform_5(%arg0: i32) -> (i32, i32) {
    %c0_i32 = arith.constant 0 : i32
    %c0_i32_0 = arith.constant 0 : i32
    return %arg0, %c0_i32 : i32, i32
  }
  func.func @transform_6(%arg0: i32) -> (i32, i32) {
    %c0_i32 = arith.constant 0 : i32
    %c0_i32_0 = arith.constant 0 : i32
    return %arg0, %c0_i32 : i32, i32
  }
}

module attributes {stable_mosaic.version = 14 : i64} {
  func.func @_mm_body_3d(%arg0: i32, %arg1: i32, %arg2: memref<2x1000x128xf32, #tpu.memory_space<vmem>>, %arg3: memref<1x256x128xf32, #tpu.memory_space<vmem>>, %arg4: memref<1000x128xf32, #tpu.memory_space<vmem>>) attributes {dimension_semantics = [#tpu.dimension_semantics<arbitrary>, #tpu.dimension_semantics<arbitrary>], iteration_bounds = array<i64: 1, 10>, scalar_prefetch = 0 : i64, scratch_operands = 0 : i64, tpu.core_type = #tpu.core_type<tc>, window_params = [{transform_indices = @transform_0, window_bounds = array<i64: 2, 1000, 128>}, {transform_indices = @transform_1, window_bounds = array<i64: 1, 256, 128>}, {transform_indices = @transform_2, window_bounds = array<i64: 1000, 128>}]} {
    %get3A = arith.constant 0 : index
    %get3A_0 = arith.constant 0 : index
    %get3A_1 = arith.constant 0 : index
    %get3A_2 = vector.load %arg2[%get3A, %get3A_0, %get3A_1] : memref<2x1000x128xf32, #tpu.memory_space<vmem>>, vector<1x1000x128xf32>
    %get3A_3 = vector.shape_cast %get3A_2 : vector<1x1000x128xf32> to vector<1000x128xf32>
    %max3A = arith.constant 0.000000e+00 : f32
    %max3A_4 = vector.broadcast %max3A : f32 to vector<1000x128xf32>
    %max3A_5 = arith.maximumf %get3A_3, %max3A_4 : vector<1000x128xf32>
    %get3A_6 = arith.constant 0 : index
    %get3A_7 = arith.constant 0 : index
    %get3A_8 = arith.constant 0 : index
    %get3A_9 = vector.load %arg3[%get3A_6, %get3A_7, %get3A_8] : memref<1x256x128xf32, #tpu.memory_space<vmem>>, vector<1x128x128xf32>
    %get3A_10 = vector.shape_cast %get3A_9 : vector<1x128x128xf32> to vector<128x128xf32>
    %dot_general3A = arith.constant dense<0.000000e+00> : vector<1000x128xf32>
    %dot_general3A_11 = tpu.matmul %max3A_5, %get3A_10, %dot_general3A {dimension_numbers = #tpu.dot_dimension_numbers<[1], [0], [0], [1], [0, 0, 1, 1], [], []>, transpose_lhs_hint = false} : vector<1000x128xf32>, vector<128x128xf32>, vector<1000x128xf32> -> vector<1000x128xf32>
    %get3A_12 = arith.constant 1 : index
    %get3A_13 = arith.constant 0 : index
    %get3A_14 = arith.constant 0 : index
    %get3A_15 = vector.load %arg2[%get3A_12, %get3A_13, %get3A_14] : memref<2x1000x128xf32, #tpu.memory_space<vmem>>, vector<1x1000x128xf32>
    %get3A_16 = vector.shape_cast %get3A_15 : vector<1x1000x128xf32> to vector<1000x128xf32>
    %max3A_17 = arith.constant 0.000000e+00 : f32
    %max3A_18 = vector.broadcast %max3A_17 : f32 to vector<1000x128xf32>
    %max3A_19 = arith.maximumf %get3A_16, %max3A_18 : vector<1000x128xf32>
    %get3A_20 = arith.constant 0 : index
    %get3A_21 = arith.constant 128 : index
    %get3A_22 = arith.constant 0 : index
    %get3A_23 = vector.load %arg3[%get3A_20, %get3A_21, %get3A_22] : memref<1x256x128xf32, #tpu.memory_space<vmem>>, vector<1x128x128xf32>
    %get3A_24 = vector.shape_cast %get3A_23 : vector<1x128x128xf32> to vector<128x128xf32>
    %dot_general3A_25 = arith.constant dense<0.000000e+00> : vector<1000x128xf32>
    %dot_general3A_26 = tpu.matmul %max3A_19, %get3A_24, %dot_general3A_25 {dimension_numbers = #tpu.dot_dimension_numbers<[1], [0], [0], [1], [0, 0, 1, 1], [], []>, transpose_lhs_hint = false} : vector<1000x128xf32>, vector<128x128xf32>, vector<1000x128xf32> -> vector<1000x128xf32>
    %add3A = arith.addf %dot_general3A_11, %dot_general3A_26 : vector<1000x128xf32>
    %swap3A = arith.constant 0 : index
    %swap3A_27 = arith.constant 0 : index
    %swap3A_28 = vector.load %arg4[%swap3A, %swap3A_27] : memref<1000x128xf32, #tpu.memory_space<vmem>>, vector<1000x128xf32>
    tpu.vector_store %arg4[%swap3A, %swap3A_27], %add3A {strides = array<i32>} : memref<1000x128xf32, #tpu.memory_space<vmem>>, vector<1000x128xf32>,
    return
  }
  func.func @transform_0(%arg0: i32, %arg1: i32) -> (i32, i32, i32) {
    %c0_i32 = arith.constant 0 : i32
    %c0_i32_0 = arith.constant 0 : i32
    %c0_i32_1 = arith.constant 0 : i32
    return %c0_i32, %arg1, %c0_i32_0 : i32, i32, i32
  }
  func.func @transform_1(%arg0: i32, %arg1: i32) -> (i32, i32, i32) {
    %c0_i32 = arith.constant 0 : i32
    %c0_i32_0 = arith.constant 0 : i32
    %c0_i32_1 = arith.constant 0 : i32
    return %arg0, %c0_i32, %c0_i32_0 : i32, i32, i32
  }
  func.func @transform_2(%arg0: i32, %arg1: i32) -> (i32, i32) {
    %mul3A = arith.constant 10 : i32
    %mul3A_0 = arith.muli %arg0, %mul3A : i32
    %add3A = arith.addi %mul3A_0, %arg1 : i32
    %c0_i32 = arith.constant 0 : i32
    %c0_i32_1 = arith.constant 0 : i32
    return %add3A, %c0_i32 : i32, i32
  }
}

module attributes {stable_mosaic.version = 14 : i64} {
  func.func @body(%arg0: i32, %arg1: memref<200x64xf32, #tpu.memory_space<vmem>>, %arg2: memref<10000x64xf32, #tpu.memory_space<vmem>>, %arg3: memref<200x10000xf32, #tpu.memory_space<vmem>>) attributes {dimension_semantics = [#tpu.dimension_semantics<arbitrary>], iteration_bounds = array<i64: 18>, scalar_prefetch = 0 : i64, scratch_operands = 0 : i64, tpu.core_type = #tpu.core_type<tc>, window_params = [{transform_indices = @transform_0, window_bounds = array<i64: 200, 64>}, {pipeline_mode = #tpu.pipeline_mode<synchronous>, transform_indices = @transform_1, window_bounds = array<i64: 10000, 64>}, {transform_indices = @transform_2, window_bounds = array<i64: 200, 10000>}]} {
    %get3A = arith.constant 0 : index
    %get3A_0 = arith.constant 0 : index
    %get3A_1 = vector.load %arg1[%get3A, %get3A_0] : memref<200x64xf32, #tpu.memory_space<vmem>>, vector<200x64xf32>
    %get3A_2 = arith.constant 0 : index
    %get3A_3 = arith.constant 0 : index
    %get3A_4 = vector.load %arg2[%get3A_2, %get3A_3] : memref<10000x64xf32, #tpu.memory_space<vmem>>, vector<10000x64xf32>
    %dot_general3A = arith.constant dense<0.000000e+00> : vector<200x10000xf32>
    %dot_general3A_5 = tpu.matmul %get3A_1, %get3A_4, %dot_general3A {dimension_numbers = #tpu.dot_dimension_numbers<[1], [1], [0], [0], [0, 0, 1, 0], [], []>, transpose_lhs_hint = false} : vector<200x64xf32>, vector<10000x64xf32>, vector<200x10000xf32> -> vector<200x10000xf32>
    %swap3A = arith.constant 0 : index
    %swap3A_6 = arith.constant 0 : index
    %swap3A_7 = vector.load %arg3[%swap3A, %swap3A_6] : memref<200x10000xf32, #tpu.memory_space<vmem>>, vector<200x10000xf32>
    tpu.vector_store %arg3[%swap3A, %swap3A_6], %dot_general3A_5 {strides = array<i32>} : memref<200x10000xf32, #tpu.memory_space<vmem>>, vector<200x10000xf32>,
    return
  }
  func.func @transform_0(%arg0: i32) -> (i32, i32) {
    %add3A = arith.constant 0 : i32
    %add3A_0 = arith.addi %arg0, %add3A : i32
    %c0_i32 = arith.constant 0 : i32
    %c0_i32_1 = arith.constant 0 : i32
    return %add3A_0, %c0_i32 : i32, i32
  }
  func.func @transform_1(%arg0: i32) -> (i32, i32) {
    %c0_i32 = arith.constant 0 : i32
    %c0_i32_0 = arith.constant 0 : i32
    %c0_i32_1 = arith.constant 0 : i32
    return %c0_i32, %c0_i32_0 : i32, i32
  }
  func.func @transform_2(%arg0: i32) -> (i32, i32) {
    %add3A = arith.constant 0 : i32
    %add3A_0 = arith.addi %arg0, %add3A : i32
    %c0_i32 = arith.constant 0 : i32
    %c0_i32_1 = arith.constant 0 : i32
    return %add3A_0, %c0_i32 : i32, i32
  }
}

module attributes {stable_mosaic.version = 14 : i64} {
  func.func @_mm2_body(%arg0: i32, %arg1: i32, %arg2: memref<1000x128xf32, #tpu.memory_space<vmem>>, %arg3: memref<1000x128xf32, #tpu.memory_space<vmem>>, %arg4: memref<64x256xf32, #tpu.memory_space<vmem>>, %arg5: memref<1x256x128xf32, #tpu.memory_space<vmem>>, %arg6: memref<1000x128xf32, #tpu.memory_space<vmem>>) attributes {dimension_semantics = [#tpu.dimension_semantics<arbitrary>, #tpu.dimension_semantics<arbitrary>], iteration_bounds = array<i64: 2, 10>, scalar_prefetch = 0 : i64, scratch_operands = 0 : i64, tpu.core_type = #tpu.core_type<tc>, window_params = [{transform_indices = @transform_0, window_bounds = array<i64: 1000, 128>}, {transform_indices = @transform_1, window_bounds = array<i64: 1000, 128>}, {pipeline_mode = #tpu.pipeline_mode<synchronous>, transform_indices = @transform_2, window_bounds = array<i64: 64, 256>}, {transform_indices = @transform_3, window_bounds = array<i64: 1, 256, 128>}, {transform_indices = @transform_4, window_bounds = array<i64: 1000, 128>}]} {
    %get3A = arith.constant 0 : index
    %get3A_0 = arith.constant 0 : index
    %get3A_1 = vector.load %arg2[%get3A, %get3A_0] : memref<1000x128xf32, #tpu.memory_space<vmem>>, vector<1000x128xf32>
    %get3A_2 = arith.constant 0 : index
    %get3A_3 = arith.constant 0 : index
    %get3A_4 = vector.load %arg3[%get3A_2, %get3A_3] : memref<1000x128xf32, #tpu.memory_space<vmem>>, vector<1000x128xf32>
    %add3A = arith.addf %get3A_1, %get3A_4 : vector<1000x128xf32>
    %slice3A = vector.extract_strided_slice %add3A {offsets = [0, 0], sizes = [1000, 64], strides = [1, 1]} : vector<1000x128xf32> to vector<1000x64xf32>
    %get3A_5 = arith.constant 0 : index
    %get3A_6 = arith.constant 0 : index
    %get3A_7 = vector.load %arg4[%get3A_5, %get3A_6] : memref<64x256xf32, #tpu.memory_space<vmem>>, vector<64x256xf32>
    %dot_general3A = arith.constant dense<0.000000e+00> : vector<1000x256xf32>
    %dot_general3A_8 = tpu.matmul %slice3A, %get3A_7, %dot_general3A {dimension_numbers = #tpu.dot_dimension_numbers<[1], [0], [0], [1], [0, 0, 1, 1], [], []>, transpose_lhs_hint = false} : vector<1000x64xf32>, vector<64x256xf32>, vector<1000x256xf32> -> vector<1000x256xf32>
    %max3A = arith.constant 0.000000e+00 : f32
    %max3A_9 = vector.broadcast %max3A : f32 to vector<1000x256xf32>
    %max3A_10 = arith.maximumf %dot_general3A_8, %max3A_9 : vector<1000x256xf32>
    %get3A_11 = arith.constant 0 : index
    %get3A_12 = arith.constant 0 : index
    %get3A_13 = arith.constant 0 : index
    %get3A_14 = vector.load %arg5[%get3A_11, %get3A_12, %get3A_13] : memref<1x256x128xf32, #tpu.memory_space<vmem>>, vector<1x256x128xf32>
    %get3A_15 = vector.shape_cast %get3A_14 : vector<1x256x128xf32> to vector<256x128xf32>
    %dot_general3A_16 = arith.constant dense<0.000000e+00> : vector<1000x128xf32>
    %dot_general3A_17 = tpu.matmul %max3A_10, %get3A_15, %dot_general3A_16 {dimension_numbers = #tpu.dot_dimension_numbers<[1], [0], [0], [1], [0, 0, 1, 1], [], []>, transpose_lhs_hint = false} : vector<1000x256xf32>, vector<256x128xf32>, vector<1000x128xf32> -> vector<1000x128xf32>
    %swap3A = arith.constant 0 : index
    %swap3A_18 = arith.constant 0 : index
    %swap3A_19 = vector.load %arg6[%swap3A, %swap3A_18] : memref<1000x128xf32, #tpu.memory_space<vmem>>, vector<1000x128xf32>
    tpu.vector_store %arg6[%swap3A, %swap3A_18], %dot_general3A_17 {strides = array<i32>} : memref<1000x128xf32, #tpu.memory_space<vmem>>, vector<1000x128xf32>,
    return
  }
  func.func @transform_0(%arg0: i32, %arg1: i32) -> (i32, i32) {
    %c0_i32 = arith.constant 0 : i32
    %c0_i32_0 = arith.constant 0 : i32
    return %arg1, %c0_i32 : i32, i32
  }
  func.func @transform_1(%arg0: i32, %arg1: i32) -> (i32, i32) {
    %add3A = arith.constant 10 : i32
    %add3A_0 = arith.addi %arg1, %add3A : i32
    %c0_i32 = arith.constant 0 : i32
    %c0_i32_1 = arith.constant 0 : i32
    return %add3A_0, %c0_i32 : i32, i32
  }
  func.func @transform_2(%arg0: i32, %arg1: i32) -> (i32, i32) {
    %c0_i32 = arith.constant 0 : i32
    %c0_i32_0 = arith.constant 0 : i32
    %c0_i32_1 = arith.constant 0 : i32
    return %c0_i32, %c0_i32_0 : i32, i32
  }
  func.func @transform_3(%arg0: i32, %arg1: i32) -> (i32, i32, i32) {
    %c0_i32 = arith.constant 0 : i32
    %c0_i32_0 = arith.constant 0 : i32
    %c0_i32_1 = arith.constant 0 : i32
    return %arg0, %c0_i32, %c0_i32_0 : i32, i32, i32
  }
  func.func @transform_4(%arg0: i32, %arg1: i32) -> (i32, i32) {
    %mul3A = arith.constant 10 : i32
    %mul3A_0 = arith.muli %arg0, %mul3A : i32
    %add3A = arith.addi %mul3A_0, %arg1 : i32
    %c0_i32 = arith.constant 0 : i32
    %c0_i32_1 = arith.constant 0 : i32
    return %add3A, %c0_i32 : i32, i32
  }
}

module attributes {stable_mosaic.version = 14 : i64} {
  func.func @_zzt_half_body(%arg0: i32, %arg1: memref<200x64xf32, #tpu.memory_space<vmem>>, %arg2: memref<10000x64xf32, #tpu.memory_space<vmem>>, %arg3: memref<10000x10000xf32, #tpu.memory_space<any>>, %arg4: memref<200x10000xf32, #tpu.memory_space<vmem>>) attributes {dimension_semantics = [#tpu.dimension_semantics<arbitrary>], iteration_bounds = array<i64: 32>, scalar_prefetch = 0 : i64, scratch_operands = 0 : i64, tpu.core_type = #tpu.core_type<tc>, window_params = [{transform_indices = @transform_0, window_bounds = array<i64: 200, 64>}, {pipeline_mode = #tpu.pipeline_mode<synchronous>, transform_indices = @transform_1, window_bounds = array<i64: 10000, 64>}, {}, {transform_indices = @transform_3, window_bounds = array<i64: 200, 10000>}]} {
    %get3A = arith.constant 0 : index
    %get3A_0 = arith.constant 0 : index
    %get3A_1 = vector.load %arg1[%get3A, %get3A_0] : memref<200x64xf32, #tpu.memory_space<vmem>>, vector<200x64xf32>
    %get3A_2 = arith.constant 0 : index
    %get3A_3 = arith.constant 0 : index
    %get3A_4 = vector.load %arg2[%get3A_2, %get3A_3] : memref<10000x64xf32, #tpu.memory_space<vmem>>, vector<10000x64xf32>
    %dot_general3A = arith.constant dense<0.000000e+00> : vector<200x10000xf32>
    %dot_general3A_5 = tpu.matmul %get3A_1, %get3A_4, %dot_general3A {dimension_numbers = #tpu.dot_dimension_numbers<[1], [1], [0], [0], [0, 0, 1, 0], [], []>, transpose_lhs_hint = false} : vector<200x64xf32>, vector<10000x64xf32>, vector<200x10000xf32> -> vector<200x10000xf32>
    %swap3A = arith.constant 0 : index
    %swap3A_6 = arith.constant 0 : index
    %swap3A_7 = vector.load %arg4[%swap3A, %swap3A_6] : memref<200x10000xf32, #tpu.memory_space<vmem>>, vector<200x10000xf32>
    tpu.vector_store %arg4[%swap3A, %swap3A_6], %dot_general3A_5 {strides = array<i32>} : memref<200x10000xf32, #tpu.memory_space<vmem>>, vector<200x10000xf32>,
    return
  }
  func.func @transform_0(%arg0: i32) -> (i32, i32) {
    %add3A = arith.constant 18 : i32
    %add3A_0 = arith.addi %arg0, %add3A : i32
    %c0_i32 = arith.constant 0 : i32
    %c0_i32_1 = arith.constant 0 : i32
    return %add3A_0, %c0_i32 : i32, i32
  }
  func.func @transform_1(%arg0: i32) -> (i32, i32) {
    %c0_i32 = arith.constant 0 : i32
    %c0_i32_0 = arith.constant 0 : i32
    %c0_i32_1 = arith.constant 0 : i32
    return %c0_i32, %c0_i32_0 : i32, i32
  }
  func.func @transform_3(%arg0: i32) -> (i32, i32) {
    %add3A = arith.constant 18 : i32
    %add3A_0 = arith.addi %arg0, %add3A : i32
    %c0_i32 = arith.constant 0 : i32
    %c0_i32_1 = arith.constant 0 : i32
    return %add3A_0, %c0_i32 : i32, i32
  }
}

</mosaic_0001>

<sc_bundles>
// kernel: kernel.12.cloned.1.call-start
scs
__scs_entry_jumppad:
0x0: {  	(pc) =	sbr.rel $0x88, $3  }
0x1: {  	(tag) =	ssettag $0x0;
	lr =	simm.s32 $0x1  }
0x2: {  	[smem:$0x3F9A] =	sst lr;
	_ =	strace $0xD0000000  }
0x3: {  	_ = 	snop  }
0x4: {  	_ = 	snop  }
0x5: {  	_ = 	snop  }
0x6: {  	_ = 	snop  }
0x7: {  	_ = 	snop  }
__scs_overlays_trampoline_lowered:
0x8: {  	[smem:$0x3FA9] =	sst s0  }
0x9: {  	[smem:$0x3FAA] =	sst s1  }
0xa: {  	[smem:$0x3FAB] =	sst s2  }
0xb: {  	[smem:$0x3FAC] =	sst s3  }
0xc: {  	[smem:$0x3FAD] =	sst s4  }
0xd: {  	[smem:$0x3FAE] =	sst s5  }
0xe: {  	[smem:$0x3FAF] =	sst s6  }
0xf: {  	[smem:$0x3FB0] =	sst s7  }
0x10: {  	[smem:$0x3FB1] =	sst s8  }
0x11: {  	[smem:$0x3FB2] =	sst s9;
	s0 =	simm.s32 @!p0 $0x0  }
0x12: {  	s1 =	sld [smem:$0x3F98];
	s0 =	simm.s32 @p0 $0x1  }
0x13: {  	[smem:$0x3FB3] =	sst s0;
	s0 =	simm.s32 @!p1 $0x0  }
0x14: {  	s2 =	sld [smem:$0x3F97];
	s0 =	simm.s32 @p1 $0x1  }
0x15: {  	[smem:$0x3FB4] =	sst s0;
	s0 =	simm.s32 @!p2 $0x0  }
0x16: {  	s3 =	sld [smem:$0x3FDB];
	s0 =	simm.s32 @p2 $0x1  }
0x17: {  	s4 =	simm.s32 $0x1BF5;
	[smem:$0x3FB6] =	sst s0  }
0x18: {  	s0 =	sld [smem:$0x3F99];
	_ =	swait.ge [sflag:s4], $0x0  }
0x19: {  	s7 =	sld [smem:$0x3F9A]  }
0x1a: {  	s8 =	sadd.s32 $0xFFFFE003, lr  }
0x1b: {  	s9 =	sadd.s32 $0xFFFFFEF7, lr;
	s5 =	simm.s32 $0xFFFFFFFF;
	p2 =	slt.u32 s8, $0xFFFFF086  }
0x1c: {  	p1 =	slt.u32 s9, $0xF7A;
	s5 =	simm.s32 @!p2 $0x0  }
0x1d: {  	s5 =	simm.s32 @p1 $0x1;
	p0 =	seq.s32 s7, s2  }
0x1e: {  	s7 =	smul.u32 @!p0 $0xF7A, s2;
	p2 =	seq.s32 @!p0 s5, $0x0  }
0x1f: {  	s9 =	smul.u32 $0xF7A, s1;
	s8 =	simm.s32 @!p0 $0x1BF5;
	p2 =	por !p2, p0  }
0x20: {  	[sflag:s8] =	ssyncset.s32 @!p0 $0xFFFFF086;
	s6 =	sadd.s32 @!p0 s3, s7;
	s7 =	simm.s32 @!p0 $0x108  }
0x21: {  	s3 =	sadd.s32 s3, s9;
	s6 =	sadd.s32 @!p0 $0x88, s6;
	s7 =	simm.s32 @p2 $0x1082  }
0x22: {  	[simem:s7], [sflag:s8] =	dma.local @!p0 [hbm:s6], $0xF7A  }
0x23: {  	s9 =	sor.u32 $0xD0000000, s2;
	s6 =	simm.s32 $0x108;
	_ =	swait.ge @!p0 [sflag:s8], $0x0  }
0x24: {  	s3 =	sadd.s32 $0x88, s3;
	s6 =	simm.s32 @!p1 $0x1082;
	[sflag:s4] =	ssyncset.s32 $0xFFFFF086  }
0x25: {  	[simem:s6], [sflag:s4] =	dma.local [hbm:s3], $0xF7A  }
0x26: {  	[smem:$0x3F9A] =	sst s1;
	(tag) =	ssettag s2;
	_ =	strace s9  }
0x27: {  	s1 =	sld [smem:$0x3FAA]  }
0x28: {  	s2 =	sld [smem:$0x3FAB]  }
0x29: {  	s4 =	sld [smem:$0x3FAD]  }
0x2a: {  	p0 =	seq.s32 s5, $0x0;
	s5 =	sld [smem:$0x3FAE]  }
0x2b: {  	s6 =	sld [smem:$0x3FAF]  }
0x2c: {  	s7 =	sld [smem:$0x3FB0]  }
0x2d: {  	s3 =	simm.s32 $0x108;
	s8 =	sld [smem:$0x3FB1]  }
0x2e: {  	s3 =	simm.s32 @!p0 $0x1082;
	s9 =	sld [smem:$0x3FB2]  }
0x2f: {  	lr =	sadd.s32 s0, s3;
	s0 =	sld [smem:$0x3FA9]  }
0x30: {  	s3 =	sld [smem:$0x3FAC]  }
0x31: {  	[smem:$0x3FB5] =	sst s10  }
0x32: {  	s10 =	sld [smem:$0x3FB3];
	_ =	sdelay $0x3  }
0x33: {  	p0 =	seq.s32 s10, $0x1;
	s10 =	sld [smem:$0x3FB5];
	_ =	sdelay $0x3  }
0x34: {  	[smem:$0x3FB5] =	sst s10  }
0x35: {  	s10 =	sld [smem:$0x3FB4];
	_ =	sdelay $0x3  }
0x36: {  	p1 =	seq.s32 s10, $0x1;
	s10 =	sld [smem:$0x3FB5];
	_ =	sdelay $0x3  }
0x37: {  	[smem:$0x3FB5] =	sst s10  }
0x38: {  	s10 =	sld [smem:$0x3FB6]  }
0x39: {  	_ = 	snop;
	(pc) =	sbr.ind lr, $3  }
0x3a: {  	_ = 	snop  }
0x3b: {  	_ = 	snop  }
0x3c: {  	p2 =	seq.s32 s10, $0x1;
	s10 =	sld [smem:$0x3FB5]  }
0x3d: {  	_ =	shalt  }
0x3e: {  	_ =	shalt  }
0x3f: {  	_ =	shalt  }
0x40: {  	_ =	shalt  }
0x41: {  	_ =	shalt  }
0x42: {  	_ =	shalt  }
0x43: {  	_ =	shalt  }
0x44: {  	_ =	shalt  }
0x45: {  	_ =	shalt  }
0x46: {  	_ =	shalt  }
0x47: {  	_ =	shalt  }
0x48: {  	_ =	shalt  }
0x49: {  	_ =	shalt  }
0x4a: {  	_ =	shalt  }
0x4b: {  	_ =	shalt  }
0x4c: {  	_ =	shalt  }
0x4d: {  	_ =	shalt  }
0x4e: {  	_ =	shalt  }
0x4f: {  	_ =	shalt  }
0x50: {  	_ =	shalt  }
0x51: {  	_ =	shalt  }
0x52: {  	_ =	shalt  }
0x53: {  	_ =	shalt  }
0x54: {  	_ =	shalt  }
0x55: {  	_ =	shalt  }
0x56: {  	_ =	shalt  }
0x57: {  	_ =	shalt  }
0x58: {  	_ =	shalt  }
0x59: {  	_ =	shalt  }
0x5a: {  	_ =	shalt  }
0x5b: {  	_ =	shalt  }
0x5c: {  	_ =	shalt  }
0x5d: {  	_ =	shalt  }
0x5e: {  	_ =	shalt  }
0x5f: {  	_ =	shalt  }
0x60: {  	_ =	shalt  }
0x61: {  	_ =	shalt  }
0x62: {  	_ =	shalt  }
0x63: {  	_ =	shalt  }
0x64: {  	_ =	shalt  }
0x65: {  	_ =	shalt  }
0x66: {  	_ =	shalt  }
0x67: {  	_ =	shalt  }
0x68: {  	_ =	shalt  }
0x69: {  	_ =	shalt  }
0x6a: {  	_ =	shalt  }
0x6b: {  	_ =	shalt  }
0x6c: {  	_ =	shalt  }
0x6d: {  	_ =	shalt  }
0x6e: {  	_ =	shalt  }
0x6f: {  	_ =	shalt  }
0x70: {  	_ =	shalt  }
0x71: {  	_ =	shalt  }
0x72: {  	_ =	shalt  }
0x73: {  	_ =	shalt  }
0x74: {  	_ =	shalt  }
0x75: {  	_ =	shalt  }
0x76: {  	_ =	shalt  }
0x77: {  	_ =	shalt  }
0x78: {  	_ =	shalt  }
0x79: {  	_ =	shalt  }
0x7a: {  	_ =	shalt  }
0x7b: {  	_ =	shalt  }
0x7c: {  	_ =	shalt  }
0x7d: {  	_ =	shalt  }
0x7e: {  	_ =	shalt  }
0x7f: {  	_ =	shalt  }
0x80: {  	_ =	shalt  }
0x81: {  	_ =	shalt  }
0x82: {  	_ =	shalt  }
0x83: {  	_ =	shalt  }
0x84: {  	_ =	shalt  }
0x85: {  	_ =	shalt  }
0x86: {  	_ =	shalt  }
0x87: {  	_ =	shalt  }
.Lfunc_end0:
.L_simem_size_0:
called_computation_lowered:
.L_overlay_start_0:
0x88: {  	s2 =	sld [smem:$0x3FD9]  }
0x89: {  	s3 =	sld [smem:$0x3FFE];
	_ =	sdelay $0x1  }
0x8a: {  	s1 =	srdreg.scid  }
0x8b: {  	s0 =	sand.u32 $0x1, s1  }
0x8c: {  	s14 =	sshll.u32 s0, $0xA;
	s2 =	sadd.s32 s3, s2  }
0x8d: {  	s2 =	sadd.s32 s2, s14  }
0x8e: {  	[smem:$0x3FC1] =	sst s2  }
0x8f: {  	_ = 	snop  }
0x90: {  	s2 =	sld [smem:$0x3FD0];
	_ =	sdelay $0x2  }
0x91: {  	s15 =	simm.s32 $0xA;
	s4 =	simm.s32 $0x10  }
0x92: {  	[smem:s4], [sflag:s15] =	dma.local [hbm:s2], $0x1  }
0x93: {  	_ =	swait.eq [sflag:s15], $0x1  }
0x94: {  	[sflag:s15] =	ssyncset.done $0x0  }
0x95: {  	s16 =	sld [smem:$0x10];
	[sflag:s15] =	ssyncadd.s32 $0xFFFFFFFF  }
0x96: {  	s17 =	sld [smem:$0x14];
	(tm) =	ssettm $0x1  }
0x97: {  	s18 =	sld [smem:$0x3FFB];
	_ =	sdelay $0x3  }
0x98: {  	_ =	strace s18  }
0x99: {  	s4 =	sld [smem:$0x3FFC];
	_ =	sdelay $0x3  }
0x9a: {  	_ =	strace s4  }
0x9b: {  	s4 =	sld [smem:$0x3FFD];
	_ =	sdelay $0x3  }
0x9c: {  	_ =	strace s4  }
0x9d: {  	_ =	strace $0x8FFFFFFF  }
0x9e: {  	s19 =	sld [smem:$0x3FDB];
	_ =	sdelay $0x1  }
0x9f: {  	s5 =	simm.s32 $_scs_section_size  }
0xa0: {  	s6 =	simm.s32 $_size__tile_overlayer_lowered;
	s7 =	simm.s32 $_tile_overlayer_lowered  }
0xa1: {  	s22 =	simm.s32 $0x1BFF;
	s21 =	sshll.u32 s7, $0x1;
	s4 =	sadd.s32 s5, s19  }
0xa2: {  	s8 =	simm.s32 $0x0;
	s20 =	sshll.u32 s6, $0x1;
	s6 =	sadd.s32 s21, s4  }
0xa3: {  	[timem:s8], [sflag:s22] =	dma.local [hbm:s6], s20  }
0xa4: {  	_ =	swait.ge [sflag:s22], s20  }
0xa5: {  	s5 =	ssub.s32 $0x0, s20;
	[sflag:s22] =	ssyncset.done $0x0  }
0xa6: {  	[sflag:s22] =	ssyncadd.s32 s5;
	_ =	sdelay $0x1  }
0xa7: {  	s23 =	simm.s32 $0x1B8B  }
0xa8: {  	_ =	swait.ge [sflag:s23], $0x1  }
0xa9: {  	[sflag:s23] =	ssyncset.done $0x0  }
0xaa: {  	s25 =	simm.s32 $0x1B8E;
	s24 =	sld [smem:$0x3FFE];
	[sflag:s23] =	ssyncadd.s32 $0xFFFFFFFF  }
0xab: {  	s26 =	simm.s32 $execute0_lowered;
	[smem:$0x3FD2] =	sst s25  }
0xac: {  	s6 =	sshll.u32 s26, $0x1;
	_ =	strace $0x80000046;
	[dreg:$0x1] =	wrdreg $0xFFFFFFFF  }
0xad: {  	s28 =	simm.s32 $_size_execute0_lowered;
	s4 =	sadd.s32 s4, s6;
	[dreg:$0x0] =	wrdreg $0x0  }
0xae: {  	s6 =	sshll.u32 s28, $0x1;
	[dreg:$0x2] =	wrdreg s4  }
0xaf: {  	[dreg:$0x3] =	wrdreg s6  }
0xb0: {  	[dreg:$0x4] =	wrdreg $0xC0  }
0xb1: {  	_ =	task [dreg:s8], $0x5FFFF  }
0xb2: {  	[dreg:$0x1] =	wrdreg $0xFFFFFFFF  }
0xb3: {  	[dreg:$0x0] =	wrdreg $0x60  }
0xb4: {  	[dreg:$0x2] =	wrdreg s17  }
0xb5: {  	[dreg:$0x3] =	wrdreg s24  }
0xb6: {  	[dreg:$0x4] =	wrdreg s16  }
0xb7: {  	[dreg:$0x5] =	wrdreg $0x82000  }
0xb8: {  	[dreg:$0x6] =	wrdreg $0x9  }
0xb9: {  	_ =	task.clear_ibuf [dreg:s8], $0x7FFFF;
	_ =	strace $0x90000046  }
0xba: {  	s29 =	simm.s32 $0x9;
	_ =	strace $0x80000048  }
0xbb: {  	_ =	swait.ge [sflag:s29], $0x1  }
0xbc: {  	[sflag:s29] =	ssyncadd.s32 $0xFFFFFFFF  }
0xbd: {  	_ =	strace $0x90000048  }
0xbe: {  	_ =	sfence  }
0xbf: {  	s30 =	sld [smem:$0x0];
	_ =	sdelay $0x2  }
0xc0: {  	s31 =	sshll.u32 s1, $0xD;
	s1 =	sshrl.u32 s1, $0x2  }
0xc1: {  	s3 =	sand.u32 $0x4000, s31;
	s1 =	sadd.s32 s1, s30  }
0xc2: {  	s0 =	sor.u32 s3, s0;
	s1 =	sshll.u32 s1, $0x11  }
0xc3: {  	s0 =	sor.u32 s1, s0  }
0xc4: {  	s0 =	sadd.s32 $0x8F2B, s0  }
0xc5: {  	[sflag:s0] =	ssyncadd.remote.s32 $0x1  }
0xc6: {  	_ =	sfence.sel $0xFFFF  }
0xc7: {  	[dreg:$0x0] =	wrdreg $0xFFFFFFFF;
	(pc) =	sbr.abs _section_cstart, $3  }
0xc8: {  	[dreg:$0x1] =	wrdreg $0xFFFFFFFF  }
0xc9: {  	_ =	task.clear_ibuf [dreg:s8], $0x2FFFF;
	_ =	strace $0x9FFFFFFF  }
0xca: {  	(tm) =	ssettm $0x7FFFFFFF  }
0xcb: {  	_ =	shalt  }
tec
execute0_lowered:
.L_overlay_start_1:
0x0: {  	(tag) =	ssettag $0x1  }
0x1: {  	s1 =	rddreg [dreg:$0x0]  }
0x2: {  	s0 =	rddreg [dreg:$0x1]  }
0x3: {  	s2 =	rddreg [dreg:$0x2]  }
0x4: {  	s3 =	rddreg [dreg:$0x3]  }
0x5: {  	s15 =	stileid.u32;
	s5 =	srdreg.scid;
	s4 =	simm.s32 $0x0  }
0x6: {  	s28 =	simm.s32 $0x1;
	s29 =	simm.s32 $0x200;
	s6 =	smul.u32 $0x2700, s15  }
0x7: {  	s30 =	simm.s32 $0x2;
	s31 =	simm.s32 $0x4200;
	s10 =	smul.u32 $0x2780, s15  }
0x8: {  	s7 =	sand.u32 $0x1, s5;
	[smem:$0x7FF] =	sst s4;
	s12 =	smul.u32 $0x4E000, s15  }
0x9: {  	s5 =	sadd.s32 $0x8800, s0;
	s13 =	sadd.s32 $0x3800, s0;
	s25 =	smul.u32 $0x4F0, s15  }
0xa: {  	s19 =	sadd.s32 $0x138000, s3;
	p0 =	sne.s32 s15, $0xF;
	s8 =	smul.u32 $0x27800, s7  }
0xb: {  	s17 =	sshll.u32 s15, $0x6;
	_ =	strace $0x80000047;
	s20 =	smul.u32 $0x138800, s7  }
0xc: {  	s9 =	ssub.s32 $0x2, s7;
	[dreg:$0x7] =	wrdreg s19;
	s7 =	smul.u32 $0x27100, s7  }
0xd: {  	s11 =	sshrl.u32 s9, $0x1;
	s14 =	sadd.s32 s6, s0;
	s16 =	sshrl.u32 s12, $0x2  }
0xe: {  	s0 =	sadd.s32 $0x39600, s0;
	s9 =	ssub.s32 s9, s11;
	s21 =	sadd.s32 s10, s8  }
0xf: {  	s8 =	sadd.s32 s16, s3;
	s18 =	sadd.s32 $0x12600, s14;
	[dreg:$0x8] =	wrdreg s0  }
0x10: {  	s10 =	sshrl.u32 s10, $0x3;
	s0 =	sshrl.u32 s20, $0x3;
	s6 =	sadd.s32 s6, s7  }
0x11: {  	s20 =	sadd.s32 s25, s13;
	s25 =	simm.s32 $0x80;
	[dreg:$0x5] =	wrdreg s8  }
0x12: {  	[dreg:$0x6] =	wrdreg s18;
	s8 =	sor.u32 $0x1C05, s17;
	s22 =	sshrl.u32 s21, $0x3  }
0x13: {  	s12 =	sadd.s32 s13, s10;
	s0 =	sadd.s32 s2, s0;
	s2 =	sadd.s32 s2, s6  }
0x14: {  	s17 =	smax.u32 s9, $0x1;
	s26 =	sadd.s32 $0x180, s21;
	s21 =	sadd.s32 $0x100, s21  }
0x15: {  	s6 =	simm.s32 $0x0;
	s11 =	sadd.s32 s5, s22;
	s24 =	sadd.s32 $0x10, s12  }
0x16: {  	[dreg:$0xb] =	wrdreg s2;
	s0 =	sadd.s32 $0x27000, s0;
	s19 =	sadd.s32 $0x4E0, s12  }
0x17: {  	s2 =	sshrl.u32 s26, $0x3;
	s26 =	simm.s32 $0x180;
	[dreg:$0xa] =	wrdreg s24  }
0x18: {  	s23 =	sadd.s32 $0x10, s11;
	[dreg:$0xc] =	wrdreg s0;
	s18 =	sadd.s32 $0x4E0, s11  }
0x19: {  	s22 =	sadd.s32 s2, s5;
	s24 =	simm.s32 $0x100;
	s0 =	simm.s32 $0x3  }
0x1a: {  	s2 =	simm.s32 $0x4;
	[dreg:$0x9] =	wrdreg s23;
	s23 =	simm.s32 $0x5  }
.LBB2_1:
0x1b: {  	s7 =	rddreg [dreg:$0x5]  }
0x1c: {  	s9 =	rddreg [dreg:$0x6];
	s7 =	sshrl.u32 s7, $0x3  }
0x1d: {  	[spmem:s7], [sflag:s8] =	dma.local [hbm:s9], $0x2700  }
0x1e: {  	_ =	swait.ge [sflag:s23], $0x2700  }
0x1f: {  	[sflag:s23] =	ssyncset.done $0x0;
	s9 =	rddreg [dreg:$0x7]  }
0x20: {  	s10 =	rddreg [dreg:$0x8];
	[sflag:s23] =	ssyncadd.s32 $0xFFFFD900;
	s9 =	sshrl.u32 @!p0 s9, $0x3  }
0x21: {  	[spmem:s9], [sflag:s8] =	dma.local @!p0 [hbm:s10], $0x200  }
0x22: {  	s10 =	simm.s32 @!p0 $0x5  }
0x23: {  	_ =	swait.ge @!p0 [sflag:s10], $0x200  }
0x24: {  	[sflag:s10] =	ssyncset.done @!p0 $0x0  }
0x25: {  	[sflag:s10] =	ssyncadd.s32 @!p0 $0xFFFFFE00  }
0x26: {  	[bflag:$0x0] =	sbarrier.arrive $0xFFFF  }
0x27: {  	[tilespmem:s4], [sflag:$0x1] =	stream.linear.gather [hbm4b:s11+s4], $0x80, $0x38;
	[tilespmem:$0x1BB00] =	vst v63  }
0x28: {  	_ = 	snop  }
0x29: {  	[tilespmem:s24], [sflag:$0x1] =	stream.linear.gather [hbm4b:s12+s4], $0x80, $0x38;
	[tilespmem:$0x1BB00] =	vst v63  }
0x2a: {  	s16 =	rddreg [dreg:$0x9]  }
0x2b: {  	[tilespmem:s25], [sflag:$0x2] =	stream.linear.gather [hbm4b:s16+s4], $0x80, $0x38;
	[tilespmem:$0x1BB00] =	vst v63  }
0x2c: {  	s13 =	rddreg [dreg:$0xa]  }
0x2d: {  	[tilespmem:s26], [sflag:$0x2] =	stream.linear.gather [hbm4b:s13+s4], $0x80, $0x38;
	[tilespmem:$0x1BB00] =	vst v63  }
0x2e: {  	_ =	swait.ge [sflag:s28], $0x80  }
0x2f: {  	[sflag:s28] =	ssyncset.done $0x0  }
0x30: {  	[sflag:s28] =	ssyncadd.s32 $0xFFFFFF80  }
0x31: {  	_ =	swait.ge [sflag:s28], $0x80  }
0x32: {  	[sflag:s28] =	ssyncset.done $0x0  }
0x33: {  	[sflag:s28] =	ssyncadd.s32 $0xFFFFFF80  }
0x34: {  	[tilespmem:s29], [sflag:$0x3] =	stream.indirect.gather [hbm4b:s1+s25], $0x80, s4, s25, $0xb8;
	[tilespmem:$0x1BB00] =	vst v63  }
0x35: {  	_ =	swait.ge [sflag:s30], $0x80  }
0x36: {  	[sflag:s30] =	ssyncset.done $0x0  }
0x37: {  	[sflag:s30] =	ssyncadd.s32 $0xFFFFFF80  }
0x38: {  	_ =	swait.ge [sflag:s30], $0x80  }
0x39: {  	[sflag:s30] =	ssyncset.done $0x0  }
0x3a: {  	[sflag:s30] =	ssyncadd.s32 $0xFFFFFF80  }
0x3b: {  	[tilespmem:s31], [sflag:$0x4] =	stream.indirect.gather [hbm4b:s1+s25], $0x80, s25, s25, $0xb8;
	[tilespmem:$0x1BB00] =	vst v63  }
0x3c: {  	_ =	swait.ge [sflag:s0], $0x4000  }
0x3d: {  	[sflag:s0] =	ssyncset.done $0x0  }
0x3e: {  	[sflag:s0] =	ssyncadd.s32 $0xFFFFC000  }
0x3f: {  	[spmem:s3] =	stream.indirect.scatter.add.f32 [tilespmem:s29], [sflag:$0x5], $0x80, s24, s25, $0xb8;
	[tilespmem:$0x1BB00] =	vst v63  }
0x40: {  	_ =	swait.ge [sflag:s23], $0x4000  }
0x41: {  	s14 =	sshrl.u32 s21, $0x3;
	[sflag:s23] =	ssyncset.done $0x0  }
0x42: {  	s10 =	sadd.s32 s5, s14;
	s13 =	sadd.s32 $0x0, s20;
	[sflag:s23] =	ssyncadd.s32 $0xFFFFC000  }
0x43: {  	[tilespmem:s4], [sflag:$0x1] =	stream.linear.gather [hbm4b:s10+s4], $0x80, $0x38;
	[tilespmem:$0x1BB00] =	vst v63  }
0x44: {  	s15 =	sadd.s32 $0x20, s13  }
0x45: {  	[tilespmem:s24], [sflag:$0x1] =	stream.linear.gather [hbm4b:s15+s4], $0x80, $0x38;
	[tilespmem:$0x1BB00] =	vst v63  }
0x46: {  	_ =	swait.ge [sflag:s28], $0x80  }
0x47: {  	[sflag:s28] =	ssyncset.done $0x0  }
0x48: {  	[sflag:s28] =	ssyncadd.s32 $0xFFFFFF80  }
0x49: {  	_ =	swait.ge [sflag:s28], $0x80  }
0x4a: {  	[sflag:s28] =	ssyncset.done $0x0  }
0x4b: {  	[sflag:s28] =	ssyncadd.s32 $0xFFFFFF80  }
0x4c: {  	[tilespmem:s29], [sflag:$0x3] =	stream.indirect.gather [hbm4b:s1+s25], $0x80, s4, s25, $0xb8;
	[tilespmem:$0x1BB00] =	vst v63  }
0x4d: {  	_ =	swait.ge [sflag:s2], $0x4000  }
0x4e: {  	[sflag:s2] =	ssyncset.done $0x0  }
0x4f: {  	[sflag:s2] =	ssyncadd.s32 $0xFFFFC000  }
0x50: {  	[spmem:s3] =	stream.indirect.scatter.add.f32 [tilespmem:s31], [sflag:$0x5], $0x80, s26, s25, $0xb8;
	[tilespmem:$0x1BB00] =	vst v63  }
0x51: {  	_ =	swait.ge [sflag:s23], $0x4000  }
0x52: {  	s16 =	sadd.s32 $0x0, s22;
	s14 =	sadd.s32 $0x30, s13;
	[sflag:s23] =	ssyncset.done $0x0  }
0x53: {  	s13 =	sadd.s32 $0x100, s21;
	s10 =	simm.s32 $0x20;
	[sflag:s23] =	ssyncadd.s32 $0xFFFFC000  }
0x54: {  	[tilespmem:s25], [sflag:$0x2] =	stream.linear.gather [hbm4b:s16+s4], $0x80, $0x38;
	[tilespmem:$0x1BB00] =	vst v63  }
.LBB2_2:
0x55: {  	[tilespmem:s26], [sflag:$0x2] =	stream.linear.gather [hbm4b:s14+s4], $0x80, $0x38;
	[tilespmem:$0x1BB00] =	vst v63  }
0x56: {  	s14 =	smov.u32 s10  }
0x57: {  	p1 =	sne.s32 s10, $0x4A0;
	s10 =	sadd.s32 $0x20, s10;
	_ =	swait.ge [sflag:s30], $0x80  }
0x58: {  	[sflag:s30] =	ssyncset.done $0x0  }
0x59: {  	[sflag:s30] =	ssyncadd.s32 $0xFFFFFF80  }
0x5a: {  	_ =	swait.ge [sflag:s30], $0x80  }
0x5b: {  	[sflag:s30] =	ssyncset.done $0x0  }
0x5c: {  	[sflag:s30] =	ssyncadd.s32 $0xFFFFFF80  }
0x5d: {  	[tilespmem:s31], [sflag:$0x4] =	stream.indirect.gather [hbm4b:s1+s25], $0x80, s25, s25, $0xb8;
	[tilespmem:$0x1BB00] =	vst v63  }
0x5e: {  	_ =	swait.ge [sflag:s0], $0x4000  }
0x5f: {  	[sflag:s0] =	ssyncset.done $0x0  }
0x60: {  	[sflag:s0] =	ssyncadd.s32 $0xFFFFC000  }
0x61: {  	[spmem:s3] =	stream.indirect.scatter.add.f32 [tilespmem:s29], [sflag:$0x5], $0x80, s24, s25, $0xb8;
	[tilespmem:$0x1BB00] =	vst v63  }
0x62: {  	_ =	swait.ge [sflag:s23], $0x4000  }
0x63: {  	s15 =	sshrl.u32 s13, $0x3;
	[sflag:s23] =	ssyncset.done $0x0  }
0x64: {  	s15 =	sadd.s32 s5, s15;
	s16 =	sadd.s32 s14, s20;
	[sflag:s23] =	ssyncadd.s32 $0xFFFFC000  }
0x65: {  	[tilespmem:s4], [sflag:$0x1] =	stream.linear.gather [hbm4b:s15+s4], $0x80, $0x38;
	[tilespmem:$0x1BB00] =	vst v63  }
0x66: {  	s15 =	sadd.s32 $0x20, s16  }
0x67: {  	[tilespmem:s24], [sflag:$0x1] =	stream.linear.gather [hbm4b:s15+s4], $0x80, $0x38;
	[tilespmem:$0x1BB00] =	vst v63  }
0x68: {  	_ =	swait.ge [sflag:s28], $0x80  }
0x69: {  	[sflag:s28] =	ssyncset.done $0x0  }
0x6a: {  	[sflag:s28] =	ssyncadd.s32 $0xFFFFFF80  }
0x6b: {  	_ =	swait.ge [sflag:s28], $0x80  }
0x6c: {  	[sflag:s28] =	ssyncset.done $0x0  }
0x6d: {  	[sflag:s28] =	ssyncadd.s32 $0xFFFFFF80  }
0x6e: {  	[tilespmem:s29], [sflag:$0x3] =	stream.indirect.gather [hbm4b:s1+s25], $0x80, s4, s25, $0xb8;
	[tilespmem:$0x1BB00] =	vst v63  }
0x6f: {  	_ =	swait.ge [sflag:s2], $0x4000  }
0x70: {  	[sflag:s2] =	ssyncset.done $0x0  }
0x71: {  	[sflag:s2] =	ssyncadd.s32 $0xFFFFC000  }
0x72: {  	[spmem:s3] =	stream.indirect.scatter.add.f32 [tilespmem:s31], [sflag:$0x5], $0x80, s26, s25, $0xb8;
	[tilespmem:$0x1BB00] =	vst v63  }
.Ltmp0:
0x73: {  	_ =	swait.ge [sflag:s23], $0x4000;
	(pc) =	sbr.rel @p1 .LBB2_2-.Ltmp0, $4  }
0x74: {  	[sflag:s23] =	ssyncset.done $0x0  }
0x75: {  	s14 =	sadd.s32 s14, s22;
	[sflag:s23] =	ssyncadd.s32 $0xFFFFC000  }
0x76: {  	[tilespmem:s25], [sflag:$0x2] =	stream.linear.gather [hbm4b:s14+s4], $0x80, $0x38;
	[tilespmem:$0x1BB00] =	vst v63  }
0x77: {  	s13 =	sadd.s32 $0x100, s13;
	s14 =	sadd.s32 $0x30, s16  }
0x78: {  	[tilespmem:s26], [sflag:$0x2] =	stream.linear.gather [hbm4b:s14+s4], $0x80, $0x38;
	[tilespmem:$0x1BB00] =	vst v63  }
0x79: {  	_ =	swait.ge [sflag:s30], $0x80  }
0x7a: {  	[sflag:s30] =	ssyncset.done $0x0  }
0x7b: {  	[sflag:s30] =	ssyncadd.s32 $0xFFFFFF80  }
0x7c: {  	_ =	swait.ge [sflag:s30], $0x80  }
0x7d: {  	[sflag:s30] =	ssyncset.done $0x0  }
0x7e: {  	[sflag:s30] =	ssyncadd.s32 $0xFFFFFF80  }
0x7f: {  	[tilespmem:s31], [sflag:$0x4] =	stream.indirect.gather [hbm4b:s1+s25], $0x80, s25, s25, $0xb8;
	[tilespmem:$0x1BB00] =	vst v63  }
0x80: {  	_ =	swait.ge [sflag:s0], $0x4000  }
0x81: {  	[sflag:s0] =	ssyncset.done $0x0  }
0x82: {  	[sflag:s0] =	ssyncadd.s32 $0xFFFFC000  }
0x83: {  	[spmem:s3] =	stream.indirect.scatter.add.f32 [tilespmem:s29], [sflag:$0x5], $0x80, s24, s25, $0xb8;
	[tilespmem:$0x1BB00] =	vst v63  }
0x84: {  	_ =	swait.ge [sflag:s23], $0x4000  }
0x85: {  	[sflag:s23] =	ssyncset.done $0x0  }
0x86: {  	[sflag:s23] =	ssyncadd.s32 $0xFFFFC000  }
0x87: {  	[tilespmem:s4], [sflag:$0x1] =	stream.linear.gather [hbm4b:s18+s4], $0x80, $0x38;
	[tilespmem:$0x1BB00] =	vst v63  }
0x88: {  	_ = 	snop  }
0x89: {  	[tilespmem:s24], [sflag:$0x1] =	stream.linear.gather [hbm4b:s19+s4], $0x80, $0x38;
	[tilespmem:$0x1BB00] =	vst v63  }
0x8a: {  	_ =	swait.ge [sflag:s28], $0x80  }
0x8b: {  	[sflag:s28] =	ssyncset.done $0x0  }
0x8c: {  	[sflag:s28] =	ssyncadd.s32 $0xFFFFFF80  }
0x8d: {  	_ =	swait.ge [sflag:s28], $0x80  }
0x8e: {  	[sflag:s28] =	ssyncset.done $0x0  }
0x8f: {  	[sflag:s28] =	ssyncadd.s32 $0xFFFFFF80  }
0x90: {  	[tilespmem:s29], [sflag:$0x3] =	stream.indirect.gather [hbm4b:s1+s25], $0x80, s4, s25, $0xb8;
	[tilespmem:$0x1BB00] =	vst v63  }
0x91: {  	_ =	swait.ge [sflag:s2], $0x4000  }
0x92: {  	[sflag:s2] =	ssyncset.done $0x0  }
0x93: {  	[sflag:s2] =	ssyncadd.s32 $0xFFFFC000  }
0x94: {  	[spmem:s3] =	stream.indirect.scatter.add.f32 [tilespmem:s31], [sflag:$0x5], $0x80, s26, s25, $0xb8;
	[tilespmem:$0x1BB00] =	vst v63  }
0x95: {  	_ =	swait.ge [sflag:s23], $0x4000  }
0x96: {  	[sflag:s23] =	ssyncset.done $0x0  }
0x97: {  	[sflag:s23] =	ssyncadd.s32 $0xFFFFC000  }
0x98: {  	_ =	swait.ge [sflag:s0], $0x4000  }
0x99: {  	[sflag:s0] =	ssyncset.done $0x0  }
0x9a: {  	[sflag:s0] =	ssyncadd.s32 $0xFFFFC000  }
0x9b: {  	[spmem:s3] =	stream.indirect.scatter.add.f32 [tilespmem:s29], [sflag:$0x5], $0x80, s24, s25, $0xb8;
	[tilespmem:$0x1BB00] =	vst v63  }
0x9c: {  	_ =	swait.ge [sflag:s23], $0x4000  }
0x9d: {  	[sflag:s23] =	ssyncset.done $0x0  }
0x9e: {  	[sflag:s23] =	ssyncadd.s32 $0xFFFFC000  }
0x9f: {  	[bflag:$0x0] =	sbarrier.arrive $0xFFFF  }
0xa0: {  	s10 =	rddreg [dreg:$0xb]  }
0xa1: {  	[hbm:s10], [sflag:s8] =	dma.local [spmem:s7], $0x2700  }
0xa2: {  	_ =	swait.ge [sflag:s23], $0x2700  }
0xa3: {  	s6 =	sadd.s32 $0x1, s6;
	[sflag:s23] =	ssyncset.done $0x0  }
0xa4: {  	p1 =	sne.s32 s6, s17;
	s7 =	rddreg [dreg:$0xc];
	[sflag:s23] =	ssyncadd.s32 $0xFFFFD900  }
0xa5: {  	[hbm:s7], [sflag:s8] =	dma.local @!p0 [spmem:s9], $0x100  }
.Ltmp1:
0xa6: {  	_ = 	snop;
	(pc) =	sbr.rel @p1 .LBB2_1-.Ltmp1, $4  }
0xa7: {  	s7 =	simm.s32 @!p0 $0x5  }
0xa8: {  	_ =	swait.ge @!p0 [sflag:s7], $0x100  }
0xa9: {  	[sflag:s7] =	ssyncset.done @!p0 $0x0  }
0xaa: {  	[sflag:s7] =	ssyncadd.s32 @!p0 $0xFFFFFF00  }
0xab: {  	_ =	sfence.sel $0x180000  }
0xac: {  	[bflag:$0x0] =	sbarrier.arrive $0xFFFF  }
0xad: {  	_ =	strace $0x90000047  }
0xae: {  	s0 =	stileid.u32;
	[bflag:$0x2] =	sbarrier.arrive $0xFFFF  }
0xaf: {  	p0 =	sne.s32 s0, $0x0;
	s0 =	rddreg [dreg:$0x4]  }
0xb0: {  	s0 =	sadd.s32 @!p0 $0x100000, s0  }
0xb1: {  	[sflag:s0] =	ssyncadd.tile.s32 @!p0 $0x1;
	_ =	shalt  }
.Lfunc_end2:
_tile_overlayer_lowered:
.L_overlay_start_2:
0xb2: {  	(tag) =	ssettag $0x2  }
0xb3: {  	s0 =	rddreg [dreg:$0x0];
	s2 =	stileid.u32  }
0xb4: {  	s1 =	rddreg [dreg:$0x1];
	p0 =	sne.s32 s2, $0x0  }
0xb5: {  	s3 =	rddreg [dreg:$0x2];
	[bflag:$0x3] =	sbarrier.arrive $0xFFFF;
	s2 =	simm.s32 @!p0 $0x1C05  }
0xb6: {  	[timem:s3], [sflag:s2] =	dma.local @!p0 [hbm:s0], s1  }
0xb7: {  	s0 =	simm.s32 @!p0 $0x5  }
0xb8: {  	_ =	swait.ge @!p0 [sflag:s0], s1  }
0xb9: {  	s1 =	ssub.s32 @!p0 $0x0, s1;
	[sflag:s0] =	ssyncset.done @!p0 $0x0  }
0xba: {  	[sflag:s0] =	ssyncadd.s32 @!p0 s1  }
0xbb: {  	[bflag:$0x3] =	sbarrier.arrive $0xFFFF  }
0xbc: {  	_ =	shalt  }

// kernel: kernel.15.cloned.1.call-start
scs
__scs_entry_jumppad:
0x0: {  	(pc) =	sbr.rel $0x88, $3  }
0x1: {  	(tag) =	ssettag $0x0;
	lr =	simm.s32 $0x1  }
0x2: {  	[smem:$0x3F9A] =	sst lr;
	_ =	strace $0xD0000000  }
0x3: {  	_ = 	snop  }
0x4: {  	_ = 	snop  }
0x5: {  	_ = 	snop  }
0x6: {  	_ = 	snop  }
0x7: {  	_ = 	snop  }
__scs_overlays_trampoline_lowered:
0x8: {  	[smem:$0x3FA9] =	sst s0  }
0x9: {  	[smem:$0x3FAA] =	sst s1  }
0xa: {  	[smem:$0x3FAB] =	sst s2  }
0xb: {  	[smem:$0x3FAC] =	sst s3  }
0xc: {  	[smem:$0x3FAD] =	sst s4  }
0xd: {  	[smem:$0x3FAE] =	sst s5  }
0xe: {  	[smem:$0x3FAF] =	sst s6  }
0xf: {  	[smem:$0x3FB0] =	sst s7  }
0x10: {  	[smem:$0x3FB1] =	sst s8  }
0x11: {  	[smem:$0x3FB2] =	sst s9;
	s0 =	simm.s32 @!p0 $0x0  }
0x12: {  	s1 =	sld [smem:$0x3F98];
	s0 =	simm.s32 @p0 $0x1  }
0x13: {  	[smem:$0x3FB3] =	sst s0;
	s0 =	simm.s32 @!p1 $0x0  }
0x14: {  	s2 =	sld [smem:$0x3F97];
	s0 =	simm.s32 @p1 $0x1  }
0x15: {  	[smem:$0x3FB4] =	sst s0;
	s0 =	simm.s32 @!p2 $0x0  }
0x16: {  	s3 =	sld [smem:$0x3FDB];
	s0 =	simm.s32 @p2 $0x1  }
0x17: {  	s4 =	simm.s32 $0x1BF5;
	[smem:$0x3FB6] =	sst s0  }
0x18: {  	s0 =	sld [smem:$0x3F99];
	_ =	swait.ge [sflag:s4], $0x0  }
0x19: {  	s7 =	sld [smem:$0x3F9A]  }
0x1a: {  	s8 =	sadd.s32 $0xFFFFE003, lr  }
0x1b: {  	s9 =	sadd.s32 $0xFFFFFEF7, lr;
	s5 =	simm.s32 $0xFFFFFFFF;
	p2 =	slt.u32 s8, $0xFFFFF086  }
0x1c: {  	p1 =	slt.u32 s9, $0xF7A;
	s5 =	simm.s32 @!p2 $0x0  }
0x1d: {  	s5 =	simm.s32 @p1 $0x1;
	p0 =	seq.s32 s7, s2  }
0x1e: {  	s7 =	smul.u32 @!p0 $0xF7A, s2;
	p2 =	seq.s32 @!p0 s5, $0x0  }
0x1f: {  	s9 =	smul.u32 $0xF7A, s1;
	s8 =	simm.s32 @!p0 $0x1BF5;
	p2 =	por !p2, p0  }
0x20: {  	[sflag:s8] =	ssyncset.s32 @!p0 $0xFFFFF086;
	s6 =	sadd.s32 @!p0 s3, s7;
	s7 =	simm.s32 @!p0 $0x108  }
0x21: {  	s3 =	sadd.s32 s3, s9;
	s6 =	sadd.s32 @!p0 $0x88, s6;
	s7 =	simm.s32 @p2 $0x1082  }
0x22: {  	[simem:s7], [sflag:s8] =	dma.local @!p0 [hbm:s6], $0xF7A  }
0x23: {  	s9 =	sor.u32 $0xD0000000, s2;
	s6 =	simm.s32 $0x108;
	_ =	swait.ge @!p0 [sflag:s8], $0x0  }
0x24: {  	s3 =	sadd.s32 $0x88, s3;
	s6 =	simm.s32 @!p1 $0x1082;
	[sflag:s4] =	ssyncset.s32 $0xFFFFF086  }
0x25: {  	[simem:s6], [sflag:s4] =	dma.local [hbm:s3], $0xF7A  }
0x26: {  	[smem:$0x3F9A] =	sst s1;
	(tag) =	ssettag s2;
	_ =	strace s9  }
0x27: {  	s1 =	sld [smem:$0x3FAA]  }
0x28: {  	s2 =	sld [smem:$0x3FAB]  }
0x29: {  	s4 =	sld [smem:$0x3FAD]  }
0x2a: {  	p0 =	seq.s32 s5, $0x0;
	s5 =	sld [smem:$0x3FAE]  }
0x2b: {  	s6 =	sld [smem:$0x3FAF]  }
0x2c: {  	s7 =	sld [smem:$0x3FB0]  }
0x2d: {  	s3 =	simm.s32 $0x108;
	s8 =	sld [smem:$0x3FB1]  }
0x2e: {  	s3 =	simm.s32 @!p0 $0x1082;
	s9 =	sld [smem:$0x3FB2]  }
0x2f: {  	lr =	sadd.s32 s0, s3;
	s0 =	sld [smem:$0x3FA9]  }
0x30: {  	s3 =	sld [smem:$0x3FAC]  }
0x31: {  	[smem:$0x3FB5] =	sst s10  }
0x32: {  	s10 =	sld [smem:$0x3FB3];
	_ =	sdelay $0x3  }
0x33: {  	p0 =	seq.s32 s10, $0x1;
	s10 =	sld [smem:$0x3FB5];
	_ =	sdelay $0x3  }
0x34: {  	[smem:$0x3FB5] =	sst s10  }
0x35: {  	s10 =	sld [smem:$0x3FB4];
	_ =	sdelay $0x3  }
0x36: {  	p1 =	seq.s32 s10, $0x1;
	s10 =	sld [smem:$0x3FB5];
	_ =	sdelay $0x3  }
0x37: {  	[smem:$0x3FB5] =	sst s10  }
0x38: {  	s10 =	sld [smem:$0x3FB6]  }
0x39: {  	_ = 	snop;
	(pc) =	sbr.ind lr, $3  }
0x3a: {  	_ = 	snop  }
0x3b: {  	_ = 	snop  }
0x3c: {  	p2 =	seq.s32 s10, $0x1;
	s10 =	sld [smem:$0x3FB5]  }
0x3d: {  	_ =	shalt  }
0x3e: {  	_ =	shalt  }
0x3f: {  	_ =	shalt  }
0x40: {  	_ =	shalt  }
0x41: {  	_ =	shalt  }
0x42: {  	_ =	shalt  }
0x43: {  	_ =	shalt  }
0x44: {  	_ =	shalt  }
0x45: {  	_ =	shalt  }
0x46: {  	_ =	shalt  }
0x47: {  	_ =	shalt  }
0x48: {  	_ =	shalt  }
0x49: {  	_ =	shalt  }
0x4a: {  	_ =	shalt  }
0x4b: {  	_ =	shalt  }
0x4c: {  	_ =	shalt  }
0x4d: {  	_ =	shalt  }
0x4e: {  	_ =	shalt  }
0x4f: {  	_ =	shalt  }
0x50: {  	_ =	shalt  }
0x51: {  	_ =	shalt  }
0x52: {  	_ =	shalt  }
0x53: {  	_ =	shalt  }
0x54: {  	_ =	shalt  }
0x55: {  	_ =	shalt  }
0x56: {  	_ =	shalt  }
0x57: {  	_ =	shalt  }
0x58: {  	_ =	shalt  }
0x59: {  	_ =	shalt  }
0x5a: {  	_ =	shalt  }
0x5b: {  	_ =	shalt  }
0x5c: {  	_ =	shalt  }
0x5d: {  	_ =	shalt  }
0x5e: {  	_ =	shalt  }
0x5f: {  	_ =	shalt  }
0x60: {  	_ =	shalt  }
0x61: {  	_ =	shalt  }
0x62: {  	_ =	shalt  }
0x63: {  	_ =	shalt  }
0x64: {  	_ =	shalt  }
0x65: {  	_ =	shalt  }
0x66: {  	_ =	shalt  }
0x67: {  	_ =	shalt  }
0x68: {  	_ =	shalt  }
0x69: {  	_ =	shalt  }
0x6a: {  	_ =	shalt  }
0x6b: {  	_ =	shalt  }
0x6c: {  	_ =	shalt  }
0x6d: {  	_ =	shalt  }
0x6e: {  	_ =	shalt  }
0x6f: {  	_ =	shalt  }
0x70: {  	_ =	shalt  }
0x71: {  	_ =	shalt  }
0x72: {  	_ =	shalt  }
0x73: {  	_ =	shalt  }
0x74: {  	_ =	shalt  }
0x75: {  	_ =	shalt  }
0x76: {  	_ =	shalt  }
0x77: {  	_ =	shalt  }
0x78: {  	_ =	shalt  }
0x79: {  	_ =	shalt  }
0x7a: {  	_ =	shalt  }
0x7b: {  	_ =	shalt  }
0x7c: {  	_ =	shalt  }
0x7d: {  	_ =	shalt  }
0x7e: {  	_ =	shalt  }
0x7f: {  	_ =	shalt  }
0x80: {  	_ =	shalt  }
0x81: {  	_ =	shalt  }
0x82: {  	_ =	shalt  }
0x83: {  	_ =	shalt  }
0x84: {  	_ =	shalt  }
0x85: {  	_ =	shalt  }
0x86: {  	_ =	shalt  }
0x87: {  	_ =	shalt  }
.Lfunc_end0:
.L_simem_size_0:
called_computation.1_lowered:
.L_overlay_start_0:
0x88: {  	s2 =	sld [smem:$0x3FD9]  }
0x89: {  	s3 =	sld [smem:$0x3FFE];
	_ =	sdelay $0x1  }
0x8a: {  	s1 =	srdreg.scid  }
0x8b: {  	s0 =	sand.u32 $0x1, s1  }
0x8c: {  	s14 =	sshll.u32 s0, $0xA;
	s2 =	sadd.s32 s3, s2  }
0x8d: {  	s2 =	sadd.s32 s2, s14  }
0x8e: {  	[smem:$0x3FC1] =	sst s2  }
0x8f: {  	_ = 	snop  }
0x90: {  	s2 =	sld [smem:$0x3FD0];
	_ =	sdelay $0x2  }
0x91: {  	s15 =	simm.s32 $0xA;
	s4 =	simm.s32 $0x10  }
0x92: {  	[smem:s4], [sflag:s15] =	dma.local [hbm:s2], $0x1  }
0x93: {  	_ =	swait.eq [sflag:s15], $0x1  }
0x94: {  	s16 =	sld [smem:$0x10]  }
0x95: {  	s17 =	sld [smem:$0x12];
	[sflag:s15] =	ssyncset.done $0x0  }
0x96: {  	s5 =	sld [smem:$0x13];
	[sflag:s15] =	ssyncadd.s32 $0xFFFFFFFF  }
0x97: {  	s18 =	sld [smem:$0x14];
	(tm) =	ssettm $0x1  }
0x98: {  	s6 =	sld [smem:$0x3FFB];
	_ =	sdelay $0x3  }
0x99: {  	_ =	strace s6  }
0x9a: {  	s6 =	sld [smem:$0x3FFC];
	_ =	sdelay $0x3  }
0x9b: {  	_ =	strace s6  }
0x9c: {  	s6 =	sld [smem:$0x3FFD];
	_ =	sdelay $0x3  }
0x9d: {  	_ =	strace s6  }
0x9e: {  	_ =	strace $0x8FFFFFFF  }
0x9f: {  	s19 =	sld [smem:$0x3FDB];
	_ =	sdelay $0x1  }
0xa0: {  	s7 =	simm.s32 $_scs_section_size  }
0xa1: {  	s8 =	simm.s32 $_size__tile_overlayer_lowered;
	s9 =	simm.s32 $_tile_overlayer_lowered  }
0xa2: {  	s22 =	simm.s32 $0x1BFF;
	s21 =	sshll.u32 s9, $0x1;
	s6 =	sadd.s32 s7, s19  }
0xa3: {  	s10 =	simm.s32 $0x0;
	s20 =	sshll.u32 s8, $0x1;
	s8 =	sadd.s32 s21, s6  }
0xa4: {  	[timem:s10], [sflag:s22] =	dma.local [hbm:s8], s20  }
0xa5: {  	_ =	swait.ge [sflag:s22], s20  }
0xa6: {  	s7 =	ssub.s32 $0x0, s20;
	[sflag:s22] =	ssyncset.done $0x0  }
0xa7: {  	[sflag:s22] =	ssyncadd.s32 s7;
	_ =	sdelay $0x1  }
0xa8: {  	s23 =	simm.s32 $0x1B8B  }
0xa9: {  	_ =	swait.ge [sflag:s23], $0x1  }
0xaa: {  	[sflag:s23] =	ssyncset.done $0x0  }
0xab: {  	s25 =	simm.s32 $0x1B8E;
	s24 =	sld [smem:$0x3FFE];
	[sflag:s23] =	ssyncadd.s32 $0xFFFFFFFF  }
0xac: {  	s26 =	simm.s32 $execute0_lowered;
	[smem:$0x3FD2] =	sst s25  }
0xad: {  	s8 =	sshll.u32 s26, $0x1;
	_ =	strace $0x80000049;
	[dreg:$0x1] =	wrdreg $0xFFFFFFFF  }
0xae: {  	s28 =	simm.s32 $_size_execute0_lowered;
	s6 =	sadd.s32 s6, s8;
	[dreg:$0x0] =	wrdreg $0x0  }
0xaf: {  	s8 =	sshll.u32 s28, $0x1;
	[dreg:$0x2] =	wrdreg s6  }
0xb0: {  	[dreg:$0x3] =	wrdreg s8  }
0xb1: {  	[dreg:$0x4] =	wrdreg $0xC0  }
0xb2: {  	_ =	task [dreg:s10], $0x5FFFF  }
0xb3: {  	[dreg:$0x1] =	wrdreg $0xFFFFFFFF  }
0xb4: {  	[dreg:$0x0] =	wrdreg $0x60  }
0xb5: {  	[dreg:$0x2] =	wrdreg s16  }
0xb6: {  	[dreg:$0x3] =	wrdreg s5  }
0xb7: {  	[dreg:$0x4] =	wrdreg s17  }
0xb8: {  	[dreg:$0x5] =	wrdreg s24  }
0xb9: {  	[dreg:$0x6] =	wrdreg s18  }
0xba: {  	[dreg:$0x7] =	wrdreg $0x82000  }
0xbb: {  	[dreg:$0x8] =	wrdreg $0x9  }
0xbc: {  	_ =	task.clear_ibuf [dreg:s10], $0x9FFFF;
	_ =	strace $0x90000049  }
0xbd: {  	s29 =	simm.s32 $0x9;
	_ =	strace $0x8000004B  }
0xbe: {  	_ =	swait.ge [sflag:s29], $0x1  }
0xbf: {  	[sflag:s29] =	ssyncadd.s32 $0xFFFFFFFF  }
0xc0: {  	_ =	strace $0x9000004B  }
0xc1: {  	_ =	sfence  }
0xc2: {  	s30 =	sld [smem:$0x0];
	_ =	sdelay $0x2  }
0xc3: {  	s31 =	sshll.u32 s1, $0xD;
	s1 =	sshrl.u32 s1, $0x2  }
0xc4: {  	s3 =	sand.u32 $0x4000, s31;
	s1 =	sadd.s32 s1, s30  }
0xc5: {  	s0 =	sor.u32 s3, s0;
	s1 =	sshll.u32 s1, $0x11  }
0xc6: {  	s0 =	sor.u32 s1, s0  }
0xc7: {  	s0 =	sadd.s32 $0x8F2B, s0  }
0xc8: {  	[sflag:s0] =	ssyncadd.remote.s32 $0x1  }
0xc9: {  	_ =	sfence.sel $0xFFFF  }
0xca: {  	[dreg:$0x0] =	wrdreg $0xFFFFFFFF;
	(pc) =	sbr.abs _section_cstart, $3  }
0xcb: {  	[dreg:$0x1] =	wrdreg $0xFFFFFFFF  }
0xcc: {  	_ =	task.clear_ibuf [dreg:s10], $0x2FFFF;
	_ =	strace $0x9FFFFFFF  }
0xcd: {  	(tm) =	ssettm $0x7FFFFFFF  }
tec
execute0_lowered:
.L_overlay_start_1:
0x0: {  	(tag) =	ssettag $0x1  }
0x1: {  	s0 =	rddreg [dreg:$0x0]  }
0x2: {  	s2 =	rddreg [dreg:$0x1]  }
0x3: {  	s3 =	rddreg [dreg:$0x2]  }
0x4: {  	s1 =	rddreg [dreg:$0x3]  }
0x5: {  	s4 =	rddreg [dreg:$0x4];
	s15 =	stileid.u32  }
0x6: {  	s6 =	srdreg.scid;
	s5 =	rddreg [dreg:$0x5]  }
0x7: {  	s28 =	simm.s32 $0x180;
	s29 =	simm.s32 $0x1;
	s7 =	smul.u32 $0x2700, s15  }
0x8: {  	s30 =	simm.s32 $0x200;
	s31 =	simm.s32 $0x2;
	s11 =	smul.u32 $0x1480, s15  }
0x9: {  	s8 =	sand.u32 $0x1, s6;
	s6 =	simm.s32 $0x0;
	s13 =	smul.u32 $0x4E000, s15  }
0xa: {  	s26 =	sshll.u32 s15, $0x6;
	p0 =	sne.s32 s15, $0xF;
	s9 =	smul.u32 $0x14800, s8  }
0xb: {  	s10 =	ssub.s32 $0x2, s8;
	[smem:$0x7FF] =	sst s6;
	s17 =	smul.u32 $0x138800, s8  }
0xc: {  	s19 =	smul.u32 $0x27100, s8;
	s12 =	sshrl.u32 s10, $0x1;
	_ =	strace $0x8000004A  }
0xd: {  	s14 =	sadd.s32 s7, s1;
	s25 =	sshrl.u32 s13, $0x2;
	s1 =	sadd.s32 $0x39600, s1  }
0xe: {  	s11 =	sadd.s32 s11, s9;
	s9 =	sadd.s32 s25, s5;
	[dreg:$0xa] =	wrdreg s1  }
0xf: {  	s10 =	ssub.s32 s10, s12;
	s13 =	sadd.s32 $0x12600, s14;
	[dreg:$0x7] =	wrdreg s9  }
0x10: {  	s14 =	sadd.s32 $0x138000, s5;
	s1 =	sadd.s32 s7, s19;
	[dreg:$0x8] =	wrdreg s13  }
0x11: {  	s7 =	simm.s32 $0x4;
	s9 =	sor.u32 $0x1C05, s26;
	[dreg:$0x9] =	wrdreg s14  }
0x12: {  	s16 =	sshrl.u32 s11, $0x3;
	s13 =	sshrl.u32 s17, $0x3;
	s1 =	sadd.s32 s4, s1  }
0x13: {  	s25 =	sadd.s32 $0x180, s11;
	s18 =	sadd.s32 s2, s16;
	s20 =	sadd.s32 s3, s16  }
0x14: {  	s21 =	sadd.s32 $0x10, s16;
	s23 =	sadd.s32 s4, s13;
	[dreg:$0xf] =	wrdreg s1  }
0x15: {  	s24 =	sadd.s32 $0x280, s16;
	s26 =	sshrl.u32 s25, $0x3;
	s25 =	simm.s32 $0x100  }
0x16: {  	s4 =	simm.s32 $0x4200;
	s1 =	simm.s32 $0x3;
	[dreg:$0xb] =	wrdreg s18  }
0x17: {  	[dreg:$0xc] =	wrdreg s20;
	s22 =	sadd.s32 s2, s21;
	s8 =	sadd.s32 s3, s21  }
0x18: {  	s17 =	sadd.s32 $0x27000, s23;
	s18 =	smax.u32 s10, $0x1;
	s19 =	sadd.s32 s2, s24  }
0x19: {  	s20 =	sadd.s32 s3, s24;
	s21 =	sadd.s32 s26, s3;
	[dreg:$0xd] =	wrdreg s22  }
0x1a: {  	s23 =	sadd.s32 $0x100, s11;
	s24 =	simm.s32 $0x5;
	[dreg:$0xe] =	wrdreg s8  }
0x1b: {  	s22 =	sadd.s32 s26, s2;
	s26 =	simm.s32 $0x80;
	s8 =	simm.s32 $0x0  }
.LBB2_1:
0x1c: {  	s10 =	rddreg [dreg:$0x7]  }
0x1d: {  	s11 =	rddreg [dreg:$0x8];
	s10 =	sshrl.u32 s10, $0x3  }
0x1e: {  	[spmem:s10], [sflag:s9] =	dma.local [hbm:s11], $0x2700  }
0x1f: {  	_ =	swait.ge [sflag:s24], $0x2700  }
0x20: {  	[sflag:s24] =	ssyncset.done $0x0;
	s11 =	rddreg [dreg:$0x9]  }
0x21: {  	s12 =	rddreg [dreg:$0xa];
	[sflag:s24] =	ssyncadd.s32 $0xFFFFD900;
	s11 =	sshrl.u32 @!p0 s11, $0x3  }
0x22: {  	[spmem:s11], [sflag:s9] =	dma.local @!p0 [hbm:s12], $0x200  }
0x23: {  	s12 =	simm.s32 @!p0 $0x5  }
0x24: {  	_ =	swait.ge @!p0 [sflag:s12], $0x200  }
0x25: {  	[sflag:s12] =	ssyncset.done @!p0 $0x0  }
0x26: {  	[sflag:s12] =	ssyncadd.s32 @!p0 $0xFFFFFE00  }
0x27: {  	[bflag:$0x0] =	sbarrier.arrive $0xFFFF  }
0x28: {  	s15 =	rddreg [dreg:$0xb]  }
0x29: {  	[tilespmem:s6], [sflag:$0x1] =	stream.linear.gather [hbm4b:s15+s6], $0x80, $0x38;
	[tilespmem:$0x1BB00] =	vst v63  }
0x2a: {  	s16 =	rddreg [dreg:$0xc]  }
0x2b: {  	[tilespmem:s25], [sflag:$0x1] =	stream.linear.gather [hbm4b:s16+s6], $0x80, $0x38;
	[tilespmem:$0x1BB00] =	vst v63  }
0x2c: {  	s13 =	rddreg [dreg:$0xd]  }
0x2d: {  	[tilespmem:s26], [sflag:$0x2] =	stream.linear.gather [hbm4b:s13+s6], $0x80, $0x38;
	[tilespmem:$0x1BB00] =	vst v63  }
0x2e: {  	s14 =	rddreg [dreg:$0xe]  }
0x2f: {  	[tilespmem:s28], [sflag:$0x2] =	stream.linear.gather [hbm4b:s14+s6], $0x80, $0x38;
	[tilespmem:$0x1BB00] =	vst v63  }
0x30: {  	_ =	swait.ge [sflag:s29], $0x80  }
0x31: {  	[sflag:s29] =	ssyncset.done $0x0  }
0x32: {  	[sflag:s29] =	ssyncadd.s32 $0xFFFFFF80  }
0x33: {  	_ =	swait.ge [sflag:s29], $0x80  }
0x34: {  	[sflag:s29] =	ssyncset.done $0x0  }
0x35: {  	[sflag:s29] =	ssyncadd.s32 $0xFFFFFF80  }
0x36: {  	[tilespmem:s30], [sflag:$0x3] =	stream.indirect.gather [hbm4b:s0+s26], $0x80, s6, s26, $0xb8;
	[tilespmem:$0x1BB00] =	vst v63  }
0x37: {  	_ =	swait.ge [sflag:s31], $0x80  }
0x38: {  	[sflag:s31] =	ssyncset.done $0x0  }
0x39: {  	[sflag:s31] =	ssyncadd.s32 $0xFFFFFF80  }
0x3a: {  	_ =	swait.ge [sflag:s31], $0x80  }
0x3b: {  	[sflag:s31] =	ssyncset.done $0x0  }
0x3c: {  	[sflag:s31] =	ssyncadd.s32 $0xFFFFFF80  }
0x3d: {  	[tilespmem:s4], [sflag:$0x4] =	stream.indirect.gather [hbm4b:s0+s26], $0x80, s26, s26, $0xb8;
	[tilespmem:$0x1BB00] =	vst v63  }
0x3e: {  	_ =	swait.ge [sflag:s1], $0x4000  }
0x3f: {  	[sflag:s1] =	ssyncset.done $0x0  }
0x40: {  	[sflag:s1] =	ssyncadd.s32 $0xFFFFC000  }
0x41: {  	[spmem:s5] =	stream.indirect.scatter.add.f32 [tilespmem:s30], [sflag:$0x5], $0x80, s25, s26, $0xb8;
	[tilespmem:$0x1BB00] =	vst v63  }
0x42: {  	_ =	swait.ge [sflag:s24], $0x4000  }
0x43: {  	s15 =	sshrl.u32 s23, $0x3;
	[sflag:s24] =	ssyncset.done $0x0  }
0x44: {  	s13 =	sadd.s32 s2, s15;
	[sflag:s24] =	ssyncadd.s32 $0xFFFFC000  }
0x45: {  	[tilespmem:s6], [sflag:$0x1] =	stream.linear.gather [hbm4b:s13+s6], $0x80, $0x38;
	[tilespmem:$0x1BB00] =	vst v63  }
0x46: {  	s12 =	sadd.s32 s3, s15  }
0x47: {  	[tilespmem:s25], [sflag:$0x1] =	stream.linear.gather [hbm4b:s12+s6], $0x80, $0x38;
	[tilespmem:$0x1BB00] =	vst v63  }
0x48: {  	_ =	swait.ge [sflag:s29], $0x80  }
0x49: {  	[sflag:s29] =	ssyncset.done $0x0  }
0x4a: {  	[sflag:s29] =	ssyncadd.s32 $0xFFFFFF80  }
0x4b: {  	_ =	swait.ge [sflag:s29], $0x80  }
0x4c: {  	[sflag:s29] =	ssyncset.done $0x0  }
0x4d: {  	[sflag:s29] =	ssyncadd.s32 $0xFFFFFF80  }
0x4e: {  	[tilespmem:s30], [sflag:$0x3] =	stream.indirect.gather [hbm4b:s0+s26], $0x80, s6, s26, $0xb8;
	[tilespmem:$0x1BB00] =	vst v63  }
0x4f: {  	_ =	swait.ge [sflag:s7], $0x4000  }
0x50: {  	[sflag:s7] =	ssyncset.done $0x0  }
0x51: {  	[sflag:s7] =	ssyncadd.s32 $0xFFFFC000  }
0x52: {  	[spmem:s5] =	stream.indirect.scatter.add.f32 [tilespmem:s4], [sflag:$0x5], $0x80, s28, s26, $0xb8;
	[tilespmem:$0x1BB00] =	vst v63  }
0x53: {  	_ =	swait.ge [sflag:s24], $0x4000  }
0x54: {  	s16 =	sadd.s32 $0x0, s22;
	s14 =	sadd.s32 $0x0, s21;
	[sflag:s24] =	ssyncset.done $0x0  }
0x55: {  	s13 =	sadd.s32 $0x100, s23;
	s12 =	simm.s32 $0x20;
	[sflag:s24] =	ssyncadd.s32 $0xFFFFC000  }
0x56: {  	[tilespmem:s26], [sflag:$0x2] =	stream.linear.gather [hbm4b:s16+s6], $0x80, $0x38;
	[tilespmem:$0x1BB00] =	vst v63  }
.LBB2_2:
0x57: {  	[tilespmem:s28], [sflag:$0x2] =	stream.linear.gather [hbm4b:s14+s6], $0x80, $0x38;
	[tilespmem:$0x1BB00] =	vst v63  }
0x58: {  	s14 =	smov.u32 s12  }
0x59: {  	p1 =	sne.s32 s12, $0x240;
	s12 =	sadd.s32 $0x20, s12;
	_ =	swait.ge [sflag:s31], $0x80  }
0x5a: {  	[sflag:s31] =	ssyncset.done $0x0  }
0x5b: {  	[sflag:s31] =	ssyncadd.s32 $0xFFFFFF80  }
0x5c: {  	_ =	swait.ge [sflag:s31], $0x80  }
0x5d: {  	[sflag:s31] =	ssyncset.done $0x0  }
0x5e: {  	[sflag:s31] =	ssyncadd.s32 $0xFFFFFF80  }
0x5f: {  	[tilespmem:s4], [sflag:$0x4] =	stream.indirect.gather [hbm4b:s0+s26], $0x80, s26, s26, $0xb8;
	[tilespmem:$0x1BB00] =	vst v63  }
0x60: {  	_ =	swait.ge [sflag:s1], $0x4000  }
0x61: {  	[sflag:s1] =	ssyncset.done $0x0  }
0x62: {  	[sflag:s1] =	ssyncadd.s32 $0xFFFFC000  }
0x63: {  	[spmem:s5] =	stream.indirect.scatter.add.f32 [tilespmem:s30], [sflag:$0x5], $0x80, s25, s26, $0xb8;
	[tilespmem:$0x1BB00] =	vst v63  }
0x64: {  	_ =	swait.ge [sflag:s24], $0x4000  }
0x65: {  	s15 =	sshrl.u32 s13, $0x3;
	[sflag:s24] =	ssyncset.done $0x0  }
0x66: {  	s16 =	sadd.s32 s2, s15;
	[sflag:s24] =	ssyncadd.s32 $0xFFFFC000  }
0x67: {  	[tilespmem:s6], [sflag:$0x1] =	stream.linear.gather [hbm4b:s16+s6], $0x80, $0x38;
	[tilespmem:$0x1BB00] =	vst v63  }
0x68: {  	s15 =	sadd.s32 s3, s15  }
0x69: {  	[tilespmem:s25], [sflag:$0x1] =	stream.linear.gather [hbm4b:s15+s6], $0x80, $0x38;
	[tilespmem:$0x1BB00] =	vst v63  }
0x6a: {  	_ =	swait.ge [sflag:s29], $0x80  }
0x6b: {  	[sflag:s29] =	ssyncset.done $0x0  }
0x6c: {  	[sflag:s29] =	ssyncadd.s32 $0xFFFFFF80  }
0x6d: {  	_ =	swait.ge [sflag:s29], $0x80  }
0x6e: {  	[sflag:s29] =	ssyncset.done $0x0  }
0x6f: {  	[sflag:s29] =	ssyncadd.s32 $0xFFFFFF80  }
0x70: {  	[tilespmem:s30], [sflag:$0x3] =	stream.indirect.gather [hbm4b:s0+s26], $0x80, s6, s26, $0xb8;
	[tilespmem:$0x1BB00] =	vst v63  }
0x71: {  	_ =	swait.ge [sflag:s7], $0x4000  }
0x72: {  	[sflag:s7] =	ssyncset.done $0x0  }
0x73: {  	[sflag:s7] =	ssyncadd.s32 $0xFFFFC000  }
0x74: {  	[spmem:s5] =	stream.indirect.scatter.add.f32 [tilespmem:s4], [sflag:$0x5], $0x80, s28, s26, $0xb8;
	[tilespmem:$0x1BB00] =	vst v63  }
.Ltmp0:
0x75: {  	_ =	swait.ge [sflag:s24], $0x4000;
	(pc) =	sbr.rel @p1 .LBB2_2-.Ltmp0, $4  }
0x76: {  	[sflag:s24] =	ssyncset.done $0x0  }
0x77: {  	s15 =	sadd.s32 s14, s22;
	[sflag:s24] =	ssyncadd.s32 $0xFFFFC000  }
0x78: {  	[tilespmem:s26], [sflag:$0x2] =	stream.linear.gather [hbm4b:s15+s6], $0x80, $0x38;
	[tilespmem:$0x1BB00] =	vst v63  }
0x79: {  	s13 =	sadd.s32 $0x100, s13;
	s14 =	sadd.s32 s14, s21  }
0x7a: {  	[tilespmem:s28], [sflag:$0x2] =	stream.linear.gather [hbm4b:s14+s6], $0x80, $0x38;
	[tilespmem:$0x1BB00] =	vst v63  }
0x7b: {  	_ =	swait.ge [sflag:s31], $0x80  }
0x7c: {  	[sflag:s31] =	ssyncset.done $0x0  }
0x7d: {  	[sflag:s31] =	ssyncadd.s32 $0xFFFFFF80  }
0x7e: {  	_ =	swait.ge [sflag:s31], $0x80  }
0x7f: {  	[sflag:s31] =	ssyncset.done $0x0  }
0x80: {  	[sflag:s31] =	ssyncadd.s32 $0xFFFFFF80  }
0x81: {  	[tilespmem:s4], [sflag:$0x4] =	stream.indirect.gather [hbm4b:s0+s26], $0x80, s26, s26, $0xb8;
	[tilespmem:$0x1BB00] =	vst v63  }
0x82: {  	_ =	swait.ge [sflag:s1], $0x4000  }
0x83: {  	[sflag:s1] =	ssyncset.done $0x0  }
0x84: {  	[sflag:s1] =	ssyncadd.s32 $0xFFFFC000  }
0x85: {  	[spmem:s5] =	stream.indirect.scatter.add.f32 [tilespmem:s30], [sflag:$0x5], $0x80, s25, s26, $0xb8;
	[tilespmem:$0x1BB00] =	vst v63  }
0x86: {  	_ =	swait.ge [sflag:s24], $0x4000  }
0x87: {  	[sflag:s24] =	ssyncset.done $0x0  }
0x88: {  	[sflag:s24] =	ssyncadd.s32 $0xFFFFC000  }
0x89: {  	[tilespmem:s6], [sflag:$0x1] =	stream.linear.gather [hbm4b:s19+s6], $0x80, $0x38;
	[tilespmem:$0x1BB00] =	vst v63  }
0x8a: {  	_ = 	snop  }
0x8b: {  	[tilespmem:s25], [sflag:$0x1] =	stream.linear.gather [hbm4b:s20+s6], $0x80, $0x38;
	[tilespmem:$0x1BB00] =	vst v63  }
0x8c: {  	_ =	swait.ge [sflag:s29], $0x80  }
0x8d: {  	[sflag:s29] =	ssyncset.done $0x0  }
0x8e: {  	[sflag:s29] =	ssyncadd.s32 $0xFFFFFF80  }
0x8f: {  	_ =	swait.ge [sflag:s29], $0x80  }
0x90: {  	[sflag:s29] =	ssyncset.done $0x0  }
0x91: {  	[sflag:s29] =	ssyncadd.s32 $0xFFFFFF80  }
0x92: {  	[tilespmem:s30], [sflag:$0x3] =	stream.indirect.gather [hbm4b:s0+s26], $0x80, s6, s26, $0xb8;
	[tilespmem:$0x1BB00] =	vst v63  }
0x93: {  	_ =	swait.ge [sflag:s7], $0x4000  }
0x94: {  	[sflag:s7] =	ssyncset.done $0x0  }
0x95: {  	[sflag:s7] =	ssyncadd.s32 $0xFFFFC000  }
0x96: {  	[spmem:s5] =	stream.indirect.scatter.add.f32 [tilespmem:s4], [sflag:$0x5], $0x80, s28, s26, $0xb8;
	[tilespmem:$0x1BB00] =	vst v63  }
0x97: {  	_ =	swait.ge [sflag:s24], $0x4000  }
0x98: {  	[sflag:s24] =	ssyncset.done $0x0  }
0x99: {  	[sflag:s24] =	ssyncadd.s32 $0xFFFFC000  }
0x9a: {  	_ =	swait.ge [sflag:s1], $0x4000  }
0x9b: {  	[sflag:s1] =	ssyncset.done $0x0  }
0x9c: {  	[sflag:s1] =	ssyncadd.s32 $0xFFFFC000  }
0x9d: {  	[spmem:s5] =	stream.indirect.scatter.add.f32 [tilespmem:s30], [sflag:$0x5], $0x80, s25, s26, $0xb8;
	[tilespmem:$0x1BB00] =	vst v63  }
0x9e: {  	_ =	swait.ge [sflag:s24], $0x4000  }
0x9f: {  	[sflag:s24] =	ssyncset.done $0x0  }
0xa0: {  	[sflag:s24] =	ssyncadd.s32 $0xFFFFC000  }
0xa1: {  	[bflag:$0x0] =	sbarrier.arrive $0xFFFF  }
0xa2: {  	s12 =	rddreg [dreg:$0xf]  }
0xa3: {  	[hbm:s12], [sflag:s9] =	dma.local [spmem:s10], $0x2700  }
0xa4: {  	s8 =	sadd.s32 $0x1, s8;
	_ =	swait.ge [sflag:s24], $0x2700  }
0xa5: {  	p1 =	sne.s32 s8, s18;
	[sflag:s24] =	ssyncset.done $0x0  }
.Ltmp1:
0xa6: {  	s10 =	simm.s32 @!p0 $0x5;
	[sflag:s24] =	ssyncadd.s32 $0xFFFFD900;
	(pc) =	sbr.rel @p1 .LBB2_1-.Ltmp1, $4  }
0xa7: {  	[hbm:s17], [sflag:s9] =	dma.local @!p0 [spmem:s11], $0x100  }
0xa8: {  	_ =	swait.ge @!p0 [sflag:s10], $0x100  }
0xa9: {  	[sflag:s10] =	ssyncset.done @!p0 $0x0  }
0xaa: {  	[sflag:s10] =	ssyncadd.s32 @!p0 $0xFFFFFF00  }
0xab: {  	_ =	sfence.sel $0x180000  }
0xac: {  	[bflag:$0x0] =	sbarrier.arrive $0xFFFF  }
0xad: {  	_ =	strace $0x9000004A  }
0xae: {  	s0 =	stileid.u32;
	[bflag:$0x2] =	sbarrier.arrive $0xFFFF  }
0xaf: {  	p0 =	sne.s32 s0, $0x0;
	s0 =	rddreg [dreg:$0x6]  }
0xb0: {  	s0 =	sadd.s32 @!p0 $0x100000, s0  }
0xb1: {  	[sflag:s0] =	ssyncadd.tile.s32 @!p0 $0x1;
	_ =	shalt  }
.Lfunc_end2:
_tile_overlayer_lowered:
.L_overlay_start_2:
0xb2: {  	(tag) =	ssettag $0x2  }
0xb3: {  	s0 =	rddreg [dreg:$0x0];
	s2 =	stileid.u32  }
0xb4: {  	s1 =	rddreg [dreg:$0x1];
	p0 =	sne.s32 s2, $0x0  }
0xb5: {  	s3 =	rddreg [dreg:$0x2];
	[bflag:$0x3] =	sbarrier.arrive $0xFFFF;
	s2 =	simm.s32 @!p0 $0x1C05  }
0xb6: {  	[timem:s3], [sflag:s2] =	dma.local @!p0 [hbm:s0], s1  }
0xb7: {  	s0 =	simm.s32 @!p0 $0x5  }
0xb8: {  	_ =	swait.ge @!p0 [sflag:s0], s1  }
0xb9: {  	s1 =	ssub.s32 @!p0 $0x0, s1;
	[sflag:s0] =	ssyncset.done @!p0 $0x0  }
0xba: {  	[sflag:s0] =	ssyncadd.s32 @!p0 s1  }
0xbb: {  	[bflag:$0x3] =	sbarrier.arrive $0xFFFF  }
0xbc: {  	_ =	shalt  }

// kernel: kernel.18.cloned.1.call-start
scs
__scs_entry_jumppad:
0x0: {  	(pc) =	sbr.rel $0x88, $3  }
0x1: {  	(tag) =	ssettag $0x0;
	lr =	simm.s32 $0x1  }
0x2: {  	[smem:$0x3F9A] =	sst lr;
	_ =	strace $0xD0000000  }
0x3: {  	_ = 	snop  }
0x4: {  	_ = 	snop  }
0x5: {  	_ = 	snop  }
0x6: {  	_ = 	snop  }
0x7: {  	_ = 	snop  }
__scs_overlays_trampoline_lowered:
0x8: {  	[smem:$0x3FA9] =	sst s0  }
0x9: {  	[smem:$0x3FAA] =	sst s1  }
0xa: {  	[smem:$0x3FAB] =	sst s2  }
0xb: {  	[smem:$0x3FAC] =	sst s3  }
0xc: {  	[smem:$0x3FAD] =	sst s4  }
0xd: {  	[smem:$0x3FAE] =	sst s5  }
0xe: {  	[smem:$0x3FAF] =	sst s6  }
0xf: {  	[smem:$0x3FB0] =	sst s7  }
0x10: {  	[smem:$0x3FB1] =	sst s8  }
0x11: {  	[smem:$0x3FB2] =	sst s9;
	s0 =	simm.s32 @!p0 $0x0  }
0x12: {  	s1 =	sld [smem:$0x3F98];
	s0 =	simm.s32 @p0 $0x1  }
0x13: {  	[smem:$0x3FB3] =	sst s0;
	s0 =	simm.s32 @!p1 $0x0  }
0x14: {  	s2 =	sld [smem:$0x3F97];
	s0 =	simm.s32 @p1 $0x1  }
0x15: {  	[smem:$0x3FB4] =	sst s0;
	s0 =	simm.s32 @!p2 $0x0  }
0x16: {  	s3 =	sld [smem:$0x3FDB];
	s0 =	simm.s32 @p2 $0x1  }
0x17: {  	s4 =	simm.s32 $0x1BF5;
	[smem:$0x3FB6] =	sst s0  }
0x18: {  	s0 =	sld [smem:$0x3F99];
	_ =	swait.ge [sflag:s4], $0x0  }
0x19: {  	s7 =	sld [smem:$0x3F9A]  }
0x1a: {  	s8 =	sadd.s32 $0xFFFFE003, lr  }
0x1b: {  	s9 =	sadd.s32 $0xFFFFFEF7, lr;
	s5 =	simm.s32 $0xFFFFFFFF;
	p2 =	slt.u32 s8, $0xFFFFF086  }
0x1c: {  	p1 =	slt.u32 s9, $0xF7A;
	s5 =	simm.s32 @!p2 $0x0  }
0x1d: {  	s5 =	simm.s32 @p1 $0x1;
	p0 =	seq.s32 s7, s2  }
0x1e: {  	s7 =	smul.u32 @!p0 $0xF7A, s2;
	p2 =	seq.s32 @!p0 s5, $0x0  }
0x1f: {  	s9 =	smul.u32 $0xF7A, s1;
	s8 =	simm.s32 @!p0 $0x1BF5;
	p2 =	por !p2, p0  }
0x20: {  	[sflag:s8] =	ssyncset.s32 @!p0 $0xFFFFF086;
	s6 =	sadd.s32 @!p0 s3, s7;
	s7 =	simm.s32 @!p0 $0x108  }
0x21: {  	s3 =	sadd.s32 s3, s9;
	s6 =	sadd.s32 @!p0 $0x88, s6;
	s7 =	simm.s32 @p2 $0x1082  }
0x22: {  	[simem:s7], [sflag:s8] =	dma.local @!p0 [hbm:s6], $0xF7A  }
0x23: {  	s9 =	sor.u32 $0xD0000000, s2;
	s6 =	simm.s32 $0x108;
	_ =	swait.ge @!p0 [sflag:s8], $0x0  }
0x24: {  	s3 =	sadd.s32 $0x88, s3;
	s6 =	simm.s32 @!p1 $0x1082;
	[sflag:s4] =	ssyncset.s32 $0xFFFFF086  }
0x25: {  	[simem:s6], [sflag:s4] =	dma.local [hbm:s3], $0xF7A  }
0x26: {  	[smem:$0x3F9A] =	sst s1;
	(tag) =	ssettag s2;
	_ =	strace s9  }
0x27: {  	s1 =	sld [smem:$0x3FAA]  }
0x28: {  	s2 =	sld [smem:$0x3FAB]  }
0x29: {  	s4 =	sld [smem:$0x3FAD]  }
0x2a: {  	p0 =	seq.s32 s5, $0x0;
	s5 =	sld [smem:$0x3FAE]  }
0x2b: {  	s6 =	sld [smem:$0x3FAF]  }
0x2c: {  	s7 =	sld [smem:$0x3FB0]  }
0x2d: {  	s3 =	simm.s32 $0x108;
	s8 =	sld [smem:$0x3FB1]  }
0x2e: {  	s3 =	simm.s32 @!p0 $0x1082;
	s9 =	sld [smem:$0x3FB2]  }
0x2f: {  	lr =	sadd.s32 s0, s3;
	s0 =	sld [smem:$0x3FA9]  }
0x30: {  	s3 =	sld [smem:$0x3FAC]  }
0x31: {  	[smem:$0x3FB5] =	sst s10  }
0x32: {  	s10 =	sld [smem:$0x3FB3];
	_ =	sdelay $0x3  }
0x33: {  	p0 =	seq.s32 s10, $0x1;
	s10 =	sld [smem:$0x3FB5];
	_ =	sdelay $0x3  }
0x34: {  	[smem:$0x3FB5] =	sst s10  }
0x35: {  	s10 =	sld [smem:$0x3FB4];
	_ =	sdelay $0x3  }
0x36: {  	p1 =	seq.s32 s10, $0x1;
	s10 =	sld [smem:$0x3FB5];
	_ =	sdelay $0x3  }
0x37: {  	[smem:$0x3FB5] =	sst s10  }
0x38: {  	s10 =	sld [smem:$0x3FB6]  }
0x39: {  	_ = 	snop;
	(pc) =	sbr.ind lr, $3  }
0x3a: {  	_ = 	snop  }
0x3b: {  	_ = 	snop  }
0x3c: {  	p2 =	seq.s32 s10, $0x1;
	s10 =	sld [smem:$0x3FB5]  }
0x3d: {  	_ =	shalt  }
0x3e: {  	_ =	shalt  }
0x3f: {  	_ =	shalt  }
0x40: {  	_ =	shalt  }
0x41: {  	_ =	shalt  }
0x42: {  	_ =	shalt  }
0x43: {  	_ =	shalt  }
0x44: {  	_ =	shalt  }
0x45: {  	_ =	shalt  }
0x46: {  	_ =	shalt  }
0x47: {  	_ =	shalt  }
0x48: {  	_ =	shalt  }
0x49: {  	_ =	shalt  }
0x4a: {  	_ =	shalt  }
0x4b: {  	_ =	shalt  }
0x4c: {  	_ =	shalt  }
0x4d: {  	_ =	shalt  }
0x4e: {  	_ =	shalt  }
0x4f: {  	_ =	shalt  }
0x50: {  	_ =	shalt  }
0x51: {  	_ =	shalt  }
0x52: {  	_ =	shalt  }
0x53: {  	_ =	shalt  }
0x54: {  	_ =	shalt  }
0x55: {  	_ =	shalt  }
0x56: {  	_ =	shalt  }
0x57: {  	_ =	shalt  }
0x58: {  	_ =	shalt  }
0x59: {  	_ =	shalt  }
0x5a: {  	_ =	shalt  }
0x5b: {  	_ =	shalt  }
0x5c: {  	_ =	shalt  }
0x5d: {  	_ =	shalt  }
0x5e: {  	_ =	shalt  }
0x5f: {  	_ =	shalt  }
0x60: {  	_ =	shalt  }
0x61: {  	_ =	shalt  }
0x62: {  	_ =	shalt  }
0x63: {  	_ =	shalt  }
0x64: {  	_ =	shalt  }
0x65: {  	_ =	shalt  }
0x66: {  	_ =	shalt  }
0x67: {  	_ =	shalt  }
0x68: {  	_ =	shalt  }
0x69: {  	_ =	shalt  }
0x6a: {  	_ =	shalt  }
0x6b: {  	_ =	shalt  }
0x6c: {  	_ =	shalt  }
0x6d: {  	_ =	shalt  }
0x6e: {  	_ =	shalt  }
0x6f: {  	_ =	shalt  }
0x70: {  	_ =	shalt  }
0x71: {  	_ =	shalt  }
0x72: {  	_ =	shalt  }
0x73: {  	_ =	shalt  }
0x74: {  	_ =	shalt  }
0x75: {  	_ =	shalt  }
0x76: {  	_ =	shalt  }
0x77: {  	_ =	shalt  }
0x78: {  	_ =	shalt  }
0x79: {  	_ =	shalt  }
0x7a: {  	_ =	shalt  }
0x7b: {  	_ =	shalt  }
0x7c: {  	_ =	shalt  }
0x7d: {  	_ =	shalt  }
0x7e: {  	_ =	shalt  }
0x7f: {  	_ =	shalt  }
0x80: {  	_ =	shalt  }
0x81: {  	_ =	shalt  }
0x82: {  	_ =	shalt  }
0x83: {  	_ =	shalt  }
0x84: {  	_ =	shalt  }
0x85: {  	_ =	shalt  }
0x86: {  	_ =	shalt  }
0x87: {  	_ =	shalt  }
.Lfunc_end0:
.L_simem_size_0:
called_computation.2_lowered:
.L_overlay_start_0:
0x88: {  	s2 =	sld [smem:$0x3FD9]  }
0x89: {  	s3 =	sld [smem:$0x3FFE];
	_ =	sdelay $0x1  }
0x8a: {  	s1 =	srdreg.scid  }
0x8b: {  	s0 =	sand.u32 $0x1, s1  }
0x8c: {  	s14 =	sshll.u32 s0, $0xA;
	s2 =	sadd.s32 s3, s2  }
0x8d: {  	s2 =	sadd.s32 s2, s14  }
0x8e: {  	[smem:$0x3FC1] =	sst s2  }
0x8f: {  	_ = 	snop  }
0x90: {  	s2 =	sld [smem:$0x3FD0];
	_ =	sdelay $0x2  }
0x91: {  	s15 =	simm.s32 $0xA;
	s4 =	simm.s32 $0x10  }
0x92: {  	[smem:s4], [sflag:s15] =	dma.local [hbm:s2], $0x1  }
0x93: {  	_ =	swait.eq [sflag:s15], $0x1  }
0x94: {  	s16 =	sld [smem:$0x12];
	[sflag:s15] =	ssyncset.done $0x0  }
0x95: {  	s17 =	sld [smem:$0x13];
	[sflag:s15] =	ssyncadd.s32 $0xFFFFFFFF  }
0x96: {  	s18 =	sld [smem:$0x14];
	(tm) =	ssettm $0x1  }
0x97: {  	s5 =	sld [smem:$0x3FFB];
	_ =	sdelay $0x3  }
0x98: {  	_ =	strace s5  }
0x99: {  	s5 =	sld [smem:$0x3FFC];
	_ =	sdelay $0x3  }
0x9a: {  	_ =	strace s5  }
0x9b: {  	s5 =	sld [smem:$0x3FFD];
	_ =	sdelay $0x3  }
0x9c: {  	_ =	strace s5  }
0x9d: {  	_ =	strace $0x8FFFFFFF  }
0x9e: {  	s19 =	sld [smem:$0x3FDB];
	_ =	sdelay $0x1  }
0x9f: {  	s6 =	simm.s32 $_scs_section_size  }
0xa0: {  	s7 =	simm.s32 $_size__tile_overlayer_lowered;
	s8 =	simm.s32 $_tile_overlayer_lowered  }
0xa1: {  	s22 =	simm.s32 $0x1BFF;
	s21 =	sshll.u32 s8, $0x1;
	s5 =	sadd.s32 s6, s19  }
0xa2: {  	s9 =	simm.s32 $0x0;
	s20 =	sshll.u32 s7, $0x1;
	s7 =	sadd.s32 s21, s5  }
0xa3: {  	[timem:s9], [sflag:s22] =	dma.local [hbm:s7], s20  }
0xa4: {  	_ =	swait.ge [sflag:s22], s20  }
0xa5: {  	s6 =	ssub.s32 $0x0, s20;
	[sflag:s22] =	ssyncset.done $0x0  }
0xa6: {  	[sflag:s22] =	ssyncadd.s32 s6;
	_ =	sdelay $0x1  }
0xa7: {  	s23 =	simm.s32 $0x1B8B  }
0xa8: {  	_ =	swait.ge [sflag:s23], $0x1  }
0xa9: {  	[sflag:s23] =	ssyncset.done $0x0  }
0xaa: {  	s25 =	simm.s32 $0x1B8E;
	s24 =	sld [smem:$0x3FFE];
	[sflag:s23] =	ssyncadd.s32 $0xFFFFFFFF  }
0xab: {  	s26 =	simm.s32 $execute0_lowered;
	[smem:$0x3FD2] =	sst s25  }
0xac: {  	s7 =	sshll.u32 s26, $0x1;
	_ =	strace $0x8000004C;
	[dreg:$0x1] =	wrdreg $0xFFFFFFFF  }
0xad: {  	s28 =	simm.s32 $_size_execute0_lowered;
	s5 =	sadd.s32 s5, s7;
	[dreg:$0x0] =	wrdreg $0x0  }
0xae: {  	s7 =	sshll.u32 s28, $0x1;
	[dreg:$0x2] =	wrdreg s5  }
0xaf: {  	[dreg:$0x3] =	wrdreg s7  }
0xb0: {  	[dreg:$0x4] =	wrdreg $0xC0  }
0xb1: {  	_ =	task [dreg:s9], $0x5FFFF  }
0xb2: {  	[dreg:$0x1] =	wrdreg $0xFFFFFFFF  }
0xb3: {  	[dreg:$0x0] =	wrdreg $0x60  }
0xb4: {  	[dreg:$0x2] =	wrdreg s24  }
0xb5: {  	[dreg:$0x3] =	wrdreg s17  }
0xb6: {  	[dreg:$0x4] =	wrdreg s16  }
0xb7: {  	[dreg:$0x5] =	wrdreg s18  }
0xb8: {  	[dreg:$0x6] =	wrdreg $0x82000  }
0xb9: {  	[dreg:$0x7] =	wrdreg $0x9  }
0xba: {  	_ =	task.clear_ibuf [dreg:s9], $0x8FFFF;
	_ =	strace $0x9000004C  }
0xbb: {  	s29 =	simm.s32 $0x9;
	_ =	strace $0x8000004E  }
0xbc: {  	_ =	swait.ge [sflag:s29], $0x1  }
0xbd: {  	[sflag:s29] =	ssyncadd.s32 $0xFFFFFFFF  }
0xbe: {  	_ =	strace $0x9000004E  }
0xbf: {  	_ =	sfence  }
0xc0: {  	s30 =	sld [smem:$0x0];
	_ =	sdelay $0x2  }
0xc1: {  	s31 =	sshll.u32 s1, $0xD;
	s1 =	sshrl.u32 s1, $0x2  }
0xc2: {  	s3 =	sand.u32 $0x4000, s31;
	s1 =	sadd.s32 s1, s30  }
0xc3: {  	s0 =	sor.u32 s3, s0;
	s1 =	sshll.u32 s1, $0x11  }
0xc4: {  	s0 =	sor.u32 s1, s0  }
0xc5: {  	s0 =	sadd.s32 $0x8F2B, s0  }
0xc6: {  	[sflag:s0] =	ssyncadd.remote.s32 $0x1  }
0xc7: {  	_ =	sfence.sel $0xFFFF  }
0xc8: {  	[dreg:$0x0] =	wrdreg $0xFFFFFFFF;
	(pc) =	sbr.abs _section_cstart, $3  }
0xc9: {  	[dreg:$0x1] =	wrdreg $0xFFFFFFFF  }
0xca: {  	_ =	task.clear_ibuf [dreg:s9], $0x2FFFF;
	_ =	strace $0x9FFFFFFF  }
0xcb: {  	(tm) =	ssettm $0x7FFFFFFF  }
tec
execute0_lowered:
.L_overlay_start_1:
0x0: {  	(tag) =	ssettag $0x1  }
0x1: {  	s0 =	rddreg [dreg:$0x0]  }
0x2: {  	s1 =	rddreg [dreg:$0x1]  }
0x3: {  	s2 =	rddreg [dreg:$0x2]  }
0x4: {  	s3 =	rddreg [dreg:$0x3];
	s15 =	stileid.u32  }
0x5: {  	s5 =	srdreg.scid;
	s4 =	rddreg [dreg:$0x4];
	s28 =	simm.s32 $0x180  }
0x6: {  	s29 =	simm.s32 $0x1;
	s30 =	simm.s32 $0x200;
	s7 =	smul.u32 $0x2700, s15  }
0x7: {  	s31 =	simm.s32 $0x2;
	s8 =	sand.u32 $0x1, s5;
	s11 =	smul.u32 $0x1480, s15  }
0x8: {  	s5 =	simm.s32 $0x0;
	s13 =	smul.u32 $0x4E000, s15;
	s6 =	sadd.s32 $0x39800, s0  }
0x9: {  	s26 =	sshll.u32 s15, $0x6;
	p0 =	sne.s32 s15, $0xF;
	s9 =	smul.u32 $0x14800, s8  }
0xa: {  	[smem:$0x7FF] =	sst s5;
	s10 =	ssub.s32 $0x2, s8;
	s17 =	smul.u32 $0x138800, s8  }
0xb: {  	s19 =	smul.u32 $0x27100, s8;
	_ =	strace $0x8000004D;
	s12 =	sshrl.u32 s10, $0x1  }
0xc: {  	s14 =	sadd.s32 s7, s0;
	s25 =	sshrl.u32 s13, $0x2;
	s0 =	sadd.s32 $0x39600, s0  }
0xd: {  	s11 =	sadd.s32 s11, s9;
	s9 =	sadd.s32 s25, s4;
	[dreg:$0x9] =	wrdreg s0  }
0xe: {  	s10 =	ssub.s32 s10, s12;
	s13 =	sadd.s32 $0x12600, s14;
	[dreg:$0x6] =	wrdreg s9  }
0xf: {  	s14 =	sadd.s32 $0x138000, s4;
	s0 =	sadd.s32 s7, s19;
	[dreg:$0x7] =	wrdreg s13  }
0x10: {  	s7 =	simm.s32 $0x4;
	s9 =	sor.u32 $0x1C05, s26;
	[dreg:$0x8] =	wrdreg s14  }
0x11: {  	s16 =	sshrl.u32 s11, $0x3;
	s13 =	sshrl.u32 s17, $0x3;
	s0 =	sadd.s32 s3, s0  }
0x12: {  	s25 =	sadd.s32 $0x180, s11;
	s18 =	sadd.s32 s1, s16;
	s20 =	sadd.s32 s2, s16  }
0x13: {  	s21 =	sadd.s32 $0x10, s16;
	s23 =	sadd.s32 s3, s13;
	[dreg:$0xe] =	wrdreg s0  }
0x14: {  	s24 =	sadd.s32 $0x280, s16;
	s26 =	sshrl.u32 s25, $0x3;
	s25 =	simm.s32 $0x100  }
0x15: {  	s3 =	simm.s32 $0x4200;
	s0 =	simm.s32 $0x3;
	[dreg:$0xa] =	wrdreg s18  }
0x16: {  	[dreg:$0xb] =	wrdreg s20;
	s22 =	sadd.s32 s1, s21;
	s8 =	sadd.s32 s2, s21  }
0x17: {  	s17 =	sadd.s32 $0x27000, s23;
	s18 =	smax.u32 s10, $0x1;
	s19 =	sadd.s32 s1, s24  }
0x18: {  	s20 =	sadd.s32 s2, s24;
	s21 =	sadd.s32 s26, s2;
	[dreg:$0xc] =	wrdreg s22  }
0x19: {  	s23 =	sadd.s32 $0x100, s11;
	s24 =	simm.s32 $0x5;
	[dreg:$0xd] =	wrdreg s8  }
0x1a: {  	s22 =	sadd.s32 s26, s1;
	s26 =	simm.s32 $0x80;
	s8 =	simm.s32 $0x0  }
.LBB2_1:
0x1b: {  	s10 =	rddreg [dreg:$0x6]  }
0x1c: {  	s11 =	rddreg [dreg:$0x7];
	s10 =	sshrl.u32 s10, $0x3  }
0x1d: {  	[spmem:s10], [sflag:s9] =	dma.local [hbm:s11], $0x2700  }
0x1e: {  	_ =	swait.ge [sflag:s24], $0x2700  }
0x1f: {  	[sflag:s24] =	ssyncset.done $0x0;
	s11 =	rddreg [dreg:$0x8]  }
0x20: {  	s12 =	rddreg [dreg:$0x9];
	[sflag:s24] =	ssyncadd.s32 $0xFFFFD900;
	s11 =	sshrl.u32 @!p0 s11, $0x3  }
0x21: {  	[spmem:s11], [sflag:s9] =	dma.local @!p0 [hbm:s12], $0x200  }
0x22: {  	s12 =	simm.s32 @!p0 $0x5  }
0x23: {  	_ =	swait.ge @!p0 [sflag:s12], $0x200  }
0x24: {  	[sflag:s12] =	ssyncset.done @!p0 $0x0  }
0x25: {  	[sflag:s12] =	ssyncadd.s32 @!p0 $0xFFFFFE00  }
0x26: {  	[bflag:$0x0] =	sbarrier.arrive $0xFFFF  }
0x27: {  	s15 =	rddreg [dreg:$0xa]  }
0x28: {  	[tilespmem:s5], [sflag:$0x1] =	stream.linear.gather [hbm4b:s15+s5], $0x80, $0x38;
	[tilespmem:$0x1BB00] =	vst v63  }
0x29: {  	s16 =	rddreg [dreg:$0xb]  }
0x2a: {  	[tilespmem:s25], [sflag:$0x1] =	stream.linear.gather [hbm4b:s16+s5], $0x80, $0x38;
	[tilespmem:$0x1BB00] =	vst v63  }
0x2b: {  	s13 =	rddreg [dreg:$0xc]  }
0x2c: {  	[tilespmem:s26], [sflag:$0x2] =	stream.linear.gather [hbm4b:s13+s5], $0x80, $0x38;
	[tilespmem:$0x1BB00] =	vst v63  }
0x2d: {  	s14 =	rddreg [dreg:$0xd]  }
0x2e: {  	[tilespmem:s28], [sflag:$0x2] =	stream.linear.gather [hbm4b:s14+s5], $0x80, $0x38;
	[tilespmem:$0x1BB00] =	vst v63  }
0x2f: {  	_ =	swait.ge [sflag:s29], $0x80  }
0x30: {  	[sflag:s29] =	ssyncset.done $0x0  }
0x31: {  	[sflag:s29] =	ssyncadd.s32 $0xFFFFFF80  }
0x32: {  	_ =	swait.ge [sflag:s29], $0x80  }
0x33: {  	[sflag:s29] =	ssyncset.done $0x0  }
0x34: {  	[sflag:s29] =	ssyncadd.s32 $0xFFFFFF80  }
0x35: {  	[tilespmem:s30], [sflag:$0x3] =	stream.indirect.gather [hbm4b:s6+s26], $0x80, s5, s26, $0xb8;
	[tilespmem:$0x1BB00] =	vst v63  }
0x36: {  	_ =	swait.ge [sflag:s31], $0x80  }
0x37: {  	[sflag:s31] =	ssyncset.done $0x0  }
0x38: {  	[sflag:s31] =	ssyncadd.s32 $0xFFFFFF80  }
0x39: {  	_ =	swait.ge [sflag:s31], $0x80  }
0x3a: {  	[sflag:s31] =	ssyncset.done $0x0  }
0x3b: {  	[sflag:s31] =	ssyncadd.s32 $0xFFFFFF80  }
0x3c: {  	[tilespmem:s3], [sflag:$0x4] =	stream.indirect.gather [hbm4b:s6+s26], $0x80, s26, s26, $0xb8;
	[tilespmem:$0x1BB00] =	vst v63  }
0x3d: {  	_ =	swait.ge [sflag:s0], $0x4000  }
0x3e: {  	[sflag:s0] =	ssyncset.done $0x0  }
0x3f: {  	[sflag:s0] =	ssyncadd.s32 $0xFFFFC000  }
0x40: {  	[spmem:s4] =	stream.indirect.scatter.add.f32 [tilespmem:s30], [sflag:$0x5], $0x80, s25, s26, $0xb8;
	[tilespmem:$0x1BB00] =	vst v63  }
0x41: {  	_ =	swait.ge [sflag:s24], $0x4000  }
0x42: {  	s15 =	sshrl.u32 s23, $0x3;
	[sflag:s24] =	ssyncset.done $0x0  }
0x43: {  	s13 =	sadd.s32 s1, s15;
	[sflag:s24] =	ssyncadd.s32 $0xFFFFC000  }
0x44: {  	[tilespmem:s5], [sflag:$0x1] =	stream.linear.gather [hbm4b:s13+s5], $0x80, $0x38;
	[tilespmem:$0x1BB00] =	vst v63  }
0x45: {  	s12 =	sadd.s32 s2, s15  }
0x46: {  	[tilespmem:s25], [sflag:$0x1] =	stream.linear.gather [hbm4b:s12+s5], $0x80, $0x38;
	[tilespmem:$0x1BB00] =	vst v63  }
0x47: {  	_ =	swait.ge [sflag:s29], $0x80  }
0x48: {  	[sflag:s29] =	ssyncset.done $0x0  }
0x49: {  	[sflag:s29] =	ssyncadd.s32 $0xFFFFFF80  }
0x4a: {  	_ =	swait.ge [sflag:s29], $0x80  }
0x4b: {  	[sflag:s29] =	ssyncset.done $0x0  }
0x4c: {  	[sflag:s29] =	ssyncadd.s32 $0xFFFFFF80  }
0x4d: {  	[tilespmem:s30], [sflag:$0x3] =	stream.indirect.gather [hbm4b:s6+s26], $0x80, s5, s26, $0xb8;
	[tilespmem:$0x1BB00] =	vst v63  }
0x4e: {  	_ =	swait.ge [sflag:s7], $0x4000  }
0x4f: {  	[sflag:s7] =	ssyncset.done $0x0  }
0x50: {  	[sflag:s7] =	ssyncadd.s32 $0xFFFFC000  }
0x51: {  	[spmem:s4] =	stream.indirect.scatter.add.f32 [tilespmem:s3], [sflag:$0x5], $0x80, s28, s26, $0xb8;
	[tilespmem:$0x1BB00] =	vst v63  }
0x52: {  	_ =	swait.ge [sflag:s24], $0x4000  }
0x53: {  	s16 =	sadd.s32 $0x0, s22;
	s14 =	sadd.s32 $0x0, s21;
	[sflag:s24] =	ssyncset.done $0x0  }
0x54: {  	s13 =	sadd.s32 $0x100, s23;
	s12 =	simm.s32 $0x20;
	[sflag:s24] =	ssyncadd.s32 $0xFFFFC000  }
0x55: {  	[tilespmem:s26], [sflag:$0x2] =	stream.linear.gather [hbm4b:s16+s5], $0x80, $0x38;
	[tilespmem:$0x1BB00] =	vst v63  }
.LBB2_2:
0x56: {  	[tilespmem:s28], [sflag:$0x2] =	stream.linear.gather [hbm4b:s14+s5], $0x80, $0x38;
	[tilespmem:$0x1BB00] =	vst v63  }
0x57: {  	s14 =	smov.u32 s12  }
0x58: {  	p1 =	sne.s32 s12, $0x240;
	s12 =	sadd.s32 $0x20, s12;
	_ =	swait.ge [sflag:s31], $0x80  }
0x59: {  	[sflag:s31] =	ssyncset.done $0x0  }
0x5a: {  	[sflag:s31] =	ssyncadd.s32 $0xFFFFFF80  }
0x5b: {  	_ =	swait.ge [sflag:s31], $0x80  }
0x5c: {  	[sflag:s31] =	ssyncset.done $0x0  }
0x5d: {  	[sflag:s31] =	ssyncadd.s32 $0xFFFFFF80  }
0x5e: {  	[tilespmem:s3], [sflag:$0x4] =	stream.indirect.gather [hbm4b:s6+s26], $0x80, s26, s26, $0xb8;
	[tilespmem:$0x1BB00] =	vst v63  }
0x5f: {  	_ =	swait.ge [sflag:s0], $0x4000  }
0x60: {  	[sflag:s0] =	ssyncset.done $0x0  }
0x61: {  	[sflag:s0] =	ssyncadd.s32 $0xFFFFC000  }
0x62: {  	[spmem:s4] =	stream.indirect.scatter.add.f32 [tilespmem:s30], [sflag:$0x5], $0x80, s25, s26, $0xb8;
	[tilespmem:$0x1BB00] =	vst v63  }
0x63: {  	_ =	swait.ge [sflag:s24], $0x4000  }
0x64: {  	s15 =	sshrl.u32 s13, $0x3;
	[sflag:s24] =	ssyncset.done $0x0  }
0x65: {  	s16 =	sadd.s32 s1, s15;
	[sflag:s24] =	ssyncadd.s32 $0xFFFFC000  }
0x66: {  	[tilespmem:s5], [sflag:$0x1] =	stream.linear.gather [hbm4b:s16+s5], $0x80, $0x38;
	[tilespmem:$0x1BB00] =	vst v63  }
0x67: {  	s15 =	sadd.s32 s2, s15  }
0x68: {  	[tilespmem:s25], [sflag:$0x1] =	stream.linear.gather [hbm4b:s15+s5], $0x80, $0x38;
	[tilespmem:$0x1BB00] =	vst v63  }
0x69: {  	_ =	swait.ge [sflag:s29], $0x80  }
0x6a: {  	[sflag:s29] =	ssyncset.done $0x0  }
0x6b: {  	[sflag:s29] =	ssyncadd.s32 $0xFFFFFF80  }
0x6c: {  	_ =	swait.ge [sflag:s29], $0x80  }
0x6d: {  	[sflag:s29] =	ssyncset.done $0x0  }
0x6e: {  	[sflag:s29] =	ssyncadd.s32 $0xFFFFFF80  }
0x6f: {  	[tilespmem:s30], [sflag:$0x3] =	stream.indirect.gather [hbm4b:s6+s26], $0x80, s5, s26, $0xb8;
	[tilespmem:$0x1BB00] =	vst v63  }
0x70: {  	_ =	swait.ge [sflag:s7], $0x4000  }
0x71: {  	[sflag:s7] =	ssyncset.done $0x0  }
0x72: {  	[sflag:s7] =	ssyncadd.s32 $0xFFFFC000  }
0x73: {  	[spmem:s4] =	stream.indirect.scatter.add.f32 [tilespmem:s3], [sflag:$0x5], $0x80, s28, s26, $0xb8;
	[tilespmem:$0x1BB00] =	vst v63  }
.Ltmp0:
0x74: {  	_ =	swait.ge [sflag:s24], $0x4000;
	(pc) =	sbr.rel @p1 .LBB2_2-.Ltmp0, $4  }
0x75: {  	[sflag:s24] =	ssyncset.done $0x0  }
0x76: {  	s15 =	sadd.s32 s14, s22;
	[sflag:s24] =	ssyncadd.s32 $0xFFFFC000  }
0x77: {  	[tilespmem:s26], [sflag:$0x2] =	stream.linear.gather [hbm4b:s15+s5], $0x80, $0x38;
	[tilespmem:$0x1BB00] =	vst v63  }
0x78: {  	s13 =	sadd.s32 $0x100, s13;
	s14 =	sadd.s32 s14, s21  }
0x79: {  	[tilespmem:s28], [sflag:$0x2] =	stream.linear.gather [hbm4b:s14+s5], $0x80, $0x38;
	[tilespmem:$0x1BB00] =	vst v63  }
0x7a: {  	_ =	swait.ge [sflag:s31], $0x80  }
0x7b: {  	[sflag:s31] =	ssyncset.done $0x0  }
0x7c: {  	[sflag:s31] =	ssyncadd.s32 $0xFFFFFF80  }
0x7d: {  	_ =	swait.ge [sflag:s31], $0x80  }
0x7e: {  	[sflag:s31] =	ssyncset.done $0x0  }
0x7f: {  	[sflag:s31] =	ssyncadd.s32 $0xFFFFFF80  }
0x80: {  	[tilespmem:s3], [sflag:$0x4] =	stream.indirect.gather [hbm4b:s6+s26], $0x80, s26, s26, $0xb8;
	[tilespmem:$0x1BB00] =	vst v63  }
0x81: {  	_ =	swait.ge [sflag:s0], $0x4000  }
0x82: {  	[sflag:s0] =	ssyncset.done $0x0  }
0x83: {  	[sflag:s0] =	ssyncadd.s32 $0xFFFFC000  }
0x84: {  	[spmem:s4] =	stream.indirect.scatter.add.f32 [tilespmem:s30], [sflag:$0x5], $0x80, s25, s26, $0xb8;
	[tilespmem:$0x1BB00] =	vst v63  }
0x85: {  	_ =	swait.ge [sflag:s24], $0x4000  }
0x86: {  	[sflag:s24] =	ssyncset.done $0x0  }
0x87: {  	[sflag:s24] =	ssyncadd.s32 $0xFFFFC000  }
0x88: {  	[tilespmem:s5], [sflag:$0x1] =	stream.linear.gather [hbm4b:s19+s5], $0x80, $0x38;
	[tilespmem:$0x1BB00] =	vst v63  }
0x89: {  	_ = 	snop  }
0x8a: {  	[tilespmem:s25], [sflag:$0x1] =	stream.linear.gather [hbm4b:s20+s5], $0x80, $0x38;
	[tilespmem:$0x1BB00] =	vst v63  }
0x8b: {  	_ =	swait.ge [sflag:s29], $0x80  }
0x8c: {  	[sflag:s29] =	ssyncset.done $0x0  }
0x8d: {  	[sflag:s29] =	ssyncadd.s32 $0xFFFFFF80  }
0x8e: {  	_ =	swait.ge [sflag:s29], $0x80  }
0x8f: {  	[sflag:s29] =	ssyncset.done $0x0  }
0x90: {  	[sflag:s29] =	ssyncadd.s32 $0xFFFFFF80  }
0x91: {  	[tilespmem:s30], [sflag:$0x3] =	stream.indirect.gather [hbm4b:s6+s26], $0x80, s5, s26, $0xb8;
	[tilespmem:$0x1BB00] =	vst v63  }
0x92: {  	_ =	swait.ge [sflag:s7], $0x4000  }
0x93: {  	[sflag:s7] =	ssyncset.done $0x0  }
0x94: {  	[sflag:s7] =	ssyncadd.s32 $0xFFFFC000  }
0x95: {  	[spmem:s4] =	stream.indirect.scatter.add.f32 [tilespmem:s3], [sflag:$0x5], $0x80, s28, s26, $0xb8;
	[tilespmem:$0x1BB00] =	vst v63  }
0x96: {  	_ =	swait.ge [sflag:s24], $0x4000  }
0x97: {  	[sflag:s24] =	ssyncset.done $0x0  }
0x98: {  	[sflag:s24] =	ssyncadd.s32 $0xFFFFC000  }
0x99: {  	_ =	swait.ge [sflag:s0], $0x4000  }
0x9a: {  	[sflag:s0] =	ssyncset.done $0x0  }
0x9b: {  	[sflag:s0] =	ssyncadd.s32 $0xFFFFC000  }
0x9c: {  	[spmem:s4] =	stream.indirect.scatter.add.f32 [tilespmem:s30], [sflag:$0x5], $0x80, s25, s26, $0xb8;
	[tilespmem:$0x1BB00] =	vst v63  }
0x9d: {  	_ =	swait.ge [sflag:s24], $0x4000  }
0x9e: {  	[sflag:s24] =	ssyncset.done $0x0  }
0x9f: {  	[sflag:s24] =	ssyncadd.s32 $0xFFFFC000  }
0xa0: {  	[bflag:$0x0] =	sbarrier.arrive $0xFFFF  }
0xa1: {  	s12 =	rddreg [dreg:$0xe]  }
0xa2: {  	[hbm:s12], [sflag:s9] =	dma.local [spmem:s10], $0x2700  }
0xa3: {  	s8 =	sadd.s32 $0x1, s8;
	_ =	swait.ge [sflag:s24], $0x2700  }
0xa4: {  	p1 =	sne.s32 s8, s18;
	[sflag:s24] =	ssyncset.done $0x0  }
.Ltmp1:
0xa5: {  	s10 =	simm.s32 @!p0 $0x5;
	[sflag:s24] =	ssyncadd.s32 $0xFFFFD900;
	(pc) =	sbr.rel @p1 .LBB2_1-.Ltmp1, $4  }
0xa6: {  	[hbm:s17], [sflag:s9] =	dma.local @!p0 [spmem:s11], $0x100  }
0xa7: {  	_ =	swait.ge @!p0 [sflag:s10], $0x100  }
0xa8: {  	[sflag:s10] =	ssyncset.done @!p0 $0x0  }
0xa9: {  	[sflag:s10] =	ssyncadd.s32 @!p0 $0xFFFFFF00  }
0xaa: {  	_ =	sfence.sel $0x180000  }
0xab: {  	[bflag:$0x0] =	sbarrier.arrive $0xFFFF  }
0xac: {  	_ =	strace $0x9000004D  }
0xad: {  	s0 =	stileid.u32;
	[bflag:$0x2] =	sbarrier.arrive $0xFFFF  }
0xae: {  	p0 =	sne.s32 s0, $0x0;
	s0 =	rddreg [dreg:$0x5]  }
0xaf: {  	s0 =	sadd.s32 @!p0 $0x100000, s0  }
0xb0: {  	[sflag:s0] =	ssyncadd.tile.s32 @!p0 $0x1;
	_ =	shalt  }
.Lfunc_end2:
_tile_overlayer_lowered:
.L_overlay_start_2:
0xb1: {  	(tag) =	ssettag $0x2  }
0xb2: {  	s0 =	rddreg [dreg:$0x0];
	s2 =	stileid.u32  }
0xb3: {  	s1 =	rddreg [dreg:$0x1];
	p0 =	sne.s32 s2, $0x0  }
0xb4: {  	s3 =	rddreg [dreg:$0x2];
	[bflag:$0x3] =	sbarrier.arrive $0xFFFF;
	s2 =	simm.s32 @!p0 $0x1C05  }
0xb5: {  	[timem:s3], [sflag:s2] =	dma.local @!p0 [hbm:s0], s1  }
0xb6: {  	s0 =	simm.s32 @!p0 $0x5  }
0xb7: {  	_ =	swait.ge @!p0 [sflag:s0], s1  }
0xb8: {  	s1 =	ssub.s32 @!p0 $0x0, s1;
	[sflag:s0] =	ssyncset.done @!p0 $0x0  }
0xb9: {  	[sflag:s0] =	ssyncadd.s32 @!p0 s1  }
0xba: {  	[bflag:$0x3] =	sbarrier.arrive $0xFFFF  }
0xbb: {  	_ =	shalt  }

// kernel: kernel.21.cloned.1.call-start
scs
__scs_entry_jumppad:
0x0: {  	(pc) =	sbr.rel $0x88, $3  }
0x1: {  	(tag) =	ssettag $0x0;
	lr =	simm.s32 $0x1  }
0x2: {  	[smem:$0x3F9A] =	sst lr;
	_ =	strace $0xD0000000  }
0x3: {  	_ = 	snop  }
0x4: {  	_ = 	snop  }
0x5: {  	_ = 	snop  }
0x6: {  	_ = 	snop  }
0x7: {  	_ = 	snop  }
__scs_overlays_trampoline_lowered:
0x8: {  	[smem:$0x3FA9] =	sst s0  }
0x9: {  	[smem:$0x3FAA] =	sst s1  }
0xa: {  	[smem:$0x3FAB] =	sst s2  }
0xb: {  	[smem:$0x3FAC] =	sst s3  }
0xc: {  	[smem:$0x3FAD] =	sst s4  }
0xd: {  	[smem:$0x3FAE] =	sst s5  }
0xe: {  	[smem:$0x3FAF] =	sst s6  }
0xf: {  	[smem:$0x3FB0] =	sst s7  }
0x10: {  	[smem:$0x3FB1] =	sst s8  }
0x11: {  	[smem:$0x3FB2] =	sst s9;
	s0 =	simm.s32 @!p0 $0x0  }
0x12: {  	s1 =	sld [smem:$0x3F98];
	s0 =	simm.s32 @p0 $0x1  }
0x13: {  	[smem:$0x3FB3] =	sst s0;
	s0 =	simm.s32 @!p1 $0x0  }
0x14: {  	s2 =	sld [smem:$0x3F97];
	s0 =	simm.s32 @p1 $0x1  }
0x15: {  	[smem:$0x3FB4] =	sst s0;
	s0 =	simm.s32 @!p2 $0x0  }
0x16: {  	s3 =	sld [smem:$0x3FDB];
	s0 =	simm.s32 @p2 $0x1  }
0x17: {  	s4 =	simm.s32 $0x1BF5;
	[smem:$0x3FB6] =	sst s0  }
0x18: {  	s0 =	sld [smem:$0x3F99];
	_ =	swait.ge [sflag:s4], $0x0  }
0x19: {  	s7 =	sld [smem:$0x3F9A]  }
0x1a: {  	s8 =	sadd.s32 $0xFFFFE003, lr  }
0x1b: {  	s9 =	sadd.s32 $0xFFFFFEF7, lr;
	s5 =	simm.s32 $0xFFFFFFFF;
	p2 =	slt.u32 s8, $0xFFFFF086  }
0x1c: {  	p1 =	slt.u32 s9, $0xF7A;
	s5 =	simm.s32 @!p2 $0x0  }
0x1d: {  	s5 =	simm.s32 @p1 $0x1;
	p0 =	seq.s32 s7, s2  }
0x1e: {  	s7 =	smul.u32 @!p0 $0xF7A, s2;
	p2 =	seq.s32 @!p0 s5, $0x0  }
0x1f: {  	s9 =	smul.u32 $0xF7A, s1;
	s8 =	simm.s32 @!p0 $0x1BF5;
	p2 =	por !p2, p0  }
0x20: {  	[sflag:s8] =	ssyncset.s32 @!p0 $0xFFFFF086;
	s6 =	sadd.s32 @!p0 s3, s7;
	s7 =	simm.s32 @!p0 $0x108  }
0x21: {  	s3 =	sadd.s32 s3, s9;
	s6 =	sadd.s32 @!p0 $0x88, s6;
	s7 =	simm.s32 @p2 $0x1082  }
0x22: {  	[simem:s7], [sflag:s8] =	dma.local @!p0 [hbm:s6], $0xF7A  }
0x23: {  	s9 =	sor.u32 $0xD0000000, s2;
	s6 =	simm.s32 $0x108;
	_ =	swait.ge @!p0 [sflag:s8], $0x0  }
0x24: {  	s3 =	sadd.s32 $0x88, s3;
	s6 =	simm.s32 @!p1 $0x1082;
	[sflag:s4] =	ssyncset.s32 $0xFFFFF086  }
0x25: {  	[simem:s6], [sflag:s4] =	dma.local [hbm:s3], $0xF7A  }
0x26: {  	[smem:$0x3F9A] =	sst s1;
	(tag) =	ssettag s2;
	_ =	strace s9  }
0x27: {  	s1 =	sld [smem:$0x3FAA]  }
0x28: {  	s2 =	sld [smem:$0x3FAB]  }
0x29: {  	s4 =	sld [smem:$0x3FAD]  }
0x2a: {  	p0 =	seq.s32 s5, $0x0;
	s5 =	sld [smem:$0x3FAE]  }
0x2b: {  	s6 =	sld [smem:$0x3FAF]  }
0x2c: {  	s7 =	sld [smem:$0x3FB0]  }
0x2d: {  	s3 =	simm.s32 $0x108;
	s8 =	sld [smem:$0x3FB1]  }
0x2e: {  	s3 =	simm.s32 @!p0 $0x1082;
	s9 =	sld [smem:$0x3FB2]  }
0x2f: {  	lr =	sadd.s32 s0, s3;
	s0 =	sld [smem:$0x3FA9]  }
0x30: {  	s3 =	sld [smem:$0x3FAC]  }
0x31: {  	[smem:$0x3FB5] =	sst s10  }
0x32: {  	s10 =	sld [smem:$0x3FB3];
	_ =	sdelay $0x3  }
0x33: {  	p0 =	seq.s32 s10, $0x1;
	s10 =	sld [smem:$0x3FB5];
	_ =	sdelay $0x3  }
0x34: {  	[smem:$0x3FB5] =	sst s10  }
0x35: {  	s10 =	sld [smem:$0x3FB4];
	_ =	sdelay $0x3  }
0x36: {  	p1 =	seq.s32 s10, $0x1;
	s10 =	sld [smem:$0x3FB5];
	_ =	sdelay $0x3  }
0x37: {  	[smem:$0x3FB5] =	sst s10  }
0x38: {  	s10 =	sld [smem:$0x3FB6]  }
0x39: {  	_ = 	snop;
	(pc) =	sbr.ind lr, $3  }
0x3a: {  	_ = 	snop  }
0x3b: {  	_ = 	snop  }
0x3c: {  	p2 =	seq.s32 s10, $0x1;
	s10 =	sld [smem:$0x3FB5]  }
0x3d: {  	_ =	shalt  }
0x3e: {  	_ =	shalt  }
0x3f: {  	_ =	shalt  }
0x40: {  	_ =	shalt  }
0x41: {  	_ =	shalt  }
0x42: {  	_ =	shalt  }
0x43: {  	_ =	shalt  }
0x44: {  	_ =	shalt  }
0x45: {  	_ =	shalt  }
0x46: {  	_ =	shalt  }
0x47: {  	_ =	shalt  }
0x48: {  	_ =	shalt  }
0x49: {  	_ =	shalt  }
0x4a: {  	_ =	shalt  }
0x4b: {  	_ =	shalt  }
0x4c: {  	_ =	shalt  }
0x4d: {  	_ =	shalt  }
0x4e: {  	_ =	shalt  }
0x4f: {  	_ =	shalt  }
0x50: {  	_ =	shalt  }
0x51: {  	_ =	shalt  }
0x52: {  	_ =	shalt  }
0x53: {  	_ =	shalt  }
0x54: {  	_ =	shalt  }
0x55: {  	_ =	shalt  }
0x56: {  	_ =	shalt  }
0x57: {  	_ =	shalt  }
0x58: {  	_ =	shalt  }
0x59: {  	_ =	shalt  }
0x5a: {  	_ =	shalt  }
0x5b: {  	_ =	shalt  }
0x5c: {  	_ =	shalt  }
0x5d: {  	_ =	shalt  }
0x5e: {  	_ =	shalt  }
0x5f: {  	_ =	shalt  }
0x60: {  	_ =	shalt  }
0x61: {  	_ =	shalt  }
0x62: {  	_ =	shalt  }
0x63: {  	_ =	shalt  }
0x64: {  	_ =	shalt  }
0x65: {  	_ =	shalt  }
0x66: {  	_ =	shalt  }
0x67: {  	_ =	shalt  }
0x68: {  	_ =	shalt  }
0x69: {  	_ =	shalt  }
0x6a: {  	_ =	shalt  }
0x6b: {  	_ =	shalt  }
0x6c: {  	_ =	shalt  }
0x6d: {  	_ =	shalt  }
0x6e: {  	_ =	shalt  }
0x6f: {  	_ =	shalt  }
0x70: {  	_ =	shalt  }
0x71: {  	_ =	shalt  }
0x72: {  	_ =	shalt  }
0x73: {  	_ =	shalt  }
0x74: {  	_ =	shalt  }
0x75: {  	_ =	shalt  }
0x76: {  	_ =	shalt  }
0x77: {  	_ =	shalt  }
0x78: {  	_ =	shalt  }
0x79: {  	_ =	shalt  }
0x7a: {  	_ =	shalt  }
0x7b: {  	_ =	shalt  }
0x7c: {  	_ =	shalt  }
0x7d: {  	_ =	shalt  }
0x7e: {  	_ =	shalt  }
0x7f: {  	_ =	shalt  }
0x80: {  	_ =	shalt  }
0x81: {  	_ =	shalt  }
0x82: {  	_ =	shalt  }
0x83: {  	_ =	shalt  }
0x84: {  	_ =	shalt  }
0x85: {  	_ =	shalt  }
0x86: {  	_ =	shalt  }
0x87: {  	_ =	shalt  }
.Lfunc_end0:
.L_simem_size_0:
called_computation.3_lowered:
.L_overlay_start_0:
0x88: {  	s2 =	sld [smem:$0x3FD9]  }
0x89: {  	s3 =	sld [smem:$0x3FFE];
	_ =	sdelay $0x1  }
0x8a: {  	s1 =	srdreg.scid  }
0x8b: {  	s0 =	sand.u32 $0x1, s1  }
0x8c: {  	s14 =	sshll.u32 s0, $0xA;
	s2 =	sadd.s32 s3, s2  }
0x8d: {  	s2 =	sadd.s32 s2, s14  }
0x8e: {  	[smem:$0x3FC1] =	sst s2  }
0x8f: {  	_ = 	snop  }
0x90: {  	s2 =	sld [smem:$0x3FD0];
	_ =	sdelay $0x2  }
0x91: {  	s15 =	simm.s32 $0xA;
	s4 =	simm.s32 $0x10  }
0x92: {  	[smem:s4], [sflag:s15] =	dma.local [hbm:s2], $0x1  }
0x93: {  	_ =	swait.eq [sflag:s15], $0x1  }
0x94: {  	[sflag:s15] =	ssyncset.done $0x0  }
0x95: {  	[sflag:s15] =	ssyncadd.s32 $0xFFFFFFFF  }
0x96: {  	s16 =	sld [smem:$0x14];
	(tm) =	ssettm $0x1  }
0x97: {  	s17 =	sld [smem:$0x3FFB];
	_ =	sdelay $0x3  }
0x98: {  	_ =	strace s17  }
0x99: {  	s3 =	sld [smem:$0x3FFC];
	_ =	sdelay $0x3  }
0x9a: {  	_ =	strace s3  }
0x9b: {  	s3 =	sld [smem:$0x3FFD];
	_ =	sdelay $0x3  }
0x9c: {  	_ =	strace s3  }
0x9d: {  	_ =	strace $0x8FFFFFFF  }
0x9e: {  	s18 =	sld [smem:$0x3FDB];
	_ =	sdelay $0x1  }
0x9f: {  	s19 =	simm.s32 $_scs_section_size  }
0xa0: {  	s5 =	simm.s32 $_size__tile_overlayer_lowered;
	s6 =	simm.s32 $_tile_overlayer_lowered  }
0xa1: {  	s22 =	simm.s32 $0x1BFF;
	s21 =	sshll.u32 s6, $0x1;
	s3 =	sadd.s32 s19, s18  }
0xa2: {  	s7 =	simm.s32 $0x0;
	s20 =	sshll.u32 s5, $0x1;
	s5 =	sadd.s32 s21, s3  }
0xa3: {  	[timem:s7], [sflag:s22] =	dma.local [hbm:s5], s20  }
0xa4: {  	_ =	swait.ge [sflag:s22], s20  }
0xa5: {  	s4 =	ssub.s32 $0x0, s20;
	[sflag:s22] =	ssyncset.done $0x0  }
0xa6: {  	[sflag:s22] =	ssyncadd.s32 s4;
	_ =	sdelay $0x1  }
0xa7: {  	s23 =	simm.s32 $0x1B8B  }
0xa8: {  	_ =	swait.ge [sflag:s23], $0x1  }
0xa9: {  	[sflag:s23] =	ssyncset.done $0x0  }
0xaa: {  	s25 =	simm.s32 $0x1B8E;
	s24 =	sld [smem:$0x3FFE];
	[sflag:s23] =	ssyncadd.s32 $0xFFFFFFFF  }
0xab: {  	s26 =	simm.s32 $execute0_lowered;
	[smem:$0x3FD2] =	sst s25  }
0xac: {  	s5 =	sshll.u32 s26, $0x1;
	_ =	strace $0x8000004F;
	[dreg:$0x1] =	wrdreg $0xFFFFFFFF  }
0xad: {  	s28 =	simm.s32 $_size_execute0_lowered;
	s3 =	sadd.s32 s3, s5;
	[dreg:$0x0] =	wrdreg $0x0  }
0xae: {  	s5 =	sshll.u32 s28, $0x1;
	[dreg:$0x2] =	wrdreg s3  }
0xaf: {  	[dreg:$0x3] =	wrdreg s5  }
0xb0: {  	[dreg:$0x4] =	wrdreg $0xC0  }
0xb1: {  	_ =	task [dreg:s7], $0x5FFFF  }
0xb2: {  	[dreg:$0x1] =	wrdreg $0xFFFFFFFF  }
0xb3: {  	[dreg:$0x0] =	wrdreg $0x60  }
0xb4: {  	[dreg:$0x2] =	wrdreg s24  }
0xb5: {  	[dreg:$0x3] =	wrdreg s16  }
0xb6: {  	[dreg:$0x4] =	wrdreg $0x82000  }
0xb7: {  	[dreg:$0x5] =	wrdreg $0x9  }
0xb8: {  	_ =	task.clear_ibuf [dreg:s7], $0x6FFFF;
	_ =	strace $0x9000004F  }
0xb9: {  	s29 =	simm.s32 $0x9;
	_ =	strace $0x80000051  }
0xba: {  	_ =	swait.ge [sflag:s29], $0x1  }
0xbb: {  	[sflag:s29] =	ssyncadd.s32 $0xFFFFFFFF  }
0xbc: {  	_ =	strace $0x90000051  }
0xbd: {  	_ =	sfence  }
0xbe: {  	s30 =	sld [smem:$0x0];
	_ =	sdelay $0x2  }
0xbf: {  	s31 =	sshll.u32 s1, $0xD;
	s1 =	sshrl.u32 s1, $0x2  }
0xc0: {  	s3 =	sand.u32 $0x4000, s31;
	s1 =	sadd.s32 s1, s30  }
0xc1: {  	s0 =	sor.u32 s3, s0;
	s1 =	sshll.u32 s1, $0x11  }
0xc2: {  	s0 =	sor.u32 s1, s0  }
0xc3: {  	s0 =	sadd.s32 $0x8F2B, s0  }
0xc4: {  	[sflag:s0] =	ssyncadd.remote.s32 $0x1  }
0xc5: {  	_ =	sfence.sel $0xFFFF  }
0xc6: {  	[dreg:$0x0] =	wrdreg $0xFFFFFFFF;
	(pc) =	sbr.abs _section_cstart, $3  }
0xc7: {  	[dreg:$0x1] =	wrdreg $0xFFFFFFFF  }
0xc8: {  	_ =	task.clear_ibuf [dreg:s7], $0x2FFFF;
	_ =	strace $0x9FFFFFFF  }
0xc9: {  	(tm) =	ssettm $0x7FFFFFFF  }
tec
execute0_lowered:
.L_overlay_start_1:
0x0: {  	(tag) =	ssettag $0x1  }
0x1: {  	s0 =	rddreg [dreg:$0x0]  }
0x2: {  	s1 =	rddreg [dreg:$0x1]  }
0x3: {  	s2 =	rddreg [dreg:$0x2];
	s3 =	simm.s32 $0x0;
	s15 =	stileid.u32  }
0x4: {  	s4 =	srdreg.scid;
	s28 =	simm.s32 $0x1;
	s29 =	simm.s32 $0x200  }
0x5: {  	s30 =	simm.s32 $0x2;
	s31 =	simm.s32 $0x4200;
	s6 =	smul.u32 $0x2700, s15  }
0x6: {  	[smem:$0x7FF] =	sst s3;
	s8 =	sand.u32 $0x1, s4;
	s10 =	smul.u32 $0x2780, s15  }
0x7: {  	s4 =	sadd.s32 $0xAEE00, s0;
	s5 =	sadd.s32 $0x8800, s0;
	s12 =	smul.u32 $0x4E000, s15  }
0x8: {  	s13 =	sadd.s32 $0x3800, s0;
	s14 =	sshll.u32 s15, $0x6;
	s17 =	smul.u32 $0x27000, s15  }
0x9: {  	s16 =	sadd.s32 $0x138000, s2;
	s24 =	smul.u32 $0x4F0, s15;
	p0 =	sne.s32 s15, $0xF  }
0xa: {  	_ =	strace $0x80000050;
	s7 =	smul.u32 $0x27800, s8;
	s9 =	ssub.s32 $0x2, s8  }
0xb: {  	[dreg:$0x5] =	wrdreg s16;
	s21 =	sshll.u32 s8, $0x7;
	s11 =	sshrl.u32 s9, $0x1  }
0xc: {  	s6 =	sadd.s32 s6, s0;
	s12 =	sshrl.u32 s12, $0x2;
	s0 =	sadd.s32 $0x39600, s0  }
0xd: {  	s19 =	sshrl.u32 s10, $0x3;
	s23 =	sadd.s32 s21, s1;
	s9 =	ssub.s32 s9, s11  }
0xe: {  	s20 =	sadd.s32 s10, s7;
	s12 =	sadd.s32 s12, s2;
	s6 =	sadd.s32 $0x12600, s6  }
0xf: {  	s7 =	sor.u32 $0x1C05, s14;
	[dreg:$0x6] =	wrdreg s0;
	s14 =	sshll.u32 s8, $0xA  }
0x10: {  	s11 =	sadd.s32 s13, s19;
	s19 =	sadd.s32 s24, s13;
	s24 =	simm.s32 $0x100  }
0x11: {  	[dreg:$0x4] =	wrdreg s6;
	s18 =	sshrl.u32 s20, $0x3;
	s0 =	sor.u32 s14, s17  }
0x12: {  	s22 =	sadd.s32 $0x10, s11;
	s16 =	smax.u32 s9, $0x1;
	s25 =	sadd.s32 $0x180, s20  }
0x13: {  	s20 =	sadd.s32 $0x100, s20;
	s10 =	sadd.s32 s5, s18;
	s0 =	sshrl.u32 s0, $0x3  }
0x14: {  	[dreg:$0x8] =	wrdreg s22;
	s18 =	sadd.s32 $0x4E0, s11;
	s26 =	sshrl.u32 s25, $0x3  }
0x15: {  	s22 =	sshrl.u32 s12, $0x3;
	s25 =	simm.s32 $0x80;
	s6 =	sadd.s32 $0x10, s10  }
0x16: {  	s0 =	sadd.s32 s1, s0;
	s17 =	sadd.s32 $0x4E0, s10;
	s21 =	sadd.s32 s26, s5  }
0x17: {  	s26 =	simm.s32 $0x180;
	s1 =	simm.s32 $0x4;
	[dreg:$0x7] =	wrdreg s6  }
0x18: {  	[dreg:$0x9] =	wrdreg s0;
	s0 =	sadd.s32 $0x4E000, s23;
	s23 =	simm.s32 $0x5  }
0x19: {  	s6 =	simm.s32 $0x0;
	[dreg:$0xa] =	wrdreg s0;
	s0 =	simm.s32 $0x3  }
.LBB2_1:
0x1a: {  	s8 =	rddreg [dreg:$0x4]  }
0x1b: {  	[spmem:s22], [sflag:s7] =	dma.local [hbm:s8], $0x2700  }
0x1c: {  	_ =	swait.ge [sflag:s23], $0x2700  }
0x1d: {  	[sflag:s23] =	ssyncset.done $0x0;
	s8 =	rddreg [dreg:$0x5]  }
0x1e: {  	s9 =	rddreg [dreg:$0x6];
	[sflag:s23] =	ssyncadd.s32 $0xFFFFD900;
	s8 =	sshrl.u32 @!p0 s8, $0x3  }
0x1f: {  	[spmem:s8], [sflag:s7] =	dma.local @!p0 [hbm:s9], $0x200  }
0x20: {  	s9 =	simm.s32 @!p0 $0x5  }
0x21: {  	_ =	swait.ge @!p0 [sflag:s9], $0x200  }
0x22: {  	[sflag:s9] =	ssyncset.done @!p0 $0x0  }
0x23: {  	[sflag:s9] =	ssyncadd.s32 @!p0 $0xFFFFFE00  }
0x24: {  	[bflag:$0x0] =	sbarrier.arrive $0xFFFF  }
0x25: {  	[tilespmem:s3], [sflag:$0x1] =	stream.linear.gather [hbm4b:s10+s3], $0x80, $0x38;
	[tilespmem:$0x1BB00] =	vst v63  }
0x26: {  	_ = 	snop  }
0x27: {  	[tilespmem:s24], [sflag:$0x1] =	stream.linear.gather [hbm4b:s11+s3], $0x80, $0x38;
	[tilespmem:$0x1BB00] =	vst v63  }
0x28: {  	s15 =	rddreg [dreg:$0x7]  }
0x29: {  	[tilespmem:s25], [sflag:$0x2] =	stream.linear.gather [hbm4b:s15+s3], $0x80, $0x38;
	[tilespmem:$0x1BB00] =	vst v63  }
0x2a: {  	s12 =	rddreg [dreg:$0x8]  }
0x2b: {  	[tilespmem:s26], [sflag:$0x2] =	stream.linear.gather [hbm4b:s12+s3], $0x80, $0x38;
	[tilespmem:$0x1BB00] =	vst v63  }
0x2c: {  	_ =	swait.ge [sflag:s28], $0x80  }
0x2d: {  	[sflag:s28] =	ssyncset.done $0x0  }
0x2e: {  	[sflag:s28] =	ssyncadd.s32 $0xFFFFFF80  }
0x2f: {  	_ =	swait.ge [sflag:s28], $0x80  }
0x30: {  	[sflag:s28] =	ssyncset.done $0x0  }
0x31: {  	[sflag:s28] =	ssyncadd.s32 $0xFFFFFF80  }
0x32: {  	[tilespmem:s29], [sflag:$0x3] =	stream.indirect.gather [hbm4b:s4+s25], $0x80, s3, s25, $0xb8;
	[tilespmem:$0x1BB00] =	vst v63  }
0x33: {  	_ =	swait.ge [sflag:s30], $0x80  }
0x34: {  	[sflag:s30] =	ssyncset.done $0x0  }
0x35: {  	[sflag:s30] =	ssyncadd.s32 $0xFFFFFF80  }
0x36: {  	_ =	swait.ge [sflag:s30], $0x80  }
0x37: {  	[sflag:s30] =	ssyncset.done $0x0  }
0x38: {  	[sflag:s30] =	ssyncadd.s32 $0xFFFFFF80  }
0x39: {  	[tilespmem:s31], [sflag:$0x4] =	stream.indirect.gather [hbm4b:s4+s25], $0x80, s25, s25, $0xb8;
	[tilespmem:$0x1BB00] =	vst v63  }
0x3a: {  	_ =	swait.ge [sflag:s0], $0x4000  }
0x3b: {  	[sflag:s0] =	ssyncset.done $0x0  }
0x3c: {  	[sflag:s0] =	ssyncadd.s32 $0xFFFFC000  }
0x3d: {  	[spmem:s2] =	stream.indirect.scatter.add.f32 [tilespmem:s29], [sflag:$0x5], $0x80, s24, s25, $0xb8;
	[tilespmem:$0x1BB00] =	vst v63  }
0x3e: {  	_ =	swait.ge [sflag:s23], $0x4000  }
0x3f: {  	s13 =	sshrl.u32 s20, $0x3;
	[sflag:s23] =	ssyncset.done $0x0  }
0x40: {  	s9 =	sadd.s32 s5, s13;
	s12 =	sadd.s32 $0x0, s19;
	[sflag:s23] =	ssyncadd.s32 $0xFFFFC000  }
0x41: {  	[tilespmem:s3], [sflag:$0x1] =	stream.linear.gather [hbm4b:s9+s3], $0x80, $0x38;
	[tilespmem:$0x1BB00] =	vst v63  }
0x42: {  	s14 =	sadd.s32 $0x20, s12  }
0x43: {  	[tilespmem:s24], [sflag:$0x1] =	stream.linear.gather [hbm4b:s14+s3], $0x80, $0x38;
	[tilespmem:$0x1BB00] =	vst v63  }
0x44: {  	_ =	swait.ge [sflag:s28], $0x80  }
0x45: {  	[sflag:s28] =	ssyncset.done $0x0  }
0x46: {  	[sflag:s28] =	ssyncadd.s32 $0xFFFFFF80  }
0x47: {  	_ =	swait.ge [sflag:s28], $0x80  }
0x48: {  	[sflag:s28] =	ssyncset.done $0x0  }
0x49: {  	[sflag:s28] =	ssyncadd.s32 $0xFFFFFF80  }
0x4a: {  	[tilespmem:s29], [sflag:$0x3] =	stream.indirect.gather [hbm4b:s4+s25], $0x80, s3, s25, $0xb8;
	[tilespmem:$0x1BB00] =	vst v63  }
0x4b: {  	_ =	swait.ge [sflag:s1], $0x4000  }
0x4c: {  	[sflag:s1] =	ssyncset.done $0x0  }
0x4d: {  	[sflag:s1] =	ssyncadd.s32 $0xFFFFC000  }
0x4e: {  	[spmem:s2] =	stream.indirect.scatter.add.f32 [tilespmem:s31], [sflag:$0x5], $0x80, s26, s25, $0xb8;
	[tilespmem:$0x1BB00] =	vst v63  }
0x4f: {  	_ =	swait.ge [sflag:s23], $0x4000  }
0x50: {  	s15 =	sadd.s32 $0x0, s21;
	s13 =	sadd.s32 $0x30, s12;
	[sflag:s23] =	ssyncset.done $0x0  }
0x51: {  	s12 =	sadd.s32 $0x100, s20;
	s9 =	simm.s32 $0x20;
	[sflag:s23] =	ssyncadd.s32 $0xFFFFC000  }
0x52: {  	[tilespmem:s25], [sflag:$0x2] =	stream.linear.gather [hbm4b:s15+s3], $0x80, $0x38;
	[tilespmem:$0x1BB00] =	vst v63  }
.LBB2_2:
0x53: {  	[tilespmem:s26], [sflag:$0x2] =	stream.linear.gather [hbm4b:s13+s3], $0x80, $0x38;
	[tilespmem:$0x1BB00] =	vst v63  }
0x54: {  	s13 =	smov.u32 s9  }
0x55: {  	p1 =	sne.s32 s9, $0x4A0;
	s9 =	sadd.s32 $0x20, s9;
	_ =	swait.ge [sflag:s30], $0x80  }
0x56: {  	[sflag:s30] =	ssyncset.done $0x0  }
0x57: {  	[sflag:s30] =	ssyncadd.s32 $0xFFFFFF80  }
0x58: {  	_ =	swait.ge [sflag:s30], $0x80  }
0x59: {  	[sflag:s30] =	ssyncset.done $0x0  }
0x5a: {  	[sflag:s30] =	ssyncadd.s32 $0xFFFFFF80  }
0x5b: {  	[tilespmem:s31], [sflag:$0x4] =	stream.indirect.gather [hbm4b:s4+s25], $0x80, s25, s25, $0xb8;
	[tilespmem:$0x1BB00] =	vst v63  }
0x5c: {  	_ =	swait.ge [sflag:s0], $0x4000  }
0x5d: {  	[sflag:s0] =	ssyncset.done $0x0  }
0x5e: {  	[sflag:s0] =	ssyncadd.s32 $0xFFFFC000  }
0x5f: {  	[spmem:s2] =	stream.indirect.scatter.add.f32 [tilespmem:s29], [sflag:$0x5], $0x80, s24, s25, $0xb8;
	[tilespmem:$0x1BB00] =	vst v63  }
0x60: {  	_ =	swait.ge [sflag:s23], $0x4000  }
0x61: {  	s14 =	sshrl.u32 s12, $0x3;
	[sflag:s23] =	ssyncset.done $0x0  }
0x62: {  	s14 =	sadd.s32 s5, s14;
	s15 =	sadd.s32 s13, s19;
	[sflag:s23] =	ssyncadd.s32 $0xFFFFC000  }
0x63: {  	[tilespmem:s3], [sflag:$0x1] =	stream.linear.gather [hbm4b:s14+s3], $0x80, $0x38;
	[tilespmem:$0x1BB00] =	vst v63  }
0x64: {  	s14 =	sadd.s32 $0x20, s15  }
0x65: {  	[tilespmem:s24], [sflag:$0x1] =	stream.linear.gather [hbm4b:s14+s3], $0x80, $0x38;
	[tilespmem:$0x1BB00] =	vst v63  }
0x66: {  	_ =	swait.ge [sflag:s28], $0x80  }
0x67: {  	[sflag:s28] =	ssyncset.done $0x0  }
0x68: {  	[sflag:s28] =	ssyncadd.s32 $0xFFFFFF80  }
0x69: {  	_ =	swait.ge [sflag:s28], $0x80  }
0x6a: {  	[sflag:s28] =	ssyncset.done $0x0  }
0x6b: {  	[sflag:s28] =	ssyncadd.s32 $0xFFFFFF80  }
0x6c: {  	[tilespmem:s29], [sflag:$0x3] =	stream.indirect.gather [hbm4b:s4+s25], $0x80, s3, s25, $0xb8;
	[tilespmem:$0x1BB00] =	vst v63  }
0x6d: {  	_ =	swait.ge [sflag:s1], $0x4000  }
0x6e: {  	[sflag:s1] =	ssyncset.done $0x0  }
0x6f: {  	[sflag:s1] =	ssyncadd.s32 $0xFFFFC000  }
0x70: {  	[spmem:s2] =	stream.indirect.scatter.add.f32 [tilespmem:s31], [sflag:$0x5], $0x80, s26, s25, $0xb8;
	[tilespmem:$0x1BB00] =	vst v63  }
.Ltmp0:
0x71: {  	_ =	swait.ge [sflag:s23], $0x4000;
	(pc) =	sbr.rel @p1 .LBB2_2-.Ltmp0, $4  }
0x72: {  	[sflag:s23] =	ssyncset.done $0x0  }
0x73: {  	s13 =	sadd.s32 s13, s21;
	[sflag:s23] =	ssyncadd.s32 $0xFFFFC000  }
0x74: {  	[tilespmem:s25], [sflag:$0x2] =	stream.linear.gather [hbm4b:s13+s3], $0x80, $0x38;
	[tilespmem:$0x1BB00] =	vst v63  }
0x75: {  	s12 =	sadd.s32 $0x100, s12;
	s13 =	sadd.s32 $0x30, s15  }
0x76: {  	[tilespmem:s26], [sflag:$0x2] =	stream.linear.gather [hbm4b:s13+s3], $0x80, $0x38;
	[tilespmem:$0x1BB00] =	vst v63  }
0x77: {  	_ =	swait.ge [sflag:s30], $0x80  }
0x78: {  	[sflag:s30] =	ssyncset.done $0x0  }
0x79: {  	[sflag:s30] =	ssyncadd.s32 $0xFFFFFF80  }
0x7a: {  	_ =	swait.ge [sflag:s30], $0x80  }
0x7b: {  	[sflag:s30] =	ssyncset.done $0x0  }
0x7c: {  	[sflag:s30] =	ssyncadd.s32 $0xFFFFFF80  }
0x7d: {  	[tilespmem:s31], [sflag:$0x4] =	stream.indirect.gather [hbm4b:s4+s25], $0x80, s25, s25, $0xb8;
	[tilespmem:$0x1BB00] =	vst v63  }
0x7e: {  	_ =	swait.ge [sflag:s0], $0x4000  }
0x7f: {  	[sflag:s0] =	ssyncset.done $0x0  }
0x80: {  	[sflag:s0] =	ssyncadd.s32 $0xFFFFC000  }
0x81: {  	[spmem:s2] =	stream.indirect.scatter.add.f32 [tilespmem:s29], [sflag:$0x5], $0x80, s24, s25, $0xb8;
	[tilespmem:$0x1BB00] =	vst v63  }
0x82: {  	_ =	swait.ge [sflag:s23], $0x4000  }
0x83: {  	[sflag:s23] =	ssyncset.done $0x0  }
0x84: {  	[sflag:s23] =	ssyncadd.s32 $0xFFFFC000  }
0x85: {  	[tilespmem:s3], [sflag:$0x1] =	stream.linear.gather [hbm4b:s17+s3], $0x80, $0x38;
	[tilespmem:$0x1BB00] =	vst v63  }
0x86: {  	_ = 	snop  }
0x87: {  	[tilespmem:s24], [sflag:$0x1] =	stream.linear.gather [hbm4b:s18+s3], $0x80, $0x38;
	[tilespmem:$0x1BB00] =	vst v63  }
0x88: {  	_ =	swait.ge [sflag:s28], $0x80  }
0x89: {  	[sflag:s28] =	ssyncset.done $0x0  }
0x8a: {  	[sflag:s28] =	ssyncadd.s32 $0xFFFFFF80  }
0x8b: {  	_ =	swait.ge [sflag:s28], $0x80  }
0x8c: {  	[sflag:s28] =	ssyncset.done $0x0  }
0x8d: {  	[sflag:s28] =	ssyncadd.s32 $0xFFFFFF80  }
0x8e: {  	[tilespmem:s29], [sflag:$0x3] =	stream.indirect.gather [hbm4b:s4+s25], $0x80, s3, s25, $0xb8;
	[tilespmem:$0x1BB00] =	vst v63  }
0x8f: {  	_ =	swait.ge [sflag:s1], $0x4000  }
0x90: {  	[sflag:s1] =	ssyncset.done $0x0  }
0x91: {  	[sflag:s1] =	ssyncadd.s32 $0xFFFFC000  }
0x92: {  	[spmem:s2] =	stream.indirect.scatter.add.f32 [tilespmem:s31], [sflag:$0x5], $0x80, s26, s25, $0xb8;
	[tilespmem:$0x1BB00] =	vst v63  }
0x93: {  	_ =	swait.ge [sflag:s23], $0x4000  }
0x94: {  	[sflag:s23] =	ssyncset.done $0x0  }
0x95: {  	[sflag:s23] =	ssyncadd.s32 $0xFFFFC000  }
0x96: {  	_ =	swait.ge [sflag:s0], $0x4000  }
0x97: {  	[sflag:s0] =	ssyncset.done $0x0  }
0x98: {  	[sflag:s0] =	ssyncadd.s32 $0xFFFFC000  }
0x99: {  	[spmem:s2] =	stream.indirect.scatter.add.f32 [tilespmem:s29], [sflag:$0x5], $0x80, s24, s25, $0xb8;
	[tilespmem:$0x1BB00] =	vst v63  }
0x9a: {  	_ =	swait.ge [sflag:s23], $0x4000  }
0x9b: {  	[sflag:s23] =	ssyncset.done $0x0  }
0x9c: {  	[sflag:s23] =	ssyncadd.s32 $0xFFFFC000  }
0x9d: {  	[bflag:$0x0] =	sbarrier.arrive $0xFFFF  }
0x9e: {  	s12 =	simm.s32 $0x8;
	s9 =	rddreg [dreg:$0x9]  }
0x9f: {  	[hbm:s9@s24], [sflag:s7] =	dma.strided [spmem:s22@s25], $0x2700, s12, $0x10   }
0xa0: {  	s13 =	simm.s32 @!p0 $0x80;
	s6 =	sadd.s32 $0x1, s6;
	_ =	swait.ge [sflag:s23], $0x2700  }
0xa1: {  	p1 =	sne.s32 s6, s16;
	s9 =	simm.s32 @!p0 $0x8;
	[sflag:s23] =	ssyncset.done $0x0  }
0xa2: {  	s12 =	simm.s32 @!p0 $0x100;
	s14 =	rddreg [dreg:$0xa];
	[sflag:s23] =	ssyncadd.s32 $0xFFFFD900  }
0xa3: {  	[hbm:s14@s12], [sflag:s7] =	dma.strided @!p0 [spmem:s8@s13], $0x100, s9, $0x10   }
.Ltmp1:
0xa4: {  	_ = 	snop;
	(pc) =	sbr.rel @p1 .LBB2_1-.Ltmp1, $4  }
0xa5: {  	s8 =	simm.s32 @!p0 $0x5  }
0xa6: {  	_ =	swait.ge @!p0 [sflag:s8], $0x100  }
0xa7: {  	[sflag:s8] =	ssyncset.done @!p0 $0x0  }
0xa8: {  	[sflag:s8] =	ssyncadd.s32 @!p0 $0xFFFFFF00  }
0xa9: {  	_ =	sfence.sel $0x180000  }
0xaa: {  	[bflag:$0x0] =	sbarrier.arrive $0xFFFF  }
0xab: {  	_ =	strace $0x90000050  }
0xac: {  	s0 =	stileid.u32;
	[bflag:$0x2] =	sbarrier.arrive $0xFFFF  }
0xad: {  	p0 =	sne.s32 s0, $0x0;
	s0 =	rddreg [dreg:$0x3]  }
0xae: {  	s0 =	sadd.s32 @!p0 $0x100000, s0  }
0xaf: {  	[sflag:s0] =	ssyncadd.tile.s32 @!p0 $0x1;
	_ =	shalt  }
.Lfunc_end2:
_tile_overlayer_lowered:
.L_overlay_start_2:
0xb0: {  	(tag) =	ssettag $0x2  }
0xb1: {  	s0 =	rddreg [dreg:$0x0];
	s2 =	stileid.u32  }
0xb2: {  	s1 =	rddreg [dreg:$0x1];
	p0 =	sne.s32 s2, $0x0  }
0xb3: {  	s3 =	rddreg [dreg:$0x2];
	[bflag:$0x3] =	sbarrier.arrive $0xFFFF;
	s2 =	simm.s32 @!p0 $0x1C05  }
0xb4: {  	[timem:s3], [sflag:s2] =	dma.local @!p0 [hbm:s0], s1  }
0xb5: {  	s0 =	simm.s32 @!p0 $0x5  }
0xb6: {  	_ =	swait.ge @!p0 [sflag:s0], s1  }
0xb7: {  	s1 =	ssub.s32 @!p0 $0x0, s1;
	[sflag:s0] =	ssyncset.done @!p0 $0x0  }
0xb8: {  	[sflag:s0] =	ssyncadd.s32 @!p0 s1  }
0xb9: {  	[bflag:$0x3] =	sbarrier.arrive $0xFFFF  }
0xba: {  	_ =	shalt  }

</sc_bundles>
